<compile_context>
chip_gen: v7x
topology: tpu7x:2x2x1
jax: 0.10.2.dev20260603
libtpu: 0.0.44.dev20260713+nightly
codegen_flags: <defaults>
</compile_context>

<pallas_src>
import functools

import jax
import jax.numpy as jnp
from jax import lax
from jax.experimental import pallas as pl
from jax.experimental.pallas import tpu as pltpu
from jax.experimental.pallas import tpu_sc as plsc

N = 4096
V = 32768
MASK_ID = 32767

NC, NS = 2, 16
NW = NC * NS
RW = N // NW

_sc_mesh = plsc.VectorSubcoreMesh(core_axis_name="c", subcore_axis_name="s")


@functools.partial(
    pl.kernel,
    out_type=jax.ShapeDtypeStruct((N * V,), jnp.float32),
    mesh=_sc_mesh,
    scratch_types=[
        pltpu.VMEM((V,), jnp.float32),
        pltpu.VMEM((RW,), jnp.int32),
        pltpu.VMEM((RW,), jnp.int32),
        pltpu.VMEM((RW,), jnp.float32),
        pltpu.SemaphoreType.DMA,
        pltpu.SemaphoreType.DMA,
    ],
)
def _sc_fill(z_hbm, out_hbm, zero_buf, z_v, idx_v, val_v, sem1, sem2):
    wid = lax.axis_index("s") * NC + lax.axis_index("c")
    base = wid * RW
    pltpu.sync_copy(z_hbm.at[pl.ds(base, RW)], z_v)
    zero_buf[...] = jnp.zeros((V,), jnp.float32)

    lane = lax.iota(jnp.int32, 16)
    for j in range(RW // 16):
        z16 = z_v[pl.ds(16 * j, 16)]
        rows16 = base + 16 * j + lane
        idx_v[pl.ds(16 * j, 16)] = rows16 * V + z16
        val_v[pl.ds(16 * j, 16)] = jnp.where(
            z16 == MASK_ID, jnp.float32(-jnp.inf), jnp.float32(1e9)
        )

    for i in range(RW):
        pltpu.make_async_copy(
            zero_buf, out_hbm.at[pl.ds((base + i) * V, V)], sem1
        ).start()
    for i in range(RW):
        pltpu.make_async_copy(
            zero_buf, out_hbm.at[pl.ds((base + i) * V, V)], sem1
        ).wait()

    pltpu.async_copy(val_v, out_hbm.at[idx_v], sem2).wait()


def _fix_body(z_vmem, z_smem, logits_hbm, out_in_hbm, out_hbm, rowbuf, sem):
    del out_in_hbm
    any_masked = jnp.any(z_vmem[:, :] == MASK_ID)

    @pl.when(any_masked)
    def _():
        col = lax.broadcasted_iota(jnp.int32, (1, 128), 1)

        def body(i, carry):
            zi = z_smem[0, i]

            @pl.when(zi == MASK_ID)
            def _():
                cp = pltpu.make_async_copy(
                    logits_hbm.at[pl.ds(i, 1), :], rowbuf, sem
                )
                cp.start()
                cp.wait()
                tail = rowbuf[:, pl.ds(V - 128, 128)]
                rowbuf[:, pl.ds(V - 128, 128)] = jnp.where(
                    col == 127, jnp.float32(-jnp.inf), tail
                )
                cp2 = pltpu.make_async_copy(
                    rowbuf, out_hbm.at[pl.ds(i, 1), :], sem
                )
                cp2.start()
                cp2.wait()

            return carry

        lax.fori_loop(0, N, body, 0)


def _tc_fixup(out_flat, logits2d, z_t):
    z2 = z_t.reshape(N, 1)
    out2d = out_flat.reshape(N, V)
    return pl.pallas_call(
        _fix_body,
        grid=(1,),
        in_specs=[
            pl.BlockSpec((N, 1), lambda i: (0, 0)),
            pl.BlockSpec((1, N), lambda i: (0, 0), memory_space=pltpu.SMEM),
            pl.BlockSpec(memory_space=pl.ANY),
            pl.BlockSpec(memory_space=pl.ANY),
        ],
        out_specs=pl.BlockSpec(memory_space=pl.ANY),
        out_shape=jax.ShapeDtypeStruct((N, V), jnp.float32),
        scratch_shapes=[
            pltpu.VMEM((1, V), jnp.float32),
            pltpu.SemaphoreType.DMA,
        ],
        input_output_aliases={3: 0},
    )(z2, z_t.reshape(1, N), logits2d, out2d)


def kernel(logits, z_t):
    b, t, v = logits.shape
    lf = logits.reshape(N, V)
    z1 = z_t.reshape(N)
    out_flat = _sc_fill(z1)
    out = _tc_fixup(out_flat, lf, z_t)
    return out.reshape(b, t, v)

# --- scband reference (transcript-rebuilt; emitter-appended) ---
"""Pipeline reference for scband-subsparamaterization-38972533244072 (READ-ONLY COPY).

The authoritative reference and input builder live on the scoring server;
editing this copy changes nothing except your own understanding.
"""

import jax, jax.numpy as jnp
import numpy as np

VOCAB_SIZE = 32768
MASK_TOKEN_ID = 32767


def setup_inputs(seed: int = 0) -> dict:
    key = jax.random.key(seed)
    k1, k2 = jax.random.split(key)
    logits = jax.random.normal(k1, (2, 2048, VOCAB_SIZE), dtype=jnp.float32)
    z_t = jax.random.randint(k2, (2, 2048), 0, VOCAB_SIZE, dtype=jnp.int32)
    return {"logits": logits, "z_t": z_t}


def reference(logits, z_t):
    # Set mask-token column to -inf (scatter-overwrite)
    logits = logits.at[:, :, MASK_TOKEN_ID].set(-jnp.inf)
    is_masked = z_t == MASK_TOKEN_ID
    not_masked = ~is_masked
    z_t_one_hot = jax.nn.one_hot(z_t, VOCAB_SIZE, dtype=jnp.float32)
    out = jnp.where(not_masked[:, :, None], z_t_one_hot * 1000000000.0, logits)
    return out

if __name__ == "__main__":
    import jax
    _d = setup_inputs()
    print(jax.jit(kernel)(*tuple(_d.values())))

</pallas_src>

<mosaic_0001>
#map = affine_map<(d0, d1) -> (0)>
module attributes {stable_mosaic.version = 14 : i64} {
  func.func @_sc_fill(%arg0: i32, %arg1: i32, %arg2: memref<4096xi32, #tpu.memory_space<hbm>>, %arg3: memref<134217728xf32, #tpu.memory_space<hbm>>, %arg4: memref<32768xf32, #tpu.memory_space<vmem>>, %arg5: memref<128xi32, #tpu.memory_space<vmem>>, %arg6: memref<128xi32, #tpu.memory_space<vmem>>, %arg7: memref<128xf32, #tpu.memory_space<vmem>>, %arg8: memref<!tpu.dma_semaphore, #tpu.memory_space<semaphore_mem>>, %arg9: memref<!tpu.dma_semaphore, #tpu.memory_space<semaphore_mem>>) attributes {dimension_semantics = [#tpu.dimension_semantics<core_parallel>, #tpu.dimension_semantics<subcore_parallel>], iteration_bounds = array<i64: 2, 16>, scalar_prefetch = 0 : i64, scratch_operands = 6 : i64, tpu.core_type = #tpu.core_type<sc_vector_subcore>, window_params = [{transform_indices = #map}, {transform_indices = #map}]} {
    %mul3A = arith.constant 2 : i32
    %mul3A_0 = arith.muli %arg1, %mul3A : i32
    %add3A = arith.addi %mul3A_0, %arg0 : i32
    %mul3A_1 = arith.constant 128 : i32
    %mul3A_2 = arith.muli %add3A, %mul3A_1 : i32
    "tpu.region"() ({
      %run_scoped3A = tpu.sem_alloc : memref<!tpu.dma_semaphore, #tpu.memory_space<semaphore_mem>>
      %dma_start3A_1757 = tpu.memref_slice %arg2[%mul3A_2] : memref<4096xi32, #tpu.memory_space<hbm>> -> memref<128xi32, #tpu.memory_space<hbm>>
      %dma_start3A_1758 = tpu.memref_slice %arg2[%mul3A_2] : memref<4096xi32, #tpu.memory_space<hbm>> -> memref<128xi32, #tpu.memory_space<hbm>>
      tpu.enqueue_dma source(%dma_start3A_1758 : memref<128xi32, #tpu.memory_space<hbm>>) target(%arg5 : memref<128xi32, #tpu.memory_space<vmem>>) target_semaphore(%run_scoped3A : memref<!tpu.dma_semaphore, #tpu.memory_space<semaphore_mem>>)
      %dma_wait3A_1759 = tpu.memref_slice %arg2[%mul3A_2] : memref<4096xi32, #tpu.memory_space<hbm>> -> memref<128xi32, #tpu.memory_space<hbm>>
      %dma_wait3A_1760 = tpu.memref_slice %arg2[%mul3A_2] : memref<4096xi32, #tpu.memory_space<hbm>> -> memref<128xi32, #tpu.memory_space<hbm>>
      tpu.wait_dma2 semaphore(%run_scoped3A : memref<!tpu.dma_semaphore, #tpu.memory_space<semaphore_mem>>) src(%dma_wait3A_1760 : memref<128xi32, #tpu.memory_space<hbm>>) dst(%arg5 : memref<128xi32, #tpu.memory_space<vmem>>)
      tpu.yield
    }) : () -> ()
    %broadcast_in_dim3A = arith.constant 0.000000e+00 : f32
    %broadcast_in_dim3A_3 = vector.broadcast %broadcast_in_dim3A : f32 to vector<32768xf32>
    %swap3A = arith.constant 0 : index
    %swap3A_4 = tpu.vector_load %arg4[%swap3A] {strides = array<i32>} : memref<32768xf32, #tpu.memory_space<vmem>>, vector<32768xf32>,
    %swap3A_5 = vector.shape_cast %swap3A_4 : vector<32768xf32> to vector<32768xf32>
    %swap3A_6 = vector.shape_cast %broadcast_in_dim3A_3 : vector<32768xf32> to vector<32768xf32>
    tpu.vector_store %arg4[%swap3A], %swap3A_6 {strides = array<i32>} : memref<32768xf32, #tpu.memory_space<vmem>>, vector<32768xf32>,
    %iota3A = tpu.iota {dimensions = array<i32: 0>} : vector<16xi32>
    %get3A = arith.constant 0 : index
    %get3A_7 = tpu.vector_load %arg5[%get3A] {strides = array<i32>} : memref<128xi32, #tpu.memory_space<vmem>>, vector<16xi32>,
    %get3A_8 = vector.shape_cast %get3A_7 : vector<16xi32> to vector<16xi32>
    %add3A_9 = arith.constant 0 : i32
    %add3A_10 = arith.addi %mul3A_2, %add3A_9 : i32
    %add3A_11 = vector.broadcast %add3A_10 : i32 to vector<16xi32>
    %add3A_12 = arith.addi %add3A_11, %iota3A : vector<16xi32>
    %mul3A_13 = arith.constant 32768 : i32
    %mul3A_14 = vector.broadcast %mul3A_13 : i32 to vector<16xi32>
    %mul3A_15 = arith.muli %add3A_12, %mul3A_14 : vector<16xi32>
    %add3A_16 = arith.addi %mul3A_15, %get3A_8 : vector<16xi32>
    %swap3A_17 = arith.constant 0 : index
    %swap3A_18 = tpu.vector_load %arg6[%swap3A_17] {strides = array<i32>} : memref<128xi32, #tpu.memory_space<vmem>>, vector<16xi32>,
    %swap3A_19 = vector.shape_cast %swap3A_18 : vector<16xi32> to vector<16xi32>
    %swap3A_20 = vector.shape_cast %add3A_16 : vector<16xi32> to vector<16xi32>
    tpu.vector_store %arg6[%swap3A_17], %swap3A_20 {strides = array<i32>} : memref<128xi32, #tpu.memory_space<vmem>>, vector<16xi32>,
    %eq3A = arith.constant 32767 : i32
    %eq3A_21 = vector.broadcast %eq3A : i32 to vector<16xi32>
    %eq3A_22 = arith.cmpi eq, %get3A_8, %eq3A_21 : vector<16xi32>
    %jit3A = arith.constant 0xFF800000 : f32
    %jit3A_23 = arith.constant 1.000000e+09 : f32
    %broadcast_in_dim3A_24 = vector.broadcast %jit3A : f32 to vector<16xf32>
    %broadcast_in_dim3A_25 = vector.broadcast %jit3A_23 : f32 to vector<16xf32>
    %select_n3A = arith.select %eq3A_22, %broadcast_in_dim3A_24, %broadcast_in_dim3A_25 : vector<16xi1>, vector<16xf32>
    %swap3A_26 = arith.constant 0 : index
    %swap3A_27 = tpu.vector_load %arg7[%swap3A_26] {strides = array<i32>} : memref<128xf32, #tpu.memory_space<vmem>>, vector<16xf32>,
    %swap3A_28 = vector.shape_cast %swap3A_27 : vector<16xf32> to vector<16xf32>
    %swap3A_29 = vector.shape_cast %select_n3A : vector<16xf32> to vector<16xf32>
    tpu.vector_store %arg7[%swap3A_26], %swap3A_29 {strides = array<i32>} : memref<128xf32, #tpu.memory_space<vmem>>, vector<16xf32>,
    %get3A_30 = arith.constant 16 : index
    %get3A_31 = tpu.vector_load %arg5[%get3A_30] {strides = array<i32>} : memref<128xi32, #tpu.memory_space<vmem>>, vector<16xi32>,
    %get3A_32 = vector.shape_cast %get3A_31 : vector<16xi32> to vector<16xi32>
    %add3A_33 = arith.constant 16 : i32
    %add3A_34 = arith.addi %mul3A_2, %add3A_33 : i32
    %add3A_35 = vector.broadcast %add3A_34 : i32 to vector<16xi32>
    %add3A_36 = arith.addi %add3A_35, %iota3A : vector<16xi32>
    %mul3A_37 = arith.constant 32768 : i32
    %mul3A_38 = vector.broadcast %mul3A_37 : i32 to vector<16xi32>
    %mul3A_39 = arith.muli %add3A_36, %mul3A_38 : vector<16xi32>
    %add3A_40 = arith.addi %mul3A_39, %get3A_32 : vector<16xi32>
    %swap3A_41 = arith.constant 16 : index
    %swap3A_42 = tpu.vector_load %arg6[%swap3A_41] {strides = array<i32>} : memref<128xi32, #tpu.memory_space<vmem>>, vector<16xi32>,
    %swap3A_43 = vector.shape_cast %swap3A_42 : vector<16xi32> to vector<16xi32>
    %swap3A_44 = vector.shape_cast %add3A_40 : vector<16xi32> to vector<16xi32>
    tpu.vector_store %arg6[%swap3A_41], %swap3A_44 {strides = array<i32>} : memref<128xi32, #tpu.memory_space<vmem>>, vector<16xi32>,
    %eq3A_45 = arith.constant 32767 : i32
    %eq3A_46 = vector.broadcast %eq3A_45 : i32 to vector<16xi32>
    %eq3A_47 = arith.cmpi eq, %get3A_32, %eq3A_46 : vector<16xi32>
    %jit3A_48 = arith.constant 0xFF800000 : f32
    %jit3A_49 = arith.constant 1.000000e+09 : f32
    %broadcast_in_dim3A_50 = vector.broadcast %jit3A_48 : f32 to vector<16xf32>
    %broadcast_in_dim3A_51 = vector.broadcast %jit3A_49 : f32 to vector<16xf32>
    %select_n3A_52 = arith.select %eq3A_47, %broadcast_in_dim3A_50, %broadcast_in_dim3A_51 : vector<16xi1>, vector<16xf32>
    %swap3A_53 = arith.constant 16 : index
    %swap3A_54 = tpu.vector_load %arg7[%swap3A_53] {strides = array<i32>} : memref<128xf32, #tpu.memory_space<vmem>>, vector<16xf32>,
    %swap3A_55 = vector.shape_cast %swap3A_54 : vector<16xf32> to vector<16xf32>
    %swap3A_56 = vector.shape_cast %select_n3A_52 : vector<16xf32> to vector<16xf32>
    tpu.vector_store %arg7[%swap3A_53], %swap3A_56 {strides = array<i32>} : memref<128xf32, #tpu.memory_space<vmem>>, vector<16xf32>,
    %get3A_57 = arith.constant 32 : index
    %get3A_58 = tpu.vector_load %arg5[%get3A_57] {strides = array<i32>} : memref<128xi32, #tpu.memory_space<vmem>>, vector<16xi32>,
    %get3A_59 = vector.shape_cast %get3A_58 : vector<16xi32> to vector<16xi32>
    %add3A_60 = arith.constant 32 : i32
    %add3A_61 = arith.addi %mul3A_2, %add3A_60 : i32
    %add3A_62 = vector.broadcast %add3A_61 : i32 to vector<16xi32>
    %add3A_63 = arith.addi %add3A_62, %iota3A : vector<16xi32>
    %mul3A_64 = arith.constant 32768 : i32
    %mul3A_65 = vector.broadcast %mul3A_64 : i32 to vector<16xi32>
    %mul3A_66 = arith.muli %add3A_63, %mul3A_65 : vector<16xi32>
    %add3A_67 = arith.addi %mul3A_66, %get3A_59 : vector<16xi32>
    %swap3A_68 = arith.constant 32 : index
    %swap3A_69 = tpu.vector_load %arg6[%swap3A_68] {strides = array<i32>} : memref<128xi32, #tpu.memory_space<vmem>>, vector<16xi32>,
    %swap3A_70 = vector.shape_cast %swap3A_69 : vector<16xi32> to vector<16xi32>
    %swap3A_71 = vector.shape_cast %add3A_67 : vector<16xi32> to vector<16xi32>
    tpu.vector_store %arg6[%swap3A_68], %swap3A_71 {strides = array<i32>} : memref<128xi32, #tpu.memory_space<vmem>>, vector<16xi32>,
    %eq3A_72 = arith.constant 32767 : i32
    %eq3A_73 = vector.broadcast %eq3A_72 : i32 to vector<16xi32>
    %eq3A_74 = arith.cmpi eq, %get3A_59, %eq3A_73 : vector<16xi32>
    %jit3A_75 = arith.constant 0xFF800000 : f32
    %jit3A_76 = arith.constant 1.000000e+09 : f32
    %broadcast_in_dim3A_77 = vector.broadcast %jit3A_75 : f32 to vector<16xf32>
    %broadcast_in_dim3A_78 = vector.broadcast %jit3A_76 : f32 to vector<16xf32>
    %select_n3A_79 = arith.select %eq3A_74, %broadcast_in_dim3A_77, %broadcast_in_dim3A_78 : vector<16xi1>, vector<16xf32>
    %swap3A_80 = arith.constant 32 : index
    %swap3A_81 = tpu.vector_load %arg7[%swap3A_80] {strides = array<i32>} : memref<128xf32, #tpu.memory_space<vmem>>, vector<16xf32>,
    %swap3A_82 = vector.shape_cast %swap3A_81 : vector<16xf32> to vector<16xf32>
    %swap3A_83 = vector.shape_cast %select_n3A_79 : vector<16xf32> to vector<16xf32>
    tpu.vector_store %arg7[%swap3A_80], %swap3A_83 {strides = array<i32>} : memref<128xf32, #tpu.memory_space<vmem>>, vector<16xf32>,
    %get3A_84 = arith.constant 48 : index
    %get3A_85 = tpu.vector_load %arg5[%get3A_84] {strides = array<i32>} : memref<128xi32, #tpu.memory_space<vmem>>, vector<16xi32>,
    %get3A_86 = vector.shape_cast %get3A_85 : vector<16xi32> to vector<16xi32>
    %add3A_87 = arith.constant 48 : i32
    %add3A_88 = arith.addi %mul3A_2, %add3A_87 : i32
    %add3A_89 = vector.broadcast %add3A_88 : i32 to vector<16xi32>
    %add3A_90 = arith.addi %add3A_89, %iota3A : vector<16xi32>
    %mul3A_91 = arith.constant 32768 : i32
    %mul3A_92 = vector.broadcast %mul3A_91 : i32 to vector<16xi32>
    %mul3A_93 = arith.muli %add3A_90, %mul3A_92 : vector<16xi32>
    %add3A_94 = arith.addi %mul3A_93, %get3A_86 : vector<16xi32>
    %swap3A_95 = arith.constant 48 : index
    %swap3A_96 = tpu.vector_load %arg6[%swap3A_95] {strides = array<i32>} : memref<128xi32, #tpu.memory_space<vmem>>, vector<16xi32>,
    %swap3A_97 = vector.shape_cast %swap3A_96 : vector<16xi32> to vector<16xi32>
    %swap3A_98 = vector.shape_cast %add3A_94 : vector<16xi32> to vector<16xi32>
    tpu.vector_store %arg6[%swap3A_95], %swap3A_98 {strides = array<i32>} : memref<128xi32, #tpu.memory_space<vmem>>, vector<16xi32>,
    %eq3A_99 = arith.constant 32767 : i32
    %eq3A_100 = vector.broadcast %eq3A_99 : i32 to vector<16xi32>
    %eq3A_101 = arith.cmpi eq, %get3A_86, %eq3A_100 : vector<16xi32>
    %jit3A_102 = arith.constant 0xFF800000 : f32
    %jit3A_103 = arith.constant 1.000000e+09 : f32
    %broadcast_in_dim3A_104 = vector.broadcast %jit3A_102 : f32 to vector<16xf32>
    %broadcast_in_dim3A_105 = vector.broadcast %jit3A_103 : f32 to vector<16xf32>
    %select_n3A_106 = arith.select %eq3A_101, %broadcast_in_dim3A_104, %broadcast_in_dim3A_105 : vector<16xi1>, vector<16xf32>
    %swap3A_107 = arith.constant 48 : index
    %swap3A_108 = tpu.vector_load %arg7[%swap3A_107] {strides = array<i32>} : memref<128xf32, #tpu.memory_space<vmem>>, vector<16xf32>,
    %swap3A_109 = vector.shape_cast %swap3A_108 : vector<16xf32> to vector<16xf32>
    %swap3A_110 = vector.shape_cast %select_n3A_106 : vector<16xf32> to vector<16xf32>
    tpu.vector_store %arg7[%swap3A_107], %swap3A_110 {strides = array<i32>} : memref<128xf32, #tpu.memory_space<vmem>>, vector<16xf32>,
    %get3A_111 = arith.constant 64 : index
    %get3A_112 = tpu.vector_load %arg5[%get3A_111] {strides = array<i32>} : memref<128xi32, #tpu.memory_space<vmem>>, vector<16xi32>,
    %get3A_113 = vector.shape_cast %get3A_112 : vector<16xi32> to vector<16xi32>
    %add3A_114 = arith.constant 64 : i32
    %add3A_115 = arith.addi %mul3A_2, %add3A_114 : i32
    %add3A_116 = vector.broadcast %add3A_115 : i32 to vector<16xi32>
    %add3A_117 = arith.addi %add3A_116, %iota3A : vector<16xi32>
    %mul3A_118 = arith.constant 32768 : i32
    %mul3A_119 = vector.broadcast %mul3A_118 : i32 to vector<16xi32>
    %mul3A_120 = arith.muli %add3A_117, %mul3A_119 : vector<16xi32>
    %add3A_121 = arith.addi %mul3A_120, %get3A_113 : vector<16xi32>
    %swap3A_122 = arith.constant 64 : index
    %swap3A_123 = tpu.vector_load %arg6[%swap3A_122] {strides = array<i32>} : memref<128xi32, #tpu.memory_space<vmem>>, vector<16xi32>,
    %swap3A_124 = vector.shape_cast %swap3A_123 : vector<16xi32> to vector<16xi32>
    %swap3A_125 = vector.shape_cast %add3A_121 : vector<16xi32> to vector<16xi32>
    tpu.vector_store %arg6[%swap3A_122], %swap3A_125 {strides = array<i32>} : memref<128xi32, #tpu.memory_space<vmem>>, vector<16xi32>,
    %eq3A_126 = arith.constant 32767 : i32
    %eq3A_127 = vector.broadcast %eq3A_126 : i32 to vector<16xi32>
    %eq3A_128 = arith.cmpi eq, %get3A_113, %eq3A_127 : vector<16xi32>
    %jit3A_129 = arith.constant 0xFF800000 : f32
    %jit3A_130 = arith.constant 1.000000e+09 : f32
    %broadcast_in_dim3A_131 = vector.broadcast %jit3A_129 : f32 to vector<16xf32>
    %broadcast_in_dim3A_132 = vector.broadcast %jit3A_130 : f32 to vector<16xf32>
    %select_n3A_133 = arith.select %eq3A_128, %broadcast_in_dim3A_131, %broadcast_in_dim3A_132 : vector<16xi1>, vector<16xf32>
    %swap3A_134 = arith.constant 64 : index
    %swap3A_135 = tpu.vector_load %arg7[%swap3A_134] {strides = array<i32>} : memref<128xf32, #tpu.memory_space<vmem>>, vector<16xf32>,
    %swap3A_136 = vector.shape_cast %swap3A_135 : vector<16xf32> to vector<16xf32>
    %swap3A_137 = vector.shape_cast %select_n3A_133 : vector<16xf32> to vector<16xf32>
    tpu.vector_store %arg7[%swap3A_134], %swap3A_137 {strides = array<i32>} : memref<128xf32, #tpu.memory_space<vmem>>, vector<16xf32>,
    %get3A_138 = arith.constant 80 : index
    %get3A_139 = tpu.vector_load %arg5[%get3A_138] {strides = array<i32>} : memref<128xi32, #tpu.memory_space<vmem>>, vector<16xi32>,
    %get3A_140 = vector.shape_cast %get3A_139 : vector<16xi32> to vector<16xi32>
    %add3A_141 = arith.constant 80 : i32
    %add3A_142 = arith.addi %mul3A_2, %add3A_141 : i32
    %add3A_143 = vector.broadcast %add3A_142 : i32 to vector<16xi32>
    %add3A_144 = arith.addi %add3A_143, %iota3A : vector<16xi32>
    %mul3A_145 = arith.constant 32768 : i32
    %mul3A_146 = vector.broadcast %mul3A_145 : i32 to vector<16xi32>
    %mul3A_147 = arith.muli %add3A_144, %mul3A_146 : vector<16xi32>
    %add3A_148 = arith.addi %mul3A_147, %get3A_140 : vector<16xi32>
    %swap3A_149 = arith.constant 80 : index
    %swap3A_150 = tpu.vector_load %arg6[%swap3A_149] {strides = array<i32>} : memref<128xi32, #tpu.memory_space<vmem>>, vector<16xi32>,
    %swap3A_151 = vector.shape_cast %swap3A_150 : vector<16xi32> to vector<16xi32>
    %swap3A_152 = vector.shape_cast %add3A_148 : vector<16xi32> to vector<16xi32>
    tpu.vector_store %arg6[%swap3A_149], %swap3A_152 {strides = array<i32>} : memref<128xi32, #tpu.memory_space<vmem>>, vector<16xi32>,
    %eq3A_153 = arith.constant 32767 : i32
    %eq3A_154 = vector.broadcast %eq3A_153 : i32 to vector<16xi32>
    %eq3A_155 = arith.cmpi eq, %get3A_140, %eq3A_154 : vector<16xi32>
    %jit3A_156 = arith.constant 0xFF800000 : f32
    %jit3A_157 = arith.constant 1.000000e+09 : f32
    %broadcast_in_dim3A_158 = vector.broadcast %jit3A_156 : f32 to vector<16xf32>
    %broadcast_in_dim3A_159 = vector.broadcast %jit3A_157 : f32 to vector<16xf32>
    %select_n3A_160 = arith.select %eq3A_155, %broadcast_in_dim3A_158, %broadcast_in_dim3A_159 : vector<16xi1>, vector<16xf32>
    %swap3A_161 = arith.constant 80 : index
    %swap3A_162 = tpu.vector_load %arg7[%swap3A_161] {strides = array<i32>} : memref<128xf32, #tpu.memory_space<vmem>>, vector<16xf32>,
    %swap3A_163 = vector.shape_cast %swap3A_162 : vector<16xf32> to vector<16xf32>
    %swap3A_164 = vector.shape_cast %select_n3A_160 : vector<16xf32> to vector<16xf32>
    tpu.vector_store %arg7[%swap3A_161], %swap3A_164 {strides = array<i32>} : memref<128xf32, #tpu.memory_space<vmem>>, vector<16xf32>,
    %get3A_165 = arith.constant 96 : index
    %get3A_166 = tpu.vector_load %arg5[%get3A_165] {strides = array<i32>} : memref<128xi32, #tpu.memory_space<vmem>>, vector<16xi32>,
    %get3A_167 = vector.shape_cast %get3A_166 : vector<16xi32> to vector<16xi32>
    %add3A_168 = arith.constant 96 : i32
    %add3A_169 = arith.addi %mul3A_2, %add3A_168 : i32
    %add3A_170 = vector.broadcast %add3A_169 : i32 to vector<16xi32>
    %add3A_171 = arith.addi %add3A_170, %iota3A : vector<16xi32>
    %mul3A_172 = arith.constant 32768 : i32
    %mul3A_173 = vector.broadcast %mul3A_172 : i32 to vector<16xi32>
    %mul3A_174 = arith.muli %add3A_171, %mul3A_173 : vector<16xi32>
    %add3A_175 = arith.addi %mul3A_174, %get3A_167 : vector<16xi32>
    %swap3A_176 = arith.constant 96 : index
    %swap3A_177 = tpu.vector_load %arg6[%swap3A_176] {strides = array<i32>} : memref<128xi32, #tpu.memory_space<vmem>>, vector<16xi32>,
    %swap3A_178 = vector.shape_cast %swap3A_177 : vector<16xi32> to vector<16xi32>
    %swap3A_179 = vector.shape_cast %add3A_175 : vector<16xi32> to vector<16xi32>
    tpu.vector_store %arg6[%swap3A_176], %swap3A_179 {strides = array<i32>} : memref<128xi32, #tpu.memory_space<vmem>>, vector<16xi32>,
    %eq3A_180 = arith.constant 32767 : i32
    %eq3A_181 = vector.broadcast %eq3A_180 : i32 to vector<16xi32>
    %eq3A_182 = arith.cmpi eq, %get3A_167, %eq3A_181 : vector<16xi32>
    %jit3A_183 = arith.constant 0xFF800000 : f32
    %jit3A_184 = arith.constant 1.000000e+09 : f32
    %broadcast_in_dim3A_185 = vector.broadcast %jit3A_183 : f32 to vector<16xf32>
    %broadcast_in_dim3A_186 = vector.broadcast %jit3A_184 : f32 to vector<16xf32>
    %select_n3A_187 = arith.select %eq3A_182, %broadcast_in_dim3A_185, %broadcast_in_dim3A_186 : vector<16xi1>, vector<16xf32>
    %swap3A_188 = arith.constant 96 : index
    %swap3A_189 = tpu.vector_load %arg7[%swap3A_188] {strides = array<i32>} : memref<128xf32, #tpu.memory_space<vmem>>, vector<16xf32>,
    %swap3A_190 = vector.shape_cast %swap3A_189 : vector<16xf32> to vector<16xf32>
    %swap3A_191 = vector.shape_cast %select_n3A_187 : vector<16xf32> to vector<16xf32>
    tpu.vector_store %arg7[%swap3A_188], %swap3A_191 {strides = array<i32>} : memref<128xf32, #tpu.memory_space<vmem>>, vector<16xf32>,
    %get3A_192 = arith.constant 112 : index
    %get3A_193 = tpu.vector_load %arg5[%get3A_192] {strides = array<i32>} : memref<128xi32, #tpu.memory_space<vmem>>, vector<16xi32>,
    %get3A_194 = vector.shape_cast %get3A_193 : vector<16xi32> to vector<16xi32>
    %add3A_195 = arith.constant 112 : i32
    %add3A_196 = arith.addi %mul3A_2, %add3A_195 : i32
    %add3A_197 = vector.broadcast %add3A_196 : i32 to vector<16xi32>
    %add3A_198 = arith.addi %add3A_197, %iota3A : vector<16xi32>
    %mul3A_199 = arith.constant 32768 : i32
    %mul3A_200 = vector.broadcast %mul3A_199 : i32 to vector<16xi32>
    %mul3A_201 = arith.muli %add3A_198, %mul3A_200 : vector<16xi32>
    %add3A_202 = arith.addi %mul3A_201, %get3A_194 : vector<16xi32>
    %swap3A_203 = arith.constant 112 : index
    %swap3A_204 = tpu.vector_load %arg6[%swap3A_203] {strides = array<i32>} : memref<128xi32, #tpu.memory_space<vmem>>, vector<16xi32>,
    %swap3A_205 = vector.shape_cast %swap3A_204 : vector<16xi32> to vector<16xi32>
    %swap3A_206 = vector.shape_cast %add3A_202 : vector<16xi32> to vector<16xi32>
    tpu.vector_store %arg6[%swap3A_203], %swap3A_206 {strides = array<i32>} : memref<128xi32, #tpu.memory_space<vmem>>, vector<16xi32>,
    %eq3A_207 = arith.constant 32767 : i32
    %eq3A_208 = vector.broadcast %eq3A_207 : i32 to vector<16xi32>
    %eq3A_209 = arith.cmpi eq, %get3A_194, %eq3A_208 : vector<16xi32>
    %jit3A_210 = arith.constant 0xFF800000 : f32
    %jit3A_211 = arith.constant 1.000000e+09 : f32
    %broadcast_in_dim3A_212 = vector.broadcast %jit3A_210 : f32 to vector<16xf32>
    %broadcast_in_dim3A_213 = vector.broadcast %jit3A_211 : f32 to vector<16xf32>
    %select_n3A_214 = arith.select %eq3A_209, %broadcast_in_dim3A_212, %broadcast_in_dim3A_213 : vector<16xi1>, vector<16xf32>
    %swap3A_215 = arith.constant 112 : index
    %swap3A_216 = tpu.vector_load %arg7[%swap3A_215] {strides = array<i32>} : memref<128xf32, #tpu.memory_space<vmem>>, vector<16xf32>,
    %swap3A_217 = vector.shape_cast %swap3A_216 : vector<16xf32> to vector<16xf32>
    %swap3A_218 = vector.shape_cast %select_n3A_214 : vector<16xf32> to vector<16xf32>
    tpu.vector_store %arg7[%swap3A_215], %swap3A_218 {strides = array<i32>} : memref<128xf32, #tpu.memory_space<vmem>>, vector<16xf32>,
    %add3A_219 = arith.constant 0 : i32
    %add3A_220 = arith.addi %mul3A_2, %add3A_219 : i32
    %mul3A_221 = arith.constant 32768 : i32
    %mul3A_222 = arith.muli %add3A_220, %mul3A_221 : i32
    %dma_start3A = tpu.memref_slice %arg3[%mul3A_222] : memref<134217728xf32, #tpu.memory_space<hbm>> -> memref<32768xf32, #tpu.memory_space<hbm>>
    %dma_start3A_223 = tpu.memref_slice %arg3[%mul3A_222] : memref<134217728xf32, #tpu.memory_space<hbm>> -> memref<32768xf32, #tpu.memory_space<hbm>>
    tpu.enqueue_dma source(%arg4 : memref<32768xf32, #tpu.memory_space<vmem>>) target(%dma_start3A_223 : memref<32768xf32, #tpu.memory_space<hbm>>) target_semaphore(%arg8 : memref<!tpu.dma_semaphore, #tpu.memory_space<semaphore_mem>>)
    %add3A_224 = arith.constant 1 : i32
    %add3A_225 = arith.addi %mul3A_2, %add3A_224 : i32
    %mul3A_226 = arith.constant 32768 : i32
    %mul3A_227 = arith.muli %add3A_225, %mul3A_226 : i32
    %dma_start3A_228 = tpu.memref_slice %arg3[%mul3A_227] : memref<134217728xf32, #tpu.memory_space<hbm>> -> memref<32768xf32, #tpu.memory_space<hbm>>
    %dma_start3A_229 = tpu.memref_slice %arg3[%mul3A_227] : memref<134217728xf32, #tpu.memory_space<hbm>> -> memref<32768xf32, #tpu.memory_space<hbm>>
    tpu.enqueue_dma source(%arg4 : memref<32768xf32, #tpu.memory_space<vmem>>) target(%dma_start3A_229 : memref<32768xf32, #tpu.memory_space<hbm>>) target_semaphore(%arg8 : memref<!tpu.dma_semaphore, #tpu.memory_space<semaphore_mem>>)
    %add3A_230 = arith.constant 2 : i32
    %add3A_231 = arith.addi %mul3A_2, %add3A_230 : i32
    %mul3A_232 = arith.constant 32768 : i32
    %mul3A_233 = arith.muli %add3A_231, %mul3A_232 : i32
    %dma_start3A_234 = tpu.memref_slice %arg3[%mul3A_233] : memref<134217728xf32, #tpu.memory_space<hbm>> -> memref<32768xf32, #tpu.memory_space<hbm>>
    %dma_start3A_235 = tpu.memref_slice %arg3[%mul3A_233] : memref<134217728xf32, #tpu.memory_space<hbm>> -> memref<32768xf32, #tpu.memory_space<hbm>>
    tpu.enqueue_dma source(%arg4 : memref<32768xf32, #tpu.memory_space<vmem>>) target(%dma_start3A_235 : memref<32768xf32, #tpu.memory_space<hbm>>) target_semaphore(%arg8 : memref<!tpu.dma_semaphore, #tpu.memory_space<semaphore_mem>>)
    %add3A_236 = arith.constant 3 : i32
    %add3A_237 = arith.addi %mul3A_2, %add3A_236 : i32
    %mul3A_238 = arith.constant 32768 : i32
    %mul3A_239 = arith.muli %add3A_237, %mul3A_238 : i32
    %dma_start3A_240 = tpu.memref_slice %arg3[%mul3A_239] : memref<134217728xf32, #tpu.memory_space<hbm>> -> memref<32768xf32, #tpu.memory_space<hbm>>
    %dma_start3A_241 = tpu.memref_slice %arg3[%mul3A_239] : memref<134217728xf32, #tpu.memory_space<hbm>> -> memref<32768xf32, #tpu.memory_space<hbm>>
    tpu.enqueue_dma source(%arg4 : memref<32768xf32, #tpu.memory_space<vmem>>) target(%dma_start3A_241 : memref<32768xf32, #tpu.memory_space<hbm>>) target_semaphore(%arg8 : memref<!tpu.dma_semaphore, #tpu.memory_space<semaphore_mem>>)
    %add3A_242 = arith.constant 4 : i32
    %add3A_243 = arith.addi %mul3A_2, %add3A_242 : i32
    %mul3A_244 = arith.constant 32768 : i32
    %mul3A_245 = arith.muli %add3A_243, %mul3A_244 : i32
    %dma_start3A_246 = tpu.memref_slice %arg3[%mul3A_245] : memref<134217728xf32, #tpu.memory_space<hbm>> -> memref<32768xf32, #tpu.memory_space<hbm>>
    %dma_start3A_247 = tpu.memref_slice %arg3[%mul3A_245] : memref<134217728xf32, #tpu.memory_space<hbm>> -> memref<32768xf32, #tpu.memory_space<hbm>>
    tpu.enqueue_dma source(%arg4 : memref<32768xf32, #tpu.memory_space<vmem>>) target(%dma_start3A_247 : memref<32768xf32, #tpu.memory_space<hbm>>) target_semaphore(%arg8 : memref<!tpu.dma_semaphore, #tpu.memory_space<semaphore_mem>>)
    %add3A_248 = arith.constant 5 : i32
    %add3A_249 = arith.addi %mul3A_2, %add3A_248 : i32
    %mul3A_250 = arith.constant 32768 : i32
    %mul3A_251 = arith.muli %add3A_249, %mul3A_250 : i32
    %dma_start3A_252 = tpu.memref_slice %arg3[%mul3A_251] : memref<134217728xf32, #tpu.memory_space<hbm>> -> memref<32768xf32, #tpu.memory_space<hbm>>
    %dma_start3A_253 = tpu.memref_slice %arg3[%mul3A_251] : memref<134217728xf32, #tpu.memory_space<hbm>> -> memref<32768xf32, #tpu.memory_space<hbm>>
    tpu.enqueue_dma source(%arg4 : memref<32768xf32, #tpu.memory_space<vmem>>) target(%dma_start3A_253 : memref<32768xf32, #tpu.memory_space<hbm>>) target_semaphore(%arg8 : memref<!tpu.dma_semaphore, #tpu.memory_space<semaphore_mem>>)
    %add3A_254 = arith.constant 6 : i32
    %add3A_255 = arith.addi %mul3A_2, %add3A_254 : i32
    %mul3A_256 = arith.constant 32768 : i32
    %mul3A_257 = arith.muli %add3A_255, %mul3A_256 : i32
    %dma_start3A_258 = tpu.memref_slice %arg3[%mul3A_257] : memref<134217728xf32, #tpu.memory_space<hbm>> -> memref<32768xf32, #tpu.memory_space<hbm>>
    %dma_start3A_259 = tpu.memref_slice %arg3[%mul3A_257] : memref<134217728xf32, #tpu.memory_space<hbm>> -> memref<32768xf32, #tpu.memory_space<hbm>>
    tpu.enqueue_dma source(%arg4 : memref<32768xf32, #tpu.memory_space<vmem>>) target(%dma_start3A_259 : memref<32768xf32, #tpu.memory_space<hbm>>) target_semaphore(%arg8 : memref<!tpu.dma_semaphore, #tpu.memory_space<semaphore_mem>>)
    %add3A_260 = arith.constant 7 : i32
    %add3A_261 = arith.addi %mul3A_2, %add3A_260 : i32
    %mul3A_262 = arith.constant 32768 : i32
    %mul3A_263 = arith.muli %add3A_261, %mul3A_262 : i32
    %dma_start3A_264 = tpu.memref_slice %arg3[%mul3A_263] : memref<134217728xf32, #tpu.memory_space<hbm>> -> memref<32768xf32, #tpu.memory_space<hbm>>
    %dma_start3A_265 = tpu.memref_slice %arg3[%mul3A_263] : memref<134217728xf32, #tpu.memory_space<hbm>> -> memref<32768xf32, #tpu.memory_space<hbm>>
    tpu.enqueue_dma source(%arg4 : memref<32768xf32, #tpu.memory_space<vmem>>) target(%dma_start3A_265 : memref<32768xf32, #tpu.memory_space<hbm>>) target_semaphore(%arg8 : memref<!tpu.dma_semaphore, #tpu.memory_space<semaphore_mem>>)
    %add3A_266 = arith.constant 8 : i32
    %add3A_267 = arith.addi %mul3A_2, %add3A_266 : i32
    %mul3A_268 = arith.constant 32768 : i32
    %mul3A_269 = arith.muli %add3A_267, %mul3A_268 : i32
    %dma_start3A_270 = tpu.memref_slice %arg3[%mul3A_269] : memref<134217728xf32, #tpu.memory_space<hbm>> -> memref<32768xf32, #tpu.memory_space<hbm>>
    %dma_start3A_271 = tpu.memref_slice %arg3[%mul3A_269] : memref<134217728xf32, #tpu.memory_space<hbm>> -> memref<32768xf32, #tpu.memory_space<hbm>>
    tpu.enqueue_dma source(%arg4 : memref<32768xf32, #tpu.memory_space<vmem>>) target(%dma_start3A_271 : memref<32768xf32, #tpu.memory_space<hbm>>) target_semaphore(%arg8 : memref<!tpu.dma_semaphore, #tpu.memory_space<semaphore_mem>>)
    %add3A_272 = arith.constant 9 : i32
    %add3A_273 = arith.addi %mul3A_2, %add3A_272 : i32
    %mul3A_274 = arith.constant 32768 : i32
    %mul3A_275 = arith.muli %add3A_273, %mul3A_274 : i32
    %dma_start3A_276 = tpu.memref_slice %arg3[%mul3A_275] : memref<134217728xf32, #tpu.memory_space<hbm>> -> memref<32768xf32, #tpu.memory_space<hbm>>
    %dma_start3A_277 = tpu.memref_slice %arg3[%mul3A_275] : memref<134217728xf32, #tpu.memory_space<hbm>> -> memref<32768xf32, #tpu.memory_space<hbm>>
    tpu.enqueue_dma source(%arg4 : memref<32768xf32, #tpu.memory_space<vmem>>) target(%dma_start3A_277 : memref<32768xf32, #tpu.memory_space<hbm>>) target_semaphore(%arg8 : memref<!tpu.dma_semaphore, #tpu.memory_space<semaphore_mem>>)
    %add3A_278 = arith.constant 10 : i32
    %add3A_279 = arith.addi %mul3A_2, %add3A_278 : i32
    %mul3A_280 = arith.constant 32768 : i32
    %mul3A_281 = arith.muli %add3A_279, %mul3A_280 : i32
    %dma_start3A_282 = tpu.memref_slice %arg3[%mul3A_281] : memref<134217728xf32, #tpu.memory_space<hbm>> -> memref<32768xf32, #tpu.memory_space<hbm>>
    %dma_start3A_283 = tpu.memref_slice %arg3[%mul3A_281] : memref<134217728xf32, #tpu.memory_space<hbm>> -> memref<32768xf32, #tpu.memory_space<hbm>>
    tpu.enqueue_dma source(%arg4 : memref<32768xf32, #tpu.memory_space<vmem>>) target(%dma_start3A_283 : memref<32768xf32, #tpu.memory_space<hbm>>) target_semaphore(%arg8 : memref<!tpu.dma_semaphore, #tpu.memory_space<semaphore_mem>>)
    %add3A_284 = arith.constant 11 : i32
    %add3A_285 = arith.addi %mul3A_2, %add3A_284 : i32
    %mul3A_286 = arith.constant 32768 : i32
    %mul3A_287 = arith.muli %add3A_285, %mul3A_286 : i32
    %dma_start3A_288 = tpu.memref_slice %arg3[%mul3A_287] : memref<134217728xf32, #tpu.memory_space<hbm>> -> memref<32768xf32, #tpu.memory_space<hbm>>
    %dma_start3A_289 = tpu.memref_slice %arg3[%mul3A_287] : memref<134217728xf32, #tpu.memory_space<hbm>> -> memref<32768xf32, #tpu.memory_space<hbm>>
    tpu.enqueue_dma source(%arg4 : memref<32768xf32, #tpu.memory_space<vmem>>) target(%dma_start3A_289 : memref<32768xf32, #tpu.memory_space<hbm>>) target_semaphore(%arg8 : memref<!tpu.dma_semaphore, #tpu.memory_space<semaphore_mem>>)
    %add3A_290 = arith.constant 12 : i32
    %add3A_291 = arith.addi %mul3A_2, %add3A_290 : i32
    %mul3A_292 = arith.constant 32768 : i32
    %mul3A_293 = arith.muli %add3A_291, %mul3A_292 : i32
    %dma_start3A_294 = tpu.memref_slice %arg3[%mul3A_293] : memref<134217728xf32, #tpu.memory_space<hbm>> -> memref<32768xf32, #tpu.memory_space<hbm>>
    %dma_start3A_295 = tpu.memref_slice %arg3[%mul3A_293] : memref<134217728xf32, #tpu.memory_space<hbm>> -> memref<32768xf32, #tpu.memory_space<hbm>>
    tpu.enqueue_dma source(%arg4 : memref<32768xf32, #tpu.memory_space<vmem>>) target(%dma_start3A_295 : memref<32768xf32, #tpu.memory_space<hbm>>) target_semaphore(%arg8 : memref<!tpu.dma_semaphore, #tpu.memory_space<semaphore_mem>>)
    %add3A_296 = arith.constant 13 : i32
    %add3A_297 = arith.addi %mul3A_2, %add3A_296 : i32
    %mul3A_298 = arith.constant 32768 : i32
    %mul3A_299 = arith.muli %add3A_297, %mul3A_298 : i32
    %dma_start3A_300 = tpu.memref_slice %arg3[%mul3A_299] : memref<134217728xf32, #tpu.memory_space<hbm>> -> memref<32768xf32, #tpu.memory_space<hbm>>
    %dma_start3A_301 = tpu.memref_slice %arg3[%mul3A_299] : memref<134217728xf32, #tpu.memory_space<hbm>> -> memref<32768xf32, #tpu.memory_space<hbm>>
    tpu.enqueue_dma source(%arg4 : memref<32768xf32, #tpu.memory_space<vmem>>) target(%dma_start3A_301 : memref<32768xf32, #tpu.memory_space<hbm>>) target_semaphore(%arg8 : memref<!tpu.dma_semaphore, #tpu.memory_space<semaphore_mem>>)
    %add3A_302 = arith.constant 14 : i32
    %add3A_303 = arith.addi %mul3A_2, %add3A_302 : i32
    %mul3A_304 = arith.constant 32768 : i32
    %mul3A_305 = arith.muli %add3A_303, %mul3A_304 : i32
    %dma_start3A_306 = tpu.memref_slice %arg3[%mul3A_305] : memref<134217728xf32, #tpu.memory_space<hbm>> -> memref<32768xf32, #tpu.memory_space<hbm>>
    %dma_start3A_307 = tpu.memref_slice %arg3[%mul3A_305] : memref<134217728xf32, #tpu.memory_space<hbm>> -> memref<32768xf32, #tpu.memory_space<hbm>>
    tpu.enqueue_dma source(%arg4 : memref<32768xf32, #tpu.memory_space<vmem>>) target(%dma_start3A_307 : memref<32768xf32, #tpu.memory_space<hbm>>) target_semaphore(%arg8 : memref<!tpu.dma_semaphore, #tpu.memory_space<semaphore_mem>>)
    %add3A_308 = arith.constant 15 : i32
    %add3A_309 = arith.addi %mul3A_2, %add3A_308 : i32
    %mul3A_310 = arith.constant 32768 : i32
    %mul3A_311 = arith.muli %add3A_309, %mul3A_310 : i32
    %dma_start3A_312 = tpu.memref_slice %arg3[%mul3A_311] : memref<134217728xf32, #tpu.memory_space<hbm>> -> memref<32768xf32, #tpu.memory_space<hbm>>
    %dma_start3A_313 = tpu.memref_slice %arg3[%mul3A_311] : memref<134217728xf32, #tpu.memory_space<hbm>> -> memref<32768xf32, #tpu.memory_space<hbm>>
    tpu.enqueue_dma source(%arg4 : memref<32768xf32, #tpu.memory_space<vmem>>) target(%dma_start3A_313 : memref<32768xf32, #tpu.memory_space<hbm>>) target_semaphore(%arg8 : memref<!tpu.dma_semaphore, #tpu.memory_space<semaphore_mem>>)
    %add3A_314 = arith.constant 16 : i32
    %add3A_315 = arith.addi %mul3A_2, %add3A_314 : i32
    %mul3A_316 = arith.constant 32768 : i32
    %mul3A_317 = arith.muli %add3A_315, %mul3A_316 : i32
    %dma_start3A_318 = tpu.memref_slice %arg3[%mul3A_317] : memref<134217728xf32, #tpu.memory_space<hbm>> -> memref<32768xf32, #tpu.memory_space<hbm>>
    %dma_start3A_319 = tpu.memref_slice %arg3[%mul3A_317] : memref<134217728xf32, #tpu.memory_space<hbm>> -> memref<32768xf32, #tpu.memory_space<hbm>>
    tpu.enqueue_dma source(%arg4 : memref<32768xf32, #tpu.memory_space<vmem>>) target(%dma_start3A_319 : memref<32768xf32, #tpu.memory_space<hbm>>) target_semaphore(%arg8 : memref<!tpu.dma_semaphore, #tpu.memory_space<semaphore_mem>>)
    %add3A_320 = arith.constant 17 : i32
    %add3A_321 = arith.addi %mul3A_2, %add3A_320 : i32
    %mul3A_322 = arith.constant 32768 : i32
    %mul3A_323 = arith.muli %add3A_321, %mul3A_322 : i32
    %dma_start3A_324 = tpu.memref_slice %arg3[%mul3A_323] : memref<134217728xf32, #tpu.memory_space<hbm>> -> memref<32768xf32, #tpu.memory_space<hbm>>
    %dma_start3A_325 = tpu.memref_slice %arg3[%mul3A_323] : memref<134217728xf32, #tpu.memory_space<hbm>> -> memref<32768xf32, #tpu.memory_space<hbm>>
    tpu.enqueue_dma source(%arg4 : memref<32768xf32, #tpu.memory_space<vmem>>) target(%dma_start3A_325 : memref<32768xf32, #tpu.memory_space<hbm>>) target_semaphore(%arg8 : memref<!tpu.dma_semaphore, #tpu.memory_space<semaphore_mem>>)
    %add3A_326 = arith.constant 18 : i32
    %add3A_327 = arith.addi %mul3A_2, %add3A_326 : i32
    %mul3A_328 = arith.constant 32768 : i32
    %mul3A_329 = arith.muli %add3A_327, %mul3A_328 : i32
    %dma_start3A_330 = tpu.memref_slice %arg3[%mul3A_329] : memref<134217728xf32, #tpu.memory_space<hbm>> -> memref<32768xf32, #tpu.memory_space<hbm>>
    %dma_start3A_331 = tpu.memref_slice %arg3[%mul3A_329] : memref<134217728xf32, #tpu.memory_space<hbm>> -> memref<32768xf32, #tpu.memory_space<hbm>>
    tpu.enqueue_dma source(%arg4 : memref<32768xf32, #tpu.memory_space<vmem>>) target(%dma_start3A_331 : memref<32768xf32, #tpu.memory_space<hbm>>) target_semaphore(%arg8 : memref<!tpu.dma_semaphore, #tpu.memory_space<semaphore_mem>>)
    %add3A_332 = arith.constant 19 : i32
    %add3A_333 = arith.addi %mul3A_2, %add3A_332 : i32
    %mul3A_334 = arith.constant 32768 : i32
    %mul3A_335 = arith.muli %add3A_333, %mul3A_334 : i32
    %dma_start3A_336 = tpu.memref_slice %arg3[%mul3A_335] : memref<134217728xf32, #tpu.memory_space<hbm>> -> memref<32768xf32, #tpu.memory_space<hbm>>
    %dma_start3A_337 = tpu.memref_slice %arg3[%mul3A_335] : memref<134217728xf32, #tpu.memory_space<hbm>> -> memref<32768xf32, #tpu.memory_space<hbm>>
    tpu.enqueue_dma source(%arg4 : memref<32768xf32, #tpu.memory_space<vmem>>) target(%dma_start3A_337 : memref<32768xf32, #tpu.memory_space<hbm>>) target_semaphore(%arg8 : memref<!tpu.dma_semaphore, #tpu.memory_space<semaphore_mem>>)
    %add3A_338 = arith.constant 20 : i32
    %add3A_339 = arith.addi %mul3A_2, %add3A_338 : i32
    %mul3A_340 = arith.constant 32768 : i32
    %mul3A_341 = arith.muli %add3A_339, %mul3A_340 : i32
    %dma_start3A_342 = tpu.memref_slice %arg3[%mul3A_341] : memref<134217728xf32, #tpu.memory_space<hbm>> -> memref<32768xf32, #tpu.memory_space<hbm>>
    %dma_start3A_343 = tpu.memref_slice %arg3[%mul3A_341] : memref<134217728xf32, #tpu.memory_space<hbm>> -> memref<32768xf32, #tpu.memory_space<hbm>>
    tpu.enqueue_dma source(%arg4 : memref<32768xf32, #tpu.memory_space<vmem>>) target(%dma_start3A_343 : memref<32768xf32, #tpu.memory_space<hbm>>) target_semaphore(%arg8 : memref<!tpu.dma_semaphore, #tpu.memory_space<semaphore_mem>>)
    %add3A_344 = arith.constant 21 : i32
    %add3A_345 = arith.addi %mul3A_2, %add3A_344 : i32
    %mul3A_346 = arith.constant 32768 : i32
    %mul3A_347 = arith.muli %add3A_345, %mul3A_346 : i32
    %dma_start3A_348 = tpu.memref_slice %arg3[%mul3A_347] : memref<134217728xf32, #tpu.memory_space<hbm>> -> memref<32768xf32, #tpu.memory_space<hbm>>
    %dma_start3A_349 = tpu.memref_slice %arg3[%mul3A_347] : memref<134217728xf32, #tpu.memory_space<hbm>> -> memref<32768xf32, #tpu.memory_space<hbm>>
    tpu.enqueue_dma source(%arg4 : memref<32768xf32, #tpu.memory_space<vmem>>) target(%dma_start3A_349 : memref<32768xf32, #tpu.memory_space<hbm>>) target_semaphore(%arg8 : memref<!tpu.dma_semaphore, #tpu.memory_space<semaphore_mem>>)
    %add3A_350 = arith.constant 22 : i32
    %add3A_351 = arith.addi %mul3A_2, %add3A_350 : i32
    %mul3A_352 = arith.constant 32768 : i32
    %mul3A_353 = arith.muli %add3A_351, %mul3A_352 : i32
    %dma_start3A_354 = tpu.memref_slice %arg3[%mul3A_353] : memref<134217728xf32, #tpu.memory_space<hbm>> -> memref<32768xf32, #tpu.memory_space<hbm>>
    %dma_start3A_355 = tpu.memref_slice %arg3[%mul3A_353] : memref<134217728xf32, #tpu.memory_space<hbm>> -> memref<32768xf32, #tpu.memory_space<hbm>>
    tpu.enqueue_dma source(%arg4 : memref<32768xf32, #tpu.memory_space<vmem>>) target(%dma_start3A_355 : memref<32768xf32, #tpu.memory_space<hbm>>) target_semaphore(%arg8 : memref<!tpu.dma_semaphore, #tpu.memory_space<semaphore_mem>>)
    %add3A_356 = arith.constant 23 : i32
    %add3A_357 = arith.addi %mul3A_2, %add3A_356 : i32
    %mul3A_358 = arith.constant 32768 : i32
    %mul3A_359 = arith.muli %add3A_357, %mul3A_358 : i32
    %dma_start3A_360 = tpu.memref_slice %arg3[%mul3A_359] : memref<134217728xf32, #tpu.memory_space<hbm>> -> memref<32768xf32, #tpu.memory_space<hbm>>
    %dma_start3A_361 = tpu.memref_slice %arg3[%mul3A_359] : memref<134217728xf32, #tpu.memory_space<hbm>> -> memref<32768xf32, #tpu.memory_space<hbm>>
    tpu.enqueue_dma source(%arg4 : memref<32768xf32, #tpu.memory_space<vmem>>) target(%dma_start3A_361 : memref<32768xf32, #tpu.memory_space<hbm>>) target_semaphore(%arg8 : memref<!tpu.dma_semaphore, #tpu.memory_space<semaphore_mem>>)
    %add3A_362 = arith.constant 24 : i32
    %add3A_363 = arith.addi %mul3A_2, %add3A_362 : i32
    %mul3A_364 = arith.constant 32768 : i32
    %mul3A_365 = arith.muli %add3A_363, %mul3A_364 : i32
    %dma_start3A_366 = tpu.memref_slice %arg3[%mul3A_365] : memref<134217728xf32, #tpu.memory_space<hbm>> -> memref<32768xf32, #tpu.memory_space<hbm>>
    %dma_start3A_367 = tpu.memref_slice %arg3[%mul3A_365] : memref<134217728xf32, #tpu.memory_space<hbm>> -> memref<32768xf32, #tpu.memory_space<hbm>>
    tpu.enqueue_dma source(%arg4 : memref<32768xf32, #tpu.memory_space<vmem>>) target(%dma_start3A_367 : memref<32768xf32, #tpu.memory_space<hbm>>) target_semaphore(%arg8 : memref<!tpu.dma_semaphore, #tpu.memory_space<semaphore_mem>>)
    %add3A_368 = arith.constant 25 : i32
    %add3A_369 = arith.addi %mul3A_2, %add3A_368 : i32
    %mul3A_370 = arith.constant 32768 : i32
    %mul3A_371 = arith.muli %add3A_369, %mul3A_370 : i32
    %dma_start3A_372 = tpu.memref_slice %arg3[%mul3A_371] : memref<134217728xf32, #tpu.memory_space<hbm>> -> memref<32768xf32, #tpu.memory_space<hbm>>
    %dma_start3A_373 = tpu.memref_slice %arg3[%mul3A_371] : memref<134217728xf32, #tpu.memory_space<hbm>> -> memref<32768xf32, #tpu.memory_space<hbm>>
    tpu.enqueue_dma source(%arg4 : memref<32768xf32, #tpu.memory_space<vmem>>) target(%dma_start3A_373 : memref<32768xf32, #tpu.memory_space<hbm>>) target_semaphore(%arg8 : memref<!tpu.dma_semaphore, #tpu.memory_space<semaphore_mem>>)
    %add3A_374 = arith.constant 26 : i32
    %add3A_375 = arith.addi %mul3A_2, %add3A_374 : i32
    %mul3A_376 = arith.constant 32768 : i32
    %mul3A_377 = arith.muli %add3A_375, %mul3A_376 : i32
    %dma_start3A_378 = tpu.memref_slice %arg3[%mul3A_377] : memref<134217728xf32, #tpu.memory_space<hbm>> -> memref<32768xf32, #tpu.memory_space<hbm>>
    %dma_start3A_379 = tpu.memref_slice %arg3[%mul3A_377] : memref<134217728xf32, #tpu.memory_space<hbm>> -> memref<32768xf32, #tpu.memory_space<hbm>>
    tpu.enqueue_dma source(%arg4 : memref<32768xf32, #tpu.memory_space<vmem>>) target(%dma_start3A_379 : memref<32768xf32, #tpu.memory_space<hbm>>) target_semaphore(%arg8 : memref<!tpu.dma_semaphore, #tpu.memory_space<semaphore_mem>>)
    %add3A_380 = arith.constant 27 : i32
    %add3A_381 = arith.addi %mul3A_2, %add3A_380 : i32
    %mul3A_382 = arith.constant 32768 : i32
    %mul3A_383 = arith.muli %add3A_381, %mul3A_382 : i32
    %dma_start3A_384 = tpu.memref_slice %arg3[%mul3A_383] : memref<134217728xf32, #tpu.memory_space<hbm>> -> memref<32768xf32, #tpu.memory_space<hbm>>
    %dma_start3A_385 = tpu.memref_slice %arg3[%mul3A_383] : memref<134217728xf32, #tpu.memory_space<hbm>> -> memref<32768xf32, #tpu.memory_space<hbm>>
    tpu.enqueue_dma source(%arg4 : memref<32768xf32, #tpu.memory_space<vmem>>) target(%dma_start3A_385 : memref<32768xf32, #tpu.memory_space<hbm>>) target_semaphore(%arg8 : memref<!tpu.dma_semaphore, #tpu.memory_space<semaphore_mem>>)
    %add3A_386 = arith.constant 28 : i32
    %add3A_387 = arith.addi %mul3A_2, %add3A_386 : i32
    %mul3A_388 = arith.constant 32768 : i32
    %mul3A_389 = arith.muli %add3A_387, %mul3A_388 : i32
    %dma_start3A_390 = tpu.memref_slice %arg3[%mul3A_389] : memref<134217728xf32, #tpu.memory_space<hbm>> -> memref<32768xf32, #tpu.memory_space<hbm>>
    %dma_start3A_391 = tpu.memref_slice %arg3[%mul3A_389] : memref<134217728xf32, #tpu.memory_space<hbm>> -> memref<32768xf32, #tpu.memory_space<hbm>>
    tpu.enqueue_dma source(%arg4 : memref<32768xf32, #tpu.memory_space<vmem>>) target(%dma_start3A_391 : memref<32768xf32, #tpu.memory_space<hbm>>) target_semaphore(%arg8 : memref<!tpu.dma_semaphore, #tpu.memory_space<semaphore_mem>>)
    %add3A_392 = arith.constant 29 : i32
    %add3A_393 = arith.addi %mul3A_2, %add3A_392 : i32
    %mul3A_394 = arith.constant 32768 : i32
    %mul3A_395 = arith.muli %add3A_393, %mul3A_394 : i32
    %dma_start3A_396 = tpu.memref_slice %arg3[%mul3A_395] : memref<134217728xf32, #tpu.memory_space<hbm>> -> memref<32768xf32, #tpu.memory_space<hbm>>
    %dma_start3A_397 = tpu.memref_slice %arg3[%mul3A_395] : memref<134217728xf32, #tpu.memory_space<hbm>> -> memref<32768xf32, #tpu.memory_space<hbm>>
    tpu.enqueue_dma source(%arg4 : memref<32768xf32, #tpu.memory_space<vmem>>) target(%dma_start3A_397 : memref<32768xf32, #tpu.memory_space<hbm>>) target_semaphore(%arg8 : memref<!tpu.dma_semaphore, #tpu.memory_space<semaphore_mem>>)
    %add3A_398 = arith.constant 30 : i32
    %add3A_399 = arith.addi %mul3A_2, %add3A_398 : i32
    %mul3A_400 = arith.constant 32768 : i32
    %mul3A_401 = arith.muli %add3A_399, %mul3A_400 : i32
    %dma_start3A_402 = tpu.memref_slice %arg3[%mul3A_401] : memref<134217728xf32, #tpu.memory_space<hbm>> -> memref<32768xf32, #tpu.memory_space<hbm>>
    %dma_start3A_403 = tpu.memref_slice %arg3[%mul3A_401] : memref<134217728xf32, #tpu.memory_space<hbm>> -> memref<32768xf32, #tpu.memory_space<hbm>>
    tpu.enqueue_dma source(%arg4 : memref<32768xf32, #tpu.memory_space<vmem>>) target(%dma_start3A_403 : memref<32768xf32, #tpu.memory_space<hbm>>) target_semaphore(%arg8 : memref<!tpu.dma_semaphore, #tpu.memory_space<semaphore_mem>>)
    %add3A_404 = arith.constant 31 : i32
    %add3A_405 = arith.addi %mul3A_2, %add3A_404 : i32
    %mul3A_406 = arith.constant 32768 : i32
    %mul3A_407 = arith.muli %add3A_405, %mul3A_406 : i32
    %dma_start3A_408 = tpu.memref_slice %arg3[%mul3A_407] : memref<134217728xf32, #tpu.memory_space<hbm>> -> memref<32768xf32, #tpu.memory_space<hbm>>
    %dma_start3A_409 = tpu.memref_slice %arg3[%mul3A_407] : memref<134217728xf32, #tpu.memory_space<hbm>> -> memref<32768xf32, #tpu.memory_space<hbm>>
    tpu.enqueue_dma source(%arg4 : memref<32768xf32, #tpu.memory_space<vmem>>) target(%dma_start3A_409 : memref<32768xf32, #tpu.memory_space<hbm>>) target_semaphore(%arg8 : memref<!tpu.dma_semaphore, #tpu.memory_space<semaphore_mem>>)
    %add3A_410 = arith.constant 32 : i32
    %add3A_411 = arith.addi %mul3A_2, %add3A_410 : i32
    %mul3A_412 = arith.constant 32768 : i32
    %mul3A_413 = arith.muli %add3A_411, %mul3A_412 : i32
    %dma_start3A_414 = tpu.memref_slice %arg3[%mul3A_413] : memref<134217728xf32, #tpu.memory_space<hbm>> -> memref<32768xf32, #tpu.memory_space<hbm>>
    %dma_start3A_415 = tpu.memref_slice %arg3[%mul3A_413] : memref<134217728xf32, #tpu.memory_space<hbm>> -> memref<32768xf32, #tpu.memory_space<hbm>>
    tpu.enqueue_dma source(%arg4 : memref<32768xf32, #tpu.memory_space<vmem>>) target(%dma_start3A_415 : memref<32768xf32, #tpu.memory_space<hbm>>) target_semaphore(%arg8 : memref<!tpu.dma_semaphore, #tpu.memory_space<semaphore_mem>>)
    %add3A_416 = arith.constant 33 : i32
    %add3A_417 = arith.addi %mul3A_2, %add3A_416 : i32
    %mul3A_418 = arith.constant 32768 : i32
    %mul3A_419 = arith.muli %add3A_417, %mul3A_418 : i32
    %dma_start3A_420 = tpu.memref_slice %arg3[%mul3A_419] : memref<134217728xf32, #tpu.memory_space<hbm>> -> memref<32768xf32, #tpu.memory_space<hbm>>
    %dma_start3A_421 = tpu.memref_slice %arg3[%mul3A_419] : memref<134217728xf32, #tpu.memory_space<hbm>> -> memref<32768xf32, #tpu.memory_space<hbm>>
    tpu.enqueue_dma source(%arg4 : memref<32768xf32, #tpu.memory_space<vmem>>) target(%dma_start3A_421 : memref<32768xf32, #tpu.memory_space<hbm>>) target_semaphore(%arg8 : memref<!tpu.dma_semaphore, #tpu.memory_space<semaphore_mem>>)
    %add3A_422 = arith.constant 34 : i32
    %add3A_423 = arith.addi %mul3A_2, %add3A_422 : i32
    %mul3A_424 = arith.constant 32768 : i32
    %mul3A_425 = arith.muli %add3A_423, %mul3A_424 : i32
    %dma_start3A_426 = tpu.memref_slice %arg3[%mul3A_425] : memref<134217728xf32, #tpu.memory_space<hbm>> -> memref<32768xf32, #tpu.memory_space<hbm>>
    %dma_start3A_427 = tpu.memref_slice %arg3[%mul3A_425] : memref<134217728xf32, #tpu.memory_space<hbm>> -> memref<32768xf32, #tpu.memory_space<hbm>>
    tpu.enqueue_dma source(%arg4 : memref<32768xf32, #tpu.memory_space<vmem>>) target(%dma_start3A_427 : memref<32768xf32, #tpu.memory_space<hbm>>) target_semaphore(%arg8 : memref<!tpu.dma_semaphore, #tpu.memory_space<semaphore_mem>>)
    %add3A_428 = arith.constant 35 : i32
    %add3A_429 = arith.addi %mul3A_2, %add3A_428 : i32
    %mul3A_430 = arith.constant 32768 : i32
    %mul3A_431 = arith.muli %add3A_429, %mul3A_430 : i32
    %dma_start3A_432 = tpu.memref_slice %arg3[%mul3A_431] : memref<134217728xf32, #tpu.memory_space<hbm>> -> memref<32768xf32, #tpu.memory_space<hbm>>
    %dma_start3A_433 = tpu.memref_slice %arg3[%mul3A_431] : memref<134217728xf32, #tpu.memory_space<hbm>> -> memref<32768xf32, #tpu.memory_space<hbm>>
    tpu.enqueue_dma source(%arg4 : memref<32768xf32, #tpu.memory_space<vmem>>) target(%dma_start3A_433 : memref<32768xf32, #tpu.memory_space<hbm>>) target_semaphore(%arg8 : memref<!tpu.dma_semaphore, #tpu.memory_space<semaphore_mem>>)
    %add3A_434 = arith.constant 36 : i32
    %add3A_435 = arith.addi %mul3A_2, %add3A_434 : i32
    %mul3A_436 = arith.constant 32768 : i32
    %mul3A_437 = arith.muli %add3A_435, %mul3A_436 : i32
    %dma_start3A_438 = tpu.memref_slice %arg3[%mul3A_437] : memref<134217728xf32, #tpu.memory_space<hbm>> -> memref<32768xf32, #tpu.memory_space<hbm>>
    %dma_start3A_439 = tpu.memref_slice %arg3[%mul3A_437] : memref<134217728xf32, #tpu.memory_space<hbm>> -> memref<32768xf32, #tpu.memory_space<hbm>>
    tpu.enqueue_dma source(%arg4 : memref<32768xf32, #tpu.memory_space<vmem>>) target(%dma_start3A_439 : memref<32768xf32, #tpu.memory_space<hbm>>) target_semaphore(%arg8 : memref<!tpu.dma_semaphore, #tpu.memory_space<semaphore_mem>>)
    %add3A_440 = arith.constant 37 : i32
    %add3A_441 = arith.addi %mul3A_2, %add3A_440 : i32
    %mul3A_442 = arith.constant 32768 : i32
    %mul3A_443 = arith.muli %add3A_441, %mul3A_442 : i32
    %dma_start3A_444 = tpu.memref_slice %arg3[%mul3A_443] : memref<134217728xf32, #tpu.memory_space<hbm>> -> memref<32768xf32, #tpu.memory_space<hbm>>
    %dma_start3A_445 = tpu.memref_slice %arg3[%mul3A_443] : memref<134217728xf32, #tpu.memory_space<hbm>> -> memref<32768xf32, #tpu.memory_space<hbm>>
    tpu.enqueue_dma source(%arg4 : memref<32768xf32, #tpu.memory_space<vmem>>) target(%dma_start3A_445 : memref<32768xf32, #tpu.memory_space<hbm>>) target_semaphore(%arg8 : memref<!tpu.dma_semaphore, #tpu.memory_space<semaphore_mem>>)
    %add3A_446 = arith.constant 38 : i32
    %add3A_447 = arith.addi %mul3A_2, %add3A_446 : i32
    %mul3A_448 = arith.constant 32768 : i32
    %mul3A_449 = arith.muli %add3A_447, %mul3A_448 : i32
    %dma_start3A_450 = tpu.memref_slice %arg3[%mul3A_449] : memref<134217728xf32, #tpu.memory_space<hbm>> -> memref<32768xf32, #tpu.memory_space<hbm>>
    %dma_start3A_451 = tpu.memref_slice %arg3[%mul3A_449] : memref<134217728xf32, #tpu.memory_space<hbm>> -> memref<32768xf32, #tpu.memory_space<hbm>>
    tpu.enqueue_dma source(%arg4 : memref<32768xf32, #tpu.memory_space<vmem>>) target(%dma_start3A_451 : memref<32768xf32, #tpu.memory_space<hbm>>) target_semaphore(%arg8 : memref<!tpu.dma_semaphore, #tpu.memory_space<semaphore_mem>>)
    %add3A_452 = arith.constant 39 : i32
    %add3A_453 = arith.addi %mul3A_2, %add3A_452 : i32
    %mul3A_454 = arith.constant 32768 : i32
    %mul3A_455 = arith.muli %add3A_453, %mul3A_454 : i32
    %dma_start3A_456 = tpu.memref_slice %arg3[%mul3A_455] : memref<134217728xf32, #tpu.memory_space<hbm>> -> memref<32768xf32, #tpu.memory_space<hbm>>
    %dma_start3A_457 = tpu.memref_slice %arg3[%mul3A_455] : memref<134217728xf32, #tpu.memory_space<hbm>> -> memref<32768xf32, #tpu.memory_space<hbm>>
    tpu.enqueue_dma source(%arg4 : memref<32768xf32, #tpu.memory_space<vmem>>) target(%dma_start3A_457 : memref<32768xf32, #tpu.memory_space<hbm>>) target_semaphore(%arg8 : memref<!tpu.dma_semaphore, #tpu.memory_space<semaphore_mem>>)
    %add3A_458 = arith.constant 40 : i32
    %add3A_459 = arith.addi %mul3A_2, %add3A_458 : i32
    %mul3A_460 = arith.constant 32768 : i32
    %mul3A_461 = arith.muli %add3A_459, %mul3A_460 : i32
    %dma_start3A_462 = tpu.memref_slice %arg3[%mul3A_461] : memref<134217728xf32, #tpu.memory_space<hbm>> -> memref<32768xf32, #tpu.memory_space<hbm>>
    %dma_start3A_463 = tpu.memref_slice %arg3[%mul3A_461] : memref<134217728xf32, #tpu.memory_space<hbm>> -> memref<32768xf32, #tpu.memory_space<hbm>>
    tpu.enqueue_dma source(%arg4 : memref<32768xf32, #tpu.memory_space<vmem>>) target(%dma_start3A_463 : memref<32768xf32, #tpu.memory_space<hbm>>) target_semaphore(%arg8 : memref<!tpu.dma_semaphore, #tpu.memory_space<semaphore_mem>>)
    %add3A_464 = arith.constant 41 : i32
    %add3A_465 = arith.addi %mul3A_2, %add3A_464 : i32
    %mul3A_466 = arith.constant 32768 : i32
    %mul3A_467 = arith.muli %add3A_465, %mul3A_466 : i32
    %dma_start3A_468 = tpu.memref_slice %arg3[%mul3A_467] : memref<134217728xf32, #tpu.memory_space<hbm>> -> memref<32768xf32, #tpu.memory_space<hbm>>
    %dma_start3A_469 = tpu.memref_slice %arg3[%mul3A_467] : memref<134217728xf32, #tpu.memory_space<hbm>> -> memref<32768xf32, #tpu.memory_space<hbm>>
    tpu.enqueue_dma source(%arg4 : memref<32768xf32, #tpu.memory_space<vmem>>) target(%dma_start3A_469 : memref<32768xf32, #tpu.memory_space<hbm>>) target_semaphore(%arg8 : memref<!tpu.dma_semaphore, #tpu.memory_space<semaphore_mem>>)
    %add3A_470 = arith.constant 42 : i32
    %add3A_471 = arith.addi %mul3A_2, %add3A_470 : i32
    %mul3A_472 = arith.constant 32768 : i32
    %mul3A_473 = arith.muli %add3A_471, %mul3A_472 : i32
    %dma_start3A_474 = tpu.memref_slice %arg3[%mul3A_473] : memref<134217728xf32, #tpu.memory_space<hbm>> -> memref<32768xf32, #tpu.memory_space<hbm>>
    %dma_start3A_475 = tpu.memref_slice %arg3[%mul3A_473] : memref<134217728xf32, #tpu.memory_space<hbm>> -> memref<32768xf32, #tpu.memory_space<hbm>>
    tpu.enqueue_dma source(%arg4 : memref<32768xf32, #tpu.memory_space<vmem>>) target(%dma_start3A_475 : memref<32768xf32, #tpu.memory_space<hbm>>) target_semaphore(%arg8 : memref<!tpu.dma_semaphore, #tpu.memory_space<semaphore_mem>>)
    %add3A_476 = arith.constant 43 : i32
    %add3A_477 = arith.addi %mul3A_2, %add3A_476 : i32
    %mul3A_478 = arith.constant 32768 : i32
    %mul3A_479 = arith.muli %add3A_477, %mul3A_478 : i32
    %dma_start3A_480 = tpu.memref_slice %arg3[%mul3A_479] : memref<134217728xf32, #tpu.memory_space<hbm>> -> memref<32768xf32, #tpu.memory_space<hbm>>
    %dma_start3A_481 = tpu.memref_slice %arg3[%mul3A_479] : memref<134217728xf32, #tpu.memory_space<hbm>> -> memref<32768xf32, #tpu.memory_space<hbm>>
    tpu.enqueue_dma source(%arg4 : memref<32768xf32, #tpu.memory_space<vmem>>) target(%dma_start3A_481 : memref<32768xf32, #tpu.memory_space<hbm>>) target_semaphore(%arg8 : memref<!tpu.dma_semaphore, #tpu.memory_space<semaphore_mem>>)
    %add3A_482 = arith.constant 44 : i32
    %add3A_483 = arith.addi %mul3A_2, %add3A_482 : i32
    %mul3A_484 = arith.constant 32768 : i32
    %mul3A_485 = arith.muli %add3A_483, %mul3A_484 : i32
    %dma_start3A_486 = tpu.memref_slice %arg3[%mul3A_485] : memref<134217728xf32, #tpu.memory_space<hbm>> -> memref<32768xf32, #tpu.memory_space<hbm>>
    %dma_start3A_487 = tpu.memref_slice %arg3[%mul3A_485] : memref<134217728xf32, #tpu.memory_space<hbm>> -> memref<32768xf32, #tpu.memory_space<hbm>>
    tpu.enqueue_dma source(%arg4 : memref<32768xf32, #tpu.memory_space<vmem>>) target(%dma_start3A_487 : memref<32768xf32, #tpu.memory_space<hbm>>) target_semaphore(%arg8 : memref<!tpu.dma_semaphore, #tpu.memory_space<semaphore_mem>>)
    %add3A_488 = arith.constant 45 : i32
    %add3A_489 = arith.addi %mul3A_2, %add3A_488 : i32
    %mul3A_490 = arith.constant 32768 : i32
    %mul3A_491 = arith.muli %add3A_489, %mul3A_490 : i32
    %dma_start3A_492 = tpu.memref_slice %arg3[%mul3A_491] : memref<134217728xf32, #tpu.memory_space<hbm>> -> memref<32768xf32, #tpu.memory_space<hbm>>
    %dma_start3A_493 = tpu.memref_slice %arg3[%mul3A_491] : memref<134217728xf32, #tpu.memory_space<hbm>> -> memref<32768xf32, #tpu.memory_space<hbm>>
    tpu.enqueue_dma source(%arg4 : memref<32768xf32, #tpu.memory_space<vmem>>) target(%dma_start3A_493 : memref<32768xf32, #tpu.memory_space<hbm>>) target_semaphore(%arg8 : memref<!tpu.dma_semaphore, #tpu.memory_space<semaphore_mem>>)
    %add3A_494 = arith.constant 46 : i32
    %add3A_495 = arith.addi %mul3A_2, %add3A_494 : i32
    %mul3A_496 = arith.constant 32768 : i32
    %mul3A_497 = arith.muli %add3A_495, %mul3A_496 : i32
    %dma_start3A_498 = tpu.memref_slice %arg3[%mul3A_497] : memref<134217728xf32, #tpu.memory_space<hbm>> -> memref<32768xf32, #tpu.memory_space<hbm>>
    %dma_start3A_499 = tpu.memref_slice %arg3[%mul3A_497] : memref<134217728xf32, #tpu.memory_space<hbm>> -> memref<32768xf32, #tpu.memory_space<hbm>>
    tpu.enqueue_dma source(%arg4 : memref<32768xf32, #tpu.memory_space<vmem>>) target(%dma_start3A_499 : memref<32768xf32, #tpu.memory_space<hbm>>) target_semaphore(%arg8 : memref<!tpu.dma_semaphore, #tpu.memory_space<semaphore_mem>>)
    %add3A_500 = arith.constant 47 : i32
    %add3A_501 = arith.addi %mul3A_2, %add3A_500 : i32
    %mul3A_502 = arith.constant 32768 : i32
    %mul3A_503 = arith.muli %add3A_501, %mul3A_502 : i32
    %dma_start3A_504 = tpu.memref_slice %arg3[%mul3A_503] : memref<134217728xf32, #tpu.memory_space<hbm>> -> memref<32768xf32, #tpu.memory_space<hbm>>
    %dma_start3A_505 = tpu.memref_slice %arg3[%mul3A_503] : memref<134217728xf32, #tpu.memory_space<hbm>> -> memref<32768xf32, #tpu.memory_space<hbm>>
    tpu.enqueue_dma source(%arg4 : memref<32768xf32, #tpu.memory_space<vmem>>) target(%dma_start3A_505 : memref<32768xf32, #tpu.memory_space<hbm>>) target_semaphore(%arg8 : memref<!tpu.dma_semaphore, #tpu.memory_space<semaphore_mem>>)
    %add3A_506 = arith.constant 48 : i32
    %add3A_507 = arith.addi %mul3A_2, %add3A_506 : i32
    %mul3A_508 = arith.constant 32768 : i32
    %mul3A_509 = arith.muli %add3A_507, %mul3A_508 : i32
    %dma_start3A_510 = tpu.memref_slice %arg3[%mul3A_509] : memref<134217728xf32, #tpu.memory_space<hbm>> -> memref<32768xf32, #tpu.memory_space<hbm>>
    %dma_start3A_511 = tpu.memref_slice %arg3[%mul3A_509] : memref<134217728xf32, #tpu.memory_space<hbm>> -> memref<32768xf32, #tpu.memory_space<hbm>>
    tpu.enqueue_dma source(%arg4 : memref<32768xf32, #tpu.memory_space<vmem>>) target(%dma_start3A_511 : memref<32768xf32, #tpu.memory_space<hbm>>) target_semaphore(%arg8 : memref<!tpu.dma_semaphore, #tpu.memory_space<semaphore_mem>>)
    %add3A_512 = arith.constant 49 : i32
    %add3A_513 = arith.addi %mul3A_2, %add3A_512 : i32
    %mul3A_514 = arith.constant 32768 : i32
    %mul3A_515 = arith.muli %add3A_513, %mul3A_514 : i32
    %dma_start3A_516 = tpu.memref_slice %arg3[%mul3A_515] : memref<134217728xf32, #tpu.memory_space<hbm>> -> memref<32768xf32, #tpu.memory_space<hbm>>
    %dma_start3A_517 = tpu.memref_slice %arg3[%mul3A_515] : memref<134217728xf32, #tpu.memory_space<hbm>> -> memref<32768xf32, #tpu.memory_space<hbm>>
    tpu.enqueue_dma source(%arg4 : memref<32768xf32, #tpu.memory_space<vmem>>) target(%dma_start3A_517 : memref<32768xf32, #tpu.memory_space<hbm>>) target_semaphore(%arg8 : memref<!tpu.dma_semaphore, #tpu.memory_space<semaphore_mem>>)
    %add3A_518 = arith.constant 50 : i32
    %add3A_519 = arith.addi %mul3A_2, %add3A_518 : i32
    %mul3A_520 = arith.constant 32768 : i32
    %mul3A_521 = arith.muli %add3A_519, %mul3A_520 : i32
    %dma_start3A_522 = tpu.memref_slice %arg3[%mul3A_521] : memref<134217728xf32, #tpu.memory_space<hbm>> -> memref<32768xf32, #tpu.memory_space<hbm>>
    %dma_start3A_523 = tpu.memref_slice %arg3[%mul3A_521] : memref<134217728xf32, #tpu.memory_space<hbm>> -> memref<32768xf32, #tpu.memory_space<hbm>>
    tpu.enqueue_dma source(%arg4 : memref<32768xf32, #tpu.memory_space<vmem>>) target(%dma_start3A_523 : memref<32768xf32, #tpu.memory_space<hbm>>) target_semaphore(%arg8 : memref<!tpu.dma_semaphore, #tpu.memory_space<semaphore_mem>>)
    %add3A_524 = arith.constant 51 : i32
    %add3A_525 = arith.addi %mul3A_2, %add3A_524 : i32
    %mul3A_526 = arith.constant 32768 : i32
    %mul3A_527 = arith.muli %add3A_525, %mul3A_526 : i32
    %dma_start3A_528 = tpu.memref_slice %arg3[%mul3A_527] : memref<134217728xf32, #tpu.memory_space<hbm>> -> memref<32768xf32, #tpu.memory_space<hbm>>
    %dma_start3A_529 = tpu.memref_slice %arg3[%mul3A_527] : memref<134217728xf32, #tpu.memory_space<hbm>> -> memref<32768xf32, #tpu.memory_space<hbm>>
    tpu.enqueue_dma source(%arg4 : memref<32768xf32, #tpu.memory_space<vmem>>) target(%dma_start3A_529 : memref<32768xf32, #tpu.memory_space<hbm>>) target_semaphore(%arg8 : memref<!tpu.dma_semaphore, #tpu.memory_space<semaphore_mem>>)
    %add3A_530 = arith.constant 52 : i32
    %add3A_531 = arith.addi %mul3A_2, %add3A_530 : i32
    %mul3A_532 = arith.constant 32768 : i32
    %mul3A_533 = arith.muli %add3A_531, %mul3A_532 : i32
    %dma_start3A_534 = tpu.memref_slice %arg3[%mul3A_533] : memref<134217728xf32, #tpu.memory_space<hbm>> -> memref<32768xf32, #tpu.memory_space<hbm>>
    %dma_start3A_535 = tpu.memref_slice %arg3[%mul3A_533] : memref<134217728xf32, #tpu.memory_space<hbm>> -> memref<32768xf32, #tpu.memory_space<hbm>>
    tpu.enqueue_dma source(%arg4 : memref<32768xf32, #tpu.memory_space<vmem>>) target(%dma_start3A_535 : memref<32768xf32, #tpu.memory_space<hbm>>) target_semaphore(%arg8 : memref<!tpu.dma_semaphore, #tpu.memory_space<semaphore_mem>>)
    %add3A_536 = arith.constant 53 : i32
    %add3A_537 = arith.addi %mul3A_2, %add3A_536 : i32
    %mul3A_538 = arith.constant 32768 : i32
    %mul3A_539 = arith.muli %add3A_537, %mul3A_538 : i32
    %dma_start3A_540 = tpu.memref_slice %arg3[%mul3A_539] : memref<134217728xf32, #tpu.memory_space<hbm>> -> memref<32768xf32, #tpu.memory_space<hbm>>
    %dma_start3A_541 = tpu.memref_slice %arg3[%mul3A_539] : memref<134217728xf32, #tpu.memory_space<hbm>> -> memref<32768xf32, #tpu.memory_space<hbm>>
    tpu.enqueue_dma source(%arg4 : memref<32768xf32, #tpu.memory_space<vmem>>) target(%dma_start3A_541 : memref<32768xf32, #tpu.memory_space<hbm>>) target_semaphore(%arg8 : memref<!tpu.dma_semaphore, #tpu.memory_space<semaphore_mem>>)
    %add3A_542 = arith.constant 54 : i32
    %add3A_543 = arith.addi %mul3A_2, %add3A_542 : i32
    %mul3A_544 = arith.constant 32768 : i32
    %mul3A_545 = arith.muli %add3A_543, %mul3A_544 : i32
    %dma_start3A_546 = tpu.memref_slice %arg3[%mul3A_545] : memref<134217728xf32, #tpu.memory_space<hbm>> -> memref<32768xf32, #tpu.memory_space<hbm>>
    %dma_start3A_547 = tpu.memref_slice %arg3[%mul3A_545] : memref<134217728xf32, #tpu.memory_space<hbm>> -> memref<32768xf32, #tpu.memory_space<hbm>>
    tpu.enqueue_dma source(%arg4 : memref<32768xf32, #tpu.memory_space<vmem>>) target(%dma_start3A_547 : memref<32768xf32, #tpu.memory_space<hbm>>) target_semaphore(%arg8 : memref<!tpu.dma_semaphore, #tpu.memory_space<semaphore_mem>>)
    %add3A_548 = arith.constant 55 : i32
    %add3A_549 = arith.addi %mul3A_2, %add3A_548 : i32
    %mul3A_550 = arith.constant 32768 : i32
    %mul3A_551 = arith.muli %add3A_549, %mul3A_550 : i32
    %dma_start3A_552 = tpu.memref_slice %arg3[%mul3A_551] : memref<134217728xf32, #tpu.memory_space<hbm>> -> memref<32768xf32, #tpu.memory_space<hbm>>
    %dma_start3A_553 = tpu.memref_slice %arg3[%mul3A_551] : memref<134217728xf32, #tpu.memory_space<hbm>> -> memref<32768xf32, #tpu.memory_space<hbm>>
    tpu.enqueue_dma source(%arg4 : memref<32768xf32, #tpu.memory_space<vmem>>) target(%dma_start3A_553 : memref<32768xf32, #tpu.memory_space<hbm>>) target_semaphore(%arg8 : memref<!tpu.dma_semaphore, #tpu.memory_space<semaphore_mem>>)
    %add3A_554 = arith.constant 56 : i32
    %add3A_555 = arith.addi %mul3A_2, %add3A_554 : i32
    %mul3A_556 = arith.constant 32768 : i32
    %mul3A_557 = arith.muli %add3A_555, %mul3A_556 : i32
    %dma_start3A_558 = tpu.memref_slice %arg3[%mul3A_557] : memref<134217728xf32, #tpu.memory_space<hbm>> -> memref<32768xf32, #tpu.memory_space<hbm>>
    %dma_start3A_559 = tpu.memref_slice %arg3[%mul3A_557] : memref<134217728xf32, #tpu.memory_space<hbm>> -> memref<32768xf32, #tpu.memory_space<hbm>>
    tpu.enqueue_dma source(%arg4 : memref<32768xf32, #tpu.memory_space<vmem>>) target(%dma_start3A_559 : memref<32768xf32, #tpu.memory_space<hbm>>) target_semaphore(%arg8 : memref<!tpu.dma_semaphore, #tpu.memory_space<semaphore_mem>>)
    %add3A_560 = arith.constant 57 : i32
    %add3A_561 = arith.addi %mul3A_2, %add3A_560 : i32
    %mul3A_562 = arith.constant 32768 : i32
    %mul3A_563 = arith.muli %add3A_561, %mul3A_562 : i32
    %dma_start3A_564 = tpu.memref_slice %arg3[%mul3A_563] : memref<134217728xf32, #tpu.memory_space<hbm>> -> memref<32768xf32, #tpu.memory_space<hbm>>
    %dma_start3A_565 = tpu.memref_slice %arg3[%mul3A_563] : memref<134217728xf32, #tpu.memory_space<hbm>> -> memref<32768xf32, #tpu.memory_space<hbm>>
    tpu.enqueue_dma source(%arg4 : memref<32768xf32, #tpu.memory_space<vmem>>) target(%dma_start3A_565 : memref<32768xf32, #tpu.memory_space<hbm>>) target_semaphore(%arg8 : memref<!tpu.dma_semaphore, #tpu.memory_space<semaphore_mem>>)
    %add3A_566 = arith.constant 58 : i32
    %add3A_567 = arith.addi %mul3A_2, %add3A_566 : i32
    %mul3A_568 = arith.constant 32768 : i32
    %mul3A_569 = arith.muli %add3A_567, %mul3A_568 : i32
    %dma_start3A_570 = tpu.memref_slice %arg3[%mul3A_569] : memref<134217728xf32, #tpu.memory_space<hbm>> -> memref<32768xf32, #tpu.memory_space<hbm>>
    %dma_start3A_571 = tpu.memref_slice %arg3[%mul3A_569] : memref<134217728xf32, #tpu.memory_space<hbm>> -> memref<32768xf32, #tpu.memory_space<hbm>>
    tpu.enqueue_dma source(%arg4 : memref<32768xf32, #tpu.memory_space<vmem>>) target(%dma_start3A_571 : memref<32768xf32, #tpu.memory_space<hbm>>) target_semaphore(%arg8 : memref<!tpu.dma_semaphore, #tpu.memory_space<semaphore_mem>>)
    %add3A_572 = arith.constant 59 : i32
    %add3A_573 = arith.addi %mul3A_2, %add3A_572 : i32
    %mul3A_574 = arith.constant 32768 : i32
    %mul3A_575 = arith.muli %add3A_573, %mul3A_574 : i32
    %dma_start3A_576 = tpu.memref_slice %arg3[%mul3A_575] : memref<134217728xf32, #tpu.memory_space<hbm>> -> memref<32768xf32, #tpu.memory_space<hbm>>
    %dma_start3A_577 = tpu.memref_slice %arg3[%mul3A_575] : memref<134217728xf32, #tpu.memory_space<hbm>> -> memref<32768xf32, #tpu.memory_space<hbm>>
    tpu.enqueue_dma source(%arg4 : memref<32768xf32, #tpu.memory_space<vmem>>) target(%dma_start3A_577 : memref<32768xf32, #tpu.memory_space<hbm>>) target_semaphore(%arg8 : memref<!tpu.dma_semaphore, #tpu.memory_space<semaphore_mem>>)
    %add3A_578 = arith.constant 60 : i32
    %add3A_579 = arith.addi %mul3A_2, %add3A_578 : i32
    %mul3A_580 = arith.constant 32768 : i32
    %mul3A_581 = arith.muli %add3A_579, %mul3A_580 : i32
    %dma_start3A_582 = tpu.memref_slice %arg3[%mul3A_581] : memref<134217728xf32, #tpu.memory_space<hbm>> -> memref<32768xf32, #tpu.memory_space<hbm>>
    %dma_start3A_583 = tpu.memref_slice %arg3[%mul3A_581] : memref<134217728xf32, #tpu.memory_space<hbm>> -> memref<32768xf32, #tpu.memory_space<hbm>>
    tpu.enqueue_dma source(%arg4 : memref<32768xf32, #tpu.memory_space<vmem>>) target(%dma_start3A_583 : memref<32768xf32, #tpu.memory_space<hbm>>) target_semaphore(%arg8 : memref<!tpu.dma_semaphore, #tpu.memory_space<semaphore_mem>>)
    %add3A_584 = arith.constant 61 : i32
    %add3A_585 = arith.addi %mul3A_2, %add3A_584 : i32
    %mul3A_586 = arith.constant 32768 : i32
    %mul3A_587 = arith.muli %add3A_585, %mul3A_586 : i32
    %dma_start3A_588 = tpu.memref_slice %arg3[%mul3A_587] : memref<134217728xf32, #tpu.memory_space<hbm>> -> memref<32768xf32, #tpu.memory_space<hbm>>
    %dma_start3A_589 = tpu.memref_slice %arg3[%mul3A_587] : memref<134217728xf32, #tpu.memory_space<hbm>> -> memref<32768xf32, #tpu.memory_space<hbm>>
    tpu.enqueue_dma source(%arg4 : memref<32768xf32, #tpu.memory_space<vmem>>) target(%dma_start3A_589 : memref<32768xf32, #tpu.memory_space<hbm>>) target_semaphore(%arg8 : memref<!tpu.dma_semaphore, #tpu.memory_space<semaphore_mem>>)
    %add3A_590 = arith.constant 62 : i32
    %add3A_591 = arith.addi %mul3A_2, %add3A_590 : i32
    %mul3A_592 = arith.constant 32768 : i32
    %mul3A_593 = arith.muli %add3A_591, %mul3A_592 : i32
    %dma_start3A_594 = tpu.memref_slice %arg3[%mul3A_593] : memref<134217728xf32, #tpu.memory_space<hbm>> -> memref<32768xf32, #tpu.memory_space<hbm>>
    %dma_start3A_595 = tpu.memref_slice %arg3[%mul3A_593] : memref<134217728xf32, #tpu.memory_space<hbm>> -> memref<32768xf32, #tpu.memory_space<hbm>>
    tpu.enqueue_dma source(%arg4 : memref<32768xf32, #tpu.memory_space<vmem>>) target(%dma_start3A_595 : memref<32768xf32, #tpu.memory_space<hbm>>) target_semaphore(%arg8 : memref<!tpu.dma_semaphore, #tpu.memory_space<semaphore_mem>>)
    %add3A_596 = arith.constant 63 : i32
    %add3A_597 = arith.addi %mul3A_2, %add3A_596 : i32
    %mul3A_598 = arith.constant 32768 : i32
    %mul3A_599 = arith.muli %add3A_597, %mul3A_598 : i32
    %dma_start3A_600 = tpu.memref_slice %arg3[%mul3A_599] : memref<134217728xf32, #tpu.memory_space<hbm>> -> memref<32768xf32, #tpu.memory_space<hbm>>
    %dma_start3A_601 = tpu.memref_slice %arg3[%mul3A_599] : memref<134217728xf32, #tpu.memory_space<hbm>> -> memref<32768xf32, #tpu.memory_space<hbm>>
    tpu.enqueue_dma source(%arg4 : memref<32768xf32, #tpu.memory_space<vmem>>) target(%dma_start3A_601 : memref<32768xf32, #tpu.memory_space<hbm>>) target_semaphore(%arg8 : memref<!tpu.dma_semaphore, #tpu.memory_space<semaphore_mem>>)
    %add3A_602 = arith.constant 64 : i32
    %add3A_603 = arith.addi %mul3A_2, %add3A_602 : i32
    %mul3A_604 = arith.constant 32768 : i32
    %mul3A_605 = arith.muli %add3A_603, %mul3A_604 : i32
    %dma_start3A_606 = tpu.memref_slice %arg3[%mul3A_605] : memref<134217728xf32, #tpu.memory_space<hbm>> -> memref<32768xf32, #tpu.memory_space<hbm>>
    %dma_start3A_607 = tpu.memref_slice %arg3[%mul3A_605] : memref<134217728xf32, #tpu.memory_space<hbm>> -> memref<32768xf32, #tpu.memory_space<hbm>>
    tpu.enqueue_dma source(%arg4 : memref<32768xf32, #tpu.memory_space<vmem>>) target(%dma_start3A_607 : memref<32768xf32, #tpu.memory_space<hbm>>) target_semaphore(%arg8 : memref<!tpu.dma_semaphore, #tpu.memory_space<semaphore_mem>>)
    %add3A_608 = arith.constant 65 : i32
    %add3A_609 = arith.addi %mul3A_2, %add3A_608 : i32
    %mul3A_610 = arith.constant 32768 : i32
    %mul3A_611 = arith.muli %add3A_609, %mul3A_610 : i32
    %dma_start3A_612 = tpu.memref_slice %arg3[%mul3A_611] : memref<134217728xf32, #tpu.memory_space<hbm>> -> memref<32768xf32, #tpu.memory_space<hbm>>
    %dma_start3A_613 = tpu.memref_slice %arg3[%mul3A_611] : memref<134217728xf32, #tpu.memory_space<hbm>> -> memref<32768xf32, #tpu.memory_space<hbm>>
    tpu.enqueue_dma source(%arg4 : memref<32768xf32, #tpu.memory_space<vmem>>) target(%dma_start3A_613 : memref<32768xf32, #tpu.memory_space<hbm>>) target_semaphore(%arg8 : memref<!tpu.dma_semaphore, #tpu.memory_space<semaphore_mem>>)
    %add3A_614 = arith.constant 66 : i32
    %add3A_615 = arith.addi %mul3A_2, %add3A_614 : i32
    %mul3A_616 = arith.constant 32768 : i32
    %mul3A_617 = arith.muli %add3A_615, %mul3A_616 : i32
    %dma_start3A_618 = tpu.memref_slice %arg3[%mul3A_617] : memref<134217728xf32, #tpu.memory_space<hbm>> -> memref<32768xf32, #tpu.memory_space<hbm>>
    %dma_start3A_619 = tpu.memref_slice %arg3[%mul3A_617] : memref<134217728xf32, #tpu.memory_space<hbm>> -> memref<32768xf32, #tpu.memory_space<hbm>>
    tpu.enqueue_dma source(%arg4 : memref<32768xf32, #tpu.memory_space<vmem>>) target(%dma_start3A_619 : memref<32768xf32, #tpu.memory_space<hbm>>) target_semaphore(%arg8 : memref<!tpu.dma_semaphore, #tpu.memory_space<semaphore_mem>>)
    %add3A_620 = arith.constant 67 : i32
    %add3A_621 = arith.addi %mul3A_2, %add3A_620 : i32
    %mul3A_622 = arith.constant 32768 : i32
    %mul3A_623 = arith.muli %add3A_621, %mul3A_622 : i32
    %dma_start3A_624 = tpu.memref_slice %arg3[%mul3A_623] : memref<134217728xf32, #tpu.memory_space<hbm>> -> memref<32768xf32, #tpu.memory_space<hbm>>
    %dma_start3A_625 = tpu.memref_slice %arg3[%mul3A_623] : memref<134217728xf32, #tpu.memory_space<hbm>> -> memref<32768xf32, #tpu.memory_space<hbm>>
    tpu.enqueue_dma source(%arg4 : memref<32768xf32, #tpu.memory_space<vmem>>) target(%dma_start3A_625 : memref<32768xf32, #tpu.memory_space<hbm>>) target_semaphore(%arg8 : memref<!tpu.dma_semaphore, #tpu.memory_space<semaphore_mem>>)
    %add3A_626 = arith.constant 68 : i32
    %add3A_627 = arith.addi %mul3A_2, %add3A_626 : i32
    %mul3A_628 = arith.constant 32768 : i32
    %mul3A_629 = arith.muli %add3A_627, %mul3A_628 : i32
    %dma_start3A_630 = tpu.memref_slice %arg3[%mul3A_629] : memref<134217728xf32, #tpu.memory_space<hbm>> -> memref<32768xf32, #tpu.memory_space<hbm>>
    %dma_start3A_631 = tpu.memref_slice %arg3[%mul3A_629] : memref<134217728xf32, #tpu.memory_space<hbm>> -> memref<32768xf32, #tpu.memory_space<hbm>>
    tpu.enqueue_dma source(%arg4 : memref<32768xf32, #tpu.memory_space<vmem>>) target(%dma_start3A_631 : memref<32768xf32, #tpu.memory_space<hbm>>) target_semaphore(%arg8 : memref<!tpu.dma_semaphore, #tpu.memory_space<semaphore_mem>>)
    %add3A_632 = arith.constant 69 : i32
    %add3A_633 = arith.addi %mul3A_2, %add3A_632 : i32
    %mul3A_634 = arith.constant 32768 : i32
    %mul3A_635 = arith.muli %add3A_633, %mul3A_634 : i32
    %dma_start3A_636 = tpu.memref_slice %arg3[%mul3A_635] : memref<134217728xf32, #tpu.memory_space<hbm>> -> memref<32768xf32, #tpu.memory_space<hbm>>
    %dma_start3A_637 = tpu.memref_slice %arg3[%mul3A_635] : memref<134217728xf32, #tpu.memory_space<hbm>> -> memref<32768xf32, #tpu.memory_space<hbm>>
    tpu.enqueue_dma source(%arg4 : memref<32768xf32, #tpu.memory_space<vmem>>) target(%dma_start3A_637 : memref<32768xf32, #tpu.memory_space<hbm>>) target_semaphore(%arg8 : memref<!tpu.dma_semaphore, #tpu.memory_space<semaphore_mem>>)
    %add3A_638 = arith.constant 70 : i32
    %add3A_639 = arith.addi %mul3A_2, %add3A_638 : i32
    %mul3A_640 = arith.constant 32768 : i32
    %mul3A_641 = arith.muli %add3A_639, %mul3A_640 : i32
    %dma_start3A_642 = tpu.memref_slice %arg3[%mul3A_641] : memref<134217728xf32, #tpu.memory_space<hbm>> -> memref<32768xf32, #tpu.memory_space<hbm>>
    %dma_start3A_643 = tpu.memref_slice %arg3[%mul3A_641] : memref<134217728xf32, #tpu.memory_space<hbm>> -> memref<32768xf32, #tpu.memory_space<hbm>>
    tpu.enqueue_dma source(%arg4 : memref<32768xf32, #tpu.memory_space<vmem>>) target(%dma_start3A_643 : memref<32768xf32, #tpu.memory_space<hbm>>) target_semaphore(%arg8 : memref<!tpu.dma_semaphore, #tpu.memory_space<semaphore_mem>>)
    %add3A_644 = arith.constant 71 : i32
    %add3A_645 = arith.addi %mul3A_2, %add3A_644 : i32
    %mul3A_646 = arith.constant 32768 : i32
    %mul3A_647 = arith.muli %add3A_645, %mul3A_646 : i32
    %dma_start3A_648 = tpu.memref_slice %arg3[%mul3A_647] : memref<134217728xf32, #tpu.memory_space<hbm>> -> memref<32768xf32, #tpu.memory_space<hbm>>
    %dma_start3A_649 = tpu.memref_slice %arg3[%mul3A_647] : memref<134217728xf32, #tpu.memory_space<hbm>> -> memref<32768xf32, #tpu.memory_space<hbm>>
    tpu.enqueue_dma source(%arg4 : memref<32768xf32, #tpu.memory_space<vmem>>) target(%dma_start3A_649 : memref<32768xf32, #tpu.memory_space<hbm>>) target_semaphore(%arg8 : memref<!tpu.dma_semaphore, #tpu.memory_space<semaphore_mem>>)
    %add3A_650 = arith.constant 72 : i32
    %add3A_651 = arith.addi %mul3A_2, %add3A_650 : i32
    %mul3A_652 = arith.constant 32768 : i32
    %mul3A_653 = arith.muli %add3A_651, %mul3A_652 : i32
    %dma_start3A_654 = tpu.memref_slice %arg3[%mul3A_653] : memref<134217728xf32, #tpu.memory_space<hbm>> -> memref<32768xf32, #tpu.memory_space<hbm>>
    %dma_start3A_655 = tpu.memref_slice %arg3[%mul3A_653] : memref<134217728xf32, #tpu.memory_space<hbm>> -> memref<32768xf32, #tpu.memory_space<hbm>>
    tpu.enqueue_dma source(%arg4 : memref<32768xf32, #tpu.memory_space<vmem>>) target(%dma_start3A_655 : memref<32768xf32, #tpu.memory_space<hbm>>) target_semaphore(%arg8 : memref<!tpu.dma_semaphore, #tpu.memory_space<semaphore_mem>>)
    %add3A_656 = arith.constant 73 : i32
    %add3A_657 = arith.addi %mul3A_2, %add3A_656 : i32
    %mul3A_658 = arith.constant 32768 : i32
    %mul3A_659 = arith.muli %add3A_657, %mul3A_658 : i32
    %dma_start3A_660 = tpu.memref_slice %arg3[%mul3A_659] : memref<134217728xf32, #tpu.memory_space<hbm>> -> memref<32768xf32, #tpu.memory_space<hbm>>
    %dma_start3A_661 = tpu.memref_slice %arg3[%mul3A_659] : memref<134217728xf32, #tpu.memory_space<hbm>> -> memref<32768xf32, #tpu.memory_space<hbm>>
    tpu.enqueue_dma source(%arg4 : memref<32768xf32, #tpu.memory_space<vmem>>) target(%dma_start3A_661 : memref<32768xf32, #tpu.memory_space<hbm>>) target_semaphore(%arg8 : memref<!tpu.dma_semaphore, #tpu.memory_space<semaphore_mem>>)
    %add3A_662 = arith.constant 74 : i32
    %add3A_663 = arith.addi %mul3A_2, %add3A_662 : i32
    %mul3A_664 = arith.constant 32768 : i32
    %mul3A_665 = arith.muli %add3A_663, %mul3A_664 : i32
    %dma_start3A_666 = tpu.memref_slice %arg3[%mul3A_665] : memref<134217728xf32, #tpu.memory_space<hbm>> -> memref<32768xf32, #tpu.memory_space<hbm>>
    %dma_start3A_667 = tpu.memref_slice %arg3[%mul3A_665] : memref<134217728xf32, #tpu.memory_space<hbm>> -> memref<32768xf32, #tpu.memory_space<hbm>>
    tpu.enqueue_dma source(%arg4 : memref<32768xf32, #tpu.memory_space<vmem>>) target(%dma_start3A_667 : memref<32768xf32, #tpu.memory_space<hbm>>) target_semaphore(%arg8 : memref<!tpu.dma_semaphore, #tpu.memory_space<semaphore_mem>>)
    %add3A_668 = arith.constant 75 : i32
    %add3A_669 = arith.addi %mul3A_2, %add3A_668 : i32
    %mul3A_670 = arith.constant 32768 : i32
    %mul3A_671 = arith.muli %add3A_669, %mul3A_670 : i32
    %dma_start3A_672 = tpu.memref_slice %arg3[%mul3A_671] : memref<134217728xf32, #tpu.memory_space<hbm>> -> memref<32768xf32, #tpu.memory_space<hbm>>
    %dma_start3A_673 = tpu.memref_slice %arg3[%mul3A_671] : memref<134217728xf32, #tpu.memory_space<hbm>> -> memref<32768xf32, #tpu.memory_space<hbm>>
    tpu.enqueue_dma source(%arg4 : memref<32768xf32, #tpu.memory_space<vmem>>) target(%dma_start3A_673 : memref<32768xf32, #tpu.memory_space<hbm>>) target_semaphore(%arg8 : memref<!tpu.dma_semaphore, #tpu.memory_space<semaphore_mem>>)
    %add3A_674 = arith.constant 76 : i32
    %add3A_675 = arith.addi %mul3A_2, %add3A_674 : i32
    %mul3A_676 = arith.constant 32768 : i32
    %mul3A_677 = arith.muli %add3A_675, %mul3A_676 : i32
    %dma_start3A_678 = tpu.memref_slice %arg3[%mul3A_677] : memref<134217728xf32, #tpu.memory_space<hbm>> -> memref<32768xf32, #tpu.memory_space<hbm>>
    %dma_start3A_679 = tpu.memref_slice %arg3[%mul3A_677] : memref<134217728xf32, #tpu.memory_space<hbm>> -> memref<32768xf32, #tpu.memory_space<hbm>>
    tpu.enqueue_dma source(%arg4 : memref<32768xf32, #tpu.memory_space<vmem>>) target(%dma_start3A_679 : memref<32768xf32, #tpu.memory_space<hbm>>) target_semaphore(%arg8 : memref<!tpu.dma_semaphore, #tpu.memory_space<semaphore_mem>>)
    %add3A_680 = arith.constant 77 : i32
    %add3A_681 = arith.addi %mul3A_2, %add3A_680 : i32
    %mul3A_682 = arith.constant 32768 : i32
    %mul3A_683 = arith.muli %add3A_681, %mul3A_682 : i32
    %dma_start3A_684 = tpu.memref_slice %arg3[%mul3A_683] : memref<134217728xf32, #tpu.memory_space<hbm>> -> memref<32768xf32, #tpu.memory_space<hbm>>
    %dma_start3A_685 = tpu.memref_slice %arg3[%mul3A_683] : memref<134217728xf32, #tpu.memory_space<hbm>> -> memref<32768xf32, #tpu.memory_space<hbm>>
    tpu.enqueue_dma source(%arg4 : memref<32768xf32, #tpu.memory_space<vmem>>) target(%dma_start3A_685 : memref<32768xf32, #tpu.memory_space<hbm>>) target_semaphore(%arg8 : memref<!tpu.dma_semaphore, #tpu.memory_space<semaphore_mem>>)
    %add3A_686 = arith.constant 78 : i32
    %add3A_687 = arith.addi %mul3A_2, %add3A_686 : i32
    %mul3A_688 = arith.constant 32768 : i32
    %mul3A_689 = arith.muli %add3A_687, %mul3A_688 : i32
    %dma_start3A_690 = tpu.memref_slice %arg3[%mul3A_689] : memref<134217728xf32, #tpu.memory_space<hbm>> -> memref<32768xf32, #tpu.memory_space<hbm>>
    %dma_start3A_691 = tpu.memref_slice %arg3[%mul3A_689] : memref<134217728xf32, #tpu.memory_space<hbm>> -> memref<32768xf32, #tpu.memory_space<hbm>>
    tpu.enqueue_dma source(%arg4 : memref<32768xf32, #tpu.memory_space<vmem>>) target(%dma_start3A_691 : memref<32768xf32, #tpu.memory_space<hbm>>) target_semaphore(%arg8 : memref<!tpu.dma_semaphore, #tpu.memory_space<semaphore_mem>>)
    %add3A_692 = arith.constant 79 : i32
    %add3A_693 = arith.addi %mul3A_2, %add3A_692 : i32
    %mul3A_694 = arith.constant 32768 : i32
    %mul3A_695 = arith.muli %add3A_693, %mul3A_694 : i32
    %dma_start3A_696 = tpu.memref_slice %arg3[%mul3A_695] : memref<134217728xf32, #tpu.memory_space<hbm>> -> memref<32768xf32, #tpu.memory_space<hbm>>
    %dma_start3A_697 = tpu.memref_slice %arg3[%mul3A_695] : memref<134217728xf32, #tpu.memory_space<hbm>> -> memref<32768xf32, #tpu.memory_space<hbm>>
    tpu.enqueue_dma source(%arg4 : memref<32768xf32, #tpu.memory_space<vmem>>) target(%dma_start3A_697 : memref<32768xf32, #tpu.memory_space<hbm>>) target_semaphore(%arg8 : memref<!tpu.dma_semaphore, #tpu.memory_space<semaphore_mem>>)
    %add3A_698 = arith.constant 80 : i32
    %add3A_699 = arith.addi %mul3A_2, %add3A_698 : i32
    %mul3A_700 = arith.constant 32768 : i32
    %mul3A_701 = arith.muli %add3A_699, %mul3A_700 : i32
    %dma_start3A_702 = tpu.memref_slice %arg3[%mul3A_701] : memref<134217728xf32, #tpu.memory_space<hbm>> -> memref<32768xf32, #tpu.memory_space<hbm>>
    %dma_start3A_703 = tpu.memref_slice %arg3[%mul3A_701] : memref<134217728xf32, #tpu.memory_space<hbm>> -> memref<32768xf32, #tpu.memory_space<hbm>>
    tpu.enqueue_dma source(%arg4 : memref<32768xf32, #tpu.memory_space<vmem>>) target(%dma_start3A_703 : memref<32768xf32, #tpu.memory_space<hbm>>) target_semaphore(%arg8 : memref<!tpu.dma_semaphore, #tpu.memory_space<semaphore_mem>>)
    %add3A_704 = arith.constant 81 : i32
    %add3A_705 = arith.addi %mul3A_2, %add3A_704 : i32
    %mul3A_706 = arith.constant 32768 : i32
    %mul3A_707 = arith.muli %add3A_705, %mul3A_706 : i32
    %dma_start3A_708 = tpu.memref_slice %arg3[%mul3A_707] : memref<134217728xf32, #tpu.memory_space<hbm>> -> memref<32768xf32, #tpu.memory_space<hbm>>
    %dma_start3A_709 = tpu.memref_slice %arg3[%mul3A_707] : memref<134217728xf32, #tpu.memory_space<hbm>> -> memref<32768xf32, #tpu.memory_space<hbm>>
    tpu.enqueue_dma source(%arg4 : memref<32768xf32, #tpu.memory_space<vmem>>) target(%dma_start3A_709 : memref<32768xf32, #tpu.memory_space<hbm>>) target_semaphore(%arg8 : memref<!tpu.dma_semaphore, #tpu.memory_space<semaphore_mem>>)
    %add3A_710 = arith.constant 82 : i32
    %add3A_711 = arith.addi %mul3A_2, %add3A_710 : i32
    %mul3A_712 = arith.constant 32768 : i32
    %mul3A_713 = arith.muli %add3A_711, %mul3A_712 : i32
    %dma_start3A_714 = tpu.memref_slice %arg3[%mul3A_713] : memref<134217728xf32, #tpu.memory_space<hbm>> -> memref<32768xf32, #tpu.memory_space<hbm>>
    %dma_start3A_715 = tpu.memref_slice %arg3[%mul3A_713] : memref<134217728xf32, #tpu.memory_space<hbm>> -> memref<32768xf32, #tpu.memory_space<hbm>>
    tpu.enqueue_dma source(%arg4 : memref<32768xf32, #tpu.memory_space<vmem>>) target(%dma_start3A_715 : memref<32768xf32, #tpu.memory_space<hbm>>) target_semaphore(%arg8 : memref<!tpu.dma_semaphore, #tpu.memory_space<semaphore_mem>>)
    %add3A_716 = arith.constant 83 : i32
    %add3A_717 = arith.addi %mul3A_2, %add3A_716 : i32
    %mul3A_718 = arith.constant 32768 : i32
    %mul3A_719 = arith.muli %add3A_717, %mul3A_718 : i32
    %dma_start3A_720 = tpu.memref_slice %arg3[%mul3A_719] : memref<134217728xf32, #tpu.memory_space<hbm>> -> memref<32768xf32, #tpu.memory_space<hbm>>
    %dma_start3A_721 = tpu.memref_slice %arg3[%mul3A_719] : memref<134217728xf32, #tpu.memory_space<hbm>> -> memref<32768xf32, #tpu.memory_space<hbm>>
    tpu.enqueue_dma source(%arg4 : memref<32768xf32, #tpu.memory_space<vmem>>) target(%dma_start3A_721 : memref<32768xf32, #tpu.memory_space<hbm>>) target_semaphore(%arg8 : memref<!tpu.dma_semaphore, #tpu.memory_space<semaphore_mem>>)
    %add3A_722 = arith.constant 84 : i32
    %add3A_723 = arith.addi %mul3A_2, %add3A_722 : i32
    %mul3A_724 = arith.constant 32768 : i32
    %mul3A_725 = arith.muli %add3A_723, %mul3A_724 : i32
    %dma_start3A_726 = tpu.memref_slice %arg3[%mul3A_725] : memref<134217728xf32, #tpu.memory_space<hbm>> -> memref<32768xf32, #tpu.memory_space<hbm>>
    %dma_start3A_727 = tpu.memref_slice %arg3[%mul3A_725] : memref<134217728xf32, #tpu.memory_space<hbm>> -> memref<32768xf32, #tpu.memory_space<hbm>>
    tpu.enqueue_dma source(%arg4 : memref<32768xf32, #tpu.memory_space<vmem>>) target(%dma_start3A_727 : memref<32768xf32, #tpu.memory_space<hbm>>) target_semaphore(%arg8 : memref<!tpu.dma_semaphore, #tpu.memory_space<semaphore_mem>>)
    %add3A_728 = arith.constant 85 : i32
    %add3A_729 = arith.addi %mul3A_2, %add3A_728 : i32
    %mul3A_730 = arith.constant 32768 : i32
    %mul3A_731 = arith.muli %add3A_729, %mul3A_730 : i32
    %dma_start3A_732 = tpu.memref_slice %arg3[%mul3A_731] : memref<134217728xf32, #tpu.memory_space<hbm>> -> memref<32768xf32, #tpu.memory_space<hbm>>
    %dma_start3A_733 = tpu.memref_slice %arg3[%mul3A_731] : memref<134217728xf32, #tpu.memory_space<hbm>> -> memref<32768xf32, #tpu.memory_space<hbm>>
    tpu.enqueue_dma source(%arg4 : memref<32768xf32, #tpu.memory_space<vmem>>) target(%dma_start3A_733 : memref<32768xf32, #tpu.memory_space<hbm>>) target_semaphore(%arg8 : memref<!tpu.dma_semaphore, #tpu.memory_space<semaphore_mem>>)
    %add3A_734 = arith.constant 86 : i32
    %add3A_735 = arith.addi %mul3A_2, %add3A_734 : i32
    %mul3A_736 = arith.constant 32768 : i32
    %mul3A_737 = arith.muli %add3A_735, %mul3A_736 : i32
    %dma_start3A_738 = tpu.memref_slice %arg3[%mul3A_737] : memref<134217728xf32, #tpu.memory_space<hbm>> -> memref<32768xf32, #tpu.memory_space<hbm>>
    %dma_start3A_739 = tpu.memref_slice %arg3[%mul3A_737] : memref<134217728xf32, #tpu.memory_space<hbm>> -> memref<32768xf32, #tpu.memory_space<hbm>>
    tpu.enqueue_dma source(%arg4 : memref<32768xf32, #tpu.memory_space<vmem>>) target(%dma_start3A_739 : memref<32768xf32, #tpu.memory_space<hbm>>) target_semaphore(%arg8 : memref<!tpu.dma_semaphore, #tpu.memory_space<semaphore_mem>>)
    %add3A_740 = arith.constant 87 : i32
    %add3A_741 = arith.addi %mul3A_2, %add3A_740 : i32
    %mul3A_742 = arith.constant 32768 : i32
    %mul3A_743 = arith.muli %add3A_741, %mul3A_742 : i32
    %dma_start3A_744 = tpu.memref_slice %arg3[%mul3A_743] : memref<134217728xf32, #tpu.memory_space<hbm>> -> memref<32768xf32, #tpu.memory_space<hbm>>
    %dma_start3A_745 = tpu.memref_slice %arg3[%mul3A_743] : memref<134217728xf32, #tpu.memory_space<hbm>> -> memref<32768xf32, #tpu.memory_space<hbm>>
    tpu.enqueue_dma source(%arg4 : memref<32768xf32, #tpu.memory_space<vmem>>) target(%dma_start3A_745 : memref<32768xf32, #tpu.memory_space<hbm>>) target_semaphore(%arg8 : memref<!tpu.dma_semaphore, #tpu.memory_space<semaphore_mem>>)
    %add3A_746 = arith.constant 88 : i32
    %add3A_747 = arith.addi %mul3A_2, %add3A_746 : i32
    %mul3A_748 = arith.constant 32768 : i32
    %mul3A_749 = arith.muli %add3A_747, %mul3A_748 : i32
    %dma_start3A_750 = tpu.memref_slice %arg3[%mul3A_749] : memref<134217728xf32, #tpu.memory_space<hbm>> -> memref<32768xf32, #tpu.memory_space<hbm>>
    %dma_start3A_751 = tpu.memref_slice %arg3[%mul3A_749] : memref<134217728xf32, #tpu.memory_space<hbm>> -> memref<32768xf32, #tpu.memory_space<hbm>>
    tpu.enqueue_dma source(%arg4 : memref<32768xf32, #tpu.memory_space<vmem>>) target(%dma_start3A_751 : memref<32768xf32, #tpu.memory_space<hbm>>) target_semaphore(%arg8 : memref<!tpu.dma_semaphore, #tpu.memory_space<semaphore_mem>>)
    %add3A_752 = arith.constant 89 : i32
    %add3A_753 = arith.addi %mul3A_2, %add3A_752 : i32
    %mul3A_754 = arith.constant 32768 : i32
    %mul3A_755 = arith.muli %add3A_753, %mul3A_754 : i32
    %dma_start3A_756 = tpu.memref_slice %arg3[%mul3A_755] : memref<134217728xf32, #tpu.memory_space<hbm>> -> memref<32768xf32, #tpu.memory_space<hbm>>
    %dma_start3A_757 = tpu.memref_slice %arg3[%mul3A_755] : memref<134217728xf32, #tpu.memory_space<hbm>> -> memref<32768xf32, #tpu.memory_space<hbm>>
    tpu.enqueue_dma source(%arg4 : memref<32768xf32, #tpu.memory_space<vmem>>) target(%dma_start3A_757 : memref<32768xf32, #tpu.memory_space<hbm>>) target_semaphore(%arg8 : memref<!tpu.dma_semaphore, #tpu.memory_space<semaphore_mem>>)
    %add3A_758 = arith.constant 90 : i32
    %add3A_759 = arith.addi %mul3A_2, %add3A_758 : i32
    %mul3A_760 = arith.constant 32768 : i32
    %mul3A_761 = arith.muli %add3A_759, %mul3A_760 : i32
    %dma_start3A_762 = tpu.memref_slice %arg3[%mul3A_761] : memref<134217728xf32, #tpu.memory_space<hbm>> -> memref<32768xf32, #tpu.memory_space<hbm>>
    %dma_start3A_763 = tpu.memref_slice %arg3[%mul3A_761] : memref<134217728xf32, #tpu.memory_space<hbm>> -> memref<32768xf32, #tpu.memory_space<hbm>>
    tpu.enqueue_dma source(%arg4 : memref<32768xf32, #tpu.memory_space<vmem>>) target(%dma_start3A_763 : memref<32768xf32, #tpu.memory_space<hbm>>) target_semaphore(%arg8 : memref<!tpu.dma_semaphore, #tpu.memory_space<semaphore_mem>>)
    %add3A_764 = arith.constant 91 : i32
    %add3A_765 = arith.addi %mul3A_2, %add3A_764 : i32
    %mul3A_766 = arith.constant 32768 : i32
    %mul3A_767 = arith.muli %add3A_765, %mul3A_766 : i32
    %dma_start3A_768 = tpu.memref_slice %arg3[%mul3A_767] : memref<134217728xf32, #tpu.memory_space<hbm>> -> memref<32768xf32, #tpu.memory_space<hbm>>
    %dma_start3A_769 = tpu.memref_slice %arg3[%mul3A_767] : memref<134217728xf32, #tpu.memory_space<hbm>> -> memref<32768xf32, #tpu.memory_space<hbm>>
    tpu.enqueue_dma source(%arg4 : memref<32768xf32, #tpu.memory_space<vmem>>) target(%dma_start3A_769 : memref<32768xf32, #tpu.memory_space<hbm>>) target_semaphore(%arg8 : memref<!tpu.dma_semaphore, #tpu.memory_space<semaphore_mem>>)
    %add3A_770 = arith.constant 92 : i32
    %add3A_771 = arith.addi %mul3A_2, %add3A_770 : i32
    %mul3A_772 = arith.constant 32768 : i32
    %mul3A_773 = arith.muli %add3A_771, %mul3A_772 : i32
    %dma_start3A_774 = tpu.memref_slice %arg3[%mul3A_773] : memref<134217728xf32, #tpu.memory_space<hbm>> -> memref<32768xf32, #tpu.memory_space<hbm>>
    %dma_start3A_775 = tpu.memref_slice %arg3[%mul3A_773] : memref<134217728xf32, #tpu.memory_space<hbm>> -> memref<32768xf32, #tpu.memory_space<hbm>>
    tpu.enqueue_dma source(%arg4 : memref<32768xf32, #tpu.memory_space<vmem>>) target(%dma_start3A_775 : memref<32768xf32, #tpu.memory_space<hbm>>) target_semaphore(%arg8 : memref<!tpu.dma_semaphore, #tpu.memory_space<semaphore_mem>>)
    %add3A_776 = arith.constant 93 : i32
    %add3A_777 = arith.addi %mul3A_2, %add3A_776 : i32
    %mul3A_778 = arith.constant 32768 : i32
    %mul3A_779 = arith.muli %add3A_777, %mul3A_778 : i32
    %dma_start3A_780 = tpu.memref_slice %arg3[%mul3A_779] : memref<134217728xf32, #tpu.memory_space<hbm>> -> memref<32768xf32, #tpu.memory_space<hbm>>
    %dma_start3A_781 = tpu.memref_slice %arg3[%mul3A_779] : memref<134217728xf32, #tpu.memory_space<hbm>> -> memref<32768xf32, #tpu.memory_space<hbm>>
    tpu.enqueue_dma source(%arg4 : memref<32768xf32, #tpu.memory_space<vmem>>) target(%dma_start3A_781 : memref<32768xf32, #tpu.memory_space<hbm>>) target_semaphore(%arg8 : memref<!tpu.dma_semaphore, #tpu.memory_space<semaphore_mem>>)
    %add3A_782 = arith.constant 94 : i32
    %add3A_783 = arith.addi %mul3A_2, %add3A_782 : i32
    %mul3A_784 = arith.constant 32768 : i32
    %mul3A_785 = arith.muli %add3A_783, %mul3A_784 : i32
    %dma_start3A_786 = tpu.memref_slice %arg3[%mul3A_785] : memref<134217728xf32, #tpu.memory_space<hbm>> -> memref<32768xf32, #tpu.memory_space<hbm>>
    %dma_start3A_787 = tpu.memref_slice %arg3[%mul3A_785] : memref<134217728xf32, #tpu.memory_space<hbm>> -> memref<32768xf32, #tpu.memory_space<hbm>>
    tpu.enqueue_dma source(%arg4 : memref<32768xf32, #tpu.memory_space<vmem>>) target(%dma_start3A_787 : memref<32768xf32, #tpu.memory_space<hbm>>) target_semaphore(%arg8 : memref<!tpu.dma_semaphore, #tpu.memory_space<semaphore_mem>>)
    %add3A_788 = arith.constant 95 : i32
    %add3A_789 = arith.addi %mul3A_2, %add3A_788 : i32
    %mul3A_790 = arith.constant 32768 : i32
    %mul3A_791 = arith.muli %add3A_789, %mul3A_790 : i32
    %dma_start3A_792 = tpu.memref_slice %arg3[%mul3A_791] : memref<134217728xf32, #tpu.memory_space<hbm>> -> memref<32768xf32, #tpu.memory_space<hbm>>
    %dma_start3A_793 = tpu.memref_slice %arg3[%mul3A_791] : memref<134217728xf32, #tpu.memory_space<hbm>> -> memref<32768xf32, #tpu.memory_space<hbm>>
    tpu.enqueue_dma source(%arg4 : memref<32768xf32, #tpu.memory_space<vmem>>) target(%dma_start3A_793 : memref<32768xf32, #tpu.memory_space<hbm>>) target_semaphore(%arg8 : memref<!tpu.dma_semaphore, #tpu.memory_space<semaphore_mem>>)
    %add3A_794 = arith.constant 96 : i32
    %add3A_795 = arith.addi %mul3A_2, %add3A_794 : i32
    %mul3A_796 = arith.constant 32768 : i32
    %mul3A_797 = arith.muli %add3A_795, %mul3A_796 : i32
    %dma_start3A_798 = tpu.memref_slice %arg3[%mul3A_797] : memref<134217728xf32, #tpu.memory_space<hbm>> -> memref<32768xf32, #tpu.memory_space<hbm>>
    %dma_start3A_799 = tpu.memref_slice %arg3[%mul3A_797] : memref<134217728xf32, #tpu.memory_space<hbm>> -> memref<32768xf32, #tpu.memory_space<hbm>>
    tpu.enqueue_dma source(%arg4 : memref<32768xf32, #tpu.memory_space<vmem>>) target(%dma_start3A_799 : memref<32768xf32, #tpu.memory_space<hbm>>) target_semaphore(%arg8 : memref<!tpu.dma_semaphore, #tpu.memory_space<semaphore_mem>>)
    %add3A_800 = arith.constant 97 : i32
    %add3A_801 = arith.addi %mul3A_2, %add3A_800 : i32
    %mul3A_802 = arith.constant 32768 : i32
    %mul3A_803 = arith.muli %add3A_801, %mul3A_802 : i32
    %dma_start3A_804 = tpu.memref_slice %arg3[%mul3A_803] : memref<134217728xf32, #tpu.memory_space<hbm>> -> memref<32768xf32, #tpu.memory_space<hbm>>
    %dma_start3A_805 = tpu.memref_slice %arg3[%mul3A_803] : memref<134217728xf32, #tpu.memory_space<hbm>> -> memref<32768xf32, #tpu.memory_space<hbm>>
    tpu.enqueue_dma source(%arg4 : memref<32768xf32, #tpu.memory_space<vmem>>) target(%dma_start3A_805 : memref<32768xf32, #tpu.memory_space<hbm>>) target_semaphore(%arg8 : memref<!tpu.dma_semaphore, #tpu.memory_space<semaphore_mem>>)
    %add3A_806 = arith.constant 98 : i32
    %add3A_807 = arith.addi %mul3A_2, %add3A_806 : i32
    %mul3A_808 = arith.constant 32768 : i32
    %mul3A_809 = arith.muli %add3A_807, %mul3A_808 : i32
    %dma_start3A_810 = tpu.memref_slice %arg3[%mul3A_809] : memref<134217728xf32, #tpu.memory_space<hbm>> -> memref<32768xf32, #tpu.memory_space<hbm>>
    %dma_start3A_811 = tpu.memref_slice %arg3[%mul3A_809] : memref<134217728xf32, #tpu.memory_space<hbm>> -> memref<32768xf32, #tpu.memory_space<hbm>>
    tpu.enqueue_dma source(%arg4 : memref<32768xf32, #tpu.memory_space<vmem>>) target(%dma_start3A_811 : memref<32768xf32, #tpu.memory_space<hbm>>) target_semaphore(%arg8 : memref<!tpu.dma_semaphore, #tpu.memory_space<semaphore_mem>>)
    %add3A_812 = arith.constant 99 : i32
    %add3A_813 = arith.addi %mul3A_2, %add3A_812 : i32
    %mul3A_814 = arith.constant 32768 : i32
    %mul3A_815 = arith.muli %add3A_813, %mul3A_814 : i32
    %dma_start3A_816 = tpu.memref_slice %arg3[%mul3A_815] : memref<134217728xf32, #tpu.memory_space<hbm>> -> memref<32768xf32, #tpu.memory_space<hbm>>
    %dma_start3A_817 = tpu.memref_slice %arg3[%mul3A_815] : memref<134217728xf32, #tpu.memory_space<hbm>> -> memref<32768xf32, #tpu.memory_space<hbm>>
    tpu.enqueue_dma source(%arg4 : memref<32768xf32, #tpu.memory_space<vmem>>) target(%dma_start3A_817 : memref<32768xf32, #tpu.memory_space<hbm>>) target_semaphore(%arg8 : memref<!tpu.dma_semaphore, #tpu.memory_space<semaphore_mem>>)
    %add3A_818 = arith.constant 100 : i32
    %add3A_819 = arith.addi %mul3A_2, %add3A_818 : i32
    %mul3A_820 = arith.constant 32768 : i32
    %mul3A_821 = arith.muli %add3A_819, %mul3A_820 : i32
    %dma_start3A_822 = tpu.memref_slice %arg3[%mul3A_821] : memref<134217728xf32, #tpu.memory_space<hbm>> -> memref<32768xf32, #tpu.memory_space<hbm>>
    %dma_start3A_823 = tpu.memref_slice %arg3[%mul3A_821] : memref<134217728xf32, #tpu.memory_space<hbm>> -> memref<32768xf32, #tpu.memory_space<hbm>>
    tpu.enqueue_dma source(%arg4 : memref<32768xf32, #tpu.memory_space<vmem>>) target(%dma_start3A_823 : memref<32768xf32, #tpu.memory_space<hbm>>) target_semaphore(%arg8 : memref<!tpu.dma_semaphore, #tpu.memory_space<semaphore_mem>>)
    %add3A_824 = arith.constant 101 : i32
    %add3A_825 = arith.addi %mul3A_2, %add3A_824 : i32
    %mul3A_826 = arith.constant 32768 : i32
    %mul3A_827 = arith.muli %add3A_825, %mul3A_826 : i32
    %dma_start3A_828 = tpu.memref_slice %arg3[%mul3A_827] : memref<134217728xf32, #tpu.memory_space<hbm>> -> memref<32768xf32, #tpu.memory_space<hbm>>
    %dma_start3A_829 = tpu.memref_slice %arg3[%mul3A_827] : memref<134217728xf32, #tpu.memory_space<hbm>> -> memref<32768xf32, #tpu.memory_space<hbm>>
    tpu.enqueue_dma source(%arg4 : memref<32768xf32, #tpu.memory_space<vmem>>) target(%dma_start3A_829 : memref<32768xf32, #tpu.memory_space<hbm>>) target_semaphore(%arg8 : memref<!tpu.dma_semaphore, #tpu.memory_space<semaphore_mem>>)
    %add3A_830 = arith.constant 102 : i32
    %add3A_831 = arith.addi %mul3A_2, %add3A_830 : i32
    %mul3A_832 = arith.constant 32768 : i32
    %mul3A_833 = arith.muli %add3A_831, %mul3A_832 : i32
    %dma_start3A_834 = tpu.memref_slice %arg3[%mul3A_833] : memref<134217728xf32, #tpu.memory_space<hbm>> -> memref<32768xf32, #tpu.memory_space<hbm>>
    %dma_start3A_835 = tpu.memref_slice %arg3[%mul3A_833] : memref<134217728xf32, #tpu.memory_space<hbm>> -> memref<32768xf32, #tpu.memory_space<hbm>>
    tpu.enqueue_dma source(%arg4 : memref<32768xf32, #tpu.memory_space<vmem>>) target(%dma_start3A_835 : memref<32768xf32, #tpu.memory_space<hbm>>) target_semaphore(%arg8 : memref<!tpu.dma_semaphore, #tpu.memory_space<semaphore_mem>>)
    %add3A_836 = arith.constant 103 : i32
    %add3A_837 = arith.addi %mul3A_2, %add3A_836 : i32
    %mul3A_838 = arith.constant 32768 : i32
    %mul3A_839 = arith.muli %add3A_837, %mul3A_838 : i32
    %dma_start3A_840 = tpu.memref_slice %arg3[%mul3A_839] : memref<134217728xf32, #tpu.memory_space<hbm>> -> memref<32768xf32, #tpu.memory_space<hbm>>
    %dma_start3A_841 = tpu.memref_slice %arg3[%mul3A_839] : memref<134217728xf32, #tpu.memory_space<hbm>> -> memref<32768xf32, #tpu.memory_space<hbm>>
    tpu.enqueue_dma source(%arg4 : memref<32768xf32, #tpu.memory_space<vmem>>) target(%dma_start3A_841 : memref<32768xf32, #tpu.memory_space<hbm>>) target_semaphore(%arg8 : memref<!tpu.dma_semaphore, #tpu.memory_space<semaphore_mem>>)
    %add3A_842 = arith.constant 104 : i32
    %add3A_843 = arith.addi %mul3A_2, %add3A_842 : i32
    %mul3A_844 = arith.constant 32768 : i32
    %mul3A_845 = arith.muli %add3A_843, %mul3A_844 : i32
    %dma_start3A_846 = tpu.memref_slice %arg3[%mul3A_845] : memref<134217728xf32, #tpu.memory_space<hbm>> -> memref<32768xf32, #tpu.memory_space<hbm>>
    %dma_start3A_847 = tpu.memref_slice %arg3[%mul3A_845] : memref<134217728xf32, #tpu.memory_space<hbm>> -> memref<32768xf32, #tpu.memory_space<hbm>>
    tpu.enqueue_dma source(%arg4 : memref<32768xf32, #tpu.memory_space<vmem>>) target(%dma_start3A_847 : memref<32768xf32, #tpu.memory_space<hbm>>) target_semaphore(%arg8 : memref<!tpu.dma_semaphore, #tpu.memory_space<semaphore_mem>>)
    %add3A_848 = arith.constant 105 : i32
    %add3A_849 = arith.addi %mul3A_2, %add3A_848 : i32
    %mul3A_850 = arith.constant 32768 : i32
    %mul3A_851 = arith.muli %add3A_849, %mul3A_850 : i32
    %dma_start3A_852 = tpu.memref_slice %arg3[%mul3A_851] : memref<134217728xf32, #tpu.memory_space<hbm>> -> memref<32768xf32, #tpu.memory_space<hbm>>
    %dma_start3A_853 = tpu.memref_slice %arg3[%mul3A_851] : memref<134217728xf32, #tpu.memory_space<hbm>> -> memref<32768xf32, #tpu.memory_space<hbm>>
    tpu.enqueue_dma source(%arg4 : memref<32768xf32, #tpu.memory_space<vmem>>) target(%dma_start3A_853 : memref<32768xf32, #tpu.memory_space<hbm>>) target_semaphore(%arg8 : memref<!tpu.dma_semaphore, #tpu.memory_space<semaphore_mem>>)
    %add3A_854 = arith.constant 106 : i32
    %add3A_855 = arith.addi %mul3A_2, %add3A_854 : i32
    %mul3A_856 = arith.constant 32768 : i32
    %mul3A_857 = arith.muli %add3A_855, %mul3A_856 : i32
    %dma_start3A_858 = tpu.memref_slice %arg3[%mul3A_857] : memref<134217728xf32, #tpu.memory_space<hbm>> -> memref<32768xf32, #tpu.memory_space<hbm>>
    %dma_start3A_859 = tpu.memref_slice %arg3[%mul3A_857] : memref<134217728xf32, #tpu.memory_space<hbm>> -> memref<32768xf32, #tpu.memory_space<hbm>>
    tpu.enqueue_dma source(%arg4 : memref<32768xf32, #tpu.memory_space<vmem>>) target(%dma_start3A_859 : memref<32768xf32, #tpu.memory_space<hbm>>) target_semaphore(%arg8 : memref<!tpu.dma_semaphore, #tpu.memory_space<semaphore_mem>>)
    %add3A_860 = arith.constant 107 : i32
    %add3A_861 = arith.addi %mul3A_2, %add3A_860 : i32
    %mul3A_862 = arith.constant 32768 : i32
    %mul3A_863 = arith.muli %add3A_861, %mul3A_862 : i32
    %dma_start3A_864 = tpu.memref_slice %arg3[%mul3A_863] : memref<134217728xf32, #tpu.memory_space<hbm>> -> memref<32768xf32, #tpu.memory_space<hbm>>
    %dma_start3A_865 = tpu.memref_slice %arg3[%mul3A_863] : memref<134217728xf32, #tpu.memory_space<hbm>> -> memref<32768xf32, #tpu.memory_space<hbm>>
    tpu.enqueue_dma source(%arg4 : memref<32768xf32, #tpu.memory_space<vmem>>) target(%dma_start3A_865 : memref<32768xf32, #tpu.memory_space<hbm>>) target_semaphore(%arg8 : memref<!tpu.dma_semaphore, #tpu.memory_space<semaphore_mem>>)
    %add3A_866 = arith.constant 108 : i32
    %add3A_867 = arith.addi %mul3A_2, %add3A_866 : i32
    %mul3A_868 = arith.constant 32768 : i32
    %mul3A_869 = arith.muli %add3A_867, %mul3A_868 : i32
    %dma_start3A_870 = tpu.memref_slice %arg3[%mul3A_869] : memref<134217728xf32, #tpu.memory_space<hbm>> -> memref<32768xf32, #tpu.memory_space<hbm>>
    %dma_start3A_871 = tpu.memref_slice %arg3[%mul3A_869] : memref<134217728xf32, #tpu.memory_space<hbm>> -> memref<32768xf32, #tpu.memory_space<hbm>>
    tpu.enqueue_dma source(%arg4 : memref<32768xf32, #tpu.memory_space<vmem>>) target(%dma_start3A_871 : memref<32768xf32, #tpu.memory_space<hbm>>) target_semaphore(%arg8 : memref<!tpu.dma_semaphore, #tpu.memory_space<semaphore_mem>>)
    %add3A_872 = arith.constant 109 : i32
    %add3A_873 = arith.addi %mul3A_2, %add3A_872 : i32
    %mul3A_874 = arith.constant 32768 : i32
    %mul3A_875 = arith.muli %add3A_873, %mul3A_874 : i32
    %dma_start3A_876 = tpu.memref_slice %arg3[%mul3A_875] : memref<134217728xf32, #tpu.memory_space<hbm>> -> memref<32768xf32, #tpu.memory_space<hbm>>
    %dma_start3A_877 = tpu.memref_slice %arg3[%mul3A_875] : memref<134217728xf32, #tpu.memory_space<hbm>> -> memref<32768xf32, #tpu.memory_space<hbm>>
    tpu.enqueue_dma source(%arg4 : memref<32768xf32, #tpu.memory_space<vmem>>) target(%dma_start3A_877 : memref<32768xf32, #tpu.memory_space<hbm>>) target_semaphore(%arg8 : memref<!tpu.dma_semaphore, #tpu.memory_space<semaphore_mem>>)
    %add3A_878 = arith.constant 110 : i32
    %add3A_879 = arith.addi %mul3A_2, %add3A_878 : i32
    %mul3A_880 = arith.constant 32768 : i32
    %mul3A_881 = arith.muli %add3A_879, %mul3A_880 : i32
    %dma_start3A_882 = tpu.memref_slice %arg3[%mul3A_881] : memref<134217728xf32, #tpu.memory_space<hbm>> -> memref<32768xf32, #tpu.memory_space<hbm>>
    %dma_start3A_883 = tpu.memref_slice %arg3[%mul3A_881] : memref<134217728xf32, #tpu.memory_space<hbm>> -> memref<32768xf32, #tpu.memory_space<hbm>>
    tpu.enqueue_dma source(%arg4 : memref<32768xf32, #tpu.memory_space<vmem>>) target(%dma_start3A_883 : memref<32768xf32, #tpu.memory_space<hbm>>) target_semaphore(%arg8 : memref<!tpu.dma_semaphore, #tpu.memory_space<semaphore_mem>>)
    %add3A_884 = arith.constant 111 : i32
    %add3A_885 = arith.addi %mul3A_2, %add3A_884 : i32
    %mul3A_886 = arith.constant 32768 : i32
    %mul3A_887 = arith.muli %add3A_885, %mul3A_886 : i32
    %dma_start3A_888 = tpu.memref_slice %arg3[%mul3A_887] : memref<134217728xf32, #tpu.memory_space<hbm>> -> memref<32768xf32, #tpu.memory_space<hbm>>
    %dma_start3A_889 = tpu.memref_slice %arg3[%mul3A_887] : memref<134217728xf32, #tpu.memory_space<hbm>> -> memref<32768xf32, #tpu.memory_space<hbm>>
    tpu.enqueue_dma source(%arg4 : memref<32768xf32, #tpu.memory_space<vmem>>) target(%dma_start3A_889 : memref<32768xf32, #tpu.memory_space<hbm>>) target_semaphore(%arg8 : memref<!tpu.dma_semaphore, #tpu.memory_space<semaphore_mem>>)
    %add3A_890 = arith.constant 112 : i32
    %add3A_891 = arith.addi %mul3A_2, %add3A_890 : i32
    %mul3A_892 = arith.constant 32768 : i32
    %mul3A_893 = arith.muli %add3A_891, %mul3A_892 : i32
    %dma_start3A_894 = tpu.memref_slice %arg3[%mul3A_893] : memref<134217728xf32, #tpu.memory_space<hbm>> -> memref<32768xf32, #tpu.memory_space<hbm>>
    %dma_start3A_895 = tpu.memref_slice %arg3[%mul3A_893] : memref<134217728xf32, #tpu.memory_space<hbm>> -> memref<32768xf32, #tpu.memory_space<hbm>>
    tpu.enqueue_dma source(%arg4 : memref<32768xf32, #tpu.memory_space<vmem>>) target(%dma_start3A_895 : memref<32768xf32, #tpu.memory_space<hbm>>) target_semaphore(%arg8 : memref<!tpu.dma_semaphore, #tpu.memory_space<semaphore_mem>>)
    %add3A_896 = arith.constant 113 : i32
    %add3A_897 = arith.addi %mul3A_2, %add3A_896 : i32
    %mul3A_898 = arith.constant 32768 : i32
    %mul3A_899 = arith.muli %add3A_897, %mul3A_898 : i32
    %dma_start3A_900 = tpu.memref_slice %arg3[%mul3A_899] : memref<134217728xf32, #tpu.memory_space<hbm>> -> memref<32768xf32, #tpu.memory_space<hbm>>
    %dma_start3A_901 = tpu.memref_slice %arg3[%mul3A_899] : memref<134217728xf32, #tpu.memory_space<hbm>> -> memref<32768xf32, #tpu.memory_space<hbm>>
    tpu.enqueue_dma source(%arg4 : memref<32768xf32, #tpu.memory_space<vmem>>) target(%dma_start3A_901 : memref<32768xf32, #tpu.memory_space<hbm>>) target_semaphore(%arg8 : memref<!tpu.dma_semaphore, #tpu.memory_space<semaphore_mem>>)
    %add3A_902 = arith.constant 114 : i32
    %add3A_903 = arith.addi %mul3A_2, %add3A_902 : i32
    %mul3A_904 = arith.constant 32768 : i32
    %mul3A_905 = arith.muli %add3A_903, %mul3A_904 : i32
    %dma_start3A_906 = tpu.memref_slice %arg3[%mul3A_905] : memref<134217728xf32, #tpu.memory_space<hbm>> -> memref<32768xf32, #tpu.memory_space<hbm>>
    %dma_start3A_907 = tpu.memref_slice %arg3[%mul3A_905] : memref<134217728xf32, #tpu.memory_space<hbm>> -> memref<32768xf32, #tpu.memory_space<hbm>>
    tpu.enqueue_dma source(%arg4 : memref<32768xf32, #tpu.memory_space<vmem>>) target(%dma_start3A_907 : memref<32768xf32, #tpu.memory_space<hbm>>) target_semaphore(%arg8 : memref<!tpu.dma_semaphore, #tpu.memory_space<semaphore_mem>>)
    %add3A_908 = arith.constant 115 : i32
    %add3A_909 = arith.addi %mul3A_2, %add3A_908 : i32
    %mul3A_910 = arith.constant 32768 : i32
    %mul3A_911 = arith.muli %add3A_909, %mul3A_910 : i32
    %dma_start3A_912 = tpu.memref_slice %arg3[%mul3A_911] : memref<134217728xf32, #tpu.memory_space<hbm>> -> memref<32768xf32, #tpu.memory_space<hbm>>
    %dma_start3A_913 = tpu.memref_slice %arg3[%mul3A_911] : memref<134217728xf32, #tpu.memory_space<hbm>> -> memref<32768xf32, #tpu.memory_space<hbm>>
    tpu.enqueue_dma source(%arg4 : memref<32768xf32, #tpu.memory_space<vmem>>) target(%dma_start3A_913 : memref<32768xf32, #tpu.memory_space<hbm>>) target_semaphore(%arg8 : memref<!tpu.dma_semaphore, #tpu.memory_space<semaphore_mem>>)
    %add3A_914 = arith.constant 116 : i32
    %add3A_915 = arith.addi %mul3A_2, %add3A_914 : i32
    %mul3A_916 = arith.constant 32768 : i32
    %mul3A_917 = arith.muli %add3A_915, %mul3A_916 : i32
    %dma_start3A_918 = tpu.memref_slice %arg3[%mul3A_917] : memref<134217728xf32, #tpu.memory_space<hbm>> -> memref<32768xf32, #tpu.memory_space<hbm>>
    %dma_start3A_919 = tpu.memref_slice %arg3[%mul3A_917] : memref<134217728xf32, #tpu.memory_space<hbm>> -> memref<32768xf32, #tpu.memory_space<hbm>>
    tpu.enqueue_dma source(%arg4 : memref<32768xf32, #tpu.memory_space<vmem>>) target(%dma_start3A_919 : memref<32768xf32, #tpu.memory_space<hbm>>) target_semaphore(%arg8 : memref<!tpu.dma_semaphore, #tpu.memory_space<semaphore_mem>>)
    %add3A_920 = arith.constant 117 : i32
    %add3A_921 = arith.addi %mul3A_2, %add3A_920 : i32
    %mul3A_922 = arith.constant 32768 : i32
    %mul3A_923 = arith.muli %add3A_921, %mul3A_922 : i32
    %dma_start3A_924 = tpu.memref_slice %arg3[%mul3A_923] : memref<134217728xf32, #tpu.memory_space<hbm>> -> memref<32768xf32, #tpu.memory_space<hbm>>
    %dma_start3A_925 = tpu.memref_slice %arg3[%mul3A_923] : memref<134217728xf32, #tpu.memory_space<hbm>> -> memref<32768xf32, #tpu.memory_space<hbm>>
    tpu.enqueue_dma source(%arg4 : memref<32768xf32, #tpu.memory_space<vmem>>) target(%dma_start3A_925 : memref<32768xf32, #tpu.memory_space<hbm>>) target_semaphore(%arg8 : memref<!tpu.dma_semaphore, #tpu.memory_space<semaphore_mem>>)
    %add3A_926 = arith.constant 118 : i32
    %add3A_927 = arith.addi %mul3A_2, %add3A_926 : i32
    %mul3A_928 = arith.constant 32768 : i32
    %mul3A_929 = arith.muli %add3A_927, %mul3A_928 : i32
    %dma_start3A_930 = tpu.memref_slice %arg3[%mul3A_929] : memref<134217728xf32, #tpu.memory_space<hbm>> -> memref<32768xf32, #tpu.memory_space<hbm>>
    %dma_start3A_931 = tpu.memref_slice %arg3[%mul3A_929] : memref<134217728xf32, #tpu.memory_space<hbm>> -> memref<32768xf32, #tpu.memory_space<hbm>>
    tpu.enqueue_dma source(%arg4 : memref<32768xf32, #tpu.memory_space<vmem>>) target(%dma_start3A_931 : memref<32768xf32, #tpu.memory_space<hbm>>) target_semaphore(%arg8 : memref<!tpu.dma_semaphore, #tpu.memory_space<semaphore_mem>>)
    %add3A_932 = arith.constant 119 : i32
    %add3A_933 = arith.addi %mul3A_2, %add3A_932 : i32
    %mul3A_934 = arith.constant 32768 : i32
    %mul3A_935 = arith.muli %add3A_933, %mul3A_934 : i32
    %dma_start3A_936 = tpu.memref_slice %arg3[%mul3A_935] : memref<134217728xf32, #tpu.memory_space<hbm>> -> memref<32768xf32, #tpu.memory_space<hbm>>
    %dma_start3A_937 = tpu.memref_slice %arg3[%mul3A_935] : memref<134217728xf32, #tpu.memory_space<hbm>> -> memref<32768xf32, #tpu.memory_space<hbm>>
    tpu.enqueue_dma source(%arg4 : memref<32768xf32, #tpu.memory_space<vmem>>) target(%dma_start3A_937 : memref<32768xf32, #tpu.memory_space<hbm>>) target_semaphore(%arg8 : memref<!tpu.dma_semaphore, #tpu.memory_space<semaphore_mem>>)
    %add3A_938 = arith.constant 120 : i32
    %add3A_939 = arith.addi %mul3A_2, %add3A_938 : i32
    %mul3A_940 = arith.constant 32768 : i32
    %mul3A_941 = arith.muli %add3A_939, %mul3A_940 : i32
    %dma_start3A_942 = tpu.memref_slice %arg3[%mul3A_941] : memref<134217728xf32, #tpu.memory_space<hbm>> -> memref<32768xf32, #tpu.memory_space<hbm>>
    %dma_start3A_943 = tpu.memref_slice %arg3[%mul3A_941] : memref<134217728xf32, #tpu.memory_space<hbm>> -> memref<32768xf32, #tpu.memory_space<hbm>>
    tpu.enqueue_dma source(%arg4 : memref<32768xf32, #tpu.memory_space<vmem>>) target(%dma_start3A_943 : memref<32768xf32, #tpu.memory_space<hbm>>) target_semaphore(%arg8 : memref<!tpu.dma_semaphore, #tpu.memory_space<semaphore_mem>>)
    %add3A_944 = arith.constant 121 : i32
    %add3A_945 = arith.addi %mul3A_2, %add3A_944 : i32
    %mul3A_946 = arith.constant 32768 : i32
    %mul3A_947 = arith.muli %add3A_945, %mul3A_946 : i32
    %dma_start3A_948 = tpu.memref_slice %arg3[%mul3A_947] : memref<134217728xf32, #tpu.memory_space<hbm>> -> memref<32768xf32, #tpu.memory_space<hbm>>
    %dma_start3A_949 = tpu.memref_slice %arg3[%mul3A_947] : memref<134217728xf32, #tpu.memory_space<hbm>> -> memref<32768xf32, #tpu.memory_space<hbm>>
    tpu.enqueue_dma source(%arg4 : memref<32768xf32, #tpu.memory_space<vmem>>) target(%dma_start3A_949 : memref<32768xf32, #tpu.memory_space<hbm>>) target_semaphore(%arg8 : memref<!tpu.dma_semaphore, #tpu.memory_space<semaphore_mem>>)
    %add3A_950 = arith.constant 122 : i32
    %add3A_951 = arith.addi %mul3A_2, %add3A_950 : i32
    %mul3A_952 = arith.constant 32768 : i32
    %mul3A_953 = arith.muli %add3A_951, %mul3A_952 : i32
    %dma_start3A_954 = tpu.memref_slice %arg3[%mul3A_953] : memref<134217728xf32, #tpu.memory_space<hbm>> -> memref<32768xf32, #tpu.memory_space<hbm>>
    %dma_start3A_955 = tpu.memref_slice %arg3[%mul3A_953] : memref<134217728xf32, #tpu.memory_space<hbm>> -> memref<32768xf32, #tpu.memory_space<hbm>>
    tpu.enqueue_dma source(%arg4 : memref<32768xf32, #tpu.memory_space<vmem>>) target(%dma_start3A_955 : memref<32768xf32, #tpu.memory_space<hbm>>) target_semaphore(%arg8 : memref<!tpu.dma_semaphore, #tpu.memory_space<semaphore_mem>>)
    %add3A_956 = arith.constant 123 : i32
    %add3A_957 = arith.addi %mul3A_2, %add3A_956 : i32
    %mul3A_958 = arith.constant 32768 : i32
    %mul3A_959 = arith.muli %add3A_957, %mul3A_958 : i32
    %dma_start3A_960 = tpu.memref_slice %arg3[%mul3A_959] : memref<134217728xf32, #tpu.memory_space<hbm>> -> memref<32768xf32, #tpu.memory_space<hbm>>
    %dma_start3A_961 = tpu.memref_slice %arg3[%mul3A_959] : memref<134217728xf32, #tpu.memory_space<hbm>> -> memref<32768xf32, #tpu.memory_space<hbm>>
    tpu.enqueue_dma source(%arg4 : memref<32768xf32, #tpu.memory_space<vmem>>) target(%dma_start3A_961 : memref<32768xf32, #tpu.memory_space<hbm>>) target_semaphore(%arg8 : memref<!tpu.dma_semaphore, #tpu.memory_space<semaphore_mem>>)
    %add3A_962 = arith.constant 124 : i32
    %add3A_963 = arith.addi %mul3A_2, %add3A_962 : i32
    %mul3A_964 = arith.constant 32768 : i32
    %mul3A_965 = arith.muli %add3A_963, %mul3A_964 : i32
    %dma_start3A_966 = tpu.memref_slice %arg3[%mul3A_965] : memref<134217728xf32, #tpu.memory_space<hbm>> -> memref<32768xf32, #tpu.memory_space<hbm>>
    %dma_start3A_967 = tpu.memref_slice %arg3[%mul3A_965] : memref<134217728xf32, #tpu.memory_space<hbm>> -> memref<32768xf32, #tpu.memory_space<hbm>>
    tpu.enqueue_dma source(%arg4 : memref<32768xf32, #tpu.memory_space<vmem>>) target(%dma_start3A_967 : memref<32768xf32, #tpu.memory_space<hbm>>) target_semaphore(%arg8 : memref<!tpu.dma_semaphore, #tpu.memory_space<semaphore_mem>>)
    %add3A_968 = arith.constant 125 : i32
    %add3A_969 = arith.addi %mul3A_2, %add3A_968 : i32
    %mul3A_970 = arith.constant 32768 : i32
    %mul3A_971 = arith.muli %add3A_969, %mul3A_970 : i32
    %dma_start3A_972 = tpu.memref_slice %arg3[%mul3A_971] : memref<134217728xf32, #tpu.memory_space<hbm>> -> memref<32768xf32, #tpu.memory_space<hbm>>
    %dma_start3A_973 = tpu.memref_slice %arg3[%mul3A_971] : memref<134217728xf32, #tpu.memory_space<hbm>> -> memref<32768xf32, #tpu.memory_space<hbm>>
    tpu.enqueue_dma source(%arg4 : memref<32768xf32, #tpu.memory_space<vmem>>) target(%dma_start3A_973 : memref<32768xf32, #tpu.memory_space<hbm>>) target_semaphore(%arg8 : memref<!tpu.dma_semaphore, #tpu.memory_space<semaphore_mem>>)
    %add3A_974 = arith.constant 126 : i32
    %add3A_975 = arith.addi %mul3A_2, %add3A_974 : i32
    %mul3A_976 = arith.constant 32768 : i32
    %mul3A_977 = arith.muli %add3A_975, %mul3A_976 : i32
    %dma_start3A_978 = tpu.memref_slice %arg3[%mul3A_977] : memref<134217728xf32, #tpu.memory_space<hbm>> -> memref<32768xf32, #tpu.memory_space<hbm>>
    %dma_start3A_979 = tpu.memref_slice %arg3[%mul3A_977] : memref<134217728xf32, #tpu.memory_space<hbm>> -> memref<32768xf32, #tpu.memory_space<hbm>>
    tpu.enqueue_dma source(%arg4 : memref<32768xf32, #tpu.memory_space<vmem>>) target(%dma_start3A_979 : memref<32768xf32, #tpu.memory_space<hbm>>) target_semaphore(%arg8 : memref<!tpu.dma_semaphore, #tpu.memory_space<semaphore_mem>>)
    %add3A_980 = arith.constant 127 : i32
    %add3A_981 = arith.addi %mul3A_2, %add3A_980 : i32
    %mul3A_982 = arith.constant 32768 : i32
    %mul3A_983 = arith.muli %add3A_981, %mul3A_982 : i32
    %dma_start3A_984 = tpu.memref_slice %arg3[%mul3A_983] : memref<134217728xf32, #tpu.memory_space<hbm>> -> memref<32768xf32, #tpu.memory_space<hbm>>
    %dma_start3A_985 = tpu.memref_slice %arg3[%mul3A_983] : memref<134217728xf32, #tpu.memory_space<hbm>> -> memref<32768xf32, #tpu.memory_space<hbm>>
    tpu.enqueue_dma source(%arg4 : memref<32768xf32, #tpu.memory_space<vmem>>) target(%dma_start3A_985 : memref<32768xf32, #tpu.memory_space<hbm>>) target_semaphore(%arg8 : memref<!tpu.dma_semaphore, #tpu.memory_space<semaphore_mem>>)
    %add3A_986 = arith.constant 0 : i32
    %add3A_987 = arith.addi %mul3A_2, %add3A_986 : i32
    %mul3A_988 = arith.constant 32768 : i32
    %mul3A_989 = arith.muli %add3A_987, %mul3A_988 : i32
    %dma_wait3A = tpu.memref_slice %arg3[%mul3A_989] : memref<134217728xf32, #tpu.memory_space<hbm>> -> memref<32768xf32, #tpu.memory_space<hbm>>
    %dma_wait3A_990 = tpu.memref_slice %arg3[%mul3A_989] : memref<134217728xf32, #tpu.memory_space<hbm>> -> memref<32768xf32, #tpu.memory_space<hbm>>
    tpu.wait_dma2 semaphore(%arg8 : memref<!tpu.dma_semaphore, #tpu.memory_space<semaphore_mem>>) src(%arg4 : memref<32768xf32, #tpu.memory_space<vmem>>) dst(%dma_wait3A_990 : memref<32768xf32, #tpu.memory_space<hbm>>)
    %add3A_991 = arith.constant 1 : i32
    %add3A_992 = arith.addi %mul3A_2, %add3A_991 : i32
    %mul3A_993 = arith.constant 32768 : i32
    %mul3A_994 = arith.muli %add3A_992, %mul3A_993 : i32
    %dma_wait3A_995 = tpu.memref_slice %arg3[%mul3A_994] : memref<134217728xf32, #tpu.memory_space<hbm>> -> memref<32768xf32, #tpu.memory_space<hbm>>
    %dma_wait3A_996 = tpu.memref_slice %arg3[%mul3A_994] : memref<134217728xf32, #tpu.memory_space<hbm>> -> memref<32768xf32, #tpu.memory_space<hbm>>
    tpu.wait_dma2 semaphore(%arg8 : memref<!tpu.dma_semaphore, #tpu.memory_space<semaphore_mem>>) src(%arg4 : memref<32768xf32, #tpu.memory_space<vmem>>) dst(%dma_wait3A_996 : memref<32768xf32, #tpu.memory_space<hbm>>)
    %add3A_997 = arith.constant 2 : i32
    %add3A_998 = arith.addi %mul3A_2, %add3A_997 : i32
    %mul3A_999 = arith.constant 32768 : i32
    %mul3A_1000 = arith.muli %add3A_998, %mul3A_999 : i32
    %dma_wait3A_1001 = tpu.memref_slice %arg3[%mul3A_1000] : memref<134217728xf32, #tpu.memory_space<hbm>> -> memref<32768xf32, #tpu.memory_space<hbm>>
    %dma_wait3A_1002 = tpu.memref_slice %arg3[%mul3A_1000] : memref<134217728xf32, #tpu.memory_space<hbm>> -> memref<32768xf32, #tpu.memory_space<hbm>>
    tpu.wait_dma2 semaphore(%arg8 : memref<!tpu.dma_semaphore, #tpu.memory_space<semaphore_mem>>) src(%arg4 : memref<32768xf32, #tpu.memory_space<vmem>>) dst(%dma_wait3A_1002 : memref<32768xf32, #tpu.memory_space<hbm>>)
    %add3A_1003 = arith.constant 3 : i32
    %add3A_1004 = arith.addi %mul3A_2, %add3A_1003 : i32
    %mul3A_1005 = arith.constant 32768 : i32
    %mul3A_1006 = arith.muli %add3A_1004, %mul3A_1005 : i32
    %dma_wait3A_1007 = tpu.memref_slice %arg3[%mul3A_1006] : memref<134217728xf32, #tpu.memory_space<hbm>> -> memref<32768xf32, #tpu.memory_space<hbm>>
    %dma_wait3A_1008 = tpu.memref_slice %arg3[%mul3A_1006] : memref<134217728xf32, #tpu.memory_space<hbm>> -> memref<32768xf32, #tpu.memory_space<hbm>>
    tpu.wait_dma2 semaphore(%arg8 : memref<!tpu.dma_semaphore, #tpu.memory_space<semaphore_mem>>) src(%arg4 : memref<32768xf32, #tpu.memory_space<vmem>>) dst(%dma_wait3A_1008 : memref<32768xf32, #tpu.memory_space<hbm>>)
    %add3A_1009 = arith.constant 4 : i32
    %add3A_1010 = arith.addi %mul3A_2, %add3A_1009 : i32
    %mul3A_1011 = arith.constant 32768 : i32
    %mul3A_1012 = arith.muli %add3A_1010, %mul3A_1011 : i32
    %dma_wait3A_1013 = tpu.memref_slice %arg3[%mul3A_1012] : memref<134217728xf32, #tpu.memory_space<hbm>> -> memref<32768xf32, #tpu.memory_space<hbm>>
    %dma_wait3A_1014 = tpu.memref_slice %arg3[%mul3A_1012] : memref<134217728xf32, #tpu.memory_space<hbm>> -> memref<32768xf32, #tpu.memory_space<hbm>>
    tpu.wait_dma2 semaphore(%arg8 : memref<!tpu.dma_semaphore, #tpu.memory_space<semaphore_mem>>) src(%arg4 : memref<32768xf32, #tpu.memory_space<vmem>>) dst(%dma_wait3A_1014 : memref<32768xf32, #tpu.memory_space<hbm>>)
    %add3A_1015 = arith.constant 5 : i32
    %add3A_1016 = arith.addi %mul3A_2, %add3A_1015 : i32
    %mul3A_1017 = arith.constant 32768 : i32
    %mul3A_1018 = arith.muli %add3A_1016, %mul3A_1017 : i32
    %dma_wait3A_1019 = tpu.memref_slice %arg3[%mul3A_1018] : memref<134217728xf32, #tpu.memory_space<hbm>> -> memref<32768xf32, #tpu.memory_space<hbm>>
    %dma_wait3A_1020 = tpu.memref_slice %arg3[%mul3A_1018] : memref<134217728xf32, #tpu.memory_space<hbm>> -> memref<32768xf32, #tpu.memory_space<hbm>>
    tpu.wait_dma2 semaphore(%arg8 : memref<!tpu.dma_semaphore, #tpu.memory_space<semaphore_mem>>) src(%arg4 : memref<32768xf32, #tpu.memory_space<vmem>>) dst(%dma_wait3A_1020 : memref<32768xf32, #tpu.memory_space<hbm>>)
    %add3A_1021 = arith.constant 6 : i32
    %add3A_1022 = arith.addi %mul3A_2, %add3A_1021 : i32
    %mul3A_1023 = arith.constant 32768 : i32
    %mul3A_1024 = arith.muli %add3A_1022, %mul3A_1023 : i32
    %dma_wait3A_1025 = tpu.memref_slice %arg3[%mul3A_1024] : memref<134217728xf32, #tpu.memory_space<hbm>> -> memref<32768xf32, #tpu.memory_space<hbm>>
    %dma_wait3A_1026 = tpu.memref_slice %arg3[%mul3A_1024] : memref<134217728xf32, #tpu.memory_space<hbm>> -> memref<32768xf32, #tpu.memory_space<hbm>>
    tpu.wait_dma2 semaphore(%arg8 : memref<!tpu.dma_semaphore, #tpu.memory_space<semaphore_mem>>) src(%arg4 : memref<32768xf32, #tpu.memory_space<vmem>>) dst(%dma_wait3A_1026 : memref<32768xf32, #tpu.memory_space<hbm>>)
    %add3A_1027 = arith.constant 7 : i32
    %add3A_1028 = arith.addi %mul3A_2, %add3A_1027 : i32
    %mul3A_1029 = arith.constant 32768 : i32
    %mul3A_1030 = arith.muli %add3A_1028, %mul3A_1029 : i32
    %dma_wait3A_1031 = tpu.memref_slice %arg3[%mul3A_1030] : memref<134217728xf32, #tpu.memory_space<hbm>> -> memref<32768xf32, #tpu.memory_space<hbm>>
    %dma_wait3A_1032 = tpu.memref_slice %arg3[%mul3A_1030] : memref<134217728xf32, #tpu.memory_space<hbm>> -> memref<32768xf32, #tpu.memory_space<hbm>>
    tpu.wait_dma2 semaphore(%arg8 : memref<!tpu.dma_semaphore, #tpu.memory_space<semaphore_mem>>) src(%arg4 : memref<32768xf32, #tpu.memory_space<vmem>>) dst(%dma_wait3A_1032 : memref<32768xf32, #tpu.memory_space<hbm>>)
    %add3A_1033 = arith.constant 8 : i32
    %add3A_1034 = arith.addi %mul3A_2, %add3A_1033 : i32
    %mul3A_1035 = arith.constant 32768 : i32
    %mul3A_1036 = arith.muli %add3A_1034, %mul3A_1035 : i32
    %dma_wait3A_1037 = tpu.memref_slice %arg3[%mul3A_1036] : memref<134217728xf32, #tpu.memory_space<hbm>> -> memref<32768xf32, #tpu.memory_space<hbm>>
    %dma_wait3A_1038 = tpu.memref_slice %arg3[%mul3A_1036] : memref<134217728xf32, #tpu.memory_space<hbm>> -> memref<32768xf32, #tpu.memory_space<hbm>>
    tpu.wait_dma2 semaphore(%arg8 : memref<!tpu.dma_semaphore, #tpu.memory_space<semaphore_mem>>) src(%arg4 : memref<32768xf32, #tpu.memory_space<vmem>>) dst(%dma_wait3A_1038 : memref<32768xf32, #tpu.memory_space<hbm>>)
    %add3A_1039 = arith.constant 9 : i32
    %add3A_1040 = arith.addi %mul3A_2, %add3A_1039 : i32
    %mul3A_1041 = arith.constant 32768 : i32
    %mul3A_1042 = arith.muli %add3A_1040, %mul3A_1041 : i32
    %dma_wait3A_1043 = tpu.memref_slice %arg3[%mul3A_1042] : memref<134217728xf32, #tpu.memory_space<hbm>> -> memref<32768xf32, #tpu.memory_space<hbm>>
    %dma_wait3A_1044 = tpu.memref_slice %arg3[%mul3A_1042] : memref<134217728xf32, #tpu.memory_space<hbm>> -> memref<32768xf32, #tpu.memory_space<hbm>>
    tpu.wait_dma2 semaphore(%arg8 : memref<!tpu.dma_semaphore, #tpu.memory_space<semaphore_mem>>) src(%arg4 : memref<32768xf32, #tpu.memory_space<vmem>>) dst(%dma_wait3A_1044 : memref<32768xf32, #tpu.memory_space<hbm>>)
    %add3A_1045 = arith.constant 10 : i32
    %add3A_1046 = arith.addi %mul3A_2, %add3A_1045 : i32
    %mul3A_1047 = arith.constant 32768 : i32
    %mul3A_1048 = arith.muli %add3A_1046, %mul3A_1047 : i32
    %dma_wait3A_1049 = tpu.memref_slice %arg3[%mul3A_1048] : memref<134217728xf32, #tpu.memory_space<hbm>> -> memref<32768xf32, #tpu.memory_space<hbm>>
    %dma_wait3A_1050 = tpu.memref_slice %arg3[%mul3A_1048] : memref<134217728xf32, #tpu.memory_space<hbm>> -> memref<32768xf32, #tpu.memory_space<hbm>>
    tpu.wait_dma2 semaphore(%arg8 : memref<!tpu.dma_semaphore, #tpu.memory_space<semaphore_mem>>) src(%arg4 : memref<32768xf32, #tpu.memory_space<vmem>>) dst(%dma_wait3A_1050 : memref<32768xf32, #tpu.memory_space<hbm>>)
    %add3A_1051 = arith.constant 11 : i32
    %add3A_1052 = arith.addi %mul3A_2, %add3A_1051 : i32
    %mul3A_1053 = arith.constant 32768 : i32
    %mul3A_1054 = arith.muli %add3A_1052, %mul3A_1053 : i32
    %dma_wait3A_1055 = tpu.memref_slice %arg3[%mul3A_1054] : memref<134217728xf32, #tpu.memory_space<hbm>> -> memref<32768xf32, #tpu.memory_space<hbm>>
    %dma_wait3A_1056 = tpu.memref_slice %arg3[%mul3A_1054] : memref<134217728xf32, #tpu.memory_space<hbm>> -> memref<32768xf32, #tpu.memory_space<hbm>>
    tpu.wait_dma2 semaphore(%arg8 : memref<!tpu.dma_semaphore, #tpu.memory_space<semaphore_mem>>) src(%arg4 : memref<32768xf32, #tpu.memory_space<vmem>>) dst(%dma_wait3A_1056 : memref<32768xf32, #tpu.memory_space<hbm>>)
    %add3A_1057 = arith.constant 12 : i32
    %add3A_1058 = arith.addi %mul3A_2, %add3A_1057 : i32
    %mul3A_1059 = arith.constant 32768 : i32
    %mul3A_1060 = arith.muli %add3A_1058, %mul3A_1059 : i32
    %dma_wait3A_1061 = tpu.memref_slice %arg3[%mul3A_1060] : memref<134217728xf32, #tpu.memory_space<hbm>> -> memref<32768xf32, #tpu.memory_space<hbm>>
    %dma_wait3A_1062 = tpu.memref_slice %arg3[%mul3A_1060] : memref<134217728xf32, #tpu.memory_space<hbm>> -> memref<32768xf32, #tpu.memory_space<hbm>>
    tpu.wait_dma2 semaphore(%arg8 : memref<!tpu.dma_semaphore, #tpu.memory_space<semaphore_mem>>) src(%arg4 : memref<32768xf32, #tpu.memory_space<vmem>>) dst(%dma_wait3A_1062 : memref<32768xf32, #tpu.memory_space<hbm>>)
    %add3A_1063 = arith.constant 13 : i32
    %add3A_1064 = arith.addi %mul3A_2, %add3A_1063 : i32
    %mul3A_1065 = arith.constant 32768 : i32
    %mul3A_1066 = arith.muli %add3A_1064, %mul3A_1065 : i32
    %dma_wait3A_1067 = tpu.memref_slice %arg3[%mul3A_1066] : memref<134217728xf32, #tpu.memory_space<hbm>> -> memref<32768xf32, #tpu.memory_space<hbm>>
    %dma_wait3A_1068 = tpu.memref_slice %arg3[%mul3A_1066] : memref<134217728xf32, #tpu.memory_space<hbm>> -> memref<32768xf32, #tpu.memory_space<hbm>>
    tpu.wait_dma2 semaphore(%arg8 : memref<!tpu.dma_semaphore, #tpu.memory_space<semaphore_mem>>) src(%arg4 : memref<32768xf32, #tpu.memory_space<vmem>>) dst(%dma_wait3A_1068 : memref<32768xf32, #tpu.memory_space<hbm>>)
    %add3A_1069 = arith.constant 14 : i32
    %add3A_1070 = arith.addi %mul3A_2, %add3A_1069 : i32
    %mul3A_1071 = arith.constant 32768 : i32
    %mul3A_1072 = arith.muli %add3A_1070, %mul3A_1071 : i32
    %dma_wait3A_1073 = tpu.memref_slice %arg3[%mul3A_1072] : memref<134217728xf32, #tpu.memory_space<hbm>> -> memref<32768xf32, #tpu.memory_space<hbm>>
    %dma_wait3A_1074 = tpu.memref_slice %arg3[%mul3A_1072] : memref<134217728xf32, #tpu.memory_space<hbm>> -> memref<32768xf32, #tpu.memory_space<hbm>>
    tpu.wait_dma2 semaphore(%arg8 : memref<!tpu.dma_semaphore, #tpu.memory_space<semaphore_mem>>) src(%arg4 : memref<32768xf32, #tpu.memory_space<vmem>>) dst(%dma_wait3A_1074 : memref<32768xf32, #tpu.memory_space<hbm>>)
    %add3A_1075 = arith.constant 15 : i32
    %add3A_1076 = arith.addi %mul3A_2, %add3A_1075 : i32
    %mul3A_1077 = arith.constant 32768 : i32
    %mul3A_1078 = arith.muli %add3A_1076, %mul3A_1077 : i32
    %dma_wait3A_1079 = tpu.memref_slice %arg3[%mul3A_1078] : memref<134217728xf32, #tpu.memory_space<hbm>> -> memref<32768xf32, #tpu.memory_space<hbm>>
    %dma_wait3A_1080 = tpu.memref_slice %arg3[%mul3A_1078] : memref<134217728xf32, #tpu.memory_space<hbm>> -> memref<32768xf32, #tpu.memory_space<hbm>>
    tpu.wait_dma2 semaphore(%arg8 : memref<!tpu.dma_semaphore, #tpu.memory_space<semaphore_mem>>) src(%arg4 : memref<32768xf32, #tpu.memory_space<vmem>>) dst(%dma_wait3A_1080 : memref<32768xf32, #tpu.memory_space<hbm>>)
    %add3A_1081 = arith.constant 16 : i32
    %add3A_1082 = arith.addi %mul3A_2, %add3A_1081 : i32
    %mul3A_1083 = arith.constant 32768 : i32
    %mul3A_1084 = arith.muli %add3A_1082, %mul3A_1083 : i32
    %dma_wait3A_1085 = tpu.memref_slice %arg3[%mul3A_1084] : memref<134217728xf32, #tpu.memory_space<hbm>> -> memref<32768xf32, #tpu.memory_space<hbm>>
    %dma_wait3A_1086 = tpu.memref_slice %arg3[%mul3A_1084] : memref<134217728xf32, #tpu.memory_space<hbm>> -> memref<32768xf32, #tpu.memory_space<hbm>>
    tpu.wait_dma2 semaphore(%arg8 : memref<!tpu.dma_semaphore, #tpu.memory_space<semaphore_mem>>) src(%arg4 : memref<32768xf32, #tpu.memory_space<vmem>>) dst(%dma_wait3A_1086 : memref<32768xf32, #tpu.memory_space<hbm>>)
    %add3A_1087 = arith.constant 17 : i32
    %add3A_1088 = arith.addi %mul3A_2, %add3A_1087 : i32
    %mul3A_1089 = arith.constant 32768 : i32
    %mul3A_1090 = arith.muli %add3A_1088, %mul3A_1089 : i32
    %dma_wait3A_1091 = tpu.memref_slice %arg3[%mul3A_1090] : memref<134217728xf32, #tpu.memory_space<hbm>> -> memref<32768xf32, #tpu.memory_space<hbm>>
    %dma_wait3A_1092 = tpu.memref_slice %arg3[%mul3A_1090] : memref<134217728xf32, #tpu.memory_space<hbm>> -> memref<32768xf32, #tpu.memory_space<hbm>>
    tpu.wait_dma2 semaphore(%arg8 : memref<!tpu.dma_semaphore, #tpu.memory_space<semaphore_mem>>) src(%arg4 : memref<32768xf32, #tpu.memory_space<vmem>>) dst(%dma_wait3A_1092 : memref<32768xf32, #tpu.memory_space<hbm>>)
    %add3A_1093 = arith.constant 18 : i32
    %add3A_1094 = arith.addi %mul3A_2, %add3A_1093 : i32
    %mul3A_1095 = arith.constant 32768 : i32
    %mul3A_1096 = arith.muli %add3A_1094, %mul3A_1095 : i32
    %dma_wait3A_1097 = tpu.memref_slice %arg3[%mul3A_1096] : memref<134217728xf32, #tpu.memory_space<hbm>> -> memref<32768xf32, #tpu.memory_space<hbm>>
    %dma_wait3A_1098 = tpu.memref_slice %arg3[%mul3A_1096] : memref<134217728xf32, #tpu.memory_space<hbm>> -> memref<32768xf32, #tpu.memory_space<hbm>>
    tpu.wait_dma2 semaphore(%arg8 : memref<!tpu.dma_semaphore, #tpu.memory_space<semaphore_mem>>) src(%arg4 : memref<32768xf32, #tpu.memory_space<vmem>>) dst(%dma_wait3A_1098 : memref<32768xf32, #tpu.memory_space<hbm>>)
    %add3A_1099 = arith.constant 19 : i32
    %add3A_1100 = arith.addi %mul3A_2, %add3A_1099 : i32
    %mul3A_1101 = arith.constant 32768 : i32
    %mul3A_1102 = arith.muli %add3A_1100, %mul3A_1101 : i32
    %dma_wait3A_1103 = tpu.memref_slice %arg3[%mul3A_1102] : memref<134217728xf32, #tpu.memory_space<hbm>> -> memref<32768xf32, #tpu.memory_space<hbm>>
    %dma_wait3A_1104 = tpu.memref_slice %arg3[%mul3A_1102] : memref<134217728xf32, #tpu.memory_space<hbm>> -> memref<32768xf32, #tpu.memory_space<hbm>>
    tpu.wait_dma2 semaphore(%arg8 : memref<!tpu.dma_semaphore, #tpu.memory_space<semaphore_mem>>) src(%arg4 : memref<32768xf32, #tpu.memory_space<vmem>>) dst(%dma_wait3A_1104 : memref<32768xf32, #tpu.memory_space<hbm>>)
    %add3A_1105 = arith.constant 20 : i32
    %add3A_1106 = arith.addi %mul3A_2, %add3A_1105 : i32
    %mul3A_1107 = arith.constant 32768 : i32
    %mul3A_1108 = arith.muli %add3A_1106, %mul3A_1107 : i32
    %dma_wait3A_1109 = tpu.memref_slice %arg3[%mul3A_1108] : memref<134217728xf32, #tpu.memory_space<hbm>> -> memref<32768xf32, #tpu.memory_space<hbm>>
    %dma_wait3A_1110 = tpu.memref_slice %arg3[%mul3A_1108] : memref<134217728xf32, #tpu.memory_space<hbm>> -> memref<32768xf32, #tpu.memory_space<hbm>>
    tpu.wait_dma2 semaphore(%arg8 : memref<!tpu.dma_semaphore, #tpu.memory_space<semaphore_mem>>) src(%arg4 : memref<32768xf32, #tpu.memory_space<vmem>>) dst(%dma_wait3A_1110 : memref<32768xf32, #tpu.memory_space<hbm>>)
    %add3A_1111 = arith.constant 21 : i32
    %add3A_1112 = arith.addi %mul3A_2, %add3A_1111 : i32
    %mul3A_1113 = arith.constant 32768 : i32
    %mul3A_1114 = arith.muli %add3A_1112, %mul3A_1113 : i32
    %dma_wait3A_1115 = tpu.memref_slice %arg3[%mul3A_1114] : memref<134217728xf32, #tpu.memory_space<hbm>> -> memref<32768xf32, #tpu.memory_space<hbm>>
    %dma_wait3A_1116 = tpu.memref_slice %arg3[%mul3A_1114] : memref<134217728xf32, #tpu.memory_space<hbm>> -> memref<32768xf32, #tpu.memory_space<hbm>>
    tpu.wait_dma2 semaphore(%arg8 : memref<!tpu.dma_semaphore, #tpu.memory_space<semaphore_mem>>) src(%arg4 : memref<32768xf32, #tpu.memory_space<vmem>>) dst(%dma_wait3A_1116 : memref<32768xf32, #tpu.memory_space<hbm>>)
    %add3A_1117 = arith.constant 22 : i32
    %add3A_1118 = arith.addi %mul3A_2, %add3A_1117 : i32
    %mul3A_1119 = arith.constant 32768 : i32
    %mul3A_1120 = arith.muli %add3A_1118, %mul3A_1119 : i32
    %dma_wait3A_1121 = tpu.memref_slice %arg3[%mul3A_1120] : memref<134217728xf32, #tpu.memory_space<hbm>> -> memref<32768xf32, #tpu.memory_space<hbm>>
    %dma_wait3A_1122 = tpu.memref_slice %arg3[%mul3A_1120] : memref<134217728xf32, #tpu.memory_space<hbm>> -> memref<32768xf32, #tpu.memory_space<hbm>>
    tpu.wait_dma2 semaphore(%arg8 : memref<!tpu.dma_semaphore, #tpu.memory_space<semaphore_mem>>) src(%arg4 : memref<32768xf32, #tpu.memory_space<vmem>>) dst(%dma_wait3A_1122 : memref<32768xf32, #tpu.memory_space<hbm>>)
    %add3A_1123 = arith.constant 23 : i32
    %add3A_1124 = arith.addi %mul3A_2, %add3A_1123 : i32
    %mul3A_1125 = arith.constant 32768 : i32
    %mul3A_1126 = arith.muli %add3A_1124, %mul3A_1125 : i32
    %dma_wait3A_1127 = tpu.memref_slice %arg3[%mul3A_1126] : memref<134217728xf32, #tpu.memory_space<hbm>> -> memref<32768xf32, #tpu.memory_space<hbm>>
    %dma_wait3A_1128 = tpu.memref_slice %arg3[%mul3A_1126] : memref<134217728xf32, #tpu.memory_space<hbm>> -> memref<32768xf32, #tpu.memory_space<hbm>>
    tpu.wait_dma2 semaphore(%arg8 : memref<!tpu.dma_semaphore, #tpu.memory_space<semaphore_mem>>) src(%arg4 : memref<32768xf32, #tpu.memory_space<vmem>>) dst(%dma_wait3A_1128 : memref<32768xf32, #tpu.memory_space<hbm>>)
    %add3A_1129 = arith.constant 24 : i32
    %add3A_1130 = arith.addi %mul3A_2, %add3A_1129 : i32
    %mul3A_1131 = arith.constant 32768 : i32
    %mul3A_1132 = arith.muli %add3A_1130, %mul3A_1131 : i32
    %dma_wait3A_1133 = tpu.memref_slice %arg3[%mul3A_1132] : memref<134217728xf32, #tpu.memory_space<hbm>> -> memref<32768xf32, #tpu.memory_space<hbm>>
    %dma_wait3A_1134 = tpu.memref_slice %arg3[%mul3A_1132] : memref<134217728xf32, #tpu.memory_space<hbm>> -> memref<32768xf32, #tpu.memory_space<hbm>>
    tpu.wait_dma2 semaphore(%arg8 : memref<!tpu.dma_semaphore, #tpu.memory_space<semaphore_mem>>) src(%arg4 : memref<32768xf32, #tpu.memory_space<vmem>>) dst(%dma_wait3A_1134 : memref<32768xf32, #tpu.memory_space<hbm>>)
    %add3A_1135 = arith.constant 25 : i32
    %add3A_1136 = arith.addi %mul3A_2, %add3A_1135 : i32
    %mul3A_1137 = arith.constant 32768 : i32
    %mul3A_1138 = arith.muli %add3A_1136, %mul3A_1137 : i32
    %dma_wait3A_1139 = tpu.memref_slice %arg3[%mul3A_1138] : memref<134217728xf32, #tpu.memory_space<hbm>> -> memref<32768xf32, #tpu.memory_space<hbm>>
    %dma_wait3A_1140 = tpu.memref_slice %arg3[%mul3A_1138] : memref<134217728xf32, #tpu.memory_space<hbm>> -> memref<32768xf32, #tpu.memory_space<hbm>>
    tpu.wait_dma2 semaphore(%arg8 : memref<!tpu.dma_semaphore, #tpu.memory_space<semaphore_mem>>) src(%arg4 : memref<32768xf32, #tpu.memory_space<vmem>>) dst(%dma_wait3A_1140 : memref<32768xf32, #tpu.memory_space<hbm>>)
    %add3A_1141 = arith.constant 26 : i32
    %add3A_1142 = arith.addi %mul3A_2, %add3A_1141 : i32
    %mul3A_1143 = arith.constant 32768 : i32
    %mul3A_1144 = arith.muli %add3A_1142, %mul3A_1143 : i32
    %dma_wait3A_1145 = tpu.memref_slice %arg3[%mul3A_1144] : memref<134217728xf32, #tpu.memory_space<hbm>> -> memref<32768xf32, #tpu.memory_space<hbm>>
    %dma_wait3A_1146 = tpu.memref_slice %arg3[%mul3A_1144] : memref<134217728xf32, #tpu.memory_space<hbm>> -> memref<32768xf32, #tpu.memory_space<hbm>>
    tpu.wait_dma2 semaphore(%arg8 : memref<!tpu.dma_semaphore, #tpu.memory_space<semaphore_mem>>) src(%arg4 : memref<32768xf32, #tpu.memory_space<vmem>>) dst(%dma_wait3A_1146 : memref<32768xf32, #tpu.memory_space<hbm>>)
    %add3A_1147 = arith.constant 27 : i32
    %add3A_1148 = arith.addi %mul3A_2, %add3A_1147 : i32
    %mul3A_1149 = arith.constant 32768 : i32
    %mul3A_1150 = arith.muli %add3A_1148, %mul3A_1149 : i32
    %dma_wait3A_1151 = tpu.memref_slice %arg3[%mul3A_1150] : memref<134217728xf32, #tpu.memory_space<hbm>> -> memref<32768xf32, #tpu.memory_space<hbm>>
    %dma_wait3A_1152 = tpu.memref_slice %arg3[%mul3A_1150] : memref<134217728xf32, #tpu.memory_space<hbm>> -> memref<32768xf32, #tpu.memory_space<hbm>>
    tpu.wait_dma2 semaphore(%arg8 : memref<!tpu.dma_semaphore, #tpu.memory_space<semaphore_mem>>) src(%arg4 : memref<32768xf32, #tpu.memory_space<vmem>>) dst(%dma_wait3A_1152 : memref<32768xf32, #tpu.memory_space<hbm>>)
    %add3A_1153 = arith.constant 28 : i32
    %add3A_1154 = arith.addi %mul3A_2, %add3A_1153 : i32
    %mul3A_1155 = arith.constant 32768 : i32
    %mul3A_1156 = arith.muli %add3A_1154, %mul3A_1155 : i32
    %dma_wait3A_1157 = tpu.memref_slice %arg3[%mul3A_1156] : memref<134217728xf32, #tpu.memory_space<hbm>> -> memref<32768xf32, #tpu.memory_space<hbm>>
    %dma_wait3A_1158 = tpu.memref_slice %arg3[%mul3A_1156] : memref<134217728xf32, #tpu.memory_space<hbm>> -> memref<32768xf32, #tpu.memory_space<hbm>>
    tpu.wait_dma2 semaphore(%arg8 : memref<!tpu.dma_semaphore, #tpu.memory_space<semaphore_mem>>) src(%arg4 : memref<32768xf32, #tpu.memory_space<vmem>>) dst(%dma_wait3A_1158 : memref<32768xf32, #tpu.memory_space<hbm>>)
    %add3A_1159 = arith.constant 29 : i32
    %add3A_1160 = arith.addi %mul3A_2, %add3A_1159 : i32
    %mul3A_1161 = arith.constant 32768 : i32
    %mul3A_1162 = arith.muli %add3A_1160, %mul3A_1161 : i32
    %dma_wait3A_1163 = tpu.memref_slice %arg3[%mul3A_1162] : memref<134217728xf32, #tpu.memory_space<hbm>> -> memref<32768xf32, #tpu.memory_space<hbm>>
    %dma_wait3A_1164 = tpu.memref_slice %arg3[%mul3A_1162] : memref<134217728xf32, #tpu.memory_space<hbm>> -> memref<32768xf32, #tpu.memory_space<hbm>>
    tpu.wait_dma2 semaphore(%arg8 : memref<!tpu.dma_semaphore, #tpu.memory_space<semaphore_mem>>) src(%arg4 : memref<32768xf32, #tpu.memory_space<vmem>>) dst(%dma_wait3A_1164 : memref<32768xf32, #tpu.memory_space<hbm>>)
    %add3A_1165 = arith.constant 30 : i32
    %add3A_1166 = arith.addi %mul3A_2, %add3A_1165 : i32
    %mul3A_1167 = arith.constant 32768 : i32
    %mul3A_1168 = arith.muli %add3A_1166, %mul3A_1167 : i32
    %dma_wait3A_1169 = tpu.memref_slice %arg3[%mul3A_1168] : memref<134217728xf32, #tpu.memory_space<hbm>> -> memref<32768xf32, #tpu.memory_space<hbm>>
    %dma_wait3A_1170 = tpu.memref_slice %arg3[%mul3A_1168] : memref<134217728xf32, #tpu.memory_space<hbm>> -> memref<32768xf32, #tpu.memory_space<hbm>>
    tpu.wait_dma2 semaphore(%arg8 : memref<!tpu.dma_semaphore, #tpu.memory_space<semaphore_mem>>) src(%arg4 : memref<32768xf32, #tpu.memory_space<vmem>>) dst(%dma_wait3A_1170 : memref<32768xf32, #tpu.memory_space<hbm>>)
    %add3A_1171 = arith.constant 31 : i32
    %add3A_1172 = arith.addi %mul3A_2, %add3A_1171 : i32
    %mul3A_1173 = arith.constant 32768 : i32
    %mul3A_1174 = arith.muli %add3A_1172, %mul3A_1173 : i32
    %dma_wait3A_1175 = tpu.memref_slice %arg3[%mul3A_1174] : memref<134217728xf32, #tpu.memory_space<hbm>> -> memref<32768xf32, #tpu.memory_space<hbm>>
    %dma_wait3A_1176 = tpu.memref_slice %arg3[%mul3A_1174] : memref<134217728xf32, #tpu.memory_space<hbm>> -> memref<32768xf32, #tpu.memory_space<hbm>>
    tpu.wait_dma2 semaphore(%arg8 : memref<!tpu.dma_semaphore, #tpu.memory_space<semaphore_mem>>) src(%arg4 : memref<32768xf32, #tpu.memory_space<vmem>>) dst(%dma_wait3A_1176 : memref<32768xf32, #tpu.memory_space<hbm>>)
    %add3A_1177 = arith.constant 32 : i32
    %add3A_1178 = arith.addi %mul3A_2, %add3A_1177 : i32
    %mul3A_1179 = arith.constant 32768 : i32
    %mul3A_1180 = arith.muli %add3A_1178, %mul3A_1179 : i32
    %dma_wait3A_1181 = tpu.memref_slice %arg3[%mul3A_1180] : memref<134217728xf32, #tpu.memory_space<hbm>> -> memref<32768xf32, #tpu.memory_space<hbm>>
    %dma_wait3A_1182 = tpu.memref_slice %arg3[%mul3A_1180] : memref<134217728xf32, #tpu.memory_space<hbm>> -> memref<32768xf32, #tpu.memory_space<hbm>>
    tpu.wait_dma2 semaphore(%arg8 : memref<!tpu.dma_semaphore, #tpu.memory_space<semaphore_mem>>) src(%arg4 : memref<32768xf32, #tpu.memory_space<vmem>>) dst(%dma_wait3A_1182 : memref<32768xf32, #tpu.memory_space<hbm>>)
    %add3A_1183 = arith.constant 33 : i32
    %add3A_1184 = arith.addi %mul3A_2, %add3A_1183 : i32
    %mul3A_1185 = arith.constant 32768 : i32
    %mul3A_1186 = arith.muli %add3A_1184, %mul3A_1185 : i32
    %dma_wait3A_1187 = tpu.memref_slice %arg3[%mul3A_1186] : memref<134217728xf32, #tpu.memory_space<hbm>> -> memref<32768xf32, #tpu.memory_space<hbm>>
    %dma_wait3A_1188 = tpu.memref_slice %arg3[%mul3A_1186] : memref<134217728xf32, #tpu.memory_space<hbm>> -> memref<32768xf32, #tpu.memory_space<hbm>>
    tpu.wait_dma2 semaphore(%arg8 : memref<!tpu.dma_semaphore, #tpu.memory_space<semaphore_mem>>) src(%arg4 : memref<32768xf32, #tpu.memory_space<vmem>>) dst(%dma_wait3A_1188 : memref<32768xf32, #tpu.memory_space<hbm>>)
    %add3A_1189 = arith.constant 34 : i32
    %add3A_1190 = arith.addi %mul3A_2, %add3A_1189 : i32
    %mul3A_1191 = arith.constant 32768 : i32
    %mul3A_1192 = arith.muli %add3A_1190, %mul3A_1191 : i32
    %dma_wait3A_1193 = tpu.memref_slice %arg3[%mul3A_1192] : memref<134217728xf32, #tpu.memory_space<hbm>> -> memref<32768xf32, #tpu.memory_space<hbm>>
    %dma_wait3A_1194 = tpu.memref_slice %arg3[%mul3A_1192] : memref<134217728xf32, #tpu.memory_space<hbm>> -> memref<32768xf32, #tpu.memory_space<hbm>>
    tpu.wait_dma2 semaphore(%arg8 : memref<!tpu.dma_semaphore, #tpu.memory_space<semaphore_mem>>) src(%arg4 : memref<32768xf32, #tpu.memory_space<vmem>>) dst(%dma_wait3A_1194 : memref<32768xf32, #tpu.memory_space<hbm>>)
    %add3A_1195 = arith.constant 35 : i32
    %add3A_1196 = arith.addi %mul3A_2, %add3A_1195 : i32
    %mul3A_1197 = arith.constant 32768 : i32
    %mul3A_1198 = arith.muli %add3A_1196, %mul3A_1197 : i32
    %dma_wait3A_1199 = tpu.memref_slice %arg3[%mul3A_1198] : memref<134217728xf32, #tpu.memory_space<hbm>> -> memref<32768xf32, #tpu.memory_space<hbm>>
    %dma_wait3A_1200 = tpu.memref_slice %arg3[%mul3A_1198] : memref<134217728xf32, #tpu.memory_space<hbm>> -> memref<32768xf32, #tpu.memory_space<hbm>>
    tpu.wait_dma2 semaphore(%arg8 : memref<!tpu.dma_semaphore, #tpu.memory_space<semaphore_mem>>) src(%arg4 : memref<32768xf32, #tpu.memory_space<vmem>>) dst(%dma_wait3A_1200 : memref<32768xf32, #tpu.memory_space<hbm>>)
    %add3A_1201 = arith.constant 36 : i32
    %add3A_1202 = arith.addi %mul3A_2, %add3A_1201 : i32
    %mul3A_1203 = arith.constant 32768 : i32
    %mul3A_1204 = arith.muli %add3A_1202, %mul3A_1203 : i32
    %dma_wait3A_1205 = tpu.memref_slice %arg3[%mul3A_1204] : memref<134217728xf32, #tpu.memory_space<hbm>> -> memref<32768xf32, #tpu.memory_space<hbm>>
    %dma_wait3A_1206 = tpu.memref_slice %arg3[%mul3A_1204] : memref<134217728xf32, #tpu.memory_space<hbm>> -> memref<32768xf32, #tpu.memory_space<hbm>>
    tpu.wait_dma2 semaphore(%arg8 : memref<!tpu.dma_semaphore, #tpu.memory_space<semaphore_mem>>) src(%arg4 : memref<32768xf32, #tpu.memory_space<vmem>>) dst(%dma_wait3A_1206 : memref<32768xf32, #tpu.memory_space<hbm>>)
    %add3A_1207 = arith.constant 37 : i32
    %add3A_1208 = arith.addi %mul3A_2, %add3A_1207 : i32
    %mul3A_1209 = arith.constant 32768 : i32
    %mul3A_1210 = arith.muli %add3A_1208, %mul3A_1209 : i32
    %dma_wait3A_1211 = tpu.memref_slice %arg3[%mul3A_1210] : memref<134217728xf32, #tpu.memory_space<hbm>> -> memref<32768xf32, #tpu.memory_space<hbm>>
    %dma_wait3A_1212 = tpu.memref_slice %arg3[%mul3A_1210] : memref<134217728xf32, #tpu.memory_space<hbm>> -> memref<32768xf32, #tpu.memory_space<hbm>>
    tpu.wait_dma2 semaphore(%arg8 : memref<!tpu.dma_semaphore, #tpu.memory_space<semaphore_mem>>) src(%arg4 : memref<32768xf32, #tpu.memory_space<vmem>>) dst(%dma_wait3A_1212 : memref<32768xf32, #tpu.memory_space<hbm>>)
    %add3A_1213 = arith.constant 38 : i32
    %add3A_1214 = arith.addi %mul3A_2, %add3A_1213 : i32
    %mul3A_1215 = arith.constant 32768 : i32
    %mul3A_1216 = arith.muli %add3A_1214, %mul3A_1215 : i32
    %dma_wait3A_1217 = tpu.memref_slice %arg3[%mul3A_1216] : memref<134217728xf32, #tpu.memory_space<hbm>> -> memref<32768xf32, #tpu.memory_space<hbm>>
    %dma_wait3A_1218 = tpu.memref_slice %arg3[%mul3A_1216] : memref<134217728xf32, #tpu.memory_space<hbm>> -> memref<32768xf32, #tpu.memory_space<hbm>>
    tpu.wait_dma2 semaphore(%arg8 : memref<!tpu.dma_semaphore, #tpu.memory_space<semaphore_mem>>) src(%arg4 : memref<32768xf32, #tpu.memory_space<vmem>>) dst(%dma_wait3A_1218 : memref<32768xf32, #tpu.memory_space<hbm>>)
    %add3A_1219 = arith.constant 39 : i32
    %add3A_1220 = arith.addi %mul3A_2, %add3A_1219 : i32
    %mul3A_1221 = arith.constant 32768 : i32
    %mul3A_1222 = arith.muli %add3A_1220, %mul3A_1221 : i32
    %dma_wait3A_1223 = tpu.memref_slice %arg3[%mul3A_1222] : memref<134217728xf32, #tpu.memory_space<hbm>> -> memref<32768xf32, #tpu.memory_space<hbm>>
    %dma_wait3A_1224 = tpu.memref_slice %arg3[%mul3A_1222] : memref<134217728xf32, #tpu.memory_space<hbm>> -> memref<32768xf32, #tpu.memory_space<hbm>>
    tpu.wait_dma2 semaphore(%arg8 : memref<!tpu.dma_semaphore, #tpu.memory_space<semaphore_mem>>) src(%arg4 : memref<32768xf32, #tpu.memory_space<vmem>>) dst(%dma_wait3A_1224 : memref<32768xf32, #tpu.memory_space<hbm>>)
    %add3A_1225 = arith.constant 40 : i32
    %add3A_1226 = arith.addi %mul3A_2, %add3A_1225 : i32
    %mul3A_1227 = arith.constant 32768 : i32
    %mul3A_1228 = arith.muli %add3A_1226, %mul3A_1227 : i32
    %dma_wait3A_1229 = tpu.memref_slice %arg3[%mul3A_1228] : memref<134217728xf32, #tpu.memory_space<hbm>> -> memref<32768xf32, #tpu.memory_space<hbm>>
    %dma_wait3A_1230 = tpu.memref_slice %arg3[%mul3A_1228] : memref<134217728xf32, #tpu.memory_space<hbm>> -> memref<32768xf32, #tpu.memory_space<hbm>>
    tpu.wait_dma2 semaphore(%arg8 : memref<!tpu.dma_semaphore, #tpu.memory_space<semaphore_mem>>) src(%arg4 : memref<32768xf32, #tpu.memory_space<vmem>>) dst(%dma_wait3A_1230 : memref<32768xf32, #tpu.memory_space<hbm>>)
    %add3A_1231 = arith.constant 41 : i32
    %add3A_1232 = arith.addi %mul3A_2, %add3A_1231 : i32
    %mul3A_1233 = arith.constant 32768 : i32
    %mul3A_1234 = arith.muli %add3A_1232, %mul3A_1233 : i32
    %dma_wait3A_1235 = tpu.memref_slice %arg3[%mul3A_1234] : memref<134217728xf32, #tpu.memory_space<hbm>> -> memref<32768xf32, #tpu.memory_space<hbm>>
    %dma_wait3A_1236 = tpu.memref_slice %arg3[%mul3A_1234] : memref<134217728xf32, #tpu.memory_space<hbm>> -> memref<32768xf32, #tpu.memory_space<hbm>>
    tpu.wait_dma2 semaphore(%arg8 : memref<!tpu.dma_semaphore, #tpu.memory_space<semaphore_mem>>) src(%arg4 : memref<32768xf32, #tpu.memory_space<vmem>>) dst(%dma_wait3A_1236 : memref<32768xf32, #tpu.memory_space<hbm>>)
    %add3A_1237 = arith.constant 42 : i32
    %add3A_1238 = arith.addi %mul3A_2, %add3A_1237 : i32
    %mul3A_1239 = arith.constant 32768 : i32
    %mul3A_1240 = arith.muli %add3A_1238, %mul3A_1239 : i32
    %dma_wait3A_1241 = tpu.memref_slice %arg3[%mul3A_1240] : memref<134217728xf32, #tpu.memory_space<hbm>> -> memref<32768xf32, #tpu.memory_space<hbm>>
    %dma_wait3A_1242 = tpu.memref_slice %arg3[%mul3A_1240] : memref<134217728xf32, #tpu.memory_space<hbm>> -> memref<32768xf32, #tpu.memory_space<hbm>>
    tpu.wait_dma2 semaphore(%arg8 : memref<!tpu.dma_semaphore, #tpu.memory_space<semaphore_mem>>) src(%arg4 : memref<32768xf32, #tpu.memory_space<vmem>>) dst(%dma_wait3A_1242 : memref<32768xf32, #tpu.memory_space<hbm>>)
    %add3A_1243 = arith.constant 43 : i32
    %add3A_1244 = arith.addi %mul3A_2, %add3A_1243 : i32
    %mul3A_1245 = arith.constant 32768 : i32
    %mul3A_1246 = arith.muli %add3A_1244, %mul3A_1245 : i32
    %dma_wait3A_1247 = tpu.memref_slice %arg3[%mul3A_1246] : memref<134217728xf32, #tpu.memory_space<hbm>> -> memref<32768xf32, #tpu.memory_space<hbm>>
    %dma_wait3A_1248 = tpu.memref_slice %arg3[%mul3A_1246] : memref<134217728xf32, #tpu.memory_space<hbm>> -> memref<32768xf32, #tpu.memory_space<hbm>>
    tpu.wait_dma2 semaphore(%arg8 : memref<!tpu.dma_semaphore, #tpu.memory_space<semaphore_mem>>) src(%arg4 : memref<32768xf32, #tpu.memory_space<vmem>>) dst(%dma_wait3A_1248 : memref<32768xf32, #tpu.memory_space<hbm>>)
    %add3A_1249 = arith.constant 44 : i32
    %add3A_1250 = arith.addi %mul3A_2, %add3A_1249 : i32
    %mul3A_1251 = arith.constant 32768 : i32
    %mul3A_1252 = arith.muli %add3A_1250, %mul3A_1251 : i32
    %dma_wait3A_1253 = tpu.memref_slice %arg3[%mul3A_1252] : memref<134217728xf32, #tpu.memory_space<hbm>> -> memref<32768xf32, #tpu.memory_space<hbm>>
    %dma_wait3A_1254 = tpu.memref_slice %arg3[%mul3A_1252] : memref<134217728xf32, #tpu.memory_space<hbm>> -> memref<32768xf32, #tpu.memory_space<hbm>>
    tpu.wait_dma2 semaphore(%arg8 : memref<!tpu.dma_semaphore, #tpu.memory_space<semaphore_mem>>) src(%arg4 : memref<32768xf32, #tpu.memory_space<vmem>>) dst(%dma_wait3A_1254 : memref<32768xf32, #tpu.memory_space<hbm>>)
    %add3A_1255 = arith.constant 45 : i32
    %add3A_1256 = arith.addi %mul3A_2, %add3A_1255 : i32
    %mul3A_1257 = arith.constant 32768 : i32
    %mul3A_1258 = arith.muli %add3A_1256, %mul3A_1257 : i32
    %dma_wait3A_1259 = tpu.memref_slice %arg3[%mul3A_1258] : memref<134217728xf32, #tpu.memory_space<hbm>> -> memref<32768xf32, #tpu.memory_space<hbm>>
    %dma_wait3A_1260 = tpu.memref_slice %arg3[%mul3A_1258] : memref<134217728xf32, #tpu.memory_space<hbm>> -> memref<32768xf32, #tpu.memory_space<hbm>>
    tpu.wait_dma2 semaphore(%arg8 : memref<!tpu.dma_semaphore, #tpu.memory_space<semaphore_mem>>) src(%arg4 : memref<32768xf32, #tpu.memory_space<vmem>>) dst(%dma_wait3A_1260 : memref<32768xf32, #tpu.memory_space<hbm>>)
    %add3A_1261 = arith.constant 46 : i32
    %add3A_1262 = arith.addi %mul3A_2, %add3A_1261 : i32
    %mul3A_1263 = arith.constant 32768 : i32
    %mul3A_1264 = arith.muli %add3A_1262, %mul3A_1263 : i32
    %dma_wait3A_1265 = tpu.memref_slice %arg3[%mul3A_1264] : memref<134217728xf32, #tpu.memory_space<hbm>> -> memref<32768xf32, #tpu.memory_space<hbm>>
    %dma_wait3A_1266 = tpu.memref_slice %arg3[%mul3A_1264] : memref<134217728xf32, #tpu.memory_space<hbm>> -> memref<32768xf32, #tpu.memory_space<hbm>>
    tpu.wait_dma2 semaphore(%arg8 : memref<!tpu.dma_semaphore, #tpu.memory_space<semaphore_mem>>) src(%arg4 : memref<32768xf32, #tpu.memory_space<vmem>>) dst(%dma_wait3A_1266 : memref<32768xf32, #tpu.memory_space<hbm>>)
    %add3A_1267 = arith.constant 47 : i32
    %add3A_1268 = arith.addi %mul3A_2, %add3A_1267 : i32
    %mul3A_1269 = arith.constant 32768 : i32
    %mul3A_1270 = arith.muli %add3A_1268, %mul3A_1269 : i32
    %dma_wait3A_1271 = tpu.memref_slice %arg3[%mul3A_1270] : memref<134217728xf32, #tpu.memory_space<hbm>> -> memref<32768xf32, #tpu.memory_space<hbm>>
    %dma_wait3A_1272 = tpu.memref_slice %arg3[%mul3A_1270] : memref<134217728xf32, #tpu.memory_space<hbm>> -> memref<32768xf32, #tpu.memory_space<hbm>>
    tpu.wait_dma2 semaphore(%arg8 : memref<!tpu.dma_semaphore, #tpu.memory_space<semaphore_mem>>) src(%arg4 : memref<32768xf32, #tpu.memory_space<vmem>>) dst(%dma_wait3A_1272 : memref<32768xf32, #tpu.memory_space<hbm>>)
    %add3A_1273 = arith.constant 48 : i32
    %add3A_1274 = arith.addi %mul3A_2, %add3A_1273 : i32
    %mul3A_1275 = arith.constant 32768 : i32
    %mul3A_1276 = arith.muli %add3A_1274, %mul3A_1275 : i32
    %dma_wait3A_1277 = tpu.memref_slice %arg3[%mul3A_1276] : memref<134217728xf32, #tpu.memory_space<hbm>> -> memref<32768xf32, #tpu.memory_space<hbm>>
    %dma_wait3A_1278 = tpu.memref_slice %arg3[%mul3A_1276] : memref<134217728xf32, #tpu.memory_space<hbm>> -> memref<32768xf32, #tpu.memory_space<hbm>>
    tpu.wait_dma2 semaphore(%arg8 : memref<!tpu.dma_semaphore, #tpu.memory_space<semaphore_mem>>) src(%arg4 : memref<32768xf32, #tpu.memory_space<vmem>>) dst(%dma_wait3A_1278 : memref<32768xf32, #tpu.memory_space<hbm>>)
    %add3A_1279 = arith.constant 49 : i32
    %add3A_1280 = arith.addi %mul3A_2, %add3A_1279 : i32
    %mul3A_1281 = arith.constant 32768 : i32
    %mul3A_1282 = arith.muli %add3A_1280, %mul3A_1281 : i32
    %dma_wait3A_1283 = tpu.memref_slice %arg3[%mul3A_1282] : memref<134217728xf32, #tpu.memory_space<hbm>> -> memref<32768xf32, #tpu.memory_space<hbm>>
    %dma_wait3A_1284 = tpu.memref_slice %arg3[%mul3A_1282] : memref<134217728xf32, #tpu.memory_space<hbm>> -> memref<32768xf32, #tpu.memory_space<hbm>>
    tpu.wait_dma2 semaphore(%arg8 : memref<!tpu.dma_semaphore, #tpu.memory_space<semaphore_mem>>) src(%arg4 : memref<32768xf32, #tpu.memory_space<vmem>>) dst(%dma_wait3A_1284 : memref<32768xf32, #tpu.memory_space<hbm>>)
    %add3A_1285 = arith.constant 50 : i32
    %add3A_1286 = arith.addi %mul3A_2, %add3A_1285 : i32
    %mul3A_1287 = arith.constant 32768 : i32
    %mul3A_1288 = arith.muli %add3A_1286, %mul3A_1287 : i32
    %dma_wait3A_1289 = tpu.memref_slice %arg3[%mul3A_1288] : memref<134217728xf32, #tpu.memory_space<hbm>> -> memref<32768xf32, #tpu.memory_space<hbm>>
    %dma_wait3A_1290 = tpu.memref_slice %arg3[%mul3A_1288] : memref<134217728xf32, #tpu.memory_space<hbm>> -> memref<32768xf32, #tpu.memory_space<hbm>>
    tpu.wait_dma2 semaphore(%arg8 : memref<!tpu.dma_semaphore, #tpu.memory_space<semaphore_mem>>) src(%arg4 : memref<32768xf32, #tpu.memory_space<vmem>>) dst(%dma_wait3A_1290 : memref<32768xf32, #tpu.memory_space<hbm>>)
    %add3A_1291 = arith.constant 51 : i32
    %add3A_1292 = arith.addi %mul3A_2, %add3A_1291 : i32
    %mul3A_1293 = arith.constant 32768 : i32
    %mul3A_1294 = arith.muli %add3A_1292, %mul3A_1293 : i32
    %dma_wait3A_1295 = tpu.memref_slice %arg3[%mul3A_1294] : memref<134217728xf32, #tpu.memory_space<hbm>> -> memref<32768xf32, #tpu.memory_space<hbm>>
    %dma_wait3A_1296 = tpu.memref_slice %arg3[%mul3A_1294] : memref<134217728xf32, #tpu.memory_space<hbm>> -> memref<32768xf32, #tpu.memory_space<hbm>>
    tpu.wait_dma2 semaphore(%arg8 : memref<!tpu.dma_semaphore, #tpu.memory_space<semaphore_mem>>) src(%arg4 : memref<32768xf32, #tpu.memory_space<vmem>>) dst(%dma_wait3A_1296 : memref<32768xf32, #tpu.memory_space<hbm>>)
    %add3A_1297 = arith.constant 52 : i32
    %add3A_1298 = arith.addi %mul3A_2, %add3A_1297 : i32
    %mul3A_1299 = arith.constant 32768 : i32
    %mul3A_1300 = arith.muli %add3A_1298, %mul3A_1299 : i32
    %dma_wait3A_1301 = tpu.memref_slice %arg3[%mul3A_1300] : memref<134217728xf32, #tpu.memory_space<hbm>> -> memref<32768xf32, #tpu.memory_space<hbm>>
    %dma_wait3A_1302 = tpu.memref_slice %arg3[%mul3A_1300] : memref<134217728xf32, #tpu.memory_space<hbm>> -> memref<32768xf32, #tpu.memory_space<hbm>>
    tpu.wait_dma2 semaphore(%arg8 : memref<!tpu.dma_semaphore, #tpu.memory_space<semaphore_mem>>) src(%arg4 : memref<32768xf32, #tpu.memory_space<vmem>>) dst(%dma_wait3A_1302 : memref<32768xf32, #tpu.memory_space<hbm>>)
    %add3A_1303 = arith.constant 53 : i32
    %add3A_1304 = arith.addi %mul3A_2, %add3A_1303 : i32
    %mul3A_1305 = arith.constant 32768 : i32
    %mul3A_1306 = arith.muli %add3A_1304, %mul3A_1305 : i32
    %dma_wait3A_1307 = tpu.memref_slice %arg3[%mul3A_1306] : memref<134217728xf32, #tpu.memory_space<hbm>> -> memref<32768xf32, #tpu.memory_space<hbm>>
    %dma_wait3A_1308 = tpu.memref_slice %arg3[%mul3A_1306] : memref<134217728xf32, #tpu.memory_space<hbm>> -> memref<32768xf32, #tpu.memory_space<hbm>>
    tpu.wait_dma2 semaphore(%arg8 : memref<!tpu.dma_semaphore, #tpu.memory_space<semaphore_mem>>) src(%arg4 : memref<32768xf32, #tpu.memory_space<vmem>>) dst(%dma_wait3A_1308 : memref<32768xf32, #tpu.memory_space<hbm>>)
    %add3A_1309 = arith.constant 54 : i32
    %add3A_1310 = arith.addi %mul3A_2, %add3A_1309 : i32
    %mul3A_1311 = arith.constant 32768 : i32
    %mul3A_1312 = arith.muli %add3A_1310, %mul3A_1311 : i32
    %dma_wait3A_1313 = tpu.memref_slice %arg3[%mul3A_1312] : memref<134217728xf32, #tpu.memory_space<hbm>> -> memref<32768xf32, #tpu.memory_space<hbm>>
    %dma_wait3A_1314 = tpu.memref_slice %arg3[%mul3A_1312] : memref<134217728xf32, #tpu.memory_space<hbm>> -> memref<32768xf32, #tpu.memory_space<hbm>>
    tpu.wait_dma2 semaphore(%arg8 : memref<!tpu.dma_semaphore, #tpu.memory_space<semaphore_mem>>) src(%arg4 : memref<32768xf32, #tpu.memory_space<vmem>>) dst(%dma_wait3A_1314 : memref<32768xf32, #tpu.memory_space<hbm>>)
    %add3A_1315 = arith.constant 55 : i32
    %add3A_1316 = arith.addi %mul3A_2, %add3A_1315 : i32
    %mul3A_1317 = arith.constant 32768 : i32
    %mul3A_1318 = arith.muli %add3A_1316, %mul3A_1317 : i32
    %dma_wait3A_1319 = tpu.memref_slice %arg3[%mul3A_1318] : memref<134217728xf32, #tpu.memory_space<hbm>> -> memref<32768xf32, #tpu.memory_space<hbm>>
    %dma_wait3A_1320 = tpu.memref_slice %arg3[%mul3A_1318] : memref<134217728xf32, #tpu.memory_space<hbm>> -> memref<32768xf32, #tpu.memory_space<hbm>>
    tpu.wait_dma2 semaphore(%arg8 : memref<!tpu.dma_semaphore, #tpu.memory_space<semaphore_mem>>) src(%arg4 : memref<32768xf32, #tpu.memory_space<vmem>>) dst(%dma_wait3A_1320 : memref<32768xf32, #tpu.memory_space<hbm>>)
    %add3A_1321 = arith.constant 56 : i32
    %add3A_1322 = arith.addi %mul3A_2, %add3A_1321 : i32
    %mul3A_1323 = arith.constant 32768 : i32
    %mul3A_1324 = arith.muli %add3A_1322, %mul3A_1323 : i32
    %dma_wait3A_1325 = tpu.memref_slice %arg3[%mul3A_1324] : memref<134217728xf32, #tpu.memory_space<hbm>> -> memref<32768xf32, #tpu.memory_space<hbm>>
    %dma_wait3A_1326 = tpu.memref_slice %arg3[%mul3A_1324] : memref<134217728xf32, #tpu.memory_space<hbm>> -> memref<32768xf32, #tpu.memory_space<hbm>>
    tpu.wait_dma2 semaphore(%arg8 : memref<!tpu.dma_semaphore, #tpu.memory_space<semaphore_mem>>) src(%arg4 : memref<32768xf32, #tpu.memory_space<vmem>>) dst(%dma_wait3A_1326 : memref<32768xf32, #tpu.memory_space<hbm>>)
    %add3A_1327 = arith.constant 57 : i32
    %add3A_1328 = arith.addi %mul3A_2, %add3A_1327 : i32
    %mul3A_1329 = arith.constant 32768 : i32
    %mul3A_1330 = arith.muli %add3A_1328, %mul3A_1329 : i32
    %dma_wait3A_1331 = tpu.memref_slice %arg3[%mul3A_1330] : memref<134217728xf32, #tpu.memory_space<hbm>> -> memref<32768xf32, #tpu.memory_space<hbm>>
    %dma_wait3A_1332 = tpu.memref_slice %arg3[%mul3A_1330] : memref<134217728xf32, #tpu.memory_space<hbm>> -> memref<32768xf32, #tpu.memory_space<hbm>>
    tpu.wait_dma2 semaphore(%arg8 : memref<!tpu.dma_semaphore, #tpu.memory_space<semaphore_mem>>) src(%arg4 : memref<32768xf32, #tpu.memory_space<vmem>>) dst(%dma_wait3A_1332 : memref<32768xf32, #tpu.memory_space<hbm>>)
    %add3A_1333 = arith.constant 58 : i32
    %add3A_1334 = arith.addi %mul3A_2, %add3A_1333 : i32
    %mul3A_1335 = arith.constant 32768 : i32
    %mul3A_1336 = arith.muli %add3A_1334, %mul3A_1335 : i32
    %dma_wait3A_1337 = tpu.memref_slice %arg3[%mul3A_1336] : memref<134217728xf32, #tpu.memory_space<hbm>> -> memref<32768xf32, #tpu.memory_space<hbm>>
    %dma_wait3A_1338 = tpu.memref_slice %arg3[%mul3A_1336] : memref<134217728xf32, #tpu.memory_space<hbm>> -> memref<32768xf32, #tpu.memory_space<hbm>>
    tpu.wait_dma2 semaphore(%arg8 : memref<!tpu.dma_semaphore, #tpu.memory_space<semaphore_mem>>) src(%arg4 : memref<32768xf32, #tpu.memory_space<vmem>>) dst(%dma_wait3A_1338 : memref<32768xf32, #tpu.memory_space<hbm>>)
    %add3A_1339 = arith.constant 59 : i32
    %add3A_1340 = arith.addi %mul3A_2, %add3A_1339 : i32
    %mul3A_1341 = arith.constant 32768 : i32
    %mul3A_1342 = arith.muli %add3A_1340, %mul3A_1341 : i32
    %dma_wait3A_1343 = tpu.memref_slice %arg3[%mul3A_1342] : memref<134217728xf32, #tpu.memory_space<hbm>> -> memref<32768xf32, #tpu.memory_space<hbm>>
    %dma_wait3A_1344 = tpu.memref_slice %arg3[%mul3A_1342] : memref<134217728xf32, #tpu.memory_space<hbm>> -> memref<32768xf32, #tpu.memory_space<hbm>>
    tpu.wait_dma2 semaphore(%arg8 : memref<!tpu.dma_semaphore, #tpu.memory_space<semaphore_mem>>) src(%arg4 : memref<32768xf32, #tpu.memory_space<vmem>>) dst(%dma_wait3A_1344 : memref<32768xf32, #tpu.memory_space<hbm>>)
    %add3A_1345 = arith.constant 60 : i32
    %add3A_1346 = arith.addi %mul3A_2, %add3A_1345 : i32
    %mul3A_1347 = arith.constant 32768 : i32
    %mul3A_1348 = arith.muli %add3A_1346, %mul3A_1347 : i32
    %dma_wait3A_1349 = tpu.memref_slice %arg3[%mul3A_1348] : memref<134217728xf32, #tpu.memory_space<hbm>> -> memref<32768xf32, #tpu.memory_space<hbm>>
    %dma_wait3A_1350 = tpu.memref_slice %arg3[%mul3A_1348] : memref<134217728xf32, #tpu.memory_space<hbm>> -> memref<32768xf32, #tpu.memory_space<hbm>>
    tpu.wait_dma2 semaphore(%arg8 : memref<!tpu.dma_semaphore, #tpu.memory_space<semaphore_mem>>) src(%arg4 : memref<32768xf32, #tpu.memory_space<vmem>>) dst(%dma_wait3A_1350 : memref<32768xf32, #tpu.memory_space<hbm>>)
    %add3A_1351 = arith.constant 61 : i32
    %add3A_1352 = arith.addi %mul3A_2, %add3A_1351 : i32
    %mul3A_1353 = arith.constant 32768 : i32
    %mul3A_1354 = arith.muli %add3A_1352, %mul3A_1353 : i32
    %dma_wait3A_1355 = tpu.memref_slice %arg3[%mul3A_1354] : memref<134217728xf32, #tpu.memory_space<hbm>> -> memref<32768xf32, #tpu.memory_space<hbm>>
    %dma_wait3A_1356 = tpu.memref_slice %arg3[%mul3A_1354] : memref<134217728xf32, #tpu.memory_space<hbm>> -> memref<32768xf32, #tpu.memory_space<hbm>>
    tpu.wait_dma2 semaphore(%arg8 : memref<!tpu.dma_semaphore, #tpu.memory_space<semaphore_mem>>) src(%arg4 : memref<32768xf32, #tpu.memory_space<vmem>>) dst(%dma_wait3A_1356 : memref<32768xf32, #tpu.memory_space<hbm>>)
    %add3A_1357 = arith.constant 62 : i32
    %add3A_1358 = arith.addi %mul3A_2, %add3A_1357 : i32
    %mul3A_1359 = arith.constant 32768 : i32
    %mul3A_1360 = arith.muli %add3A_1358, %mul3A_1359 : i32
    %dma_wait3A_1361 = tpu.memref_slice %arg3[%mul3A_1360] : memref<134217728xf32, #tpu.memory_space<hbm>> -> memref<32768xf32, #tpu.memory_space<hbm>>
    %dma_wait3A_1362 = tpu.memref_slice %arg3[%mul3A_1360] : memref<134217728xf32, #tpu.memory_space<hbm>> -> memref<32768xf32, #tpu.memory_space<hbm>>
    tpu.wait_dma2 semaphore(%arg8 : memref<!tpu.dma_semaphore, #tpu.memory_space<semaphore_mem>>) src(%arg4 : memref<32768xf32, #tpu.memory_space<vmem>>) dst(%dma_wait3A_1362 : memref<32768xf32, #tpu.memory_space<hbm>>)
    %add3A_1363 = arith.constant 63 : i32
    %add3A_1364 = arith.addi %mul3A_2, %add3A_1363 : i32
    %mul3A_1365 = arith.constant 32768 : i32
    %mul3A_1366 = arith.muli %add3A_1364, %mul3A_1365 : i32
    %dma_wait3A_1367 = tpu.memref_slice %arg3[%mul3A_1366] : memref<134217728xf32, #tpu.memory_space<hbm>> -> memref<32768xf32, #tpu.memory_space<hbm>>
    %dma_wait3A_1368 = tpu.memref_slice %arg3[%mul3A_1366] : memref<134217728xf32, #tpu.memory_space<hbm>> -> memref<32768xf32, #tpu.memory_space<hbm>>
    tpu.wait_dma2 semaphore(%arg8 : memref<!tpu.dma_semaphore, #tpu.memory_space<semaphore_mem>>) src(%arg4 : memref<32768xf32, #tpu.memory_space<vmem>>) dst(%dma_wait3A_1368 : memref<32768xf32, #tpu.memory_space<hbm>>)
    %add3A_1369 = arith.constant 64 : i32
    %add3A_1370 = arith.addi %mul3A_2, %add3A_1369 : i32
    %mul3A_1371 = arith.constant 32768 : i32
    %mul3A_1372 = arith.muli %add3A_1370, %mul3A_1371 : i32
    %dma_wait3A_1373 = tpu.memref_slice %arg3[%mul3A_1372] : memref<134217728xf32, #tpu.memory_space<hbm>> -> memref<32768xf32, #tpu.memory_space<hbm>>
    %dma_wait3A_1374 = tpu.memref_slice %arg3[%mul3A_1372] : memref<134217728xf32, #tpu.memory_space<hbm>> -> memref<32768xf32, #tpu.memory_space<hbm>>
    tpu.wait_dma2 semaphore(%arg8 : memref<!tpu.dma_semaphore, #tpu.memory_space<semaphore_mem>>) src(%arg4 : memref<32768xf32, #tpu.memory_space<vmem>>) dst(%dma_wait3A_1374 : memref<32768xf32, #tpu.memory_space<hbm>>)
    %add3A_1375 = arith.constant 65 : i32
    %add3A_1376 = arith.addi %mul3A_2, %add3A_1375 : i32
    %mul3A_1377 = arith.constant 32768 : i32
    %mul3A_1378 = arith.muli %add3A_1376, %mul3A_1377 : i32
    %dma_wait3A_1379 = tpu.memref_slice %arg3[%mul3A_1378] : memref<134217728xf32, #tpu.memory_space<hbm>> -> memref<32768xf32, #tpu.memory_space<hbm>>
    %dma_wait3A_1380 = tpu.memref_slice %arg3[%mul3A_1378] : memref<134217728xf32, #tpu.memory_space<hbm>> -> memref<32768xf32, #tpu.memory_space<hbm>>
    tpu.wait_dma2 semaphore(%arg8 : memref<!tpu.dma_semaphore, #tpu.memory_space<semaphore_mem>>) src(%arg4 : memref<32768xf32, #tpu.memory_space<vmem>>) dst(%dma_wait3A_1380 : memref<32768xf32, #tpu.memory_space<hbm>>)
    %add3A_1381 = arith.constant 66 : i32
    %add3A_1382 = arith.addi %mul3A_2, %add3A_1381 : i32
    %mul3A_1383 = arith.constant 32768 : i32
    %mul3A_1384 = arith.muli %add3A_1382, %mul3A_1383 : i32
    %dma_wait3A_1385 = tpu.memref_slice %arg3[%mul3A_1384] : memref<134217728xf32, #tpu.memory_space<hbm>> -> memref<32768xf32, #tpu.memory_space<hbm>>
    %dma_wait3A_1386 = tpu.memref_slice %arg3[%mul3A_1384] : memref<134217728xf32, #tpu.memory_space<hbm>> -> memref<32768xf32, #tpu.memory_space<hbm>>
    tpu.wait_dma2 semaphore(%arg8 : memref<!tpu.dma_semaphore, #tpu.memory_space<semaphore_mem>>) src(%arg4 : memref<32768xf32, #tpu.memory_space<vmem>>) dst(%dma_wait3A_1386 : memref<32768xf32, #tpu.memory_space<hbm>>)
    %add3A_1387 = arith.constant 67 : i32
    %add3A_1388 = arith.addi %mul3A_2, %add3A_1387 : i32
    %mul3A_1389 = arith.constant 32768 : i32
    %mul3A_1390 = arith.muli %add3A_1388, %mul3A_1389 : i32
    %dma_wait3A_1391 = tpu.memref_slice %arg3[%mul3A_1390] : memref<134217728xf32, #tpu.memory_space<hbm>> -> memref<32768xf32, #tpu.memory_space<hbm>>
    %dma_wait3A_1392 = tpu.memref_slice %arg3[%mul3A_1390] : memref<134217728xf32, #tpu.memory_space<hbm>> -> memref<32768xf32, #tpu.memory_space<hbm>>
    tpu.wait_dma2 semaphore(%arg8 : memref<!tpu.dma_semaphore, #tpu.memory_space<semaphore_mem>>) src(%arg4 : memref<32768xf32, #tpu.memory_space<vmem>>) dst(%dma_wait3A_1392 : memref<32768xf32, #tpu.memory_space<hbm>>)
    %add3A_1393 = arith.constant 68 : i32
    %add3A_1394 = arith.addi %mul3A_2, %add3A_1393 : i32
    %mul3A_1395 = arith.constant 32768 : i32
    %mul3A_1396 = arith.muli %add3A_1394, %mul3A_1395 : i32
    %dma_wait3A_1397 = tpu.memref_slice %arg3[%mul3A_1396] : memref<134217728xf32, #tpu.memory_space<hbm>> -> memref<32768xf32, #tpu.memory_space<hbm>>
    %dma_wait3A_1398 = tpu.memref_slice %arg3[%mul3A_1396] : memref<134217728xf32, #tpu.memory_space<hbm>> -> memref<32768xf32, #tpu.memory_space<hbm>>
    tpu.wait_dma2 semaphore(%arg8 : memref<!tpu.dma_semaphore, #tpu.memory_space<semaphore_mem>>) src(%arg4 : memref<32768xf32, #tpu.memory_space<vmem>>) dst(%dma_wait3A_1398 : memref<32768xf32, #tpu.memory_space<hbm>>)
    %add3A_1399 = arith.constant 69 : i32
    %add3A_1400 = arith.addi %mul3A_2, %add3A_1399 : i32
    %mul3A_1401 = arith.constant 32768 : i32
    %mul3A_1402 = arith.muli %add3A_1400, %mul3A_1401 : i32
    %dma_wait3A_1403 = tpu.memref_slice %arg3[%mul3A_1402] : memref<134217728xf32, #tpu.memory_space<hbm>> -> memref<32768xf32, #tpu.memory_space<hbm>>
    %dma_wait3A_1404 = tpu.memref_slice %arg3[%mul3A_1402] : memref<134217728xf32, #tpu.memory_space<hbm>> -> memref<32768xf32, #tpu.memory_space<hbm>>
    tpu.wait_dma2 semaphore(%arg8 : memref<!tpu.dma_semaphore, #tpu.memory_space<semaphore_mem>>) src(%arg4 : memref<32768xf32, #tpu.memory_space<vmem>>) dst(%dma_wait3A_1404 : memref<32768xf32, #tpu.memory_space<hbm>>)
    %add3A_1405 = arith.constant 70 : i32
    %add3A_1406 = arith.addi %mul3A_2, %add3A_1405 : i32
    %mul3A_1407 = arith.constant 32768 : i32
    %mul3A_1408 = arith.muli %add3A_1406, %mul3A_1407 : i32
    %dma_wait3A_1409 = tpu.memref_slice %arg3[%mul3A_1408] : memref<134217728xf32, #tpu.memory_space<hbm>> -> memref<32768xf32, #tpu.memory_space<hbm>>
    %dma_wait3A_1410 = tpu.memref_slice %arg3[%mul3A_1408] : memref<134217728xf32, #tpu.memory_space<hbm>> -> memref<32768xf32, #tpu.memory_space<hbm>>
    tpu.wait_dma2 semaphore(%arg8 : memref<!tpu.dma_semaphore, #tpu.memory_space<semaphore_mem>>) src(%arg4 : memref<32768xf32, #tpu.memory_space<vmem>>) dst(%dma_wait3A_1410 : memref<32768xf32, #tpu.memory_space<hbm>>)
    %add3A_1411 = arith.constant 71 : i32
    %add3A_1412 = arith.addi %mul3A_2, %add3A_1411 : i32
    %mul3A_1413 = arith.constant 32768 : i32
    %mul3A_1414 = arith.muli %add3A_1412, %mul3A_1413 : i32
    %dma_wait3A_1415 = tpu.memref_slice %arg3[%mul3A_1414] : memref<134217728xf32, #tpu.memory_space<hbm>> -> memref<32768xf32, #tpu.memory_space<hbm>>
    %dma_wait3A_1416 = tpu.memref_slice %arg3[%mul3A_1414] : memref<134217728xf32, #tpu.memory_space<hbm>> -> memref<32768xf32, #tpu.memory_space<hbm>>
    tpu.wait_dma2 semaphore(%arg8 : memref<!tpu.dma_semaphore, #tpu.memory_space<semaphore_mem>>) src(%arg4 : memref<32768xf32, #tpu.memory_space<vmem>>) dst(%dma_wait3A_1416 : memref<32768xf32, #tpu.memory_space<hbm>>)
    %add3A_1417 = arith.constant 72 : i32
    %add3A_1418 = arith.addi %mul3A_2, %add3A_1417 : i32
    %mul3A_1419 = arith.constant 32768 : i32
    %mul3A_1420 = arith.muli %add3A_1418, %mul3A_1419 : i32
    %dma_wait3A_1421 = tpu.memref_slice %arg3[%mul3A_1420] : memref<134217728xf32, #tpu.memory_space<hbm>> -> memref<32768xf32, #tpu.memory_space<hbm>>
    %dma_wait3A_1422 = tpu.memref_slice %arg3[%mul3A_1420] : memref<134217728xf32, #tpu.memory_space<hbm>> -> memref<32768xf32, #tpu.memory_space<hbm>>
    tpu.wait_dma2 semaphore(%arg8 : memref<!tpu.dma_semaphore, #tpu.memory_space<semaphore_mem>>) src(%arg4 : memref<32768xf32, #tpu.memory_space<vmem>>) dst(%dma_wait3A_1422 : memref<32768xf32, #tpu.memory_space<hbm>>)
    %add3A_1423 = arith.constant 73 : i32
    %add3A_1424 = arith.addi %mul3A_2, %add3A_1423 : i32
    %mul3A_1425 = arith.constant 32768 : i32
    %mul3A_1426 = arith.muli %add3A_1424, %mul3A_1425 : i32
    %dma_wait3A_1427 = tpu.memref_slice %arg3[%mul3A_1426] : memref<134217728xf32, #tpu.memory_space<hbm>> -> memref<32768xf32, #tpu.memory_space<hbm>>
    %dma_wait3A_1428 = tpu.memref_slice %arg3[%mul3A_1426] : memref<134217728xf32, #tpu.memory_space<hbm>> -> memref<32768xf32, #tpu.memory_space<hbm>>
    tpu.wait_dma2 semaphore(%arg8 : memref<!tpu.dma_semaphore, #tpu.memory_space<semaphore_mem>>) src(%arg4 : memref<32768xf32, #tpu.memory_space<vmem>>) dst(%dma_wait3A_1428 : memref<32768xf32, #tpu.memory_space<hbm>>)
    %add3A_1429 = arith.constant 74 : i32
    %add3A_1430 = arith.addi %mul3A_2, %add3A_1429 : i32
    %mul3A_1431 = arith.constant 32768 : i32
    %mul3A_1432 = arith.muli %add3A_1430, %mul3A_1431 : i32
    %dma_wait3A_1433 = tpu.memref_slice %arg3[%mul3A_1432] : memref<134217728xf32, #tpu.memory_space<hbm>> -> memref<32768xf32, #tpu.memory_space<hbm>>
    %dma_wait3A_1434 = tpu.memref_slice %arg3[%mul3A_1432] : memref<134217728xf32, #tpu.memory_space<hbm>> -> memref<32768xf32, #tpu.memory_space<hbm>>
    tpu.wait_dma2 semaphore(%arg8 : memref<!tpu.dma_semaphore, #tpu.memory_space<semaphore_mem>>) src(%arg4 : memref<32768xf32, #tpu.memory_space<vmem>>) dst(%dma_wait3A_1434 : memref<32768xf32, #tpu.memory_space<hbm>>)
    %add3A_1435 = arith.constant 75 : i32
    %add3A_1436 = arith.addi %mul3A_2, %add3A_1435 : i32
    %mul3A_1437 = arith.constant 32768 : i32
    %mul3A_1438 = arith.muli %add3A_1436, %mul3A_1437 : i32
    %dma_wait3A_1439 = tpu.memref_slice %arg3[%mul3A_1438] : memref<134217728xf32, #tpu.memory_space<hbm>> -> memref<32768xf32, #tpu.memory_space<hbm>>
    %dma_wait3A_1440 = tpu.memref_slice %arg3[%mul3A_1438] : memref<134217728xf32, #tpu.memory_space<hbm>> -> memref<32768xf32, #tpu.memory_space<hbm>>
    tpu.wait_dma2 semaphore(%arg8 : memref<!tpu.dma_semaphore, #tpu.memory_space<semaphore_mem>>) src(%arg4 : memref<32768xf32, #tpu.memory_space<vmem>>) dst(%dma_wait3A_1440 : memref<32768xf32, #tpu.memory_space<hbm>>)
    %add3A_1441 = arith.constant 76 : i32
    %add3A_1442 = arith.addi %mul3A_2, %add3A_1441 : i32
    %mul3A_1443 = arith.constant 32768 : i32
    %mul3A_1444 = arith.muli %add3A_1442, %mul3A_1443 : i32
    %dma_wait3A_1445 = tpu.memref_slice %arg3[%mul3A_1444] : memref<134217728xf32, #tpu.memory_space<hbm>> -> memref<32768xf32, #tpu.memory_space<hbm>>
    %dma_wait3A_1446 = tpu.memref_slice %arg3[%mul3A_1444] : memref<134217728xf32, #tpu.memory_space<hbm>> -> memref<32768xf32, #tpu.memory_space<hbm>>
    tpu.wait_dma2 semaphore(%arg8 : memref<!tpu.dma_semaphore, #tpu.memory_space<semaphore_mem>>) src(%arg4 : memref<32768xf32, #tpu.memory_space<vmem>>) dst(%dma_wait3A_1446 : memref<32768xf32, #tpu.memory_space<hbm>>)
    %add3A_1447 = arith.constant 77 : i32
    %add3A_1448 = arith.addi %mul3A_2, %add3A_1447 : i32
    %mul3A_1449 = arith.constant 32768 : i32
    %mul3A_1450 = arith.muli %add3A_1448, %mul3A_1449 : i32
    %dma_wait3A_1451 = tpu.memref_slice %arg3[%mul3A_1450] : memref<134217728xf32, #tpu.memory_space<hbm>> -> memref<32768xf32, #tpu.memory_space<hbm>>
    %dma_wait3A_1452 = tpu.memref_slice %arg3[%mul3A_1450] : memref<134217728xf32, #tpu.memory_space<hbm>> -> memref<32768xf32, #tpu.memory_space<hbm>>
    tpu.wait_dma2 semaphore(%arg8 : memref<!tpu.dma_semaphore, #tpu.memory_space<semaphore_mem>>) src(%arg4 : memref<32768xf32, #tpu.memory_space<vmem>>) dst(%dma_wait3A_1452 : memref<32768xf32, #tpu.memory_space<hbm>>)
    %add3A_1453 = arith.constant 78 : i32
    %add3A_1454 = arith.addi %mul3A_2, %add3A_1453 : i32
    %mul3A_1455 = arith.constant 32768 : i32
    %mul3A_1456 = arith.muli %add3A_1454, %mul3A_1455 : i32
    %dma_wait3A_1457 = tpu.memref_slice %arg3[%mul3A_1456] : memref<134217728xf32, #tpu.memory_space<hbm>> -> memref<32768xf32, #tpu.memory_space<hbm>>
    %dma_wait3A_1458 = tpu.memref_slice %arg3[%mul3A_1456] : memref<134217728xf32, #tpu.memory_space<hbm>> -> memref<32768xf32, #tpu.memory_space<hbm>>
    tpu.wait_dma2 semaphore(%arg8 : memref<!tpu.dma_semaphore, #tpu.memory_space<semaphore_mem>>) src(%arg4 : memref<32768xf32, #tpu.memory_space<vmem>>) dst(%dma_wait3A_1458 : memref<32768xf32, #tpu.memory_space<hbm>>)
    %add3A_1459 = arith.constant 79 : i32
    %add3A_1460 = arith.addi %mul3A_2, %add3A_1459 : i32
    %mul3A_1461 = arith.constant 32768 : i32
    %mul3A_1462 = arith.muli %add3A_1460, %mul3A_1461 : i32
    %dma_wait3A_1463 = tpu.memref_slice %arg3[%mul3A_1462] : memref<134217728xf32, #tpu.memory_space<hbm>> -> memref<32768xf32, #tpu.memory_space<hbm>>
    %dma_wait3A_1464 = tpu.memref_slice %arg3[%mul3A_1462] : memref<134217728xf32, #tpu.memory_space<hbm>> -> memref<32768xf32, #tpu.memory_space<hbm>>
    tpu.wait_dma2 semaphore(%arg8 : memref<!tpu.dma_semaphore, #tpu.memory_space<semaphore_mem>>) src(%arg4 : memref<32768xf32, #tpu.memory_space<vmem>>) dst(%dma_wait3A_1464 : memref<32768xf32, #tpu.memory_space<hbm>>)
    %add3A_1465 = arith.constant 80 : i32
    %add3A_1466 = arith.addi %mul3A_2, %add3A_1465 : i32
    %mul3A_1467 = arith.constant 32768 : i32
    %mul3A_1468 = arith.muli %add3A_1466, %mul3A_1467 : i32
    %dma_wait3A_1469 = tpu.memref_slice %arg3[%mul3A_1468] : memref<134217728xf32, #tpu.memory_space<hbm>> -> memref<32768xf32, #tpu.memory_space<hbm>>
    %dma_wait3A_1470 = tpu.memref_slice %arg3[%mul3A_1468] : memref<134217728xf32, #tpu.memory_space<hbm>> -> memref<32768xf32, #tpu.memory_space<hbm>>
    tpu.wait_dma2 semaphore(%arg8 : memref<!tpu.dma_semaphore, #tpu.memory_space<semaphore_mem>>) src(%arg4 : memref<32768xf32, #tpu.memory_space<vmem>>) dst(%dma_wait3A_1470 : memref<32768xf32, #tpu.memory_space<hbm>>)
    %add3A_1471 = arith.constant 81 : i32
    %add3A_1472 = arith.addi %mul3A_2, %add3A_1471 : i32
    %mul3A_1473 = arith.constant 32768 : i32
    %mul3A_1474 = arith.muli %add3A_1472, %mul3A_1473 : i32
    %dma_wait3A_1475 = tpu.memref_slice %arg3[%mul3A_1474] : memref<134217728xf32, #tpu.memory_space<hbm>> -> memref<32768xf32, #tpu.memory_space<hbm>>
    %dma_wait3A_1476 = tpu.memref_slice %arg3[%mul3A_1474] : memref<134217728xf32, #tpu.memory_space<hbm>> -> memref<32768xf32, #tpu.memory_space<hbm>>
    tpu.wait_dma2 semaphore(%arg8 : memref<!tpu.dma_semaphore, #tpu.memory_space<semaphore_mem>>) src(%arg4 : memref<32768xf32, #tpu.memory_space<vmem>>) dst(%dma_wait3A_1476 : memref<32768xf32, #tpu.memory_space<hbm>>)
    %add3A_1477 = arith.constant 82 : i32
    %add3A_1478 = arith.addi %mul3A_2, %add3A_1477 : i32
    %mul3A_1479 = arith.constant 32768 : i32
    %mul3A_1480 = arith.muli %add3A_1478, %mul3A_1479 : i32
    %dma_wait3A_1481 = tpu.memref_slice %arg3[%mul3A_1480] : memref<134217728xf32, #tpu.memory_space<hbm>> -> memref<32768xf32, #tpu.memory_space<hbm>>
    %dma_wait3A_1482 = tpu.memref_slice %arg3[%mul3A_1480] : memref<134217728xf32, #tpu.memory_space<hbm>> -> memref<32768xf32, #tpu.memory_space<hbm>>
    tpu.wait_dma2 semaphore(%arg8 : memref<!tpu.dma_semaphore, #tpu.memory_space<semaphore_mem>>) src(%arg4 : memref<32768xf32, #tpu.memory_space<vmem>>) dst(%dma_wait3A_1482 : memref<32768xf32, #tpu.memory_space<hbm>>)
    %add3A_1483 = arith.constant 83 : i32
    %add3A_1484 = arith.addi %mul3A_2, %add3A_1483 : i32
    %mul3A_1485 = arith.constant 32768 : i32
    %mul3A_1486 = arith.muli %add3A_1484, %mul3A_1485 : i32
    %dma_wait3A_1487 = tpu.memref_slice %arg3[%mul3A_1486] : memref<134217728xf32, #tpu.memory_space<hbm>> -> memref<32768xf32, #tpu.memory_space<hbm>>
    %dma_wait3A_1488 = tpu.memref_slice %arg3[%mul3A_1486] : memref<134217728xf32, #tpu.memory_space<hbm>> -> memref<32768xf32, #tpu.memory_space<hbm>>
    tpu.wait_dma2 semaphore(%arg8 : memref<!tpu.dma_semaphore, #tpu.memory_space<semaphore_mem>>) src(%arg4 : memref<32768xf32, #tpu.memory_space<vmem>>) dst(%dma_wait3A_1488 : memref<32768xf32, #tpu.memory_space<hbm>>)
    %add3A_1489 = arith.constant 84 : i32
    %add3A_1490 = arith.addi %mul3A_2, %add3A_1489 : i32
    %mul3A_1491 = arith.constant 32768 : i32
    %mul3A_1492 = arith.muli %add3A_1490, %mul3A_1491 : i32
    %dma_wait3A_1493 = tpu.memref_slice %arg3[%mul3A_1492] : memref<134217728xf32, #tpu.memory_space<hbm>> -> memref<32768xf32, #tpu.memory_space<hbm>>
    %dma_wait3A_1494 = tpu.memref_slice %arg3[%mul3A_1492] : memref<134217728xf32, #tpu.memory_space<hbm>> -> memref<32768xf32, #tpu.memory_space<hbm>>
    tpu.wait_dma2 semaphore(%arg8 : memref<!tpu.dma_semaphore, #tpu.memory_space<semaphore_mem>>) src(%arg4 : memref<32768xf32, #tpu.memory_space<vmem>>) dst(%dma_wait3A_1494 : memref<32768xf32, #tpu.memory_space<hbm>>)
    %add3A_1495 = arith.constant 85 : i32
    %add3A_1496 = arith.addi %mul3A_2, %add3A_1495 : i32
    %mul3A_1497 = arith.constant 32768 : i32
    %mul3A_1498 = arith.muli %add3A_1496, %mul3A_1497 : i32
    %dma_wait3A_1499 = tpu.memref_slice %arg3[%mul3A_1498] : memref<134217728xf32, #tpu.memory_space<hbm>> -> memref<32768xf32, #tpu.memory_space<hbm>>
    %dma_wait3A_1500 = tpu.memref_slice %arg3[%mul3A_1498] : memref<134217728xf32, #tpu.memory_space<hbm>> -> memref<32768xf32, #tpu.memory_space<hbm>>
    tpu.wait_dma2 semaphore(%arg8 : memref<!tpu.dma_semaphore, #tpu.memory_space<semaphore_mem>>) src(%arg4 : memref<32768xf32, #tpu.memory_space<vmem>>) dst(%dma_wait3A_1500 : memref<32768xf32, #tpu.memory_space<hbm>>)
    %add3A_1501 = arith.constant 86 : i32
    %add3A_1502 = arith.addi %mul3A_2, %add3A_1501 : i32
    %mul3A_1503 = arith.constant 32768 : i32
    %mul3A_1504 = arith.muli %add3A_1502, %mul3A_1503 : i32
    %dma_wait3A_1505 = tpu.memref_slice %arg3[%mul3A_1504] : memref<134217728xf32, #tpu.memory_space<hbm>> -> memref<32768xf32, #tpu.memory_space<hbm>>
    %dma_wait3A_1506 = tpu.memref_slice %arg3[%mul3A_1504] : memref<134217728xf32, #tpu.memory_space<hbm>> -> memref<32768xf32, #tpu.memory_space<hbm>>
    tpu.wait_dma2 semaphore(%arg8 : memref<!tpu.dma_semaphore, #tpu.memory_space<semaphore_mem>>) src(%arg4 : memref<32768xf32, #tpu.memory_space<vmem>>) dst(%dma_wait3A_1506 : memref<32768xf32, #tpu.memory_space<hbm>>)
    %add3A_1507 = arith.constant 87 : i32
    %add3A_1508 = arith.addi %mul3A_2, %add3A_1507 : i32
    %mul3A_1509 = arith.constant 32768 : i32
    %mul3A_1510 = arith.muli %add3A_1508, %mul3A_1509 : i32
    %dma_wait3A_1511 = tpu.memref_slice %arg3[%mul3A_1510] : memref<134217728xf32, #tpu.memory_space<hbm>> -> memref<32768xf32, #tpu.memory_space<hbm>>
    %dma_wait3A_1512 = tpu.memref_slice %arg3[%mul3A_1510] : memref<134217728xf32, #tpu.memory_space<hbm>> -> memref<32768xf32, #tpu.memory_space<hbm>>
    tpu.wait_dma2 semaphore(%arg8 : memref<!tpu.dma_semaphore, #tpu.memory_space<semaphore_mem>>) src(%arg4 : memref<32768xf32, #tpu.memory_space<vmem>>) dst(%dma_wait3A_1512 : memref<32768xf32, #tpu.memory_space<hbm>>)
    %add3A_1513 = arith.constant 88 : i32
    %add3A_1514 = arith.addi %mul3A_2, %add3A_1513 : i32
    %mul3A_1515 = arith.constant 32768 : i32
    %mul3A_1516 = arith.muli %add3A_1514, %mul3A_1515 : i32
    %dma_wait3A_1517 = tpu.memref_slice %arg3[%mul3A_1516] : memref<134217728xf32, #tpu.memory_space<hbm>> -> memref<32768xf32, #tpu.memory_space<hbm>>
    %dma_wait3A_1518 = tpu.memref_slice %arg3[%mul3A_1516] : memref<134217728xf32, #tpu.memory_space<hbm>> -> memref<32768xf32, #tpu.memory_space<hbm>>
    tpu.wait_dma2 semaphore(%arg8 : memref<!tpu.dma_semaphore, #tpu.memory_space<semaphore_mem>>) src(%arg4 : memref<32768xf32, #tpu.memory_space<vmem>>) dst(%dma_wait3A_1518 : memref<32768xf32, #tpu.memory_space<hbm>>)
    %add3A_1519 = arith.constant 89 : i32
    %add3A_1520 = arith.addi %mul3A_2, %add3A_1519 : i32
    %mul3A_1521 = arith.constant 32768 : i32
    %mul3A_1522 = arith.muli %add3A_1520, %mul3A_1521 : i32
    %dma_wait3A_1523 = tpu.memref_slice %arg3[%mul3A_1522] : memref<134217728xf32, #tpu.memory_space<hbm>> -> memref<32768xf32, #tpu.memory_space<hbm>>
    %dma_wait3A_1524 = tpu.memref_slice %arg3[%mul3A_1522] : memref<134217728xf32, #tpu.memory_space<hbm>> -> memref<32768xf32, #tpu.memory_space<hbm>>
    tpu.wait_dma2 semaphore(%arg8 : memref<!tpu.dma_semaphore, #tpu.memory_space<semaphore_mem>>) src(%arg4 : memref<32768xf32, #tpu.memory_space<vmem>>) dst(%dma_wait3A_1524 : memref<32768xf32, #tpu.memory_space<hbm>>)
    %add3A_1525 = arith.constant 90 : i32
    %add3A_1526 = arith.addi %mul3A_2, %add3A_1525 : i32
    %mul3A_1527 = arith.constant 32768 : i32
    %mul3A_1528 = arith.muli %add3A_1526, %mul3A_1527 : i32
    %dma_wait3A_1529 = tpu.memref_slice %arg3[%mul3A_1528] : memref<134217728xf32, #tpu.memory_space<hbm>> -> memref<32768xf32, #tpu.memory_space<hbm>>
    %dma_wait3A_1530 = tpu.memref_slice %arg3[%mul3A_1528] : memref<134217728xf32, #tpu.memory_space<hbm>> -> memref<32768xf32, #tpu.memory_space<hbm>>
    tpu.wait_dma2 semaphore(%arg8 : memref<!tpu.dma_semaphore, #tpu.memory_space<semaphore_mem>>) src(%arg4 : memref<32768xf32, #tpu.memory_space<vmem>>) dst(%dma_wait3A_1530 : memref<32768xf32, #tpu.memory_space<hbm>>)
    %add3A_1531 = arith.constant 91 : i32
    %add3A_1532 = arith.addi %mul3A_2, %add3A_1531 : i32
    %mul3A_1533 = arith.constant 32768 : i32
    %mul3A_1534 = arith.muli %add3A_1532, %mul3A_1533 : i32
    %dma_wait3A_1535 = tpu.memref_slice %arg3[%mul3A_1534] : memref<134217728xf32, #tpu.memory_space<hbm>> -> memref<32768xf32, #tpu.memory_space<hbm>>
    %dma_wait3A_1536 = tpu.memref_slice %arg3[%mul3A_1534] : memref<134217728xf32, #tpu.memory_space<hbm>> -> memref<32768xf32, #tpu.memory_space<hbm>>
    tpu.wait_dma2 semaphore(%arg8 : memref<!tpu.dma_semaphore, #tpu.memory_space<semaphore_mem>>) src(%arg4 : memref<32768xf32, #tpu.memory_space<vmem>>) dst(%dma_wait3A_1536 : memref<32768xf32, #tpu.memory_space<hbm>>)
    %add3A_1537 = arith.constant 92 : i32
    %add3A_1538 = arith.addi %mul3A_2, %add3A_1537 : i32
    %mul3A_1539 = arith.constant 32768 : i32
    %mul3A_1540 = arith.muli %add3A_1538, %mul3A_1539 : i32
    %dma_wait3A_1541 = tpu.memref_slice %arg3[%mul3A_1540] : memref<134217728xf32, #tpu.memory_space<hbm>> -> memref<32768xf32, #tpu.memory_space<hbm>>
    %dma_wait3A_1542 = tpu.memref_slice %arg3[%mul3A_1540] : memref<134217728xf32, #tpu.memory_space<hbm>> -> memref<32768xf32, #tpu.memory_space<hbm>>
    tpu.wait_dma2 semaphore(%arg8 : memref<!tpu.dma_semaphore, #tpu.memory_space<semaphore_mem>>) src(%arg4 : memref<32768xf32, #tpu.memory_space<vmem>>) dst(%dma_wait3A_1542 : memref<32768xf32, #tpu.memory_space<hbm>>)
    %add3A_1543 = arith.constant 93 : i32
    %add3A_1544 = arith.addi %mul3A_2, %add3A_1543 : i32
    %mul3A_1545 = arith.constant 32768 : i32
    %mul3A_1546 = arith.muli %add3A_1544, %mul3A_1545 : i32
    %dma_wait3A_1547 = tpu.memref_slice %arg3[%mul3A_1546] : memref<134217728xf32, #tpu.memory_space<hbm>> -> memref<32768xf32, #tpu.memory_space<hbm>>
    %dma_wait3A_1548 = tpu.memref_slice %arg3[%mul3A_1546] : memref<134217728xf32, #tpu.memory_space<hbm>> -> memref<32768xf32, #tpu.memory_space<hbm>>
    tpu.wait_dma2 semaphore(%arg8 : memref<!tpu.dma_semaphore, #tpu.memory_space<semaphore_mem>>) src(%arg4 : memref<32768xf32, #tpu.memory_space<vmem>>) dst(%dma_wait3A_1548 : memref<32768xf32, #tpu.memory_space<hbm>>)
    %add3A_1549 = arith.constant 94 : i32
    %add3A_1550 = arith.addi %mul3A_2, %add3A_1549 : i32
    %mul3A_1551 = arith.constant 32768 : i32
    %mul3A_1552 = arith.muli %add3A_1550, %mul3A_1551 : i32
    %dma_wait3A_1553 = tpu.memref_slice %arg3[%mul3A_1552] : memref<134217728xf32, #tpu.memory_space<hbm>> -> memref<32768xf32, #tpu.memory_space<hbm>>
    %dma_wait3A_1554 = tpu.memref_slice %arg3[%mul3A_1552] : memref<134217728xf32, #tpu.memory_space<hbm>> -> memref<32768xf32, #tpu.memory_space<hbm>>
    tpu.wait_dma2 semaphore(%arg8 : memref<!tpu.dma_semaphore, #tpu.memory_space<semaphore_mem>>) src(%arg4 : memref<32768xf32, #tpu.memory_space<vmem>>) dst(%dma_wait3A_1554 : memref<32768xf32, #tpu.memory_space<hbm>>)
    %add3A_1555 = arith.constant 95 : i32
    %add3A_1556 = arith.addi %mul3A_2, %add3A_1555 : i32
    %mul3A_1557 = arith.constant 32768 : i32
    %mul3A_1558 = arith.muli %add3A_1556, %mul3A_1557 : i32
    %dma_wait3A_1559 = tpu.memref_slice %arg3[%mul3A_1558] : memref<134217728xf32, #tpu.memory_space<hbm>> -> memref<32768xf32, #tpu.memory_space<hbm>>
    %dma_wait3A_1560 = tpu.memref_slice %arg3[%mul3A_1558] : memref<134217728xf32, #tpu.memory_space<hbm>> -> memref<32768xf32, #tpu.memory_space<hbm>>
    tpu.wait_dma2 semaphore(%arg8 : memref<!tpu.dma_semaphore, #tpu.memory_space<semaphore_mem>>) src(%arg4 : memref<32768xf32, #tpu.memory_space<vmem>>) dst(%dma_wait3A_1560 : memref<32768xf32, #tpu.memory_space<hbm>>)
    %add3A_1561 = arith.constant 96 : i32
    %add3A_1562 = arith.addi %mul3A_2, %add3A_1561 : i32
    %mul3A_1563 = arith.constant 32768 : i32
    %mul3A_1564 = arith.muli %add3A_1562, %mul3A_1563 : i32
    %dma_wait3A_1565 = tpu.memref_slice %arg3[%mul3A_1564] : memref<134217728xf32, #tpu.memory_space<hbm>> -> memref<32768xf32, #tpu.memory_space<hbm>>
    %dma_wait3A_1566 = tpu.memref_slice %arg3[%mul3A_1564] : memref<134217728xf32, #tpu.memory_space<hbm>> -> memref<32768xf32, #tpu.memory_space<hbm>>
    tpu.wait_dma2 semaphore(%arg8 : memref<!tpu.dma_semaphore, #tpu.memory_space<semaphore_mem>>) src(%arg4 : memref<32768xf32, #tpu.memory_space<vmem>>) dst(%dma_wait3A_1566 : memref<32768xf32, #tpu.memory_space<hbm>>)
    %add3A_1567 = arith.constant 97 : i32
    %add3A_1568 = arith.addi %mul3A_2, %add3A_1567 : i32
    %mul3A_1569 = arith.constant 32768 : i32
    %mul3A_1570 = arith.muli %add3A_1568, %mul3A_1569 : i32
    %dma_wait3A_1571 = tpu.memref_slice %arg3[%mul3A_1570] : memref<134217728xf32, #tpu.memory_space<hbm>> -> memref<32768xf32, #tpu.memory_space<hbm>>
    %dma_wait3A_1572 = tpu.memref_slice %arg3[%mul3A_1570] : memref<134217728xf32, #tpu.memory_space<hbm>> -> memref<32768xf32, #tpu.memory_space<hbm>>
    tpu.wait_dma2 semaphore(%arg8 : memref<!tpu.dma_semaphore, #tpu.memory_space<semaphore_mem>>) src(%arg4 : memref<32768xf32, #tpu.memory_space<vmem>>) dst(%dma_wait3A_1572 : memref<32768xf32, #tpu.memory_space<hbm>>)
    %add3A_1573 = arith.constant 98 : i32
    %add3A_1574 = arith.addi %mul3A_2, %add3A_1573 : i32
    %mul3A_1575 = arith.constant 32768 : i32
    %mul3A_1576 = arith.muli %add3A_1574, %mul3A_1575 : i32
    %dma_wait3A_1577 = tpu.memref_slice %arg3[%mul3A_1576] : memref<134217728xf32, #tpu.memory_space<hbm>> -> memref<32768xf32, #tpu.memory_space<hbm>>
    %dma_wait3A_1578 = tpu.memref_slice %arg3[%mul3A_1576] : memref<134217728xf32, #tpu.memory_space<hbm>> -> memref<32768xf32, #tpu.memory_space<hbm>>
    tpu.wait_dma2 semaphore(%arg8 : memref<!tpu.dma_semaphore, #tpu.memory_space<semaphore_mem>>) src(%arg4 : memref<32768xf32, #tpu.memory_space<vmem>>) dst(%dma_wait3A_1578 : memref<32768xf32, #tpu.memory_space<hbm>>)
    %add3A_1579 = arith.constant 99 : i32
    %add3A_1580 = arith.addi %mul3A_2, %add3A_1579 : i32
    %mul3A_1581 = arith.constant 32768 : i32
    %mul3A_1582 = arith.muli %add3A_1580, %mul3A_1581 : i32
    %dma_wait3A_1583 = tpu.memref_slice %arg3[%mul3A_1582] : memref<134217728xf32, #tpu.memory_space<hbm>> -> memref<32768xf32, #tpu.memory_space<hbm>>
    %dma_wait3A_1584 = tpu.memref_slice %arg3[%mul3A_1582] : memref<134217728xf32, #tpu.memory_space<hbm>> -> memref<32768xf32, #tpu.memory_space<hbm>>
    tpu.wait_dma2 semaphore(%arg8 : memref<!tpu.dma_semaphore, #tpu.memory_space<semaphore_mem>>) src(%arg4 : memref<32768xf32, #tpu.memory_space<vmem>>) dst(%dma_wait3A_1584 : memref<32768xf32, #tpu.memory_space<hbm>>)
    %add3A_1585 = arith.constant 100 : i32
    %add3A_1586 = arith.addi %mul3A_2, %add3A_1585 : i32
    %mul3A_1587 = arith.constant 32768 : i32
    %mul3A_1588 = arith.muli %add3A_1586, %mul3A_1587 : i32
    %dma_wait3A_1589 = tpu.memref_slice %arg3[%mul3A_1588] : memref<134217728xf32, #tpu.memory_space<hbm>> -> memref<32768xf32, #tpu.memory_space<hbm>>
    %dma_wait3A_1590 = tpu.memref_slice %arg3[%mul3A_1588] : memref<134217728xf32, #tpu.memory_space<hbm>> -> memref<32768xf32, #tpu.memory_space<hbm>>
    tpu.wait_dma2 semaphore(%arg8 : memref<!tpu.dma_semaphore, #tpu.memory_space<semaphore_mem>>) src(%arg4 : memref<32768xf32, #tpu.memory_space<vmem>>) dst(%dma_wait3A_1590 : memref<32768xf32, #tpu.memory_space<hbm>>)
    %add3A_1591 = arith.constant 101 : i32
    %add3A_1592 = arith.addi %mul3A_2, %add3A_1591 : i32
    %mul3A_1593 = arith.constant 32768 : i32
    %mul3A_1594 = arith.muli %add3A_1592, %mul3A_1593 : i32
    %dma_wait3A_1595 = tpu.memref_slice %arg3[%mul3A_1594] : memref<134217728xf32, #tpu.memory_space<hbm>> -> memref<32768xf32, #tpu.memory_space<hbm>>
    %dma_wait3A_1596 = tpu.memref_slice %arg3[%mul3A_1594] : memref<134217728xf32, #tpu.memory_space<hbm>> -> memref<32768xf32, #tpu.memory_space<hbm>>
    tpu.wait_dma2 semaphore(%arg8 : memref<!tpu.dma_semaphore, #tpu.memory_space<semaphore_mem>>) src(%arg4 : memref<32768xf32, #tpu.memory_space<vmem>>) dst(%dma_wait3A_1596 : memref<32768xf32, #tpu.memory_space<hbm>>)
    %add3A_1597 = arith.constant 102 : i32
    %add3A_1598 = arith.addi %mul3A_2, %add3A_1597 : i32
    %mul3A_1599 = arith.constant 32768 : i32
    %mul3A_1600 = arith.muli %add3A_1598, %mul3A_1599 : i32
    %dma_wait3A_1601 = tpu.memref_slice %arg3[%mul3A_1600] : memref<134217728xf32, #tpu.memory_space<hbm>> -> memref<32768xf32, #tpu.memory_space<hbm>>
    %dma_wait3A_1602 = tpu.memref_slice %arg3[%mul3A_1600] : memref<134217728xf32, #tpu.memory_space<hbm>> -> memref<32768xf32, #tpu.memory_space<hbm>>
    tpu.wait_dma2 semaphore(%arg8 : memref<!tpu.dma_semaphore, #tpu.memory_space<semaphore_mem>>) src(%arg4 : memref<32768xf32, #tpu.memory_space<vmem>>) dst(%dma_wait3A_1602 : memref<32768xf32, #tpu.memory_space<hbm>>)
    %add3A_1603 = arith.constant 103 : i32
    %add3A_1604 = arith.addi %mul3A_2, %add3A_1603 : i32
    %mul3A_1605 = arith.constant 32768 : i32
    %mul3A_1606 = arith.muli %add3A_1604, %mul3A_1605 : i32
    %dma_wait3A_1607 = tpu.memref_slice %arg3[%mul3A_1606] : memref<134217728xf32, #tpu.memory_space<hbm>> -> memref<32768xf32, #tpu.memory_space<hbm>>
    %dma_wait3A_1608 = tpu.memref_slice %arg3[%mul3A_1606] : memref<134217728xf32, #tpu.memory_space<hbm>> -> memref<32768xf32, #tpu.memory_space<hbm>>
    tpu.wait_dma2 semaphore(%arg8 : memref<!tpu.dma_semaphore, #tpu.memory_space<semaphore_mem>>) src(%arg4 : memref<32768xf32, #tpu.memory_space<vmem>>) dst(%dma_wait3A_1608 : memref<32768xf32, #tpu.memory_space<hbm>>)
    %add3A_1609 = arith.constant 104 : i32
    %add3A_1610 = arith.addi %mul3A_2, %add3A_1609 : i32
    %mul3A_1611 = arith.constant 32768 : i32
    %mul3A_1612 = arith.muli %add3A_1610, %mul3A_1611 : i32
    %dma_wait3A_1613 = tpu.memref_slice %arg3[%mul3A_1612] : memref<134217728xf32, #tpu.memory_space<hbm>> -> memref<32768xf32, #tpu.memory_space<hbm>>
    %dma_wait3A_1614 = tpu.memref_slice %arg3[%mul3A_1612] : memref<134217728xf32, #tpu.memory_space<hbm>> -> memref<32768xf32, #tpu.memory_space<hbm>>
    tpu.wait_dma2 semaphore(%arg8 : memref<!tpu.dma_semaphore, #tpu.memory_space<semaphore_mem>>) src(%arg4 : memref<32768xf32, #tpu.memory_space<vmem>>) dst(%dma_wait3A_1614 : memref<32768xf32, #tpu.memory_space<hbm>>)
    %add3A_1615 = arith.constant 105 : i32
    %add3A_1616 = arith.addi %mul3A_2, %add3A_1615 : i32
    %mul3A_1617 = arith.constant 32768 : i32
    %mul3A_1618 = arith.muli %add3A_1616, %mul3A_1617 : i32
    %dma_wait3A_1619 = tpu.memref_slice %arg3[%mul3A_1618] : memref<134217728xf32, #tpu.memory_space<hbm>> -> memref<32768xf32, #tpu.memory_space<hbm>>
    %dma_wait3A_1620 = tpu.memref_slice %arg3[%mul3A_1618] : memref<134217728xf32, #tpu.memory_space<hbm>> -> memref<32768xf32, #tpu.memory_space<hbm>>
    tpu.wait_dma2 semaphore(%arg8 : memref<!tpu.dma_semaphore, #tpu.memory_space<semaphore_mem>>) src(%arg4 : memref<32768xf32, #tpu.memory_space<vmem>>) dst(%dma_wait3A_1620 : memref<32768xf32, #tpu.memory_space<hbm>>)
    %add3A_1621 = arith.constant 106 : i32
    %add3A_1622 = arith.addi %mul3A_2, %add3A_1621 : i32
    %mul3A_1623 = arith.constant 32768 : i32
    %mul3A_1624 = arith.muli %add3A_1622, %mul3A_1623 : i32
    %dma_wait3A_1625 = tpu.memref_slice %arg3[%mul3A_1624] : memref<134217728xf32, #tpu.memory_space<hbm>> -> memref<32768xf32, #tpu.memory_space<hbm>>
    %dma_wait3A_1626 = tpu.memref_slice %arg3[%mul3A_1624] : memref<134217728xf32, #tpu.memory_space<hbm>> -> memref<32768xf32, #tpu.memory_space<hbm>>
    tpu.wait_dma2 semaphore(%arg8 : memref<!tpu.dma_semaphore, #tpu.memory_space<semaphore_mem>>) src(%arg4 : memref<32768xf32, #tpu.memory_space<vmem>>) dst(%dma_wait3A_1626 : memref<32768xf32, #tpu.memory_space<hbm>>)
    %add3A_1627 = arith.constant 107 : i32
    %add3A_1628 = arith.addi %mul3A_2, %add3A_1627 : i32
    %mul3A_1629 = arith.constant 32768 : i32
    %mul3A_1630 = arith.muli %add3A_1628, %mul3A_1629 : i32
    %dma_wait3A_1631 = tpu.memref_slice %arg3[%mul3A_1630] : memref<134217728xf32, #tpu.memory_space<hbm>> -> memref<32768xf32, #tpu.memory_space<hbm>>
    %dma_wait3A_1632 = tpu.memref_slice %arg3[%mul3A_1630] : memref<134217728xf32, #tpu.memory_space<hbm>> -> memref<32768xf32, #tpu.memory_space<hbm>>
    tpu.wait_dma2 semaphore(%arg8 : memref<!tpu.dma_semaphore, #tpu.memory_space<semaphore_mem>>) src(%arg4 : memref<32768xf32, #tpu.memory_space<vmem>>) dst(%dma_wait3A_1632 : memref<32768xf32, #tpu.memory_space<hbm>>)
    %add3A_1633 = arith.constant 108 : i32
    %add3A_1634 = arith.addi %mul3A_2, %add3A_1633 : i32
    %mul3A_1635 = arith.constant 32768 : i32
    %mul3A_1636 = arith.muli %add3A_1634, %mul3A_1635 : i32
    %dma_wait3A_1637 = tpu.memref_slice %arg3[%mul3A_1636] : memref<134217728xf32, #tpu.memory_space<hbm>> -> memref<32768xf32, #tpu.memory_space<hbm>>
    %dma_wait3A_1638 = tpu.memref_slice %arg3[%mul3A_1636] : memref<134217728xf32, #tpu.memory_space<hbm>> -> memref<32768xf32, #tpu.memory_space<hbm>>
    tpu.wait_dma2 semaphore(%arg8 : memref<!tpu.dma_semaphore, #tpu.memory_space<semaphore_mem>>) src(%arg4 : memref<32768xf32, #tpu.memory_space<vmem>>) dst(%dma_wait3A_1638 : memref<32768xf32, #tpu.memory_space<hbm>>)
    %add3A_1639 = arith.constant 109 : i32
    %add3A_1640 = arith.addi %mul3A_2, %add3A_1639 : i32
    %mul3A_1641 = arith.constant 32768 : i32
    %mul3A_1642 = arith.muli %add3A_1640, %mul3A_1641 : i32
    %dma_wait3A_1643 = tpu.memref_slice %arg3[%mul3A_1642] : memref<134217728xf32, #tpu.memory_space<hbm>> -> memref<32768xf32, #tpu.memory_space<hbm>>
    %dma_wait3A_1644 = tpu.memref_slice %arg3[%mul3A_1642] : memref<134217728xf32, #tpu.memory_space<hbm>> -> memref<32768xf32, #tpu.memory_space<hbm>>
    tpu.wait_dma2 semaphore(%arg8 : memref<!tpu.dma_semaphore, #tpu.memory_space<semaphore_mem>>) src(%arg4 : memref<32768xf32, #tpu.memory_space<vmem>>) dst(%dma_wait3A_1644 : memref<32768xf32, #tpu.memory_space<hbm>>)
    %add3A_1645 = arith.constant 110 : i32
    %add3A_1646 = arith.addi %mul3A_2, %add3A_1645 : i32
    %mul3A_1647 = arith.constant 32768 : i32
    %mul3A_1648 = arith.muli %add3A_1646, %mul3A_1647 : i32
    %dma_wait3A_1649 = tpu.memref_slice %arg3[%mul3A_1648] : memref<134217728xf32, #tpu.memory_space<hbm>> -> memref<32768xf32, #tpu.memory_space<hbm>>
    %dma_wait3A_1650 = tpu.memref_slice %arg3[%mul3A_1648] : memref<134217728xf32, #tpu.memory_space<hbm>> -> memref<32768xf32, #tpu.memory_space<hbm>>
    tpu.wait_dma2 semaphore(%arg8 : memref<!tpu.dma_semaphore, #tpu.memory_space<semaphore_mem>>) src(%arg4 : memref<32768xf32, #tpu.memory_space<vmem>>) dst(%dma_wait3A_1650 : memref<32768xf32, #tpu.memory_space<hbm>>)
    %add3A_1651 = arith.constant 111 : i32
    %add3A_1652 = arith.addi %mul3A_2, %add3A_1651 : i32
    %mul3A_1653 = arith.constant 32768 : i32
    %mul3A_1654 = arith.muli %add3A_1652, %mul3A_1653 : i32
    %dma_wait3A_1655 = tpu.memref_slice %arg3[%mul3A_1654] : memref<134217728xf32, #tpu.memory_space<hbm>> -> memref<32768xf32, #tpu.memory_space<hbm>>
    %dma_wait3A_1656 = tpu.memref_slice %arg3[%mul3A_1654] : memref<134217728xf32, #tpu.memory_space<hbm>> -> memref<32768xf32, #tpu.memory_space<hbm>>
    tpu.wait_dma2 semaphore(%arg8 : memref<!tpu.dma_semaphore, #tpu.memory_space<semaphore_mem>>) src(%arg4 : memref<32768xf32, #tpu.memory_space<vmem>>) dst(%dma_wait3A_1656 : memref<32768xf32, #tpu.memory_space<hbm>>)
    %add3A_1657 = arith.constant 112 : i32
    %add3A_1658 = arith.addi %mul3A_2, %add3A_1657 : i32
    %mul3A_1659 = arith.constant 32768 : i32
    %mul3A_1660 = arith.muli %add3A_1658, %mul3A_1659 : i32
    %dma_wait3A_1661 = tpu.memref_slice %arg3[%mul3A_1660] : memref<134217728xf32, #tpu.memory_space<hbm>> -> memref<32768xf32, #tpu.memory_space<hbm>>
    %dma_wait3A_1662 = tpu.memref_slice %arg3[%mul3A_1660] : memref<134217728xf32, #tpu.memory_space<hbm>> -> memref<32768xf32, #tpu.memory_space<hbm>>
    tpu.wait_dma2 semaphore(%arg8 : memref<!tpu.dma_semaphore, #tpu.memory_space<semaphore_mem>>) src(%arg4 : memref<32768xf32, #tpu.memory_space<vmem>>) dst(%dma_wait3A_1662 : memref<32768xf32, #tpu.memory_space<hbm>>)
    %add3A_1663 = arith.constant 113 : i32
    %add3A_1664 = arith.addi %mul3A_2, %add3A_1663 : i32
    %mul3A_1665 = arith.constant 32768 : i32
    %mul3A_1666 = arith.muli %add3A_1664, %mul3A_1665 : i32
    %dma_wait3A_1667 = tpu.memref_slice %arg3[%mul3A_1666] : memref<134217728xf32, #tpu.memory_space<hbm>> -> memref<32768xf32, #tpu.memory_space<hbm>>
    %dma_wait3A_1668 = tpu.memref_slice %arg3[%mul3A_1666] : memref<134217728xf32, #tpu.memory_space<hbm>> -> memref<32768xf32, #tpu.memory_space<hbm>>
    tpu.wait_dma2 semaphore(%arg8 : memref<!tpu.dma_semaphore, #tpu.memory_space<semaphore_mem>>) src(%arg4 : memref<32768xf32, #tpu.memory_space<vmem>>) dst(%dma_wait3A_1668 : memref<32768xf32, #tpu.memory_space<hbm>>)
    %add3A_1669 = arith.constant 114 : i32
    %add3A_1670 = arith.addi %mul3A_2, %add3A_1669 : i32
    %mul3A_1671 = arith.constant 32768 : i32
    %mul3A_1672 = arith.muli %add3A_1670, %mul3A_1671 : i32
    %dma_wait3A_1673 = tpu.memref_slice %arg3[%mul3A_1672] : memref<134217728xf32, #tpu.memory_space<hbm>> -> memref<32768xf32, #tpu.memory_space<hbm>>
    %dma_wait3A_1674 = tpu.memref_slice %arg3[%mul3A_1672] : memref<134217728xf32, #tpu.memory_space<hbm>> -> memref<32768xf32, #tpu.memory_space<hbm>>
    tpu.wait_dma2 semaphore(%arg8 : memref<!tpu.dma_semaphore, #tpu.memory_space<semaphore_mem>>) src(%arg4 : memref<32768xf32, #tpu.memory_space<vmem>>) dst(%dma_wait3A_1674 : memref<32768xf32, #tpu.memory_space<hbm>>)
    %add3A_1675 = arith.constant 115 : i32
    %add3A_1676 = arith.addi %mul3A_2, %add3A_1675 : i32
    %mul3A_1677 = arith.constant 32768 : i32
    %mul3A_1678 = arith.muli %add3A_1676, %mul3A_1677 : i32
    %dma_wait3A_1679 = tpu.memref_slice %arg3[%mul3A_1678] : memref<134217728xf32, #tpu.memory_space<hbm>> -> memref<32768xf32, #tpu.memory_space<hbm>>
    %dma_wait3A_1680 = tpu.memref_slice %arg3[%mul3A_1678] : memref<134217728xf32, #tpu.memory_space<hbm>> -> memref<32768xf32, #tpu.memory_space<hbm>>
    tpu.wait_dma2 semaphore(%arg8 : memref<!tpu.dma_semaphore, #tpu.memory_space<semaphore_mem>>) src(%arg4 : memref<32768xf32, #tpu.memory_space<vmem>>) dst(%dma_wait3A_1680 : memref<32768xf32, #tpu.memory_space<hbm>>)
    %add3A_1681 = arith.constant 116 : i32
    %add3A_1682 = arith.addi %mul3A_2, %add3A_1681 : i32
    %mul3A_1683 = arith.constant 32768 : i32
    %mul3A_1684 = arith.muli %add3A_1682, %mul3A_1683 : i32
    %dma_wait3A_1685 = tpu.memref_slice %arg3[%mul3A_1684] : memref<134217728xf32, #tpu.memory_space<hbm>> -> memref<32768xf32, #tpu.memory_space<hbm>>
    %dma_wait3A_1686 = tpu.memref_slice %arg3[%mul3A_1684] : memref<134217728xf32, #tpu.memory_space<hbm>> -> memref<32768xf32, #tpu.memory_space<hbm>>
    tpu.wait_dma2 semaphore(%arg8 : memref<!tpu.dma_semaphore, #tpu.memory_space<semaphore_mem>>) src(%arg4 : memref<32768xf32, #tpu.memory_space<vmem>>) dst(%dma_wait3A_1686 : memref<32768xf32, #tpu.memory_space<hbm>>)
    %add3A_1687 = arith.constant 117 : i32
    %add3A_1688 = arith.addi %mul3A_2, %add3A_1687 : i32
    %mul3A_1689 = arith.constant 32768 : i32
    %mul3A_1690 = arith.muli %add3A_1688, %mul3A_1689 : i32
    %dma_wait3A_1691 = tpu.memref_slice %arg3[%mul3A_1690] : memref<134217728xf32, #tpu.memory_space<hbm>> -> memref<32768xf32, #tpu.memory_space<hbm>>
    %dma_wait3A_1692 = tpu.memref_slice %arg3[%mul3A_1690] : memref<134217728xf32, #tpu.memory_space<hbm>> -> memref<32768xf32, #tpu.memory_space<hbm>>
    tpu.wait_dma2 semaphore(%arg8 : memref<!tpu.dma_semaphore, #tpu.memory_space<semaphore_mem>>) src(%arg4 : memref<32768xf32, #tpu.memory_space<vmem>>) dst(%dma_wait3A_1692 : memref<32768xf32, #tpu.memory_space<hbm>>)
    %add3A_1693 = arith.constant 118 : i32
    %add3A_1694 = arith.addi %mul3A_2, %add3A_1693 : i32
    %mul3A_1695 = arith.constant 32768 : i32
    %mul3A_1696 = arith.muli %add3A_1694, %mul3A_1695 : i32
    %dma_wait3A_1697 = tpu.memref_slice %arg3[%mul3A_1696] : memref<134217728xf32, #tpu.memory_space<hbm>> -> memref<32768xf32, #tpu.memory_space<hbm>>
    %dma_wait3A_1698 = tpu.memref_slice %arg3[%mul3A_1696] : memref<134217728xf32, #tpu.memory_space<hbm>> -> memref<32768xf32, #tpu.memory_space<hbm>>
    tpu.wait_dma2 semaphore(%arg8 : memref<!tpu.dma_semaphore, #tpu.memory_space<semaphore_mem>>) src(%arg4 : memref<32768xf32, #tpu.memory_space<vmem>>) dst(%dma_wait3A_1698 : memref<32768xf32, #tpu.memory_space<hbm>>)
    %add3A_1699 = arith.constant 119 : i32
    %add3A_1700 = arith.addi %mul3A_2, %add3A_1699 : i32
    %mul3A_1701 = arith.constant 32768 : i32
    %mul3A_1702 = arith.muli %add3A_1700, %mul3A_1701 : i32
    %dma_wait3A_1703 = tpu.memref_slice %arg3[%mul3A_1702] : memref<134217728xf32, #tpu.memory_space<hbm>> -> memref<32768xf32, #tpu.memory_space<hbm>>
    %dma_wait3A_1704 = tpu.memref_slice %arg3[%mul3A_1702] : memref<134217728xf32, #tpu.memory_space<hbm>> -> memref<32768xf32, #tpu.memory_space<hbm>>
    tpu.wait_dma2 semaphore(%arg8 : memref<!tpu.dma_semaphore, #tpu.memory_space<semaphore_mem>>) src(%arg4 : memref<32768xf32, #tpu.memory_space<vmem>>) dst(%dma_wait3A_1704 : memref<32768xf32, #tpu.memory_space<hbm>>)
    %add3A_1705 = arith.constant 120 : i32
    %add3A_1706 = arith.addi %mul3A_2, %add3A_1705 : i32
    %mul3A_1707 = arith.constant 32768 : i32
    %mul3A_1708 = arith.muli %add3A_1706, %mul3A_1707 : i32
    %dma_wait3A_1709 = tpu.memref_slice %arg3[%mul3A_1708] : memref<134217728xf32, #tpu.memory_space<hbm>> -> memref<32768xf32, #tpu.memory_space<hbm>>
    %dma_wait3A_1710 = tpu.memref_slice %arg3[%mul3A_1708] : memref<134217728xf32, #tpu.memory_space<hbm>> -> memref<32768xf32, #tpu.memory_space<hbm>>
    tpu.wait_dma2 semaphore(%arg8 : memref<!tpu.dma_semaphore, #tpu.memory_space<semaphore_mem>>) src(%arg4 : memref<32768xf32, #tpu.memory_space<vmem>>) dst(%dma_wait3A_1710 : memref<32768xf32, #tpu.memory_space<hbm>>)
    %add3A_1711 = arith.constant 121 : i32
    %add3A_1712 = arith.addi %mul3A_2, %add3A_1711 : i32
    %mul3A_1713 = arith.constant 32768 : i32
    %mul3A_1714 = arith.muli %add3A_1712, %mul3A_1713 : i32
    %dma_wait3A_1715 = tpu.memref_slice %arg3[%mul3A_1714] : memref<134217728xf32, #tpu.memory_space<hbm>> -> memref<32768xf32, #tpu.memory_space<hbm>>
    %dma_wait3A_1716 = tpu.memref_slice %arg3[%mul3A_1714] : memref<134217728xf32, #tpu.memory_space<hbm>> -> memref<32768xf32, #tpu.memory_space<hbm>>
    tpu.wait_dma2 semaphore(%arg8 : memref<!tpu.dma_semaphore, #tpu.memory_space<semaphore_mem>>) src(%arg4 : memref<32768xf32, #tpu.memory_space<vmem>>) dst(%dma_wait3A_1716 : memref<32768xf32, #tpu.memory_space<hbm>>)
    %add3A_1717 = arith.constant 122 : i32
    %add3A_1718 = arith.addi %mul3A_2, %add3A_1717 : i32
    %mul3A_1719 = arith.constant 32768 : i32
    %mul3A_1720 = arith.muli %add3A_1718, %mul3A_1719 : i32
    %dma_wait3A_1721 = tpu.memref_slice %arg3[%mul3A_1720] : memref<134217728xf32, #tpu.memory_space<hbm>> -> memref<32768xf32, #tpu.memory_space<hbm>>
    %dma_wait3A_1722 = tpu.memref_slice %arg3[%mul3A_1720] : memref<134217728xf32, #tpu.memory_space<hbm>> -> memref<32768xf32, #tpu.memory_space<hbm>>
    tpu.wait_dma2 semaphore(%arg8 : memref<!tpu.dma_semaphore, #tpu.memory_space<semaphore_mem>>) src(%arg4 : memref<32768xf32, #tpu.memory_space<vmem>>) dst(%dma_wait3A_1722 : memref<32768xf32, #tpu.memory_space<hbm>>)
    %add3A_1723 = arith.constant 123 : i32
    %add3A_1724 = arith.addi %mul3A_2, %add3A_1723 : i32
    %mul3A_1725 = arith.constant 32768 : i32
    %mul3A_1726 = arith.muli %add3A_1724, %mul3A_1725 : i32
    %dma_wait3A_1727 = tpu.memref_slice %arg3[%mul3A_1726] : memref<134217728xf32, #tpu.memory_space<hbm>> -> memref<32768xf32, #tpu.memory_space<hbm>>
    %dma_wait3A_1728 = tpu.memref_slice %arg3[%mul3A_1726] : memref<134217728xf32, #tpu.memory_space<hbm>> -> memref<32768xf32, #tpu.memory_space<hbm>>
    tpu.wait_dma2 semaphore(%arg8 : memref<!tpu.dma_semaphore, #tpu.memory_space<semaphore_mem>>) src(%arg4 : memref<32768xf32, #tpu.memory_space<vmem>>) dst(%dma_wait3A_1728 : memref<32768xf32, #tpu.memory_space<hbm>>)
    %add3A_1729 = arith.constant 124 : i32
    %add3A_1730 = arith.addi %mul3A_2, %add3A_1729 : i32
    %mul3A_1731 = arith.constant 32768 : i32
    %mul3A_1732 = arith.muli %add3A_1730, %mul3A_1731 : i32
    %dma_wait3A_1733 = tpu.memref_slice %arg3[%mul3A_1732] : memref<134217728xf32, #tpu.memory_space<hbm>> -> memref<32768xf32, #tpu.memory_space<hbm>>
    %dma_wait3A_1734 = tpu.memref_slice %arg3[%mul3A_1732] : memref<134217728xf32, #tpu.memory_space<hbm>> -> memref<32768xf32, #tpu.memory_space<hbm>>
    tpu.wait_dma2 semaphore(%arg8 : memref<!tpu.dma_semaphore, #tpu.memory_space<semaphore_mem>>) src(%arg4 : memref<32768xf32, #tpu.memory_space<vmem>>) dst(%dma_wait3A_1734 : memref<32768xf32, #tpu.memory_space<hbm>>)
    %add3A_1735 = arith.constant 125 : i32
    %add3A_1736 = arith.addi %mul3A_2, %add3A_1735 : i32
    %mul3A_1737 = arith.constant 32768 : i32
    %mul3A_1738 = arith.muli %add3A_1736, %mul3A_1737 : i32
    %dma_wait3A_1739 = tpu.memref_slice %arg3[%mul3A_1738] : memref<134217728xf32, #tpu.memory_space<hbm>> -> memref<32768xf32, #tpu.memory_space<hbm>>
    %dma_wait3A_1740 = tpu.memref_slice %arg3[%mul3A_1738] : memref<134217728xf32, #tpu.memory_space<hbm>> -> memref<32768xf32, #tpu.memory_space<hbm>>
    tpu.wait_dma2 semaphore(%arg8 : memref<!tpu.dma_semaphore, #tpu.memory_space<semaphore_mem>>) src(%arg4 : memref<32768xf32, #tpu.memory_space<vmem>>) dst(%dma_wait3A_1740 : memref<32768xf32, #tpu.memory_space<hbm>>)
    %add3A_1741 = arith.constant 126 : i32
    %add3A_1742 = arith.addi %mul3A_2, %add3A_1741 : i32
    %mul3A_1743 = arith.constant 32768 : i32
    %mul3A_1744 = arith.muli %add3A_1742, %mul3A_1743 : i32
    %dma_wait3A_1745 = tpu.memref_slice %arg3[%mul3A_1744] : memref<134217728xf32, #tpu.memory_space<hbm>> -> memref<32768xf32, #tpu.memory_space<hbm>>
    %dma_wait3A_1746 = tpu.memref_slice %arg3[%mul3A_1744] : memref<134217728xf32, #tpu.memory_space<hbm>> -> memref<32768xf32, #tpu.memory_space<hbm>>
    tpu.wait_dma2 semaphore(%arg8 : memref<!tpu.dma_semaphore, #tpu.memory_space<semaphore_mem>>) src(%arg4 : memref<32768xf32, #tpu.memory_space<vmem>>) dst(%dma_wait3A_1746 : memref<32768xf32, #tpu.memory_space<hbm>>)
    %add3A_1747 = arith.constant 127 : i32
    %add3A_1748 = arith.addi %mul3A_2, %add3A_1747 : i32
    %mul3A_1749 = arith.constant 32768 : i32
    %mul3A_1750 = arith.muli %add3A_1748, %mul3A_1749 : i32
    %dma_wait3A_1751 = tpu.memref_slice %arg3[%mul3A_1750] : memref<134217728xf32, #tpu.memory_space<hbm>> -> memref<32768xf32, #tpu.memory_space<hbm>>
    %dma_wait3A_1752 = tpu.memref_slice %arg3[%mul3A_1750] : memref<134217728xf32, #tpu.memory_space<hbm>> -> memref<32768xf32, #tpu.memory_space<hbm>>
    tpu.wait_dma2 semaphore(%arg8 : memref<!tpu.dma_semaphore, #tpu.memory_space<semaphore_mem>>) src(%arg4 : memref<32768xf32, #tpu.memory_space<vmem>>) dst(%dma_wait3A_1752 : memref<32768xf32, #tpu.memory_space<hbm>>)
    %dma_start3A_1753 = arith.constant 0 : i32
    %dma_start3A_1754 = tpu.memref_slice %arg3[%dma_start3A_1753] : memref<134217728xf32, #tpu.memory_space<hbm>> -> memref<134217728xf32, #tpu.memory_space<hbm>>
    tpu.enqueue_indirect_dma source(%arg7 : memref<128xf32, #tpu.memory_space<vmem>>) target(%dma_start3A_1754 : memref<134217728xf32, #tpu.memory_space<hbm>>) offsets(%arg6 : memref<128xi32, #tpu.memory_space<vmem>>) semaphore(%arg9 : memref<!tpu.dma_semaphore, #tpu.memory_space<semaphore_mem>>)
    %dma_wait3A_1755 = arith.constant 0 : i32
    %dma_wait3A_1756 = tpu.memref_slice %arg3[%dma_wait3A_1755] : memref<134217728xf32, #tpu.memory_space<hbm>> -> memref<134217728xf32, #tpu.memory_space<hbm>>
    tpu.wait_indirect_dma semaphore(%arg9 : memref<!tpu.dma_semaphore, #tpu.memory_space<semaphore_mem>>) src(%arg7 : memref<128xf32, #tpu.memory_space<vmem>>) dst(%dma_wait3A_1756 : memref<134217728xf32, #tpu.memory_space<hbm>>)
    return
  }
}

module attributes {stable_mosaic.version = 14 : i64} {
  func.func @_fix_body(%arg0: i32, %arg1: memref<4096x1xi32, #tpu.memory_space<vmem>>, %arg2: memref<1x4096xi32, #tpu.memory_space<smem>>, %arg3: memref<4096x32768xf32, #tpu.memory_space<any>>, %arg4: memref<4096x32768xf32, #tpu.memory_space<any>>, %arg5: memref<4096x32768xf32, #tpu.memory_space<any>>, %arg6: memref<1x32768xf32, #tpu.memory_space<vmem>>, %arg7: memref<!tpu.dma_semaphore, #tpu.memory_space<semaphore_mem>>) attributes {dimension_semantics = [#tpu.dimension_semantics<arbitrary>], iteration_bounds = array<i64: 1>, scalar_prefetch = 0 : i64, scratch_operands = 2 : i64, tpu.core_type = #tpu.core_type<tc>, window_params = [{pipeline_mode = #tpu.pipeline_mode<synchronous>, transform_indices = @transform_0, window_bounds = array<i64: 4096, 1>}, {transform_indices = @transform_1, window_bounds = array<i64: 1, 4096>}, {}, {}, {}]} {
    %get3A = arith.constant 0 : index
    %get3A_0 = arith.constant 0 : index
    %get3A_1 = vector.load %arg1[%get3A, %get3A_0] : memref<4096x1xi32, #tpu.memory_space<vmem>>, vector<4096x1xi32>
    %eq3A = arith.constant 32767 : i32
    %eq3A_2 = vector.broadcast %eq3A : i32 to vector<4096x1xi32>
    %eq3A_3 = arith.cmpi eq, %get3A_1, %eq3A_2 : vector<4096x1xi32>
    %reduce_or3A = arith.constant 1.000000e+00 : f32
    %reduce_or3A_4 = arith.constant 0.000000e+00 : f32
    %reduce_or3A_5 = vector.broadcast %reduce_or3A : f32 to vector<4096x1xf32>
    %reduce_or3A_6 = vector.broadcast %reduce_or3A_4 : f32 to vector<4096x1xf32>
    %reduce_or3A_7 = arith.select %eq3A_3, %reduce_or3A_5, %reduce_or3A_6 : vector<4096x1xi1>, vector<4096x1xf32>
    %reduce_or3A_8 = vector.shape_cast %reduce_or3A_7 : vector<4096x1xf32> to vector<1x4096x1xf32>
    %reduce_or3A_9 = arith.constant dense<0xFF800000> : vector<1xf32>
    %reduce_or3A_10 = vector.multi_reduction <maximumf>, %reduce_or3A_8, %reduce_or3A_9 [1, 2] : vector<1x4096x1xf32> to vector<1xf32>
    %reduce_or3A_11 = vector.shape_cast %reduce_or3A_10 : vector<1xf32> to vector<1x1x1xf32>
    %reduce_or3A_12 = vector.extract %reduce_or3A_11[0, 0, 0] : f32 from vector<1x1x1xf32>
    %reduce_or3A_13 = arith.constant 0.000000e+00 : f32
    %reduce_or3A_14 = arith.cmpf ogt, %reduce_or3A_12, %reduce_or3A_13 : f32
    %convert_element_type3A = arith.extui %reduce_or3A_14 : i1 to i32
    %cond3A = arith.constant 0 : i32
    %cond3A_15 = arith.cmpi ne, %convert_element_type3A, %cond3A : i32
    scf.if %cond3A_15 {
      %iota3A = tpu.iota {dimensions = array<i32: 1>} : vector<1x128xi32>
      %scan3A = arith.constant 0 : i32
      %scan3A_16 = arith.constant 4096 : i32
      %scan3A_17 = arith.addi %scan3A, %scan3A_16 : i32
      %scan3A_18 = arith.constant 1 : i32
      scf.for %scan3A_20 = %scan3A to %scan3A_17 step %scan3A_18  : i32 {
        %get3A_21 = arith.constant 0 : index
        %get3A_22 = arith.index_cast %scan3A_20 : i32 to index
        %get3A_23 = memref.load %arg2[%get3A_21, %get3A_22] : memref<1x4096xi32, #tpu.memory_space<smem>>
        %eq3A_24 = arith.constant 32767 : i32
        %eq3A_25 = arith.cmpi eq, %get3A_23, %eq3A_24 : i32
        %convert_element_type3A_26 = arith.extui %eq3A_25 : i1 to i32
        %cond3A_27 = arith.constant 0 : i32
        %cond3A_28 = arith.cmpi ne, %convert_element_type3A_26, %cond3A_27 : i32
        scf.if %cond3A_28 {
          %dma_start3A = arith.constant 0 : i32
          %dma_start3A_29 = tpu.memref_slice %arg3[%scan3A_20, %dma_start3A] : memref<4096x32768xf32, #tpu.memory_space<any>> -> memref<1x32768xf32, #tpu.memory_space<any>>
          tpu.enqueue_dma source(%dma_start3A_29 : memref<1x32768xf32, #tpu.memory_space<any>>) target(%arg6 : memref<1x32768xf32, #tpu.memory_space<vmem>>) target_semaphore(%arg7 : memref<!tpu.dma_semaphore, #tpu.memory_space<semaphore_mem>>)
          %dma_wait3A = arith.constant 0 : i32
          %dma_wait3A_30 = tpu.memref_slice %arg3[%scan3A_20, %dma_wait3A] : memref<4096x32768xf32, #tpu.memory_space<any>> -> memref<1x32768xf32, #tpu.memory_space<any>>
          tpu.wait_dma2 semaphore(%arg7 : memref<!tpu.dma_semaphore, #tpu.memory_space<semaphore_mem>>) src(%dma_wait3A_30 : memref<1x32768xf32, #tpu.memory_space<any>>) dst(%arg6 : memref<1x32768xf32, #tpu.memory_space<vmem>>)
          %get3A_31 = arith.constant 0 : index
          %get3A_32 = arith.constant 32640 : index
          %get3A_33 = vector.load %arg6[%get3A_31, %get3A_32] : memref<1x32768xf32, #tpu.memory_space<vmem>>, vector<1x128xf32>
          %eq3A_34 = arith.constant 127 : i32
          %eq3A_35 = vector.broadcast %eq3A_34 : i32 to vector<1x128xi32>
          %eq3A_36 = arith.cmpi eq, %iota3A, %eq3A_35 : vector<1x128xi32>
          %jit3A = arith.constant 0xFF800000 : f32
          %broadcast_in_dim3A = vector.broadcast %jit3A : f32 to vector<1x128xf32>
          %select_n3A = arith.select %eq3A_36, %broadcast_in_dim3A, %get3A_33 : vector<1x128xi1>, vector<1x128xf32>
          %swap3A = arith.constant 0 : index
          %swap3A_37 = arith.constant 32640 : index
          %swap3A_38 = vector.load %arg6[%swap3A, %swap3A_37] : memref<1x32768xf32, #tpu.memory_space<vmem>>, vector<1x128xf32>
          tpu.vector_store %arg6[%swap3A, %swap3A_37], %select_n3A {strides = array<i32>} : memref<1x32768xf32, #tpu.memory_space<vmem>>, vector<1x128xf32>,
          %dma_start3A_39 = arith.constant 0 : i32
          %dma_start3A_40 = tpu.memref_slice %arg5[%scan3A_20, %dma_start3A_39] : memref<4096x32768xf32, #tpu.memory_space<any>> -> memref<1x32768xf32, #tpu.memory_space<any>>
          tpu.enqueue_dma source(%arg6 : memref<1x32768xf32, #tpu.memory_space<vmem>>) target(%dma_start3A_40 : memref<1x32768xf32, #tpu.memory_space<any>>) target_semaphore(%arg7 : memref<!tpu.dma_semaphore, #tpu.memory_space<semaphore_mem>>)
          %dma_wait3A_41 = arith.constant 0 : i32
          %dma_wait3A_42 = tpu.memref_slice %arg5[%scan3A_20, %dma_wait3A_41] : memref<4096x32768xf32, #tpu.memory_space<any>> -> memref<1x32768xf32, #tpu.memory_space<any>>
          tpu.wait_dma2 semaphore(%arg7 : memref<!tpu.dma_semaphore, #tpu.memory_space<semaphore_mem>>) src(%arg6 : memref<1x32768xf32, #tpu.memory_space<vmem>>) dst(%dma_wait3A_42 : memref<1x32768xf32, #tpu.memory_space<any>>)
        } else {
        }
      }
      %scan3A_19 = arith.constant 4096 : i32
    } else {
    }
    return
  }
  func.func @transform_0(%arg0: i32) -> (i32, i32) {
    %c0_i32 = arith.constant 0 : i32
    %c0_i32_0 = arith.constant 0 : i32
    %c0_i32_1 = arith.constant 0 : i32
    return %c0_i32, %c0_i32_0 : i32, i32
  }
  func.func @transform_1(%arg0: i32) -> (i32, i32) {
    %c0_i32 = arith.constant 0 : i32
    %c0_i32_0 = arith.constant 0 : i32
    %c0_i32_1 = arith.constant 0 : i32
    return %c0_i32, %c0_i32_0 : i32, i32
  }
}

</mosaic_0001>

<sc_bundles>
// kernel: kernel.4.cloned.1.call-start
scs
__scs_entry_jumppad:
0x0: {  	(pc) =	sbr.rel $0x88, $3  }
0x1: {  	(tag) =	ssettag $0x0;
	lr =	simm.s32 $0x1  }
0x2: {  	[smem:$0x3F9F] =	sst lr;
	_ =	strace $0xD0000000  }
0x3: {  	_ = 	snop  }
0x4: {  	_ = 	snop  }
0x5: {  	_ = 	snop  }
0x6: {  	_ = 	snop  }
0x7: {  	_ = 	snop  }
__scs_overlays_trampoline_lowered:
0x8: {  	[smem:$0x3FAE] =	sst s0  }
0x9: {  	[smem:$0x3FAF] =	sst s1  }
0xa: {  	[smem:$0x3FB0] =	sst s2  }
0xb: {  	[smem:$0x3FB1] =	sst s3  }
0xc: {  	[smem:$0x3FB2] =	sst s4  }
0xd: {  	[smem:$0x3FB3] =	sst s5  }
0xe: {  	[smem:$0x3FB4] =	sst s6  }
0xf: {  	[smem:$0x3FB5] =	sst s7  }
0x10: {  	[smem:$0x3FB6] =	sst s8  }
0x11: {  	[smem:$0x3FB7] =	sst s9;
	s0 =	simm.s32 @!p0 $0x0  }
0x12: {  	s1 =	sld [smem:$0x3F9D];
	s0 =	simm.s32 @p0 $0x1  }
0x13: {  	[smem:$0x3FB8] =	sst s0;
	s0 =	simm.s32 @!p1 $0x0  }
0x14: {  	s2 =	sld [smem:$0x3F9C];
	s0 =	simm.s32 @p1 $0x1  }
0x15: {  	[smem:$0x3FB9] =	sst s0;
	s0 =	simm.s32 @!p2 $0x0  }
0x16: {  	s3 =	sld [smem:$0x3FDB];
	s0 =	simm.s32 @p2 $0x1  }
0x17: {  	s4 =	simm.s32 $0x1BF5;
	[smem:$0x3FBB] =	sst s0  }
0x18: {  	s0 =	sld [smem:$0x3F9E];
	_ =	swait.ge [sflag:s4], $0x0  }
0x19: {  	s7 =	sld [smem:$0x3F9F]  }
0x1a: {  	s8 =	sadd.s32 $0xFFFFE003, lr  }
0x1b: {  	s9 =	sadd.s32 $0xFFFFFEF7, lr;
	s5 =	simm.s32 $0xFFFFFFFF;
	p2 =	slt.u32 s8, $0xFFFFF086  }
0x1c: {  	p1 =	slt.u32 s9, $0xF7A;
	s5 =	simm.s32 @!p2 $0x0  }
0x1d: {  	s5 =	simm.s32 @p1 $0x1;
	p0 =	seq.s32 s7, s2  }
0x1e: {  	s7 =	smul.u32 @!p0 $0xF7A, s2;
	p2 =	seq.s32 @!p0 s5, $0x0  }
0x1f: {  	s9 =	smul.u32 $0xF7A, s1;
	s8 =	simm.s32 @!p0 $0x1BF5;
	p2 =	por !p2, p0  }
0x20: {  	[sflag:s8] =	ssyncset.s32 @!p0 $0xFFFFF086;
	s6 =	sadd.s32 @!p0 s3, s7;
	s7 =	simm.s32 @!p0 $0x108  }
0x21: {  	s3 =	sadd.s32 s3, s9;
	s6 =	sadd.s32 @!p0 $0x88, s6;
	s7 =	simm.s32 @p2 $0x1082  }
0x22: {  	[simem:s7], [sflag:s8] =	dma.local @!p0 [hbm:s6], $0xF7A  }
0x23: {  	s9 =	sor.u32 $0xD0000000, s2;
	s6 =	simm.s32 $0x108;
	_ =	swait.ge @!p0 [sflag:s8], $0x0  }
0x24: {  	s3 =	sadd.s32 $0x88, s3;
	s6 =	simm.s32 @!p1 $0x1082;
	[sflag:s4] =	ssyncset.s32 $0xFFFFF086  }
0x25: {  	[simem:s6], [sflag:s4] =	dma.local [hbm:s3], $0xF7A  }
0x26: {  	[smem:$0x3F9F] =	sst s1;
	(tag) =	ssettag s2;
	_ =	strace s9  }
0x27: {  	s1 =	sld [smem:$0x3FAF]  }
0x28: {  	s2 =	sld [smem:$0x3FB0]  }
0x29: {  	s4 =	sld [smem:$0x3FB2]  }
0x2a: {  	p0 =	seq.s32 s5, $0x0;
	s5 =	sld [smem:$0x3FB3]  }
0x2b: {  	s6 =	sld [smem:$0x3FB4]  }
0x2c: {  	s7 =	sld [smem:$0x3FB5]  }
0x2d: {  	s3 =	simm.s32 $0x108;
	s8 =	sld [smem:$0x3FB6]  }
0x2e: {  	s3 =	simm.s32 @!p0 $0x1082;
	s9 =	sld [smem:$0x3FB7]  }
0x2f: {  	lr =	sadd.s32 s0, s3;
	s0 =	sld [smem:$0x3FAE]  }
0x30: {  	s3 =	sld [smem:$0x3FB1]  }
0x31: {  	[smem:$0x3FBA] =	sst s10  }
0x32: {  	s10 =	sld [smem:$0x3FB8];
	_ =	sdelay $0x3  }
0x33: {  	p0 =	seq.s32 s10, $0x1;
	s10 =	sld [smem:$0x3FBA];
	_ =	sdelay $0x3  }
0x34: {  	[smem:$0x3FBA] =	sst s10  }
0x35: {  	s10 =	sld [smem:$0x3FB9];
	_ =	sdelay $0x3  }
0x36: {  	p1 =	seq.s32 s10, $0x1;
	s10 =	sld [smem:$0x3FBA];
	_ =	sdelay $0x3  }
0x37: {  	[smem:$0x3FBA] =	sst s10  }
0x38: {  	s10 =	sld [smem:$0x3FBB]  }
0x39: {  	_ = 	snop;
	(pc) =	sbr.ind lr, $3  }
0x3a: {  	_ = 	snop  }
0x3b: {  	_ = 	snop  }
0x3c: {  	p2 =	seq.s32 s10, $0x1;
	s10 =	sld [smem:$0x3FBA]  }
0x3d: {  	_ =	shalt  }
0x3e: {  	_ =	shalt  }
0x3f: {  	_ =	shalt  }
0x40: {  	_ =	shalt  }
0x41: {  	_ =	shalt  }
0x42: {  	_ =	shalt  }
0x43: {  	_ =	shalt  }
0x44: {  	_ =	shalt  }
0x45: {  	_ =	shalt  }
0x46: {  	_ =	shalt  }
0x47: {  	_ =	shalt  }
0x48: {  	_ =	shalt  }
0x49: {  	_ =	shalt  }
0x4a: {  	_ =	shalt  }
0x4b: {  	_ =	shalt  }
0x4c: {  	_ =	shalt  }
0x4d: {  	_ =	shalt  }
0x4e: {  	_ =	shalt  }
0x4f: {  	_ =	shalt  }
0x50: {  	_ =	shalt  }
0x51: {  	_ =	shalt  }
0x52: {  	_ =	shalt  }
0x53: {  	_ =	shalt  }
0x54: {  	_ =	shalt  }
0x55: {  	_ =	shalt  }
0x56: {  	_ =	shalt  }
0x57: {  	_ =	shalt  }
0x58: {  	_ =	shalt  }
0x59: {  	_ =	shalt  }
0x5a: {  	_ =	shalt  }
0x5b: {  	_ =	shalt  }
0x5c: {  	_ =	shalt  }
0x5d: {  	_ =	shalt  }
0x5e: {  	_ =	shalt  }
0x5f: {  	_ =	shalt  }
0x60: {  	_ =	shalt  }
0x61: {  	_ =	shalt  }
0x62: {  	_ =	shalt  }
0x63: {  	_ =	shalt  }
0x64: {  	_ =	shalt  }
0x65: {  	_ =	shalt  }
0x66: {  	_ =	shalt  }
0x67: {  	_ =	shalt  }
0x68: {  	_ =	shalt  }
0x69: {  	_ =	shalt  }
0x6a: {  	_ =	shalt  }
0x6b: {  	_ =	shalt  }
0x6c: {  	_ =	shalt  }
0x6d: {  	_ =	shalt  }
0x6e: {  	_ =	shalt  }
0x6f: {  	_ =	shalt  }
0x70: {  	_ =	shalt  }
0x71: {  	_ =	shalt  }
0x72: {  	_ =	shalt  }
0x73: {  	_ =	shalt  }
0x74: {  	_ =	shalt  }
0x75: {  	_ =	shalt  }
0x76: {  	_ =	shalt  }
0x77: {  	_ =	shalt  }
0x78: {  	_ =	shalt  }
0x79: {  	_ =	shalt  }
0x7a: {  	_ =	shalt  }
0x7b: {  	_ =	shalt  }
0x7c: {  	_ =	shalt  }
0x7d: {  	_ =	shalt  }
0x7e: {  	_ =	shalt  }
0x7f: {  	_ =	shalt  }
0x80: {  	_ =	shalt  }
0x81: {  	_ =	shalt  }
0x82: {  	_ =	shalt  }
0x83: {  	_ =	shalt  }
0x84: {  	_ =	shalt  }
0x85: {  	_ =	shalt  }
0x86: {  	_ =	shalt  }
0x87: {  	_ =	shalt  }
.Lfunc_end0:
.L_simem_size_0:
called_computation_lowered:
.L_overlay_start_0:
0x88: {  	s2 =	sld [smem:$0x3FD9]  }
0x89: {  	s3 =	sld [smem:$0x3FFE];
	_ =	sdelay $0x1  }
0x8a: {  	s1 =	srdreg.scid  }
0x8b: {  	s0 =	sand.u32 $0x1, s1  }
0x8c: {  	s17 =	sshll.u32 s0, $0xA;
	s2 =	sadd.s32 s3, s2  }
0x8d: {  	s2 =	sadd.s32 s2, s17  }
0x8e: {  	[smem:$0x3FC6] =	sst s2  }
0x8f: {  	_ = 	snop  }
0x90: {  	s2 =	sld [smem:$0x3FD0];
	(tm) =	ssettm $0x1  }
0x91: {  	s18 =	sld [smem:$0x3FFB];
	_ =	sdelay $0x3  }
0x92: {  	_ =	strace s18  }
0x93: {  	s3 =	sld [smem:$0x3FFC];
	_ =	sdelay $0x3  }
0x94: {  	_ =	strace s3  }
0x95: {  	s3 =	sld [smem:$0x3FFD];
	_ =	sdelay $0x3  }
0x96: {  	_ =	strace s3  }
0x97: {  	_ =	strace $0x8FFFFFFF  }
0x98: {  	s19 =	sld [smem:$0x3FDB];
	_ =	sdelay $0x1  }
0x99: {  	s4 =	simm.s32 $_scs_section_size  }
0x9a: {  	s5 =	simm.s32 $_size__tile_overlayer_lowered;
	s6 =	simm.s32 $_tile_overlayer_lowered  }
0x9b: {  	s22 =	simm.s32 $0x1BFF;
	s21 =	sshll.u32 s6, $0x1;
	s3 =	sadd.s32 s4, s19  }
0x9c: {  	s7 =	simm.s32 $0x0;
	s20 =	sshll.u32 s5, $0x1;
	s5 =	sadd.s32 s21, s3  }
0x9d: {  	[timem:s7], [sflag:s22] =	dma.local [hbm:s5], s20  }
0x9e: {  	_ =	swait.ge [sflag:s22], s20  }
0x9f: {  	s4 =	ssub.s32 $0x0, s20;
	[sflag:s22] =	ssyncset.done $0x0  }
0xa0: {  	[sflag:s22] =	ssyncadd.s32 s4;
	_ =	sdelay $0x1  }
0xa1: {  	s23 =	simm.s32 $0x1B8B  }
0xa2: {  	_ =	swait.ge [sflag:s23], $0x1  }
0xa3: {  	[sflag:s23] =	ssyncset.done $0x0  }
0xa4: {  	s25 =	simm.s32 $0x1B8E;
	s24 =	sld [smem:$0x3FFE];
	[sflag:s23] =	ssyncadd.s32 $0xFFFFFFFF  }
0xa5: {  	s26 =	simm.s32 $execute0_lowered;
	[smem:$0x3FD2] =	sst s25  }
0xa6: {  	s5 =	sshll.u32 s26, $0x1;
	_ =	strace $0x80000046;
	[dreg:$0x1] =	wrdreg $0xFFFFFFFF  }
0xa7: {  	s28 =	simm.s32 $_size_execute0_lowered;
	s3 =	sadd.s32 s3, s5;
	[dreg:$0x0] =	wrdreg $0x0  }
0xa8: {  	s5 =	sshll.u32 s28, $0x1;
	[dreg:$0x2] =	wrdreg s3  }
0xa9: {  	[dreg:$0x3] =	wrdreg s5  }
0xaa: {  	[dreg:$0x4] =	wrdreg $0xC0  }
0xab: {  	_ =	task [dreg:s7], $0x5FFFF  }
0xac: {  	[dreg:$0x1] =	wrdreg $0xFFFFFFFF  }
0xad: {  	[dreg:$0x0] =	wrdreg $0x60  }
0xae: {  	[dreg:$0x2] =	wrdreg s2  }
0xaf: {  	[dreg:$0x3] =	wrdreg s24  }
0xb0: {  	[dreg:$0x4] =	wrdreg $0x9  }
0xb1: {  	_ =	task.clear_ibuf [dreg:s7], $0x5FFFF;
	_ =	strace $0x90000046  }
0xb2: {  	s29 =	simm.s32 $0x9;
	_ =	strace $0x80000048  }
0xb3: {  	_ =	swait.ge [sflag:s29], $0x1  }
0xb4: {  	[sflag:s29] =	ssyncadd.s32 $0xFFFFFFFF  }
0xb5: {  	_ =	strace $0x90000048  }
0xb6: {  	_ =	sfence  }
0xb7: {  	s30 =	sld [smem:$0x0];
	_ =	sdelay $0x2  }
0xb8: {  	s31 =	sshll.u32 s1, $0xD;
	s1 =	sshrl.u32 s1, $0x2  }
0xb9: {  	s3 =	sand.u32 $0x4000, s31;
	s1 =	sadd.s32 s1, s30  }
0xba: {  	s0 =	sor.u32 s3, s0;
	s1 =	sshll.u32 s1, $0x11  }
0xbb: {  	s0 =	sor.u32 s1, s0  }
0xbc: {  	s0 =	sadd.s32 $0x8F2B, s0  }
0xbd: {  	[sflag:s0] =	ssyncadd.remote.s32 $0x1  }
0xbe: {  	_ =	sfence.sel $0xFFFF  }
0xbf: {  	[dreg:$0x0] =	wrdreg $0xFFFFFFFF;
	(pc) =	sbr.abs _section_cstart, $3  }
0xc0: {  	[dreg:$0x1] =	wrdreg $0xFFFFFFFF  }
0xc1: {  	_ =	task.clear_ibuf [dreg:s7], $0x2FFFF;
	_ =	strace $0x9FFFFFFF  }
0xc2: {  	(tm) =	ssettm $0x7FFFFFFF  }
0xc3: {  	_ =	shalt  }
tec
execute0_lowered:
.L_overlay_start_1:
0x0: {  	(tag) =	ssettag $0x1  }
0x1: {  	s0 =	srdreg.scid;
	s1 =	stileid.u32  }
0x2: {  	s4 =	rddreg [dreg:$0x0];
	s0 =	sand.u32 $0x1, s0;
	s5 =	sshll.u32 s1, $0x1  }
0x3: {  	s3 =	rddreg [dreg:$0x1];
	s2 =	simm.s32 $0x0;
	s5 =	sor.u32 s0, s5  }
0x4: {  	s3 =	sadd.s32 $0xC00, s3;
	s6 =	sshll.u32 s5, $0x4;
	s7 =	sshll.u32 s5, $0x13  }
0x5: {  	[smem:$0x7FF] =	sst s2;
	s6 =	sadd.s32 s4, s6;
	s4 =	sadd.s32 s3, s7  }
0x6: {  	_ =	strace $0x80000047;
	[dreg:$0x3] =	wrdreg s6;
	s18 =	sadd.s32 $0x1000, s4  }
0x7: {  	s19 =	sadd.s32 $0x2000, s4;
	[dreg:$0x4] =	wrdreg s18  }
0x8: {  	s20 =	sadd.s32 $0x3000, s4;
	[dreg:$0x5] =	wrdreg s19  }
0x9: {  	s21 =	sadd.s32 $0x4000, s4;
	[dreg:$0x6] =	wrdreg s20  }
0xa: {  	s22 =	sadd.s32 $0x5000, s4;
	[dreg:$0x7] =	wrdreg s21  }
0xb: {  	s23 =	sadd.s32 $0x6000, s4;
	[dreg:$0x8] =	wrdreg s22  }
0xc: {  	s24 =	sadd.s32 $0x7000, s4;
	[dreg:$0x9] =	wrdreg s23  }
0xd: {  	s25 =	sadd.s32 $0x8000, s4;
	[dreg:$0xa] =	wrdreg s24  }
0xe: {  	s26 =	sadd.s32 $0x9000, s4;
	[dreg:$0xb] =	wrdreg s25  }
0xf: {  	s1 =	sadd.s32 $0xA000, s4;
	[dreg:$0xc] =	wrdreg s26  }
0x10: {  	s7 =	sadd.s32 $0xB000, s4;
	[dreg:$0xd] =	wrdreg s1  }
0x11: {  	s8 =	sadd.s32 $0xC000, s4;
	[dreg:$0xe] =	wrdreg s7  }
0x12: {  	s9 =	sadd.s32 $0xE000, s4;
	[dreg:$0xf] =	wrdreg s8  }
0x13: {  	s10 =	sadd.s32 $0xF000, s4;
	[dreg:$0x11] =	wrdreg s9  }
0x14: {  	s12 =	sadd.s32 $0x11000, s4;
	[dreg:$0x12] =	wrdreg s10  }
0x15: {  	s13 =	sadd.s32 $0x12000, s4;
	[dreg:$0x14] =	wrdreg s12  }
0x16: {  	s14 =	sadd.s32 $0x13000, s4;
	[dreg:$0x15] =	wrdreg s13  }
0x17: {  	s15 =	sadd.s32 $0x14000, s4;
	[dreg:$0x16] =	wrdreg s14  }
0x18: {  	s16 =	sadd.s32 $0x15000, s4;
	[dreg:$0x17] =	wrdreg s15  }
0x19: {  	s17 =	sadd.s32 $0x16000, s4;
	[dreg:$0x18] =	wrdreg s16  }
0x1a: {  	s7 =	sadd.s32 $0xD000, s4;
	[dreg:$0x19] =	wrdreg s17  }
0x1b: {  	s18 =	sadd.s32 $0x17000, s4;
	[dreg:$0x10] =	wrdreg s7  }
0x1c: {  	s19 =	sadd.s32 $0x18000, s4;
	[dreg:$0x1a] =	wrdreg s18  }
0x1d: {  	s20 =	sadd.s32 $0x19000, s4;
	[dreg:$0x1b] =	wrdreg s19  }
0x1e: {  	s21 =	sadd.s32 $0x1A000, s4;
	[dreg:$0x1c] =	wrdreg s20  }
0x1f: {  	s22 =	sadd.s32 $0x1B000, s4;
	[dreg:$0x1d] =	wrdreg s21  }
0x20: {  	s23 =	sadd.s32 $0x1C000, s4;
	[dreg:$0x1e] =	wrdreg s22  }
0x21: {  	s24 =	sadd.s32 $0x1D000, s4;
	[dreg:$0x1f] =	wrdreg s23  }
0x22: {  	s25 =	sadd.s32 $0x1E000, s4;
	[smem:$0x7AE] =	sst s24  }
0x23: {  	s26 =	sadd.s32 $0x1F000, s4;
	[smem:$0x7AF] =	sst s25  }
0x24: {  	s10 =	sadd.s32 $0x21000, s4;
	[smem:$0x7B0] =	sst s26  }
0x25: {  	s12 =	sadd.s32 $0x22000, s4;
	[smem:$0x7B2] =	sst s10  }
0x26: {  	s13 =	sadd.s32 $0x23000, s4;
	[smem:$0x7B3] =	sst s12  }
0x27: {  	s14 =	sadd.s32 $0x24000, s4;
	[smem:$0x7B4] =	sst s13  }
0x28: {  	s5 =	sshll.u32 s5, $0x7;
	s15 =	sadd.s32 $0x25000, s4;
	[smem:$0x7B5] =	sst s14  }
0x29: {  	s6 =	sor.u32 $0x10, s5;
	s16 =	sadd.s32 $0x26000, s4;
	[smem:$0x7B6] =	sst s15  }
0x2a: {  	s8 =	sshll.u32 s6, $0xC;
	s17 =	sadd.s32 $0x27000, s4;
	[smem:$0x7B7] =	sst s16  }
0x2b: {  	s11 =	sadd.s32 s3, s8;
	[smem:$0x7B8] =	sst s17  }
0x2c: {  	s18 =	sadd.s32 $0x28000, s4;
	[dreg:$0x13] =	wrdreg s11  }
0x2d: {  	s19 =	sadd.s32 $0x29000, s4;
	[smem:$0x7B9] =	sst s18  }
0x2e: {  	s20 =	sadd.s32 $0x2A000, s4;
	[smem:$0x7BA] =	sst s19  }
0x2f: {  	s21 =	sadd.s32 $0x2B000, s4;
	[smem:$0x7BB] =	sst s20  }
0x30: {  	s22 =	sadd.s32 $0x2C000, s4;
	[smem:$0x7BC] =	sst s21  }
0x31: {  	s23 =	sadd.s32 $0x2D000, s4;
	[smem:$0x7BD] =	sst s22  }
0x32: {  	s24 =	sadd.s32 $0x2E000, s4;
	[smem:$0x7BE] =	sst s23  }
0x33: {  	s25 =	sadd.s32 $0x2F000, s4;
	[smem:$0x7BF] =	sst s24  }
0x34: {  	s8 =	sadd.s32 $0x31000, s4;
	[smem:$0x7C0] =	sst s25  }
0x35: {  	s10 =	sadd.s32 $0x33000, s4;
	[smem:$0x7C2] =	sst s8  }
0x36: {  	s13 =	sadd.s32 $0x34000, s4;
	[smem:$0x7C4] =	sst s10  }
0x37: {  	s14 =	sadd.s32 $0x35000, s4;
	[smem:$0x7C5] =	sst s13  }
0x38: {  	s15 =	sadd.s32 $0x36000, s4;
	[smem:$0x7C6] =	sst s14  }
0x39: {  	s16 =	sadd.s32 $0x37000, s4;
	[smem:$0x7C7] =	sst s15  }
0x3a: {  	s17 =	sadd.s32 $0x38000, s4;
	[smem:$0x7C8] =	sst s16  }
0x3b: {  	[smem:$0x7C9] =	sst s17;
	s18 =	sadd.s32 $0x39000, s4  }
0x3c: {  	s19 =	sadd.s32 $0x3A000, s4;
	[smem:$0x7CA] =	sst s18  }
0x3d: {  	s20 =	sadd.s32 $0x3B000, s4;
	[smem:$0x7CB] =	sst s19  }
0x3e: {  	s21 =	sadd.s32 $0x3C000, s4;
	[smem:$0x7CC] =	sst s20  }
0x3f: {  	s22 =	sadd.s32 $0x3D000, s4;
	[smem:$0x7CD] =	sst s21  }
0x40: {  	s23 =	sadd.s32 $0x3E000, s4;
	[smem:$0x7CE] =	sst s22  }
0x41: {  	s24 =	sadd.s32 $0x3F000, s4;
	[smem:$0x7CF] =	sst s23  }
0x42: {  	s8 =	sadd.s32 $0x42000, s4;
	[smem:$0x7D0] =	sst s24  }
0x43: {  	s10 =	sadd.s32 $0x44000, s4;
	[smem:$0x7D3] =	sst s8  }
0x44: {  	s13 =	sadd.s32 $0x45000, s4;
	[smem:$0x7D5] =	sst s10  }
0x45: {  	s15 =	sadd.s32 $0x46000, s4;
	[smem:$0x7D6] =	sst s13  }
0x46: {  	s16 =	sadd.s32 $0x47000, s4;
	[smem:$0x7D7] =	sst s15  }
0x47: {  	s17 =	sadd.s32 $0x48000, s4;
	[smem:$0x7D8] =	sst s16  }
0x48: {  	[smem:$0x7D9] =	sst s17;
	s18 =	sadd.s32 $0x49000, s4  }
0x49: {  	s19 =	sadd.s32 $0x4A000, s4;
	[smem:$0x7DA] =	sst s18  }
0x4a: {  	s20 =	sadd.s32 $0x4B000, s4;
	[smem:$0x7DB] =	sst s19  }
0x4b: {  	s21 =	sadd.s32 $0x4C000, s4;
	[smem:$0x7DC] =	sst s20  }
0x4c: {  	s22 =	sadd.s32 $0x4D000, s4;
	[smem:$0x7DD] =	sst s21  }
0x4d: {  	s23 =	sadd.s32 $0x4E000, s4;
	[smem:$0x7DE] =	sst s22  }
0x4e: {  	s24 =	sadd.s32 $0x4F000, s4;
	[smem:$0x7DF] =	sst s23  }
0x4f: {  	s8 =	sadd.s32 $0x52000, s4;
	[smem:$0x7E0] =	sst s24  }
0x50: {  	s10 =	sadd.s32 $0x54000, s4;
	[smem:$0x7E3] =	sst s8  }
0x51: {  	s12 =	sor.u32 $0x30, s5;
	s13 =	sadd.s32 $0x55000, s4;
	[smem:$0x7E5] =	sst s10  }
0x52: {  	s11 =	sor.u32 $0x20, s5;
	s15 =	sadd.s32 $0x56000, s4;
	[smem:$0x7E6] =	sst s13  }
0x53: {  	s26 =	sshll.u32 s12, $0xC;
	s16 =	sadd.s32 $0x57000, s4;
	[smem:$0x7E7] =	sst s15  }
0x54: {  	s1 =	sshll.u32 s11, $0xC;
	s17 =	sadd.s32 $0x58000, s4;
	[smem:$0x7E8] =	sst s16  }
0x55: {  	s14 =	sor.u32 $0x40, s5;
	s9 =	sadd.s32 s3, s1;
	[smem:$0x7E9] =	sst s17  }
0x56: {  	s25 =	sshll.u32 s14, $0xC;
	s1 =	sadd.s32 s3, s26;
	[smem:$0x7B1] =	sst s9  }
0x57: {  	s28 =	simm.s32 $0x1;
	s26 =	sadd.s32 s3, s25;
	[smem:$0x7C1] =	sst s1  }
0x58: {  	s29 =	simm.s32 $0x80;
	s18 =	sadd.s32 $0x59000, s4;
	[smem:$0x7D1] =	sst s26  }
0x59: {  	s30 =	simm.s32 $0x8080;
	s19 =	sadd.s32 $0x5A000, s4;
	[smem:$0x7EA] =	sst s18  }
0x5a: {  	s31 =	simm.s32 $0x8100;
	s21 =	sadd.s32 $0x5B000, s4;
	[smem:$0x7EB] =	sst s19  }
0x5b: {  	v0 =	vlaneseq.u32;
	s0 =	ssub.s32 $0x2, s0;
	v1 =	vmov s5;
	s22 =	sadd.s32 $0x5C000, s4;
	[smem:$0x7EC] =	sst s21  }
0x5c: {  	v7 =	vmul.u32 $0x8000, v0;
	v0 =	vshll.u32 v1, $0xF;
	v1 =	vmov s6;
	s6 =	sadd.s32 $0x6E000, s4;
	s23 =	sadd.s32 $0x5D000, s4;
	[smem:$0x7ED] =	sst s22  }
0x5d: {  	s7 =	sadd.s32 $0x6F000, s4;
	s24 =	sadd.s32 $0x5E000, s4;
	[smem:$0x7EE] =	sst s23  }
0x5e: {  	v3 =	vmov s12;
	s12 =	sadd.s32 $0x74000, s4;
	s8 =	sadd.s32 $0x61000, s4;
	[smem:$0x7EF] =	sst s24  }
0x5f: {  	v2 =	vmov s11;
	s11 =	sadd.s32 $0x73000, s4;
	s10 =	sadd.s32 $0x63000, s4;
	[smem:$0x7F2] =	sst s8  }
0x60: {  	v4 =	vmov s14;
	s14 =	sadd.s32 $0x76000, s4;
	s13 =	sadd.s32 $0x64000, s4;
	[smem:$0x7F4] =	sst s10  }
0x61: {  	s20 =	sor.u32 $0x50, s5;
	s15 =	sadd.s32 $0x65000, s4;
	[smem:$0x7F5] =	sst s13  }
0x62: {  	s16 =	sadd.s32 $0x66000, s4;
	s17 =	sadd.s32 $0x67000, s4;
	[smem:$0x7F6] =	sst s15  }
0x63: {  	s9 =	sadd.s32 $0x32000, s4;
	s1 =	sadd.s32 $0x41000, s4;
	[smem:$0x7F7] =	sst s16  }
0x64: {  	s25 =	sshll.u32 s20, $0xC;
	s21 =	sor.u32 $0x60, s5;
	[smem:$0x7F8] =	sst s17  }
0x65: {  	s18 =	sadd.s32 $0x68000, s4;
	s19 =	sadd.s32 $0x69000, s4;
	s22 =	sadd.s32 $0x6A000, s4  }
0x66: {  	s23 =	sshrl.u32 s0, $0x1;
	s24 =	sadd.s32 $0x6B000, s4;
	[smem:$0x7C3] =	sst s9  }
0x67: {  	s10 =	sadd.s32 $0x72000, s4;
	s13 =	sadd.s32 $0x75000, s4;
	[smem:$0x7D2] =	sst s1  }
0x68: {  	s15 =	sadd.s32 $0x77000, s4;
	s16 =	sadd.s32 $0x78000, s4;
	[smem:$0x7F9] =	sst s18  }
0x69: {  	s17 =	sadd.s32 $0x79000, s4;
	v5 =	vmov s20;
	s20 =	sadd.s32 $0x7C000, s4;
	[smem:$0x7FA] =	sst s19  }
0x6a: {  	s9 =	sadd.s32 $0x43000, s4;
	s26 =	sadd.s32 s3, s25;
	[smem:$0x7FB] =	sst s22  }
0x6b: {  	s1 =	sadd.s32 $0x51000, s4;
	s25 =	sadd.s32 $0x5F000, s4;
	[smem:$0x7FC] =	sst s24  }
0x6c: {  	s0 =	ssub.s32 s0, s23;
	s23 =	sor.u32 $0x70, s5;
	[smem:$0x7D4] =	sst s9  }
0x6d: {  	s5 =	sadd.s32 $0x6D000, s4;
	s18 =	sadd.s32 $0x7A000, s4;
	[smem:$0x7E1] =	sst s26  }
0x6e: {  	v1 =	vshll.u32 v1, $0xF;
	s19 =	sadd.s32 $0x7B000, s4;
	s22 =	sadd.s32 $0x7E000, s4;
	[smem:$0x7E2] =	sst s1  }
0x6f: {  	v9 =	vimm.f32 $1.000000000e+09;
	v0 =	vor.u32 v7, v0;
	v1 =	vor.u32 v7, v1;
	s9 =	sadd.s32 $0x53000, s4;
	s26 =	sshll.u32 s21, $0xC;
	[smem:$0x7F0] =	sst s25  }
0x70: {  	v3 =	vshll.u32 v3, $0xF;
	v2 =	vshll.u32 v2, $0xF;
	v6 =	vmov s21;
	s25 =	sadd.s32 $0x6C000, s4;
	s21 =	sadd.s32 $0x7D000, s4;
	[smem:$0x7E4] =	sst s9  }
0x71: {  	v3 =	vor.u32 v7, v3;
	v4 =	vshll.u32 v4, $0xF;
	v2 =	vor.u32 v7, v2;
	s24 =	smax.u32 s0, $0x1;
	s1 =	sadd.s32 s3, s26;
	[smem:$0x7FD] =	sst s25  }
0x72: {  	v4 =	vor.u32 v7, v4;
	v5 =	vshll.u32 v5, $0xF;
	v8 =	vmov s23;
	s0 =	simm.s32 $0x2;
	s9 =	sadd.s32 $0x62000, s4;
	[smem:$0x7F1] =	sst s1  }
0x73: {  	v6 =	vshll.u32 v6, $0xF;
	v5 =	vor.u32 v7, v5;
	s26 =	sshll.u32 s23, $0xC;
	s23 =	sadd.s32 $0x7F000, s4;
	v8 =	vshll.u32 v8, $0xF;
	[smem:$0x7F3] =	sst s9  }
0x74: {  	v6 =	vor.u32 v7, v6;
	s8 =	sadd.s32 s3, s26;
	s9 =	sadd.s32 $0x71000, s4;
	s26 =	simm.s32 $0x3;
	v7 =	vor.u32 v7, v8;
	v8 =	vimm.f32 $0.0e+00  }
.LBB2_1:
0x75: {  	s1 =	rddreg [dreg:$0x3];
	s25 =	simm.s32 $0x8000  }
0x76: {  	[tilespmem:s25], [sflag:$0x3] =	stream.linear.gather [hbm4b:s1+s2], $0x80, $0x38;
	[tilespmem:$0x8180] =	vst v63  }
0x77: {  	_ =	swait.ge [sflag:s26], $0x80  }
0x78: {  	[sflag:s26] =	ssyncset.done $0x0  }
0x79: {  	[sflag:s26] =	ssyncadd.s32 $0xFFFFFF80  }
0x7a: {  	[tilespmem:$0x0] =	vst v8  }
0x7b: {  	[tilespmem:$0x10] =	vst v8  }
0x7c: {  	[tilespmem:$0x20] =	vst v8  }
0x7d: {  	[tilespmem:$0x30] =	vst v8  }
0x7e: {  	[tilespmem:$0x40] =	vst v8  }
0x7f: {  	[tilespmem:$0x50] =	vst v8  }
0x80: {  	[tilespmem:$0x60] =	vst v8  }
0x81: {  	[tilespmem:$0x70] =	vst v8  }
0x82: {  	[tilespmem:$0x80] =	vst v8  }
0x83: {  	[tilespmem:$0x90] =	vst v8  }
0x84: {  	[tilespmem:$0xA0] =	vst v8  }
0x85: {  	[tilespmem:$0xB0] =	vst v8  }
0x86: {  	[tilespmem:$0xC0] =	vst v8  }
0x87: {  	[tilespmem:$0xD0] =	vst v8  }
0x88: {  	[tilespmem:$0xE0] =	vst v8  }
0x89: {  	[tilespmem:$0xF0] =	vst v8  }
0x8a: {  	[tilespmem:$0x100] =	vst v8  }
0x8b: {  	[tilespmem:$0x110] =	vst v8  }
0x8c: {  	[tilespmem:$0x120] =	vst v8  }
0x8d: {  	[tilespmem:$0x130] =	vst v8  }
0x8e: {  	[tilespmem:$0x140] =	vst v8  }
0x8f: {  	[tilespmem:$0x150] =	vst v8  }
0x90: {  	[tilespmem:$0x160] =	vst v8  }
0x91: {  	[tilespmem:$0x170] =	vst v8  }
0x92: {  	[tilespmem:$0x180] =	vst v8  }
0x93: {  	[tilespmem:$0x190] =	vst v8  }
0x94: {  	[tilespmem:$0x1A0] =	vst v8  }
0x95: {  	[tilespmem:$0x1B0] =	vst v8  }
0x96: {  	[tilespmem:$0x1C0] =	vst v8  }
0x97: {  	[tilespmem:$0x1D0] =	vst v8  }
0x98: {  	[tilespmem:$0x1E0] =	vst v8  }
0x99: {  	[tilespmem:$0x1F0] =	vst v8  }
0x9a: {  	[tilespmem:$0x200] =	vst v8  }
0x9b: {  	[tilespmem:$0x210] =	vst v8  }
0x9c: {  	[tilespmem:$0x220] =	vst v8  }
0x9d: {  	[tilespmem:$0x230] =	vst v8  }
0x9e: {  	[tilespmem:$0x240] =	vst v8  }
0x9f: {  	[tilespmem:$0x250] =	vst v8  }
0xa0: {  	[tilespmem:$0x260] =	vst v8  }
0xa1: {  	[tilespmem:$0x270] =	vst v8  }
0xa2: {  	[tilespmem:$0x280] =	vst v8  }
0xa3: {  	[tilespmem:$0x290] =	vst v8  }
0xa4: {  	[tilespmem:$0x2A0] =	vst v8  }
0xa5: {  	[tilespmem:$0x2B0] =	vst v8  }
0xa6: {  	[tilespmem:$0x2C0] =	vst v8  }
0xa7: {  	[tilespmem:$0x2D0] =	vst v8  }
0xa8: {  	[tilespmem:$0x2E0] =	vst v8  }
0xa9: {  	[tilespmem:$0x2F0] =	vst v8  }
0xaa: {  	[tilespmem:$0x300] =	vst v8  }
0xab: {  	[tilespmem:$0x310] =	vst v8  }
0xac: {  	[tilespmem:$0x320] =	vst v8  }
0xad: {  	[tilespmem:$0x330] =	vst v8  }
0xae: {  	[tilespmem:$0x340] =	vst v8  }
0xaf: {  	[tilespmem:$0x350] =	vst v8  }
0xb0: {  	[tilespmem:$0x360] =	vst v8  }
0xb1: {  	[tilespmem:$0x370] =	vst v8  }
0xb2: {  	[tilespmem:$0x380] =	vst v8  }
0xb3: {  	[tilespmem:$0x390] =	vst v8  }
0xb4: {  	[tilespmem:$0x3A0] =	vst v8  }
0xb5: {  	[tilespmem:$0x3B0] =	vst v8  }
0xb6: {  	[tilespmem:$0x3C0] =	vst v8  }
0xb7: {  	[tilespmem:$0x3D0] =	vst v8  }
0xb8: {  	[tilespmem:$0x3E0] =	vst v8  }
0xb9: {  	[tilespmem:$0x3F0] =	vst v8  }
0xba: {  	[tilespmem:$0x400] =	vst v8  }
0xbb: {  	[tilespmem:$0x410] =	vst v8  }
0xbc: {  	[tilespmem:$0x420] =	vst v8  }
0xbd: {  	[tilespmem:$0x430] =	vst v8  }
0xbe: {  	[tilespmem:$0x440] =	vst v8  }
0xbf: {  	[tilespmem:$0x450] =	vst v8  }
0xc0: {  	[tilespmem:$0x460] =	vst v8  }
0xc1: {  	[tilespmem:$0x470] =	vst v8  }
0xc2: {  	[tilespmem:$0x480] =	vst v8  }
0xc3: {  	[tilespmem:$0x490] =	vst v8  }
0xc4: {  	[tilespmem:$0x4A0] =	vst v8  }
0xc5: {  	[tilespmem:$0x4B0] =	vst v8  }
0xc6: {  	[tilespmem:$0x4C0] =	vst v8  }
0xc7: {  	[tilespmem:$0x4D0] =	vst v8  }
0xc8: {  	[tilespmem:$0x4E0] =	vst v8  }
0xc9: {  	[tilespmem:$0x4F0] =	vst v8  }
0xca: {  	[tilespmem:$0x500] =	vst v8  }
0xcb: {  	[tilespmem:$0x510] =	vst v8  }
0xcc: {  	[tilespmem:$0x520] =	vst v8  }
0xcd: {  	[tilespmem:$0x530] =	vst v8  }
0xce: {  	[tilespmem:$0x540] =	vst v8  }
0xcf: {  	[tilespmem:$0x550] =	vst v8  }
0xd0: {  	[tilespmem:$0x560] =	vst v8  }
0xd1: {  	[tilespmem:$0x570] =	vst v8  }
0xd2: {  	[tilespmem:$0x580] =	vst v8  }
0xd3: {  	[tilespmem:$0x590] =	vst v8  }
0xd4: {  	[tilespmem:$0x5A0] =	vst v8  }
0xd5: {  	[tilespmem:$0x5B0] =	vst v8  }
0xd6: {  	[tilespmem:$0x5C0] =	vst v8  }
0xd7: {  	[tilespmem:$0x5D0] =	vst v8  }
0xd8: {  	[tilespmem:$0x5E0] =	vst v8  }
0xd9: {  	[tilespmem:$0x5F0] =	vst v8  }
0xda: {  	[tilespmem:$0x600] =	vst v8  }
0xdb: {  	[tilespmem:$0x610] =	vst v8  }
0xdc: {  	[tilespmem:$0x620] =	vst v8  }
0xdd: {  	[tilespmem:$0x630] =	vst v8  }
0xde: {  	[tilespmem:$0x640] =	vst v8  }
0xdf: {  	[tilespmem:$0x650] =	vst v8  }
0xe0: {  	[tilespmem:$0x660] =	vst v8  }
0xe1: {  	[tilespmem:$0x670] =	vst v8  }
0xe2: {  	[tilespmem:$0x680] =	vst v8  }
0xe3: {  	[tilespmem:$0x690] =	vst v8  }
0xe4: {  	[tilespmem:$0x6A0] =	vst v8  }
0xe5: {  	[tilespmem:$0x6B0] =	vst v8  }
0xe6: {  	[tilespmem:$0x6C0] =	vst v8  }
0xe7: {  	[tilespmem:$0x6D0] =	vst v8  }
0xe8: {  	[tilespmem:$0x6E0] =	vst v8  }
0xe9: {  	[tilespmem:$0x6F0] =	vst v8  }
0xea: {  	[tilespmem:$0x700] =	vst v8  }
0xeb: {  	[tilespmem:$0x710] =	vst v8  }
0xec: {  	[tilespmem:$0x720] =	vst v8  }
0xed: {  	[tilespmem:$0x730] =	vst v8  }
0xee: {  	[tilespmem:$0x740] =	vst v8  }
0xef: {  	[tilespmem:$0x750] =	vst v8  }
0xf0: {  	[tilespmem:$0x760] =	vst v8  }
0xf1: {  	[tilespmem:$0x770] =	vst v8  }
0xf2: {  	[tilespmem:$0x780] =	vst v8  }
0xf3: {  	[tilespmem:$0x790] =	vst v8  }
0xf4: {  	[tilespmem:$0x7A0] =	vst v8  }
0xf5: {  	[tilespmem:$0x7B0] =	vst v8  }
0xf6: {  	[tilespmem:$0x7C0] =	vst v8  }
0xf7: {  	[tilespmem:$0x7D0] =	vst v8  }
0xf8: {  	[tilespmem:$0x7E0] =	vst v8  }
0xf9: {  	[tilespmem:$0x7F0] =	vst v8  }
0xfa: {  	[tilespmem:$0x800] =	vst v8  }
0xfb: {  	[tilespmem:$0x810] =	vst v8  }
0xfc: {  	[tilespmem:$0x820] =	vst v8  }
0xfd: {  	[tilespmem:$0x830] =	vst v8  }
0xfe: {  	[tilespmem:$0x840] =	vst v8  }
0xff: {  	[tilespmem:$0x850] =	vst v8  }
0x100: {  	[tilespmem:$0x860] =	vst v8  }
0x101: {  	[tilespmem:$0x870] =	vst v8  }
0x102: {  	[tilespmem:$0x880] =	vst v8  }
0x103: {  	[tilespmem:$0x890] =	vst v8  }
0x104: {  	[tilespmem:$0x8A0] =	vst v8  }
0x105: {  	[tilespmem:$0x8B0] =	vst v8  }
0x106: {  	[tilespmem:$0x8C0] =	vst v8  }
0x107: {  	[tilespmem:$0x8D0] =	vst v8  }
0x108: {  	[tilespmem:$0x8E0] =	vst v8  }
0x109: {  	[tilespmem:$0x8F0] =	vst v8  }
0x10a: {  	[tilespmem:$0x900] =	vst v8  }
0x10b: {  	[tilespmem:$0x910] =	vst v8  }
0x10c: {  	[tilespmem:$0x920] =	vst v8  }
0x10d: {  	[tilespmem:$0x930] =	vst v8  }
0x10e: {  	[tilespmem:$0x940] =	vst v8  }
0x10f: {  	[tilespmem:$0x950] =	vst v8  }
0x110: {  	[tilespmem:$0x960] =	vst v8  }
0x111: {  	[tilespmem:$0x970] =	vst v8  }
0x112: {  	[tilespmem:$0x980] =	vst v8  }
0x113: {  	[tilespmem:$0x990] =	vst v8  }
0x114: {  	[tilespmem:$0x9A0] =	vst v8  }
0x115: {  	[tilespmem:$0x9B0] =	vst v8  }
0x116: {  	[tilespmem:$0x9C0] =	vst v8  }
0x117: {  	[tilespmem:$0x9D0] =	vst v8  }
0x118: {  	[tilespmem:$0x9E0] =	vst v8  }
0x119: {  	[tilespmem:$0x9F0] =	vst v8  }
0x11a: {  	[tilespmem:$0xA00] =	vst v8  }
0x11b: {  	[tilespmem:$0xA10] =	vst v8  }
0x11c: {  	[tilespmem:$0xA20] =	vst v8  }
0x11d: {  	[tilespmem:$0xA30] =	vst v8  }
0x11e: {  	[tilespmem:$0xA40] =	vst v8  }
0x11f: {  	[tilespmem:$0xA50] =	vst v8  }
0x120: {  	[tilespmem:$0xA60] =	vst v8  }
0x121: {  	[tilespmem:$0xA70] =	vst v8  }
0x122: {  	[tilespmem:$0xA80] =	vst v8  }
0x123: {  	[tilespmem:$0xA90] =	vst v8  }
0x124: {  	[tilespmem:$0xAA0] =	vst v8  }
0x125: {  	[tilespmem:$0xAB0] =	vst v8  }
0x126: {  	[tilespmem:$0xAC0] =	vst v8  }
0x127: {  	[tilespmem:$0xAD0] =	vst v8  }
0x128: {  	[tilespmem:$0xAE0] =	vst v8  }
0x129: {  	[tilespmem:$0xAF0] =	vst v8  }
0x12a: {  	[tilespmem:$0xB00] =	vst v8  }
0x12b: {  	[tilespmem:$0xB10] =	vst v8  }
0x12c: {  	[tilespmem:$0xB20] =	vst v8  }
0x12d: {  	[tilespmem:$0xB30] =	vst v8  }
0x12e: {  	[tilespmem:$0xB40] =	vst v8  }
0x12f: {  	[tilespmem:$0xB50] =	vst v8  }
0x130: {  	[tilespmem:$0xB60] =	vst v8  }
0x131: {  	[tilespmem:$0xB70] =	vst v8  }
0x132: {  	[tilespmem:$0xB80] =	vst v8  }
0x133: {  	[tilespmem:$0xB90] =	vst v8  }
0x134: {  	[tilespmem:$0xBA0] =	vst v8  }
0x135: {  	[tilespmem:$0xBB0] =	vst v8  }
0x136: {  	[tilespmem:$0xBC0] =	vst v8  }
0x137: {  	[tilespmem:$0xBD0] =	vst v8  }
0x138: {  	[tilespmem:$0xBE0] =	vst v8  }
0x139: {  	[tilespmem:$0xBF0] =	vst v8  }
0x13a: {  	[tilespmem:$0xC00] =	vst v8  }
0x13b: {  	[tilespmem:$0xC10] =	vst v8  }
0x13c: {  	[tilespmem:$0xC20] =	vst v8  }
0x13d: {  	[tilespmem:$0xC30] =	vst v8  }
0x13e: {  	[tilespmem:$0xC40] =	vst v8  }
0x13f: {  	[tilespmem:$0xC50] =	vst v8  }
0x140: {  	[tilespmem:$0xC60] =	vst v8  }
0x141: {  	[tilespmem:$0xC70] =	vst v8  }
0x142: {  	[tilespmem:$0xC80] =	vst v8  }
0x143: {  	[tilespmem:$0xC90] =	vst v8  }
0x144: {  	[tilespmem:$0xCA0] =	vst v8  }
0x145: {  	[tilespmem:$0xCB0] =	vst v8  }
0x146: {  	[tilespmem:$0xCC0] =	vst v8  }
0x147: {  	[tilespmem:$0xCD0] =	vst v8  }
0x148: {  	[tilespmem:$0xCE0] =	vst v8  }
0x149: {  	[tilespmem:$0xCF0] =	vst v8  }
0x14a: {  	[tilespmem:$0xD00] =	vst v8  }
0x14b: {  	[tilespmem:$0xD10] =	vst v8  }
0x14c: {  	[tilespmem:$0xD20] =	vst v8  }
0x14d: {  	[tilespmem:$0xD30] =	vst v8  }
0x14e: {  	[tilespmem:$0xD40] =	vst v8  }
0x14f: {  	[tilespmem:$0xD50] =	vst v8  }
0x150: {  	[tilespmem:$0xD60] =	vst v8  }
0x151: {  	[tilespmem:$0xD70] =	vst v8  }
0x152: {  	[tilespmem:$0xD80] =	vst v8  }
0x153: {  	[tilespmem:$0xD90] =	vst v8  }
0x154: {  	[tilespmem:$0xDA0] =	vst v8  }
0x155: {  	[tilespmem:$0xDB0] =	vst v8  }
0x156: {  	[tilespmem:$0xDC0] =	vst v8  }
0x157: {  	[tilespmem:$0xDD0] =	vst v8  }
0x158: {  	[tilespmem:$0xDE0] =	vst v8  }
0x159: {  	[tilespmem:$0xDF0] =	vst v8  }
0x15a: {  	[tilespmem:$0xE00] =	vst v8  }
0x15b: {  	[tilespmem:$0xE10] =	vst v8  }
0x15c: {  	[tilespmem:$0xE20] =	vst v8  }
0x15d: {  	[tilespmem:$0xE30] =	vst v8  }
0x15e: {  	[tilespmem:$0xE40] =	vst v8  }
0x15f: {  	[tilespmem:$0xE50] =	vst v8  }
0x160: {  	[tilespmem:$0xE60] =	vst v8  }
0x161: {  	[tilespmem:$0xE70] =	vst v8  }
0x162: {  	[tilespmem:$0xE80] =	vst v8  }
0x163: {  	[tilespmem:$0xE90] =	vst v8  }
0x164: {  	[tilespmem:$0xEA0] =	vst v8  }
0x165: {  	[tilespmem:$0xEB0] =	vst v8  }
0x166: {  	[tilespmem:$0xEC0] =	vst v8  }
0x167: {  	[tilespmem:$0xED0] =	vst v8  }
0x168: {  	[tilespmem:$0xEE0] =	vst v8  }
0x169: {  	[tilespmem:$0xEF0] =	vst v8  }
0x16a: {  	[tilespmem:$0xF00] =	vst v8  }
0x16b: {  	[tilespmem:$0xF10] =	vst v8  }
0x16c: {  	[tilespmem:$0xF20] =	vst v8  }
0x16d: {  	[tilespmem:$0xF30] =	vst v8  }
0x16e: {  	[tilespmem:$0xF40] =	vst v8  }
0x16f: {  	[tilespmem:$0xF50] =	vst v8  }
0x170: {  	[tilespmem:$0xF60] =	vst v8  }
0x171: {  	[tilespmem:$0xF70] =	vst v8  }
0x172: {  	[tilespmem:$0xF80] =	vst v8  }
0x173: {  	[tilespmem:$0xF90] =	vst v8  }
0x174: {  	[tilespmem:$0xFA0] =	vst v8  }
0x175: {  	[tilespmem:$0xFB0] =	vst v8  }
0x176: {  	[tilespmem:$0xFC0] =	vst v8  }
0x177: {  	[tilespmem:$0xFD0] =	vst v8  }
0x178: {  	[tilespmem:$0xFE0] =	vst v8  }
0x179: {  	[tilespmem:$0xFF0] =	vst v8  }
0x17a: {  	[tilespmem:$0x1000] =	vst v8  }
0x17b: {  	[tilespmem:$0x1010] =	vst v8  }
0x17c: {  	[tilespmem:$0x1020] =	vst v8  }
0x17d: {  	[tilespmem:$0x1030] =	vst v8  }
0x17e: {  	[tilespmem:$0x1040] =	vst v8  }
0x17f: {  	[tilespmem:$0x1050] =	vst v8  }
0x180: {  	[tilespmem:$0x1060] =	vst v8  }
0x181: {  	[tilespmem:$0x1070] =	vst v8  }
0x182: {  	[tilespmem:$0x1080] =	vst v8  }
0x183: {  	[tilespmem:$0x1090] =	vst v8  }
0x184: {  	[tilespmem:$0x10A0] =	vst v8  }
0x185: {  	[tilespmem:$0x10B0] =	vst v8  }
0x186: {  	[tilespmem:$0x10C0] =	vst v8  }
0x187: {  	[tilespmem:$0x10D0] =	vst v8  }
0x188: {  	[tilespmem:$0x10E0] =	vst v8  }
0x189: {  	[tilespmem:$0x10F0] =	vst v8  }
0x18a: {  	[tilespmem:$0x1100] =	vst v8  }
0x18b: {  	[tilespmem:$0x1110] =	vst v8  }
0x18c: {  	[tilespmem:$0x1120] =	vst v8  }
0x18d: {  	[tilespmem:$0x1130] =	vst v8  }
0x18e: {  	[tilespmem:$0x1140] =	vst v8  }
0x18f: {  	[tilespmem:$0x1150] =	vst v8  }
0x190: {  	[tilespmem:$0x1160] =	vst v8  }
0x191: {  	[tilespmem:$0x1170] =	vst v8  }
0x192: {  	[tilespmem:$0x1180] =	vst v8  }
0x193: {  	[tilespmem:$0x1190] =	vst v8  }
0x194: {  	[tilespmem:$0x11A0] =	vst v8  }
0x195: {  	[tilespmem:$0x11B0] =	vst v8  }
0x196: {  	[tilespmem:$0x11C0] =	vst v8  }
0x197: {  	[tilespmem:$0x11D0] =	vst v8  }
0x198: {  	[tilespmem:$0x11E0] =	vst v8  }
0x199: {  	[tilespmem:$0x11F0] =	vst v8  }
0x19a: {  	[tilespmem:$0x1200] =	vst v8  }
0x19b: {  	[tilespmem:$0x1210] =	vst v8  }
0x19c: {  	[tilespmem:$0x1220] =	vst v8  }
0x19d: {  	[tilespmem:$0x1230] =	vst v8  }
0x19e: {  	[tilespmem:$0x1240] =	vst v8  }
0x19f: {  	[tilespmem:$0x1250] =	vst v8  }
0x1a0: {  	[tilespmem:$0x1260] =	vst v8  }
0x1a1: {  	[tilespmem:$0x1270] =	vst v8  }
0x1a2: {  	[tilespmem:$0x1280] =	vst v8  }
0x1a3: {  	[tilespmem:$0x1290] =	vst v8  }
0x1a4: {  	[tilespmem:$0x12A0] =	vst v8  }
0x1a5: {  	[tilespmem:$0x12B0] =	vst v8  }
0x1a6: {  	[tilespmem:$0x12C0] =	vst v8  }
0x1a7: {  	[tilespmem:$0x12D0] =	vst v8  }
0x1a8: {  	[tilespmem:$0x12E0] =	vst v8  }
0x1a9: {  	[tilespmem:$0x12F0] =	vst v8  }
0x1aa: {  	[tilespmem:$0x1300] =	vst v8  }
0x1ab: {  	[tilespmem:$0x1310] =	vst v8  }
0x1ac: {  	[tilespmem:$0x1320] =	vst v8  }
0x1ad: {  	[tilespmem:$0x1330] =	vst v8  }
0x1ae: {  	[tilespmem:$0x1340] =	vst v8  }
0x1af: {  	[tilespmem:$0x1350] =	vst v8  }
0x1b0: {  	[tilespmem:$0x1360] =	vst v8  }
0x1b1: {  	[tilespmem:$0x1370] =	vst v8  }
0x1b2: {  	[tilespmem:$0x1380] =	vst v8  }
0x1b3: {  	[tilespmem:$0x1390] =	vst v8  }
0x1b4: {  	[tilespmem:$0x13A0] =	vst v8  }
0x1b5: {  	[tilespmem:$0x13B0] =	vst v8  }
0x1b6: {  	[tilespmem:$0x13C0] =	vst v8  }
0x1b7: {  	[tilespmem:$0x13D0] =	vst v8  }
0x1b8: {  	[tilespmem:$0x13E0] =	vst v8  }
0x1b9: {  	[tilespmem:$0x13F0] =	vst v8  }
0x1ba: {  	[tilespmem:$0x1400] =	vst v8  }
0x1bb: {  	[tilespmem:$0x1410] =	vst v8  }
0x1bc: {  	[tilespmem:$0x1420] =	vst v8  }
0x1bd: {  	[tilespmem:$0x1430] =	vst v8  }
0x1be: {  	[tilespmem:$0x1440] =	vst v8  }
0x1bf: {  	[tilespmem:$0x1450] =	vst v8  }
0x1c0: {  	[tilespmem:$0x1460] =	vst v8  }
0x1c1: {  	[tilespmem:$0x1470] =	vst v8  }
0x1c2: {  	[tilespmem:$0x1480] =	vst v8  }
0x1c3: {  	[tilespmem:$0x1490] =	vst v8  }
0x1c4: {  	[tilespmem:$0x14A0] =	vst v8  }
0x1c5: {  	[tilespmem:$0x14B0] =	vst v8  }
0x1c6: {  	[tilespmem:$0x14C0] =	vst v8  }
0x1c7: {  	[tilespmem:$0x14D0] =	vst v8  }
0x1c8: {  	[tilespmem:$0x14E0] =	vst v8  }
0x1c9: {  	[tilespmem:$0x14F0] =	vst v8  }
0x1ca: {  	[tilespmem:$0x1500] =	vst v8  }
0x1cb: {  	[tilespmem:$0x1510] =	vst v8  }
0x1cc: {  	[tilespmem:$0x1520] =	vst v8  }
0x1cd: {  	[tilespmem:$0x1530] =	vst v8  }
0x1ce: {  	[tilespmem:$0x1540] =	vst v8  }
0x1cf: {  	[tilespmem:$0x1550] =	vst v8  }
0x1d0: {  	[tilespmem:$0x1560] =	vst v8  }
0x1d1: {  	[tilespmem:$0x1570] =	vst v8  }
0x1d2: {  	[tilespmem:$0x1580] =	vst v8  }
0x1d3: {  	[tilespmem:$0x1590] =	vst v8  }
0x1d4: {  	[tilespmem:$0x15A0] =	vst v8  }
0x1d5: {  	[tilespmem:$0x15B0] =	vst v8  }
0x1d6: {  	[tilespmem:$0x15C0] =	vst v8  }
0x1d7: {  	[tilespmem:$0x15D0] =	vst v8  }
0x1d8: {  	[tilespmem:$0x15E0] =	vst v8  }
0x1d9: {  	[tilespmem:$0x15F0] =	vst v8  }
0x1da: {  	[tilespmem:$0x1600] =	vst v8  }
0x1db: {  	[tilespmem:$0x1610] =	vst v8  }
0x1dc: {  	[tilespmem:$0x1620] =	vst v8  }
0x1dd: {  	[tilespmem:$0x1630] =	vst v8  }
0x1de: {  	[tilespmem:$0x1640] =	vst v8  }
0x1df: {  	[tilespmem:$0x1650] =	vst v8  }
0x1e0: {  	[tilespmem:$0x1660] =	vst v8  }
0x1e1: {  	[tilespmem:$0x1670] =	vst v8  }
0x1e2: {  	[tilespmem:$0x1680] =	vst v8  }
0x1e3: {  	[tilespmem:$0x1690] =	vst v8  }
0x1e4: {  	[tilespmem:$0x16A0] =	vst v8  }
0x1e5: {  	[tilespmem:$0x16B0] =	vst v8  }
0x1e6: {  	[tilespmem:$0x16C0] =	vst v8  }
0x1e7: {  	[tilespmem:$0x16D0] =	vst v8  }
0x1e8: {  	[tilespmem:$0x16E0] =	vst v8  }
0x1e9: {  	[tilespmem:$0x16F0] =	vst v8  }
0x1ea: {  	[tilespmem:$0x1700] =	vst v8  }
0x1eb: {  	[tilespmem:$0x1710] =	vst v8  }
0x1ec: {  	[tilespmem:$0x1720] =	vst v8  }
0x1ed: {  	[tilespmem:$0x1730] =	vst v8  }
0x1ee: {  	[tilespmem:$0x1740] =	vst v8  }
0x1ef: {  	[tilespmem:$0x1750] =	vst v8  }
0x1f0: {  	[tilespmem:$0x1760] =	vst v8  }
0x1f1: {  	[tilespmem:$0x1770] =	vst v8  }
0x1f2: {  	[tilespmem:$0x1780] =	vst v8  }
0x1f3: {  	[tilespmem:$0x1790] =	vst v8  }
0x1f4: {  	[tilespmem:$0x17A0] =	vst v8  }
0x1f5: {  	[tilespmem:$0x17B0] =	vst v8  }
0x1f6: {  	[tilespmem:$0x17C0] =	vst v8  }
0x1f7: {  	[tilespmem:$0x17D0] =	vst v8  }
0x1f8: {  	[tilespmem:$0x17E0] =	vst v8  }
0x1f9: {  	[tilespmem:$0x17F0] =	vst v8  }
0x1fa: {  	[tilespmem:$0x1800] =	vst v8  }
0x1fb: {  	[tilespmem:$0x1810] =	vst v8  }
0x1fc: {  	[tilespmem:$0x1820] =	vst v8  }
0x1fd: {  	[tilespmem:$0x1830] =	vst v8  }
0x1fe: {  	[tilespmem:$0x1840] =	vst v8  }
0x1ff: {  	[tilespmem:$0x1850] =	vst v8  }
0x200: {  	[tilespmem:$0x1860] =	vst v8  }
0x201: {  	[tilespmem:$0x1870] =	vst v8  }
0x202: {  	[tilespmem:$0x1880] =	vst v8  }
0x203: {  	[tilespmem:$0x1890] =	vst v8  }
0x204: {  	[tilespmem:$0x18A0] =	vst v8  }
0x205: {  	[tilespmem:$0x18B0] =	vst v8  }
0x206: {  	[tilespmem:$0x18C0] =	vst v8  }
0x207: {  	[tilespmem:$0x18D0] =	vst v8  }
0x208: {  	[tilespmem:$0x18E0] =	vst v8  }
0x209: {  	[tilespmem:$0x18F0] =	vst v8  }
0x20a: {  	[tilespmem:$0x1900] =	vst v8  }
0x20b: {  	[tilespmem:$0x1910] =	vst v8  }
0x20c: {  	[tilespmem:$0x1920] =	vst v8  }
0x20d: {  	[tilespmem:$0x1930] =	vst v8  }
0x20e: {  	[tilespmem:$0x1940] =	vst v8  }
0x20f: {  	[tilespmem:$0x1950] =	vst v8  }
0x210: {  	[tilespmem:$0x1960] =	vst v8  }
0x211: {  	[tilespmem:$0x1970] =	vst v8  }
0x212: {  	[tilespmem:$0x1980] =	vst v8  }
0x213: {  	[tilespmem:$0x1990] =	vst v8  }
0x214: {  	[tilespmem:$0x19A0] =	vst v8  }
0x215: {  	[tilespmem:$0x19B0] =	vst v8  }
0x216: {  	[tilespmem:$0x19C0] =	vst v8  }
0x217: {  	[tilespmem:$0x19D0] =	vst v8  }
0x218: {  	[tilespmem:$0x19E0] =	vst v8  }
0x219: {  	[tilespmem:$0x19F0] =	vst v8  }
0x21a: {  	[tilespmem:$0x1A00] =	vst v8  }
0x21b: {  	[tilespmem:$0x1A10] =	vst v8  }
0x21c: {  	[tilespmem:$0x1A20] =	vst v8  }
0x21d: {  	[tilespmem:$0x1A30] =	vst v8  }
0x21e: {  	[tilespmem:$0x1A40] =	vst v8  }
0x21f: {  	[tilespmem:$0x1A50] =	vst v8  }
0x220: {  	[tilespmem:$0x1A60] =	vst v8  }
0x221: {  	[tilespmem:$0x1A70] =	vst v8  }
0x222: {  	[tilespmem:$0x1A80] =	vst v8  }
0x223: {  	[tilespmem:$0x1A90] =	vst v8  }
0x224: {  	[tilespmem:$0x1AA0] =	vst v8  }
0x225: {  	[tilespmem:$0x1AB0] =	vst v8  }
0x226: {  	[tilespmem:$0x1AC0] =	vst v8  }
0x227: {  	[tilespmem:$0x1AD0] =	vst v8  }
0x228: {  	[tilespmem:$0x1AE0] =	vst v8  }
0x229: {  	[tilespmem:$0x1AF0] =	vst v8  }
0x22a: {  	[tilespmem:$0x1B00] =	vst v8  }
0x22b: {  	[tilespmem:$0x1B10] =	vst v8  }
0x22c: {  	[tilespmem:$0x1B20] =	vst v8  }
0x22d: {  	[tilespmem:$0x1B30] =	vst v8  }
0x22e: {  	[tilespmem:$0x1B40] =	vst v8  }
0x22f: {  	[tilespmem:$0x1B50] =	vst v8  }
0x230: {  	[tilespmem:$0x1B60] =	vst v8  }
0x231: {  	[tilespmem:$0x1B70] =	vst v8  }
0x232: {  	[tilespmem:$0x1B80] =	vst v8  }
0x233: {  	[tilespmem:$0x1B90] =	vst v8  }
0x234: {  	[tilespmem:$0x1BA0] =	vst v8  }
0x235: {  	[tilespmem:$0x1BB0] =	vst v8  }
0x236: {  	[tilespmem:$0x1BC0] =	vst v8  }
0x237: {  	[tilespmem:$0x1BD0] =	vst v8  }
0x238: {  	[tilespmem:$0x1BE0] =	vst v8  }
0x239: {  	[tilespmem:$0x1BF0] =	vst v8  }
0x23a: {  	[tilespmem:$0x1C00] =	vst v8  }
0x23b: {  	[tilespmem:$0x1C10] =	vst v8  }
0x23c: {  	[tilespmem:$0x1C20] =	vst v8  }
0x23d: {  	[tilespmem:$0x1C30] =	vst v8  }
0x23e: {  	[tilespmem:$0x1C40] =	vst v8  }
0x23f: {  	[tilespmem:$0x1C50] =	vst v8  }
0x240: {  	[tilespmem:$0x1C60] =	vst v8  }
0x241: {  	[tilespmem:$0x1C70] =	vst v8  }
0x242: {  	[tilespmem:$0x1C80] =	vst v8  }
0x243: {  	[tilespmem:$0x1C90] =	vst v8  }
0x244: {  	[tilespmem:$0x1CA0] =	vst v8  }
0x245: {  	[tilespmem:$0x1CB0] =	vst v8  }
0x246: {  	[tilespmem:$0x1CC0] =	vst v8  }
0x247: {  	[tilespmem:$0x1CD0] =	vst v8  }
0x248: {  	[tilespmem:$0x1CE0] =	vst v8  }
0x249: {  	[tilespmem:$0x1CF0] =	vst v8  }
0x24a: {  	[tilespmem:$0x1D00] =	vst v8  }
0x24b: {  	[tilespmem:$0x1D10] =	vst v8  }
0x24c: {  	[tilespmem:$0x1D20] =	vst v8  }
0x24d: {  	[tilespmem:$0x1D30] =	vst v8  }
0x24e: {  	[tilespmem:$0x1D40] =	vst v8  }
0x24f: {  	[tilespmem:$0x1D50] =	vst v8  }
0x250: {  	[tilespmem:$0x1D60] =	vst v8  }
0x251: {  	[tilespmem:$0x1D70] =	vst v8  }
0x252: {  	[tilespmem:$0x1D80] =	vst v8  }
0x253: {  	[tilespmem:$0x1D90] =	vst v8  }
0x254: {  	[tilespmem:$0x1DA0] =	vst v8  }
0x255: {  	[tilespmem:$0x1DB0] =	vst v8  }
0x256: {  	[tilespmem:$0x1DC0] =	vst v8  }
0x257: {  	[tilespmem:$0x1DD0] =	vst v8  }
0x258: {  	[tilespmem:$0x1DE0] =	vst v8  }
0x259: {  	[tilespmem:$0x1DF0] =	vst v8  }
0x25a: {  	[tilespmem:$0x1E00] =	vst v8  }
0x25b: {  	[tilespmem:$0x1E10] =	vst v8  }
0x25c: {  	[tilespmem:$0x1E20] =	vst v8  }
0x25d: {  	[tilespmem:$0x1E30] =	vst v8  }
0x25e: {  	[tilespmem:$0x1E40] =	vst v8  }
0x25f: {  	[tilespmem:$0x1E50] =	vst v8  }
0x260: {  	[tilespmem:$0x1E60] =	vst v8  }
0x261: {  	[tilespmem:$0x1E70] =	vst v8  }
0x262: {  	[tilespmem:$0x1E80] =	vst v8  }
0x263: {  	[tilespmem:$0x1E90] =	vst v8  }
0x264: {  	[tilespmem:$0x1EA0] =	vst v8  }
0x265: {  	[tilespmem:$0x1EB0] =	vst v8  }
0x266: {  	[tilespmem:$0x1EC0] =	vst v8  }
0x267: {  	[tilespmem:$0x1ED0] =	vst v8  }
0x268: {  	[tilespmem:$0x1EE0] =	vst v8  }
0x269: {  	[tilespmem:$0x1EF0] =	vst v8  }
0x26a: {  	[tilespmem:$0x1F00] =	vst v8  }
0x26b: {  	[tilespmem:$0x1F10] =	vst v8  }
0x26c: {  	[tilespmem:$0x1F20] =	vst v8  }
0x26d: {  	[tilespmem:$0x1F30] =	vst v8  }
0x26e: {  	[tilespmem:$0x1F40] =	vst v8  }
0x26f: {  	[tilespmem:$0x1F50] =	vst v8  }
0x270: {  	[tilespmem:$0x1F60] =	vst v8  }
0x271: {  	[tilespmem:$0x1F70] =	vst v8  }
0x272: {  	[tilespmem:$0x1F80] =	vst v8  }
0x273: {  	[tilespmem:$0x1F90] =	vst v8  }
0x274: {  	[tilespmem:$0x1FA0] =	vst v8  }
0x275: {  	[tilespmem:$0x1FB0] =	vst v8  }
0x276: {  	[tilespmem:$0x1FC0] =	vst v8  }
0x277: {  	[tilespmem:$0x1FD0] =	vst v8  }
0x278: {  	[tilespmem:$0x1FE0] =	vst v8  }
0x279: {  	[tilespmem:$0x1FF0] =	vst v8  }
0x27a: {  	[tilespmem:$0x2000] =	vst v8  }
0x27b: {  	[tilespmem:$0x2010] =	vst v8  }
0x27c: {  	[tilespmem:$0x2020] =	vst v8  }
0x27d: {  	[tilespmem:$0x2030] =	vst v8  }
0x27e: {  	[tilespmem:$0x2040] =	vst v8  }
0x27f: {  	[tilespmem:$0x2050] =	vst v8  }
0x280: {  	[tilespmem:$0x2060] =	vst v8  }
0x281: {  	[tilespmem:$0x2070] =	vst v8  }
0x282: {  	[tilespmem:$0x2080] =	vst v8  }
0x283: {  	[tilespmem:$0x2090] =	vst v8  }
0x284: {  	[tilespmem:$0x20A0] =	vst v8  }
0x285: {  	[tilespmem:$0x20B0] =	vst v8  }
0x286: {  	[tilespmem:$0x20C0] =	vst v8  }
0x287: {  	[tilespmem:$0x20D0] =	vst v8  }
0x288: {  	[tilespmem:$0x20E0] =	vst v8  }
0x289: {  	[tilespmem:$0x20F0] =	vst v8  }
0x28a: {  	[tilespmem:$0x2100] =	vst v8  }
0x28b: {  	[tilespmem:$0x2110] =	vst v8  }
0x28c: {  	[tilespmem:$0x2120] =	vst v8  }
0x28d: {  	[tilespmem:$0x2130] =	vst v8  }
0x28e: {  	[tilespmem:$0x2140] =	vst v8  }
0x28f: {  	[tilespmem:$0x2150] =	vst v8  }
0x290: {  	[tilespmem:$0x2160] =	vst v8  }
0x291: {  	[tilespmem:$0x2170] =	vst v8  }
0x292: {  	[tilespmem:$0x2180] =	vst v8  }
0x293: {  	[tilespmem:$0x2190] =	vst v8  }
0x294: {  	[tilespmem:$0x21A0] =	vst v8  }
0x295: {  	[tilespmem:$0x21B0] =	vst v8  }
0x296: {  	[tilespmem:$0x21C0] =	vst v8  }
0x297: {  	[tilespmem:$0x21D0] =	vst v8  }
0x298: {  	[tilespmem:$0x21E0] =	vst v8  }
0x299: {  	[tilespmem:$0x21F0] =	vst v8  }
0x29a: {  	[tilespmem:$0x2200] =	vst v8  }
0x29b: {  	[tilespmem:$0x2210] =	vst v8  }
0x29c: {  	[tilespmem:$0x2220] =	vst v8  }
0x29d: {  	[tilespmem:$0x2230] =	vst v8  }
0x29e: {  	[tilespmem:$0x2240] =	vst v8  }
0x29f: {  	[tilespmem:$0x2250] =	vst v8  }
0x2a0: {  	[tilespmem:$0x2260] =	vst v8  }
0x2a1: {  	[tilespmem:$0x2270] =	vst v8  }
0x2a2: {  	[tilespmem:$0x2280] =	vst v8  }
0x2a3: {  	[tilespmem:$0x2290] =	vst v8  }
0x2a4: {  	[tilespmem:$0x22A0] =	vst v8  }
0x2a5: {  	[tilespmem:$0x22B0] =	vst v8  }
0x2a6: {  	[tilespmem:$0x22C0] =	vst v8  }
0x2a7: {  	[tilespmem:$0x22D0] =	vst v8  }
0x2a8: {  	[tilespmem:$0x22E0] =	vst v8  }
0x2a9: {  	[tilespmem:$0x22F0] =	vst v8  }
0x2aa: {  	[tilespmem:$0x2300] =	vst v8  }
0x2ab: {  	[tilespmem:$0x2310] =	vst v8  }
0x2ac: {  	[tilespmem:$0x2320] =	vst v8  }
0x2ad: {  	[tilespmem:$0x2330] =	vst v8  }
0x2ae: {  	[tilespmem:$0x2340] =	vst v8  }
0x2af: {  	[tilespmem:$0x2350] =	vst v8  }
0x2b0: {  	[tilespmem:$0x2360] =	vst v8  }
0x2b1: {  	[tilespmem:$0x2370] =	vst v8  }
0x2b2: {  	[tilespmem:$0x2380] =	vst v8  }
0x2b3: {  	[tilespmem:$0x2390] =	vst v8  }
0x2b4: {  	[tilespmem:$0x23A0] =	vst v8  }
0x2b5: {  	[tilespmem:$0x23B0] =	vst v8  }
0x2b6: {  	[tilespmem:$0x23C0] =	vst v8  }
0x2b7: {  	[tilespmem:$0x23D0] =	vst v8  }
0x2b8: {  	[tilespmem:$0x23E0] =	vst v8  }
0x2b9: {  	[tilespmem:$0x23F0] =	vst v8  }
0x2ba: {  	[tilespmem:$0x2400] =	vst v8  }
0x2bb: {  	[tilespmem:$0x2410] =	vst v8  }
0x2bc: {  	[tilespmem:$0x2420] =	vst v8  }
0x2bd: {  	[tilespmem:$0x2430] =	vst v8  }
0x2be: {  	[tilespmem:$0x2440] =	vst v8  }
0x2bf: {  	[tilespmem:$0x2450] =	vst v8  }
0x2c0: {  	[tilespmem:$0x2460] =	vst v8  }
0x2c1: {  	[tilespmem:$0x2470] =	vst v8  }
0x2c2: {  	[tilespmem:$0x2480] =	vst v8  }
0x2c3: {  	[tilespmem:$0x2490] =	vst v8  }
0x2c4: {  	[tilespmem:$0x24A0] =	vst v8  }
0x2c5: {  	[tilespmem:$0x24B0] =	vst v8  }
0x2c6: {  	[tilespmem:$0x24C0] =	vst v8  }
0x2c7: {  	[tilespmem:$0x24D0] =	vst v8  }
0x2c8: {  	[tilespmem:$0x24E0] =	vst v8  }
0x2c9: {  	[tilespmem:$0x24F0] =	vst v8  }
0x2ca: {  	[tilespmem:$0x2500] =	vst v8  }
0x2cb: {  	[tilespmem:$0x2510] =	vst v8  }
0x2cc: {  	[tilespmem:$0x2520] =	vst v8  }
0x2cd: {  	[tilespmem:$0x2530] =	vst v8  }
0x2ce: {  	[tilespmem:$0x2540] =	vst v8  }
0x2cf: {  	[tilespmem:$0x2550] =	vst v8  }
0x2d0: {  	[tilespmem:$0x2560] =	vst v8  }
0x2d1: {  	[tilespmem:$0x2570] =	vst v8  }
0x2d2: {  	[tilespmem:$0x2580] =	vst v8  }
0x2d3: {  	[tilespmem:$0x2590] =	vst v8  }
0x2d4: {  	[tilespmem:$0x25A0] =	vst v8  }
0x2d5: {  	[tilespmem:$0x25B0] =	vst v8  }
0x2d6: {  	[tilespmem:$0x25C0] =	vst v8  }
0x2d7: {  	[tilespmem:$0x25D0] =	vst v8  }
0x2d8: {  	[tilespmem:$0x25E0] =	vst v8  }
0x2d9: {  	[tilespmem:$0x25F0] =	vst v8  }
0x2da: {  	[tilespmem:$0x2600] =	vst v8  }
0x2db: {  	[tilespmem:$0x2610] =	vst v8  }
0x2dc: {  	[tilespmem:$0x2620] =	vst v8  }
0x2dd: {  	[tilespmem:$0x2630] =	vst v8  }
0x2de: {  	[tilespmem:$0x2640] =	vst v8  }
0x2df: {  	[tilespmem:$0x2650] =	vst v8  }
0x2e0: {  	[tilespmem:$0x2660] =	vst v8  }
0x2e1: {  	[tilespmem:$0x2670] =	vst v8  }
0x2e2: {  	[tilespmem:$0x2680] =	vst v8  }
0x2e3: {  	[tilespmem:$0x2690] =	vst v8  }
0x2e4: {  	[tilespmem:$0x26A0] =	vst v8  }
0x2e5: {  	[tilespmem:$0x26B0] =	vst v8  }
0x2e6: {  	[tilespmem:$0x26C0] =	vst v8  }
0x2e7: {  	[tilespmem:$0x26D0] =	vst v8  }
0x2e8: {  	[tilespmem:$0x26E0] =	vst v8  }
0x2e9: {  	[tilespmem:$0x26F0] =	vst v8  }
0x2ea: {  	[tilespmem:$0x2700] =	vst v8  }
0x2eb: {  	[tilespmem:$0x2710] =	vst v8  }
0x2ec: {  	[tilespmem:$0x2720] =	vst v8  }
0x2ed: {  	[tilespmem:$0x2730] =	vst v8  }
0x2ee: {  	[tilespmem:$0x2740] =	vst v8  }
0x2ef: {  	[tilespmem:$0x2750] =	vst v8  }
0x2f0: {  	[tilespmem:$0x2760] =	vst v8  }
0x2f1: {  	[tilespmem:$0x2770] =	vst v8  }
0x2f2: {  	[tilespmem:$0x2780] =	vst v8  }
0x2f3: {  	[tilespmem:$0x2790] =	vst v8  }
0x2f4: {  	[tilespmem:$0x27A0] =	vst v8  }
0x2f5: {  	[tilespmem:$0x27B0] =	vst v8  }
0x2f6: {  	[tilespmem:$0x27C0] =	vst v8  }
0x2f7: {  	[tilespmem:$0x27D0] =	vst v8  }
0x2f8: {  	[tilespmem:$0x27E0] =	vst v8  }
0x2f9: {  	[tilespmem:$0x27F0] =	vst v8  }
0x2fa: {  	[tilespmem:$0x2800] =	vst v8  }
0x2fb: {  	[tilespmem:$0x2810] =	vst v8  }
0x2fc: {  	[tilespmem:$0x2820] =	vst v8  }
0x2fd: {  	[tilespmem:$0x2830] =	vst v8  }
0x2fe: {  	[tilespmem:$0x2840] =	vst v8  }
0x2ff: {  	[tilespmem:$0x2850] =	vst v8  }
0x300: {  	[tilespmem:$0x2860] =	vst v8  }
0x301: {  	[tilespmem:$0x2870] =	vst v8  }
0x302: {  	[tilespmem:$0x2880] =	vst v8  }
0x303: {  	[tilespmem:$0x2890] =	vst v8  }
0x304: {  	[tilespmem:$0x28A0] =	vst v8  }
0x305: {  	[tilespmem:$0x28B0] =	vst v8  }
0x306: {  	[tilespmem:$0x28C0] =	vst v8  }
0x307: {  	[tilespmem:$0x28D0] =	vst v8  }
0x308: {  	[tilespmem:$0x28E0] =	vst v8  }
0x309: {  	[tilespmem:$0x28F0] =	vst v8  }
0x30a: {  	[tilespmem:$0x2900] =	vst v8  }
0x30b: {  	[tilespmem:$0x2910] =	vst v8  }
0x30c: {  	[tilespmem:$0x2920] =	vst v8  }
0x30d: {  	[tilespmem:$0x2930] =	vst v8  }
0x30e: {  	[tilespmem:$0x2940] =	vst v8  }
0x30f: {  	[tilespmem:$0x2950] =	vst v8  }
0x310: {  	[tilespmem:$0x2960] =	vst v8  }
0x311: {  	[tilespmem:$0x2970] =	vst v8  }
0x312: {  	[tilespmem:$0x2980] =	vst v8  }
0x313: {  	[tilespmem:$0x2990] =	vst v8  }
0x314: {  	[tilespmem:$0x29A0] =	vst v8  }
0x315: {  	[tilespmem:$0x29B0] =	vst v8  }
0x316: {  	[tilespmem:$0x29C0] =	vst v8  }
0x317: {  	[tilespmem:$0x29D0] =	vst v8  }
0x318: {  	[tilespmem:$0x29E0] =	vst v8  }
0x319: {  	[tilespmem:$0x29F0] =	vst v8  }
0x31a: {  	[tilespmem:$0x2A00] =	vst v8  }
0x31b: {  	[tilespmem:$0x2A10] =	vst v8  }
0x31c: {  	[tilespmem:$0x2A20] =	vst v8  }
0x31d: {  	[tilespmem:$0x2A30] =	vst v8  }
0x31e: {  	[tilespmem:$0x2A40] =	vst v8  }
0x31f: {  	[tilespmem:$0x2A50] =	vst v8  }
0x320: {  	[tilespmem:$0x2A60] =	vst v8  }
0x321: {  	[tilespmem:$0x2A70] =	vst v8  }
0x322: {  	[tilespmem:$0x2A80] =	vst v8  }
0x323: {  	[tilespmem:$0x2A90] =	vst v8  }
0x324: {  	[tilespmem:$0x2AA0] =	vst v8  }
0x325: {  	[tilespmem:$0x2AB0] =	vst v8  }
0x326: {  	[tilespmem:$0x2AC0] =	vst v8  }
0x327: {  	[tilespmem:$0x2AD0] =	vst v8  }
0x328: {  	[tilespmem:$0x2AE0] =	vst v8  }
0x329: {  	[tilespmem:$0x2AF0] =	vst v8  }
0x32a: {  	[tilespmem:$0x2B00] =	vst v8  }
0x32b: {  	[tilespmem:$0x2B10] =	vst v8  }
0x32c: {  	[tilespmem:$0x2B20] =	vst v8  }
0x32d: {  	[tilespmem:$0x2B30] =	vst v8  }
0x32e: {  	[tilespmem:$0x2B40] =	vst v8  }
0x32f: {  	[tilespmem:$0x2B50] =	vst v8  }
0x330: {  	[tilespmem:$0x2B60] =	vst v8  }
0x331: {  	[tilespmem:$0x2B70] =	vst v8  }
0x332: {  	[tilespmem:$0x2B80] =	vst v8  }
0x333: {  	[tilespmem:$0x2B90] =	vst v8  }
0x334: {  	[tilespmem:$0x2BA0] =	vst v8  }
0x335: {  	[tilespmem:$0x2BB0] =	vst v8  }
0x336: {  	[tilespmem:$0x2BC0] =	vst v8  }
0x337: {  	[tilespmem:$0x2BD0] =	vst v8  }
0x338: {  	[tilespmem:$0x2BE0] =	vst v8  }
0x339: {  	[tilespmem:$0x2BF0] =	vst v8  }
0x33a: {  	[tilespmem:$0x2C00] =	vst v8  }
0x33b: {  	[tilespmem:$0x2C10] =	vst v8  }
0x33c: {  	[tilespmem:$0x2C20] =	vst v8  }
0x33d: {  	[tilespmem:$0x2C30] =	vst v8  }
0x33e: {  	[tilespmem:$0x2C40] =	vst v8  }
0x33f: {  	[tilespmem:$0x2C50] =	vst v8  }
0x340: {  	[tilespmem:$0x2C60] =	vst v8  }
0x341: {  	[tilespmem:$0x2C70] =	vst v8  }
0x342: {  	[tilespmem:$0x2C80] =	vst v8  }
0x343: {  	[tilespmem:$0x2C90] =	vst v8  }
0x344: {  	[tilespmem:$0x2CA0] =	vst v8  }
0x345: {  	[tilespmem:$0x2CB0] =	vst v8  }
0x346: {  	[tilespmem:$0x2CC0] =	vst v8  }
0x347: {  	[tilespmem:$0x2CD0] =	vst v8  }
0x348: {  	[tilespmem:$0x2CE0] =	vst v8  }
0x349: {  	[tilespmem:$0x2CF0] =	vst v8  }
0x34a: {  	[tilespmem:$0x2D00] =	vst v8  }
0x34b: {  	[tilespmem:$0x2D10] =	vst v8  }
0x34c: {  	[tilespmem:$0x2D20] =	vst v8  }
0x34d: {  	[tilespmem:$0x2D30] =	vst v8  }
0x34e: {  	[tilespmem:$0x2D40] =	vst v8  }
0x34f: {  	[tilespmem:$0x2D50] =	vst v8  }
0x350: {  	[tilespmem:$0x2D60] =	vst v8  }
0x351: {  	[tilespmem:$0x2D70] =	vst v8  }
0x352: {  	[tilespmem:$0x2D80] =	vst v8  }
0x353: {  	[tilespmem:$0x2D90] =	vst v8  }
0x354: {  	[tilespmem:$0x2DA0] =	vst v8  }
0x355: {  	[tilespmem:$0x2DB0] =	vst v8  }
0x356: {  	[tilespmem:$0x2DC0] =	vst v8  }
0x357: {  	[tilespmem:$0x2DD0] =	vst v8  }
0x358: {  	[tilespmem:$0x2DE0] =	vst v8  }
0x359: {  	[tilespmem:$0x2DF0] =	vst v8  }
0x35a: {  	[tilespmem:$0x2E00] =	vst v8  }
0x35b: {  	[tilespmem:$0x2E10] =	vst v8  }
0x35c: {  	[tilespmem:$0x2E20] =	vst v8  }
0x35d: {  	[tilespmem:$0x2E30] =	vst v8  }
0x35e: {  	[tilespmem:$0x2E40] =	vst v8  }
0x35f: {  	[tilespmem:$0x2E50] =	vst v8  }
0x360: {  	[tilespmem:$0x2E60] =	vst v8  }
0x361: {  	[tilespmem:$0x2E70] =	vst v8  }
0x362: {  	[tilespmem:$0x2E80] =	vst v8  }
0x363: {  	[tilespmem:$0x2E90] =	vst v8  }
0x364: {  	[tilespmem:$0x2EA0] =	vst v8  }
0x365: {  	[tilespmem:$0x2EB0] =	vst v8  }
0x366: {  	[tilespmem:$0x2EC0] =	vst v8  }
0x367: {  	[tilespmem:$0x2ED0] =	vst v8  }
0x368: {  	[tilespmem:$0x2EE0] =	vst v8  }
0x369: {  	[tilespmem:$0x2EF0] =	vst v8  }
0x36a: {  	[tilespmem:$0x2F00] =	vst v8  }
0x36b: {  	[tilespmem:$0x2F10] =	vst v8  }
0x36c: {  	[tilespmem:$0x2F20] =	vst v8  }
0x36d: {  	[tilespmem:$0x2F30] =	vst v8  }
0x36e: {  	[tilespmem:$0x2F40] =	vst v8  }
0x36f: {  	[tilespmem:$0x2F50] =	vst v8  }
0x370: {  	[tilespmem:$0x2F60] =	vst v8  }
0x371: {  	[tilespmem:$0x2F70] =	vst v8  }
0x372: {  	[tilespmem:$0x2F80] =	vst v8  }
0x373: {  	[tilespmem:$0x2F90] =	vst v8  }
0x374: {  	[tilespmem:$0x2FA0] =	vst v8  }
0x375: {  	[tilespmem:$0x2FB0] =	vst v8  }
0x376: {  	[tilespmem:$0x2FC0] =	vst v8  }
0x377: {  	[tilespmem:$0x2FD0] =	vst v8  }
0x378: {  	[tilespmem:$0x2FE0] =	vst v8  }
0x379: {  	[tilespmem:$0x2FF0] =	vst v8  }
0x37a: {  	[tilespmem:$0x3000] =	vst v8  }
0x37b: {  	[tilespmem:$0x3010] =	vst v8  }
0x37c: {  	[tilespmem:$0x3020] =	vst v8  }
0x37d: {  	[tilespmem:$0x3030] =	vst v8  }
0x37e: {  	[tilespmem:$0x3040] =	vst v8  }
0x37f: {  	[tilespmem:$0x3050] =	vst v8  }
0x380: {  	[tilespmem:$0x3060] =	vst v8  }
0x381: {  	[tilespmem:$0x3070] =	vst v8  }
0x382: {  	[tilespmem:$0x3080] =	vst v8  }
0x383: {  	[tilespmem:$0x3090] =	vst v8  }
0x384: {  	[tilespmem:$0x30A0] =	vst v8  }
0x385: {  	[tilespmem:$0x30B0] =	vst v8  }
0x386: {  	[tilespmem:$0x30C0] =	vst v8  }
0x387: {  	[tilespmem:$0x30D0] =	vst v8  }
0x388: {  	[tilespmem:$0x30E0] =	vst v8  }
0x389: {  	[tilespmem:$0x30F0] =	vst v8  }
0x38a: {  	[tilespmem:$0x3100] =	vst v8  }
0x38b: {  	[tilespmem:$0x3110] =	vst v8  }
0x38c: {  	[tilespmem:$0x3120] =	vst v8  }
0x38d: {  	[tilespmem:$0x3130] =	vst v8  }
0x38e: {  	[tilespmem:$0x3140] =	vst v8  }
0x38f: {  	[tilespmem:$0x3150] =	vst v8  }
0x390: {  	[tilespmem:$0x3160] =	vst v8  }
0x391: {  	[tilespmem:$0x3170] =	vst v8  }
0x392: {  	[tilespmem:$0x3180] =	vst v8  }
0x393: {  	[tilespmem:$0x3190] =	vst v8  }
0x394: {  	[tilespmem:$0x31A0] =	vst v8  }
0x395: {  	[tilespmem:$0x31B0] =	vst v8  }
0x396: {  	[tilespmem:$0x31C0] =	vst v8  }
0x397: {  	[tilespmem:$0x31D0] =	vst v8  }
0x398: {  	[tilespmem:$0x31E0] =	vst v8  }
0x399: {  	[tilespmem:$0x31F0] =	vst v8  }
0x39a: {  	[tilespmem:$0x3200] =	vst v8  }
0x39b: {  	[tilespmem:$0x3210] =	vst v8  }
0x39c: {  	[tilespmem:$0x3220] =	vst v8  }
0x39d: {  	[tilespmem:$0x3230] =	vst v8  }
0x39e: {  	[tilespmem:$0x3240] =	vst v8  }
0x39f: {  	[tilespmem:$0x3250] =	vst v8  }
0x3a0: {  	[tilespmem:$0x3260] =	vst v8  }
0x3a1: {  	[tilespmem:$0x3270] =	vst v8  }
0x3a2: {  	[tilespmem:$0x3280] =	vst v8  }
0x3a3: {  	[tilespmem:$0x3290] =	vst v8  }
0x3a4: {  	[tilespmem:$0x32A0] =	vst v8  }
0x3a5: {  	[tilespmem:$0x32B0] =	vst v8  }
0x3a6: {  	[tilespmem:$0x32C0] =	vst v8  }
0x3a7: {  	[tilespmem:$0x32D0] =	vst v8  }
0x3a8: {  	[tilespmem:$0x32E0] =	vst v8  }
0x3a9: {  	[tilespmem:$0x32F0] =	vst v8  }
0x3aa: {  	[tilespmem:$0x3300] =	vst v8  }
0x3ab: {  	[tilespmem:$0x3310] =	vst v8  }
0x3ac: {  	[tilespmem:$0x3320] =	vst v8  }
0x3ad: {  	[tilespmem:$0x3330] =	vst v8  }
0x3ae: {  	[tilespmem:$0x3340] =	vst v8  }
0x3af: {  	[tilespmem:$0x3350] =	vst v8  }
0x3b0: {  	[tilespmem:$0x3360] =	vst v8  }
0x3b1: {  	[tilespmem:$0x3370] =	vst v8  }
0x3b2: {  	[tilespmem:$0x3380] =	vst v8  }
0x3b3: {  	[tilespmem:$0x3390] =	vst v8  }
0x3b4: {  	[tilespmem:$0x33A0] =	vst v8  }
0x3b5: {  	[tilespmem:$0x33B0] =	vst v8  }
0x3b6: {  	[tilespmem:$0x33C0] =	vst v8  }
0x3b7: {  	[tilespmem:$0x33D0] =	vst v8  }
0x3b8: {  	[tilespmem:$0x33E0] =	vst v8  }
0x3b9: {  	[tilespmem:$0x33F0] =	vst v8  }
0x3ba: {  	[tilespmem:$0x3400] =	vst v8  }
0x3bb: {  	[tilespmem:$0x3410] =	vst v8  }
0x3bc: {  	[tilespmem:$0x3420] =	vst v8  }
0x3bd: {  	[tilespmem:$0x3430] =	vst v8  }
0x3be: {  	[tilespmem:$0x3440] =	vst v8  }
0x3bf: {  	[tilespmem:$0x3450] =	vst v8  }
0x3c0: {  	[tilespmem:$0x3460] =	vst v8  }
0x3c1: {  	[tilespmem:$0x3470] =	vst v8  }
0x3c2: {  	[tilespmem:$0x3480] =	vst v8  }
0x3c3: {  	[tilespmem:$0x3490] =	vst v8  }
0x3c4: {  	[tilespmem:$0x34A0] =	vst v8  }
0x3c5: {  	[tilespmem:$0x34B0] =	vst v8  }
0x3c6: {  	[tilespmem:$0x34C0] =	vst v8  }
0x3c7: {  	[tilespmem:$0x34D0] =	vst v8  }
0x3c8: {  	[tilespmem:$0x34E0] =	vst v8  }
0x3c9: {  	[tilespmem:$0x34F0] =	vst v8  }
0x3ca: {  	[tilespmem:$0x3500] =	vst v8  }
0x3cb: {  	[tilespmem:$0x3510] =	vst v8  }
0x3cc: {  	[tilespmem:$0x3520] =	vst v8  }
0x3cd: {  	[tilespmem:$0x3530] =	vst v8  }
0x3ce: {  	[tilespmem:$0x3540] =	vst v8  }
0x3cf: {  	[tilespmem:$0x3550] =	vst v8  }
0x3d0: {  	[tilespmem:$0x3560] =	vst v8  }
0x3d1: {  	[tilespmem:$0x3570] =	vst v8  }
0x3d2: {  	[tilespmem:$0x3580] =	vst v8  }
0x3d3: {  	[tilespmem:$0x3590] =	vst v8  }
0x3d4: {  	[tilespmem:$0x35A0] =	vst v8  }
0x3d5: {  	[tilespmem:$0x35B0] =	vst v8  }
0x3d6: {  	[tilespmem:$0x35C0] =	vst v8  }
0x3d7: {  	[tilespmem:$0x35D0] =	vst v8  }
0x3d8: {  	[tilespmem:$0x35E0] =	vst v8  }
0x3d9: {  	[tilespmem:$0x35F0] =	vst v8  }
0x3da: {  	[tilespmem:$0x3600] =	vst v8  }
0x3db: {  	[tilespmem:$0x3610] =	vst v8  }
0x3dc: {  	[tilespmem:$0x3620] =	vst v8  }
0x3dd: {  	[tilespmem:$0x3630] =	vst v8  }
0x3de: {  	[tilespmem:$0x3640] =	vst v8  }
0x3df: {  	[tilespmem:$0x3650] =	vst v8  }
0x3e0: {  	[tilespmem:$0x3660] =	vst v8  }
0x3e1: {  	[tilespmem:$0x3670] =	vst v8  }
0x3e2: {  	[tilespmem:$0x3680] =	vst v8  }
0x3e3: {  	[tilespmem:$0x3690] =	vst v8  }
0x3e4: {  	[tilespmem:$0x36A0] =	vst v8  }
0x3e5: {  	[tilespmem:$0x36B0] =	vst v8  }
0x3e6: {  	[tilespmem:$0x36C0] =	vst v8  }
0x3e7: {  	[tilespmem:$0x36D0] =	vst v8  }
0x3e8: {  	[tilespmem:$0x36E0] =	vst v8  }
0x3e9: {  	[tilespmem:$0x36F0] =	vst v8  }
0x3ea: {  	[tilespmem:$0x3700] =	vst v8  }
0x3eb: {  	[tilespmem:$0x3710] =	vst v8  }
0x3ec: {  	[tilespmem:$0x3720] =	vst v8  }
0x3ed: {  	[tilespmem:$0x3730] =	vst v8  }
0x3ee: {  	[tilespmem:$0x3740] =	vst v8  }
0x3ef: {  	[tilespmem:$0x3750] =	vst v8  }
0x3f0: {  	[tilespmem:$0x3760] =	vst v8  }
0x3f1: {  	[tilespmem:$0x3770] =	vst v8  }
0x3f2: {  	[tilespmem:$0x3780] =	vst v8  }
0x3f3: {  	[tilespmem:$0x3790] =	vst v8  }
0x3f4: {  	[tilespmem:$0x37A0] =	vst v8  }
0x3f5: {  	[tilespmem:$0x37B0] =	vst v8  }
0x3f6: {  	[tilespmem:$0x37C0] =	vst v8  }
0x3f7: {  	[tilespmem:$0x37D0] =	vst v8  }
0x3f8: {  	[tilespmem:$0x37E0] =	vst v8  }
0x3f9: {  	[tilespmem:$0x37F0] =	vst v8  }
0x3fa: {  	[tilespmem:$0x3800] =	vst v8  }
0x3fb: {  	[tilespmem:$0x3810] =	vst v8  }
0x3fc: {  	[tilespmem:$0x3820] =	vst v8  }
0x3fd: {  	[tilespmem:$0x3830] =	vst v8  }
0x3fe: {  	[tilespmem:$0x3840] =	vst v8  }
0x3ff: {  	[tilespmem:$0x3850] =	vst v8  }
0x400: {  	[tilespmem:$0x3860] =	vst v8  }
0x401: {  	[tilespmem:$0x3870] =	vst v8  }
0x402: {  	[tilespmem:$0x3880] =	vst v8  }
0x403: {  	[tilespmem:$0x3890] =	vst v8  }
0x404: {  	[tilespmem:$0x38A0] =	vst v8  }
0x405: {  	[tilespmem:$0x38B0] =	vst v8  }
0x406: {  	[tilespmem:$0x38C0] =	vst v8  }
0x407: {  	[tilespmem:$0x38D0] =	vst v8  }
0x408: {  	[tilespmem:$0x38E0] =	vst v8  }
0x409: {  	[tilespmem:$0x38F0] =	vst v8  }
0x40a: {  	[tilespmem:$0x3900] =	vst v8  }
0x40b: {  	[tilespmem:$0x3910] =	vst v8  }
0x40c: {  	[tilespmem:$0x3920] =	vst v8  }
0x40d: {  	[tilespmem:$0x3930] =	vst v8  }
0x40e: {  	[tilespmem:$0x3940] =	vst v8  }
0x40f: {  	[tilespmem:$0x3950] =	vst v8  }
0x410: {  	[tilespmem:$0x3960] =	vst v8  }
0x411: {  	[tilespmem:$0x3970] =	vst v8  }
0x412: {  	[tilespmem:$0x3980] =	vst v8  }
0x413: {  	[tilespmem:$0x3990] =	vst v8  }
0x414: {  	[tilespmem:$0x39A0] =	vst v8  }
0x415: {  	[tilespmem:$0x39B0] =	vst v8  }
0x416: {  	[tilespmem:$0x39C0] =	vst v8  }
0x417: {  	[tilespmem:$0x39D0] =	vst v8  }
0x418: {  	[tilespmem:$0x39E0] =	vst v8  }
0x419: {  	[tilespmem:$0x39F0] =	vst v8  }
0x41a: {  	[tilespmem:$0x3A00] =	vst v8  }
0x41b: {  	[tilespmem:$0x3A10] =	vst v8  }
0x41c: {  	[tilespmem:$0x3A20] =	vst v8  }
0x41d: {  	[tilespmem:$0x3A30] =	vst v8  }
0x41e: {  	[tilespmem:$0x3A40] =	vst v8  }
0x41f: {  	[tilespmem:$0x3A50] =	vst v8  }
0x420: {  	[tilespmem:$0x3A60] =	vst v8  }
0x421: {  	[tilespmem:$0x3A70] =	vst v8  }
0x422: {  	[tilespmem:$0x3A80] =	vst v8  }
0x423: {  	[tilespmem:$0x3A90] =	vst v8  }
0x424: {  	[tilespmem:$0x3AA0] =	vst v8  }
0x425: {  	[tilespmem:$0x3AB0] =	vst v8  }
0x426: {  	[tilespmem:$0x3AC0] =	vst v8  }
0x427: {  	[tilespmem:$0x3AD0] =	vst v8  }
0x428: {  	[tilespmem:$0x3AE0] =	vst v8  }
0x429: {  	[tilespmem:$0x3AF0] =	vst v8  }
0x42a: {  	[tilespmem:$0x3B00] =	vst v8  }
0x42b: {  	[tilespmem:$0x3B10] =	vst v8  }
0x42c: {  	[tilespmem:$0x3B20] =	vst v8  }
0x42d: {  	[tilespmem:$0x3B30] =	vst v8  }
0x42e: {  	[tilespmem:$0x3B40] =	vst v8  }
0x42f: {  	[tilespmem:$0x3B50] =	vst v8  }
0x430: {  	[tilespmem:$0x3B60] =	vst v8  }
0x431: {  	[tilespmem:$0x3B70] =	vst v8  }
0x432: {  	[tilespmem:$0x3B80] =	vst v8  }
0x433: {  	[tilespmem:$0x3B90] =	vst v8  }
0x434: {  	[tilespmem:$0x3BA0] =	vst v8  }
0x435: {  	[tilespmem:$0x3BB0] =	vst v8  }
0x436: {  	[tilespmem:$0x3BC0] =	vst v8  }
0x437: {  	[tilespmem:$0x3BD0] =	vst v8  }
0x438: {  	[tilespmem:$0x3BE0] =	vst v8  }
0x439: {  	[tilespmem:$0x3BF0] =	vst v8  }
0x43a: {  	[tilespmem:$0x3C00] =	vst v8  }
0x43b: {  	[tilespmem:$0x3C10] =	vst v8  }
0x43c: {  	[tilespmem:$0x3C20] =	vst v8  }
0x43d: {  	[tilespmem:$0x3C30] =	vst v8  }
0x43e: {  	[tilespmem:$0x3C40] =	vst v8  }
0x43f: {  	[tilespmem:$0x3C50] =	vst v8  }
0x440: {  	[tilespmem:$0x3C60] =	vst v8  }
0x441: {  	[tilespmem:$0x3C70] =	vst v8  }
0x442: {  	[tilespmem:$0x3C80] =	vst v8  }
0x443: {  	[tilespmem:$0x3C90] =	vst v8  }
0x444: {  	[tilespmem:$0x3CA0] =	vst v8  }
0x445: {  	[tilespmem:$0x3CB0] =	vst v8  }
0x446: {  	[tilespmem:$0x3CC0] =	vst v8  }
0x447: {  	[tilespmem:$0x3CD0] =	vst v8  }
0x448: {  	[tilespmem:$0x3CE0] =	vst v8  }
0x449: {  	[tilespmem:$0x3CF0] =	vst v8  }
0x44a: {  	[tilespmem:$0x3D00] =	vst v8  }
0x44b: {  	[tilespmem:$0x3D10] =	vst v8  }
0x44c: {  	[tilespmem:$0x3D20] =	vst v8  }
0x44d: {  	[tilespmem:$0x3D30] =	vst v8  }
0x44e: {  	[tilespmem:$0x3D40] =	vst v8  }
0x44f: {  	[tilespmem:$0x3D50] =	vst v8  }
0x450: {  	[tilespmem:$0x3D60] =	vst v8  }
0x451: {  	[tilespmem:$0x3D70] =	vst v8  }
0x452: {  	[tilespmem:$0x3D80] =	vst v8  }
0x453: {  	[tilespmem:$0x3D90] =	vst v8  }
0x454: {  	[tilespmem:$0x3DA0] =	vst v8  }
0x455: {  	[tilespmem:$0x3DB0] =	vst v8  }
0x456: {  	[tilespmem:$0x3DC0] =	vst v8  }
0x457: {  	[tilespmem:$0x3DD0] =	vst v8  }
0x458: {  	[tilespmem:$0x3DE0] =	vst v8  }
0x459: {  	[tilespmem:$0x3DF0] =	vst v8  }
0x45a: {  	[tilespmem:$0x3E00] =	vst v8  }
0x45b: {  	[tilespmem:$0x3E10] =	vst v8  }
0x45c: {  	[tilespmem:$0x3E20] =	vst v8  }
0x45d: {  	[tilespmem:$0x3E30] =	vst v8  }
0x45e: {  	[tilespmem:$0x3E40] =	vst v8  }
0x45f: {  	[tilespmem:$0x3E50] =	vst v8  }
0x460: {  	[tilespmem:$0x3E60] =	vst v8  }
0x461: {  	[tilespmem:$0x3E70] =	vst v8  }
0x462: {  	[tilespmem:$0x3E80] =	vst v8  }
0x463: {  	[tilespmem:$0x3E90] =	vst v8  }
0x464: {  	[tilespmem:$0x3EA0] =	vst v8  }
0x465: {  	[tilespmem:$0x3EB0] =	vst v8  }
0x466: {  	[tilespmem:$0x3EC0] =	vst v8  }
0x467: {  	[tilespmem:$0x3ED0] =	vst v8  }
0x468: {  	[tilespmem:$0x3EE0] =	vst v8  }
0x469: {  	[tilespmem:$0x3EF0] =	vst v8  }
0x46a: {  	[tilespmem:$0x3F00] =	vst v8  }
0x46b: {  	[tilespmem:$0x3F10] =	vst v8  }
0x46c: {  	[tilespmem:$0x3F20] =	vst v8  }
0x46d: {  	[tilespmem:$0x3F30] =	vst v8  }
0x46e: {  	[tilespmem:$0x3F40] =	vst v8  }
0x46f: {  	[tilespmem:$0x3F50] =	vst v8  }
0x470: {  	[tilespmem:$0x3F60] =	vst v8  }
0x471: {  	[tilespmem:$0x3F70] =	vst v8  }
0x472: {  	[tilespmem:$0x3F80] =	vst v8  }
0x473: {  	[tilespmem:$0x3F90] =	vst v8  }
0x474: {  	[tilespmem:$0x3FA0] =	vst v8  }
0x475: {  	[tilespmem:$0x3FB0] =	vst v8  }
0x476: {  	[tilespmem:$0x3FC0] =	vst v8  }
0x477: {  	[tilespmem:$0x3FD0] =	vst v8  }
0x478: {  	[tilespmem:$0x3FE0] =	vst v8  }
0x479: {  	[tilespmem:$0x3FF0] =	vst v8  }
0x47a: {  	[tilespmem:$0x4000] =	vst v8  }
0x47b: {  	[tilespmem:$0x4010] =	vst v8  }
0x47c: {  	[tilespmem:$0x4020] =	vst v8  }
0x47d: {  	[tilespmem:$0x4030] =	vst v8  }
0x47e: {  	[tilespmem:$0x4040] =	vst v8  }
0x47f: {  	[tilespmem:$0x4050] =	vst v8  }
0x480: {  	[tilespmem:$0x4060] =	vst v8  }
0x481: {  	[tilespmem:$0x4070] =	vst v8  }
0x482: {  	[tilespmem:$0x4080] =	vst v8  }
0x483: {  	[tilespmem:$0x4090] =	vst v8  }
0x484: {  	[tilespmem:$0x40A0] =	vst v8  }
0x485: {  	[tilespmem:$0x40B0] =	vst v8  }
0x486: {  	[tilespmem:$0x40C0] =	vst v8  }
0x487: {  	[tilespmem:$0x40D0] =	vst v8  }
0x488: {  	[tilespmem:$0x40E0] =	vst v8  }
0x489: {  	[tilespmem:$0x40F0] =	vst v8  }
0x48a: {  	[tilespmem:$0x4100] =	vst v8  }
0x48b: {  	[tilespmem:$0x4110] =	vst v8  }
0x48c: {  	[tilespmem:$0x4120] =	vst v8  }
0x48d: {  	[tilespmem:$0x4130] =	vst v8  }
0x48e: {  	[tilespmem:$0x4140] =	vst v8  }
0x48f: {  	[tilespmem:$0x4150] =	vst v8  }
0x490: {  	[tilespmem:$0x4160] =	vst v8  }
0x491: {  	[tilespmem:$0x4170] =	vst v8  }
0x492: {  	[tilespmem:$0x4180] =	vst v8  }
0x493: {  	[tilespmem:$0x4190] =	vst v8  }
0x494: {  	[tilespmem:$0x41A0] =	vst v8  }
0x495: {  	[tilespmem:$0x41B0] =	vst v8  }
0x496: {  	[tilespmem:$0x41C0] =	vst v8  }
0x497: {  	[tilespmem:$0x41D0] =	vst v8  }
0x498: {  	[tilespmem:$0x41E0] =	vst v8  }
0x499: {  	[tilespmem:$0x41F0] =	vst v8  }
0x49a: {  	[tilespmem:$0x4200] =	vst v8  }
0x49b: {  	[tilespmem:$0x4210] =	vst v8  }
0x49c: {  	[tilespmem:$0x4220] =	vst v8  }
0x49d: {  	[tilespmem:$0x4230] =	vst v8  }
0x49e: {  	[tilespmem:$0x4240] =	vst v8  }
0x49f: {  	[tilespmem:$0x4250] =	vst v8  }
0x4a0: {  	[tilespmem:$0x4260] =	vst v8  }
0x4a1: {  	[tilespmem:$0x4270] =	vst v8  }
0x4a2: {  	[tilespmem:$0x4280] =	vst v8  }
0x4a3: {  	[tilespmem:$0x4290] =	vst v8  }
0x4a4: {  	[tilespmem:$0x42A0] =	vst v8  }
0x4a5: {  	[tilespmem:$0x42B0] =	vst v8  }
0x4a6: {  	[tilespmem:$0x42C0] =	vst v8  }
0x4a7: {  	[tilespmem:$0x42D0] =	vst v8  }
0x4a8: {  	[tilespmem:$0x42E0] =	vst v8  }
0x4a9: {  	[tilespmem:$0x42F0] =	vst v8  }
0x4aa: {  	[tilespmem:$0x4300] =	vst v8  }
0x4ab: {  	[tilespmem:$0x4310] =	vst v8  }
0x4ac: {  	[tilespmem:$0x4320] =	vst v8  }
0x4ad: {  	[tilespmem:$0x4330] =	vst v8  }
0x4ae: {  	[tilespmem:$0x4340] =	vst v8  }
0x4af: {  	[tilespmem:$0x4350] =	vst v8  }
0x4b0: {  	[tilespmem:$0x4360] =	vst v8  }
0x4b1: {  	[tilespmem:$0x4370] =	vst v8  }
0x4b2: {  	[tilespmem:$0x4380] =	vst v8  }
0x4b3: {  	[tilespmem:$0x4390] =	vst v8  }
0x4b4: {  	[tilespmem:$0x43A0] =	vst v8  }
0x4b5: {  	[tilespmem:$0x43B0] =	vst v8  }
0x4b6: {  	[tilespmem:$0x43C0] =	vst v8  }
0x4b7: {  	[tilespmem:$0x43D0] =	vst v8  }
0x4b8: {  	[tilespmem:$0x43E0] =	vst v8  }
0x4b9: {  	[tilespmem:$0x43F0] =	vst v8  }
0x4ba: {  	[tilespmem:$0x4400] =	vst v8  }
0x4bb: {  	[tilespmem:$0x4410] =	vst v8  }
0x4bc: {  	[tilespmem:$0x4420] =	vst v8  }
0x4bd: {  	[tilespmem:$0x4430] =	vst v8  }
0x4be: {  	[tilespmem:$0x4440] =	vst v8  }
0x4bf: {  	[tilespmem:$0x4450] =	vst v8  }
0x4c0: {  	[tilespmem:$0x4460] =	vst v8  }
0x4c1: {  	[tilespmem:$0x4470] =	vst v8  }
0x4c2: {  	[tilespmem:$0x4480] =	vst v8  }
0x4c3: {  	[tilespmem:$0x4490] =	vst v8  }
0x4c4: {  	[tilespmem:$0x44A0] =	vst v8  }
0x4c5: {  	[tilespmem:$0x44B0] =	vst v8  }
0x4c6: {  	[tilespmem:$0x44C0] =	vst v8  }
0x4c7: {  	[tilespmem:$0x44D0] =	vst v8  }
0x4c8: {  	[tilespmem:$0x44E0] =	vst v8  }
0x4c9: {  	[tilespmem:$0x44F0] =	vst v8  }
0x4ca: {  	[tilespmem:$0x4500] =	vst v8  }
0x4cb: {  	[tilespmem:$0x4510] =	vst v8  }
0x4cc: {  	[tilespmem:$0x4520] =	vst v8  }
0x4cd: {  	[tilespmem:$0x4530] =	vst v8  }
0x4ce: {  	[tilespmem:$0x4540] =	vst v8  }
0x4cf: {  	[tilespmem:$0x4550] =	vst v8  }
0x4d0: {  	[tilespmem:$0x4560] =	vst v8  }
0x4d1: {  	[tilespmem:$0x4570] =	vst v8  }
0x4d2: {  	[tilespmem:$0x4580] =	vst v8  }
0x4d3: {  	[tilespmem:$0x4590] =	vst v8  }
0x4d4: {  	[tilespmem:$0x45A0] =	vst v8  }
0x4d5: {  	[tilespmem:$0x45B0] =	vst v8  }
0x4d6: {  	[tilespmem:$0x45C0] =	vst v8  }
0x4d7: {  	[tilespmem:$0x45D0] =	vst v8  }
0x4d8: {  	[tilespmem:$0x45E0] =	vst v8  }
0x4d9: {  	[tilespmem:$0x45F0] =	vst v8  }
0x4da: {  	[tilespmem:$0x4600] =	vst v8  }
0x4db: {  	[tilespmem:$0x4610] =	vst v8  }
0x4dc: {  	[tilespmem:$0x4620] =	vst v8  }
0x4dd: {  	[tilespmem:$0x4630] =	vst v8  }
0x4de: {  	[tilespmem:$0x4640] =	vst v8  }
0x4df: {  	[tilespmem:$0x4650] =	vst v8  }
0x4e0: {  	[tilespmem:$0x4660] =	vst v8  }
0x4e1: {  	[tilespmem:$0x4670] =	vst v8  }
0x4e2: {  	[tilespmem:$0x4680] =	vst v8  }
0x4e3: {  	[tilespmem:$0x4690] =	vst v8  }
0x4e4: {  	[tilespmem:$0x46A0] =	vst v8  }
0x4e5: {  	[tilespmem:$0x46B0] =	vst v8  }
0x4e6: {  	[tilespmem:$0x46C0] =	vst v8  }
0x4e7: {  	[tilespmem:$0x46D0] =	vst v8  }
0x4e8: {  	[tilespmem:$0x46E0] =	vst v8  }
0x4e9: {  	[tilespmem:$0x46F0] =	vst v8  }
0x4ea: {  	[tilespmem:$0x4700] =	vst v8  }
0x4eb: {  	[tilespmem:$0x4710] =	vst v8  }
0x4ec: {  	[tilespmem:$0x4720] =	vst v8  }
0x4ed: {  	[tilespmem:$0x4730] =	vst v8  }
0x4ee: {  	[tilespmem:$0x4740] =	vst v8  }
0x4ef: {  	[tilespmem:$0x4750] =	vst v8  }
0x4f0: {  	[tilespmem:$0x4760] =	vst v8  }
0x4f1: {  	[tilespmem:$0x4770] =	vst v8  }
0x4f2: {  	[tilespmem:$0x4780] =	vst v8  }
0x4f3: {  	[tilespmem:$0x4790] =	vst v8  }
0x4f4: {  	[tilespmem:$0x47A0] =	vst v8  }
0x4f5: {  	[tilespmem:$0x47B0] =	vst v8  }
0x4f6: {  	[tilespmem:$0x47C0] =	vst v8  }
0x4f7: {  	[tilespmem:$0x47D0] =	vst v8  }
0x4f8: {  	[tilespmem:$0x47E0] =	vst v8  }
0x4f9: {  	[tilespmem:$0x47F0] =	vst v8  }
0x4fa: {  	[tilespmem:$0x4800] =	vst v8  }
0x4fb: {  	[tilespmem:$0x4810] =	vst v8  }
0x4fc: {  	[tilespmem:$0x4820] =	vst v8  }
0x4fd: {  	[tilespmem:$0x4830] =	vst v8  }
0x4fe: {  	[tilespmem:$0x4840] =	vst v8  }
0x4ff: {  	[tilespmem:$0x4850] =	vst v8  }
0x500: {  	[tilespmem:$0x4860] =	vst v8  }
0x501: {  	[tilespmem:$0x4870] =	vst v8  }
0x502: {  	[tilespmem:$0x4880] =	vst v8  }
0x503: {  	[tilespmem:$0x4890] =	vst v8  }
0x504: {  	[tilespmem:$0x48A0] =	vst v8  }
0x505: {  	[tilespmem:$0x48B0] =	vst v8  }
0x506: {  	[tilespmem:$0x48C0] =	vst v8  }
0x507: {  	[tilespmem:$0x48D0] =	vst v8  }
0x508: {  	[tilespmem:$0x48E0] =	vst v8  }
0x509: {  	[tilespmem:$0x48F0] =	vst v8  }
0x50a: {  	[tilespmem:$0x4900] =	vst v8  }
0x50b: {  	[tilespmem:$0x4910] =	vst v8  }
0x50c: {  	[tilespmem:$0x4920] =	vst v8  }
0x50d: {  	[tilespmem:$0x4930] =	vst v8  }
0x50e: {  	[tilespmem:$0x4940] =	vst v8  }
0x50f: {  	[tilespmem:$0x4950] =	vst v8  }
0x510: {  	[tilespmem:$0x4960] =	vst v8  }
0x511: {  	[tilespmem:$0x4970] =	vst v8  }
0x512: {  	[tilespmem:$0x4980] =	vst v8  }
0x513: {  	[tilespmem:$0x4990] =	vst v8  }
0x514: {  	[tilespmem:$0x49A0] =	vst v8  }
0x515: {  	[tilespmem:$0x49B0] =	vst v8  }
0x516: {  	[tilespmem:$0x49C0] =	vst v8  }
0x517: {  	[tilespmem:$0x49D0] =	vst v8  }
0x518: {  	[tilespmem:$0x49E0] =	vst v8  }
0x519: {  	[tilespmem:$0x49F0] =	vst v8  }
0x51a: {  	[tilespmem:$0x4A00] =	vst v8  }
0x51b: {  	[tilespmem:$0x4A10] =	vst v8  }
0x51c: {  	[tilespmem:$0x4A20] =	vst v8  }
0x51d: {  	[tilespmem:$0x4A30] =	vst v8  }
0x51e: {  	[tilespmem:$0x4A40] =	vst v8  }
0x51f: {  	[tilespmem:$0x4A50] =	vst v8  }
0x520: {  	[tilespmem:$0x4A60] =	vst v8  }
0x521: {  	[tilespmem:$0x4A70] =	vst v8  }
0x522: {  	[tilespmem:$0x4A80] =	vst v8  }
0x523: {  	[tilespmem:$0x4A90] =	vst v8  }
0x524: {  	[tilespmem:$0x4AA0] =	vst v8  }
0x525: {  	[tilespmem:$0x4AB0] =	vst v8  }
0x526: {  	[tilespmem:$0x4AC0] =	vst v8  }
0x527: {  	[tilespmem:$0x4AD0] =	vst v8  }
0x528: {  	[tilespmem:$0x4AE0] =	vst v8  }
0x529: {  	[tilespmem:$0x4AF0] =	vst v8  }
0x52a: {  	[tilespmem:$0x4B00] =	vst v8  }
0x52b: {  	[tilespmem:$0x4B10] =	vst v8  }
0x52c: {  	[tilespmem:$0x4B20] =	vst v8  }
0x52d: {  	[tilespmem:$0x4B30] =	vst v8  }
0x52e: {  	[tilespmem:$0x4B40] =	vst v8  }
0x52f: {  	[tilespmem:$0x4B50] =	vst v8  }
0x530: {  	[tilespmem:$0x4B60] =	vst v8  }
0x531: {  	[tilespmem:$0x4B70] =	vst v8  }
0x532: {  	[tilespmem:$0x4B80] =	vst v8  }
0x533: {  	[tilespmem:$0x4B90] =	vst v8  }
0x534: {  	[tilespmem:$0x4BA0] =	vst v8  }
0x535: {  	[tilespmem:$0x4BB0] =	vst v8  }
0x536: {  	[tilespmem:$0x4BC0] =	vst v8  }
0x537: {  	[tilespmem:$0x4BD0] =	vst v8  }
0x538: {  	[tilespmem:$0x4BE0] =	vst v8  }
0x539: {  	[tilespmem:$0x4BF0] =	vst v8  }
0x53a: {  	[tilespmem:$0x4C00] =	vst v8  }
0x53b: {  	[tilespmem:$0x4C10] =	vst v8  }
0x53c: {  	[tilespmem:$0x4C20] =	vst v8  }
0x53d: {  	[tilespmem:$0x4C30] =	vst v8  }
0x53e: {  	[tilespmem:$0x4C40] =	vst v8  }
0x53f: {  	[tilespmem:$0x4C50] =	vst v8  }
0x540: {  	[tilespmem:$0x4C60] =	vst v8  }
0x541: {  	[tilespmem:$0x4C70] =	vst v8  }
0x542: {  	[tilespmem:$0x4C80] =	vst v8  }
0x543: {  	[tilespmem:$0x4C90] =	vst v8  }
0x544: {  	[tilespmem:$0x4CA0] =	vst v8  }
0x545: {  	[tilespmem:$0x4CB0] =	vst v8  }
0x546: {  	[tilespmem:$0x4CC0] =	vst v8  }
0x547: {  	[tilespmem:$0x4CD0] =	vst v8  }
0x548: {  	[tilespmem:$0x4CE0] =	vst v8  }
0x549: {  	[tilespmem:$0x4CF0] =	vst v8  }
0x54a: {  	[tilespmem:$0x4D00] =	vst v8  }
0x54b: {  	[tilespmem:$0x4D10] =	vst v8  }
0x54c: {  	[tilespmem:$0x4D20] =	vst v8  }
0x54d: {  	[tilespmem:$0x4D30] =	vst v8  }
0x54e: {  	[tilespmem:$0x4D40] =	vst v8  }
0x54f: {  	[tilespmem:$0x4D50] =	vst v8  }
0x550: {  	[tilespmem:$0x4D60] =	vst v8  }
0x551: {  	[tilespmem:$0x4D70] =	vst v8  }
0x552: {  	[tilespmem:$0x4D80] =	vst v8  }
0x553: {  	[tilespmem:$0x4D90] =	vst v8  }
0x554: {  	[tilespmem:$0x4DA0] =	vst v8  }
0x555: {  	[tilespmem:$0x4DB0] =	vst v8  }
0x556: {  	[tilespmem:$0x4DC0] =	vst v8  }
0x557: {  	[tilespmem:$0x4DD0] =	vst v8  }
0x558: {  	[tilespmem:$0x4DE0] =	vst v8  }
0x559: {  	[tilespmem:$0x4DF0] =	vst v8  }
0x55a: {  	[tilespmem:$0x4E00] =	vst v8  }
0x55b: {  	[tilespmem:$0x4E10] =	vst v8  }
0x55c: {  	[tilespmem:$0x4E20] =	vst v8  }
0x55d: {  	[tilespmem:$0x4E30] =	vst v8  }
0x55e: {  	[tilespmem:$0x4E40] =	vst v8  }
0x55f: {  	[tilespmem:$0x4E50] =	vst v8  }
0x560: {  	[tilespmem:$0x4E60] =	vst v8  }
0x561: {  	[tilespmem:$0x4E70] =	vst v8  }
0x562: {  	[tilespmem:$0x4E80] =	vst v8  }
0x563: {  	[tilespmem:$0x4E90] =	vst v8  }
0x564: {  	[tilespmem:$0x4EA0] =	vst v8  }
0x565: {  	[tilespmem:$0x4EB0] =	vst v8  }
0x566: {  	[tilespmem:$0x4EC0] =	vst v8  }
0x567: {  	[tilespmem:$0x4ED0] =	vst v8  }
0x568: {  	[tilespmem:$0x4EE0] =	vst v8  }
0x569: {  	[tilespmem:$0x4EF0] =	vst v8  }
0x56a: {  	[tilespmem:$0x4F00] =	vst v8  }
0x56b: {  	[tilespmem:$0x4F10] =	vst v8  }
0x56c: {  	[tilespmem:$0x4F20] =	vst v8  }
0x56d: {  	[tilespmem:$0x4F30] =	vst v8  }
0x56e: {  	[tilespmem:$0x4F40] =	vst v8  }
0x56f: {  	[tilespmem:$0x4F50] =	vst v8  }
0x570: {  	[tilespmem:$0x4F60] =	vst v8  }
0x571: {  	[tilespmem:$0x4F70] =	vst v8  }
0x572: {  	[tilespmem:$0x4F80] =	vst v8  }
0x573: {  	[tilespmem:$0x4F90] =	vst v8  }
0x574: {  	[tilespmem:$0x4FA0] =	vst v8  }
0x575: {  	[tilespmem:$0x4FB0] =	vst v8  }
0x576: {  	[tilespmem:$0x4FC0] =	vst v8  }
0x577: {  	[tilespmem:$0x4FD0] =	vst v8  }
0x578: {  	[tilespmem:$0x4FE0] =	vst v8  }
0x579: {  	[tilespmem:$0x4FF0] =	vst v8  }
0x57a: {  	[tilespmem:$0x5000] =	vst v8  }
0x57b: {  	[tilespmem:$0x5010] =	vst v8  }
0x57c: {  	[tilespmem:$0x5020] =	vst v8  }
0x57d: {  	[tilespmem:$0x5030] =	vst v8  }
0x57e: {  	[tilespmem:$0x5040] =	vst v8  }
0x57f: {  	[tilespmem:$0x5050] =	vst v8  }
0x580: {  	[tilespmem:$0x5060] =	vst v8  }
0x581: {  	[tilespmem:$0x5070] =	vst v8  }
0x582: {  	[tilespmem:$0x5080] =	vst v8  }
0x583: {  	[tilespmem:$0x5090] =	vst v8  }
0x584: {  	[tilespmem:$0x50A0] =	vst v8  }
0x585: {  	[tilespmem:$0x50B0] =	vst v8  }
0x586: {  	[tilespmem:$0x50C0] =	vst v8  }
0x587: {  	[tilespmem:$0x50D0] =	vst v8  }
0x588: {  	[tilespmem:$0x50E0] =	vst v8  }
0x589: {  	[tilespmem:$0x50F0] =	vst v8  }
0x58a: {  	[tilespmem:$0x5100] =	vst v8  }
0x58b: {  	[tilespmem:$0x5110] =	vst v8  }
0x58c: {  	[tilespmem:$0x5120] =	vst v8  }
0x58d: {  	[tilespmem:$0x5130] =	vst v8  }
0x58e: {  	[tilespmem:$0x5140] =	vst v8  }
0x58f: {  	[tilespmem:$0x5150] =	vst v8  }
0x590: {  	[tilespmem:$0x5160] =	vst v8  }
0x591: {  	[tilespmem:$0x5170] =	vst v8  }
0x592: {  	[tilespmem:$0x5180] =	vst v8  }
0x593: {  	[tilespmem:$0x5190] =	vst v8  }
0x594: {  	[tilespmem:$0x51A0] =	vst v8  }
0x595: {  	[tilespmem:$0x51B0] =	vst v8  }
0x596: {  	[tilespmem:$0x51C0] =	vst v8  }
0x597: {  	[tilespmem:$0x51D0] =	vst v8  }
0x598: {  	[tilespmem:$0x51E0] =	vst v8  }
0x599: {  	[tilespmem:$0x51F0] =	vst v8  }
0x59a: {  	[tilespmem:$0x5200] =	vst v8  }
0x59b: {  	[tilespmem:$0x5210] =	vst v8  }
0x59c: {  	[tilespmem:$0x5220] =	vst v8  }
0x59d: {  	[tilespmem:$0x5230] =	vst v8  }
0x59e: {  	[tilespmem:$0x5240] =	vst v8  }
0x59f: {  	[tilespmem:$0x5250] =	vst v8  }
0x5a0: {  	[tilespmem:$0x5260] =	vst v8  }
0x5a1: {  	[tilespmem:$0x5270] =	vst v8  }
0x5a2: {  	[tilespmem:$0x5280] =	vst v8  }
0x5a3: {  	[tilespmem:$0x5290] =	vst v8  }
0x5a4: {  	[tilespmem:$0x52A0] =	vst v8  }
0x5a5: {  	[tilespmem:$0x52B0] =	vst v8  }
0x5a6: {  	[tilespmem:$0x52C0] =	vst v8  }
0x5a7: {  	[tilespmem:$0x52D0] =	vst v8  }
0x5a8: {  	[tilespmem:$0x52E0] =	vst v8  }
0x5a9: {  	[tilespmem:$0x52F0] =	vst v8  }
0x5aa: {  	[tilespmem:$0x5300] =	vst v8  }
0x5ab: {  	[tilespmem:$0x5310] =	vst v8  }
0x5ac: {  	[tilespmem:$0x5320] =	vst v8  }
0x5ad: {  	[tilespmem:$0x5330] =	vst v8  }
0x5ae: {  	[tilespmem:$0x5340] =	vst v8  }
0x5af: {  	[tilespmem:$0x5350] =	vst v8  }
0x5b0: {  	[tilespmem:$0x5360] =	vst v8  }
0x5b1: {  	[tilespmem:$0x5370] =	vst v8  }
0x5b2: {  	[tilespmem:$0x5380] =	vst v8  }
0x5b3: {  	[tilespmem:$0x5390] =	vst v8  }
0x5b4: {  	[tilespmem:$0x53A0] =	vst v8  }
0x5b5: {  	[tilespmem:$0x53B0] =	vst v8  }
0x5b6: {  	[tilespmem:$0x53C0] =	vst v8  }
0x5b7: {  	[tilespmem:$0x53D0] =	vst v8  }
0x5b8: {  	[tilespmem:$0x53E0] =	vst v8  }
0x5b9: {  	[tilespmem:$0x53F0] =	vst v8  }
0x5ba: {  	[tilespmem:$0x5400] =	vst v8  }
0x5bb: {  	[tilespmem:$0x5410] =	vst v8  }
0x5bc: {  	[tilespmem:$0x5420] =	vst v8  }
0x5bd: {  	[tilespmem:$0x5430] =	vst v8  }
0x5be: {  	[tilespmem:$0x5440] =	vst v8  }
0x5bf: {  	[tilespmem:$0x5450] =	vst v8  }
0x5c0: {  	[tilespmem:$0x5460] =	vst v8  }
0x5c1: {  	[tilespmem:$0x5470] =	vst v8  }
0x5c2: {  	[tilespmem:$0x5480] =	vst v8  }
0x5c3: {  	[tilespmem:$0x5490] =	vst v8  }
0x5c4: {  	[tilespmem:$0x54A0] =	vst v8  }
0x5c5: {  	[tilespmem:$0x54B0] =	vst v8  }
0x5c6: {  	[tilespmem:$0x54C0] =	vst v8  }
0x5c7: {  	[tilespmem:$0x54D0] =	vst v8  }
0x5c8: {  	[tilespmem:$0x54E0] =	vst v8  }
0x5c9: {  	[tilespmem:$0x54F0] =	vst v8  }
0x5ca: {  	[tilespmem:$0x5500] =	vst v8  }
0x5cb: {  	[tilespmem:$0x5510] =	vst v8  }
0x5cc: {  	[tilespmem:$0x5520] =	vst v8  }
0x5cd: {  	[tilespmem:$0x5530] =	vst v8  }
0x5ce: {  	[tilespmem:$0x5540] =	vst v8  }
0x5cf: {  	[tilespmem:$0x5550] =	vst v8  }
0x5d0: {  	[tilespmem:$0x5560] =	vst v8  }
0x5d1: {  	[tilespmem:$0x5570] =	vst v8  }
0x5d2: {  	[tilespmem:$0x5580] =	vst v8  }
0x5d3: {  	[tilespmem:$0x5590] =	vst v8  }
0x5d4: {  	[tilespmem:$0x55A0] =	vst v8  }
0x5d5: {  	[tilespmem:$0x55B0] =	vst v8  }
0x5d6: {  	[tilespmem:$0x55C0] =	vst v8  }
0x5d7: {  	[tilespmem:$0x55D0] =	vst v8  }
0x5d8: {  	[tilespmem:$0x55E0] =	vst v8  }
0x5d9: {  	[tilespmem:$0x55F0] =	vst v8  }
0x5da: {  	[tilespmem:$0x5600] =	vst v8  }
0x5db: {  	[tilespmem:$0x5610] =	vst v8  }
0x5dc: {  	[tilespmem:$0x5620] =	vst v8  }
0x5dd: {  	[tilespmem:$0x5630] =	vst v8  }
0x5de: {  	[tilespmem:$0x5640] =	vst v8  }
0x5df: {  	[tilespmem:$0x5650] =	vst v8  }
0x5e0: {  	[tilespmem:$0x5660] =	vst v8  }
0x5e1: {  	[tilespmem:$0x5670] =	vst v8  }
0x5e2: {  	[tilespmem:$0x5680] =	vst v8  }
0x5e3: {  	[tilespmem:$0x5690] =	vst v8  }
0x5e4: {  	[tilespmem:$0x56A0] =	vst v8  }
0x5e5: {  	[tilespmem:$0x56B0] =	vst v8  }
0x5e6: {  	[tilespmem:$0x56C0] =	vst v8  }
0x5e7: {  	[tilespmem:$0x56D0] =	vst v8  }
0x5e8: {  	[tilespmem:$0x56E0] =	vst v8  }
0x5e9: {  	[tilespmem:$0x56F0] =	vst v8  }
0x5ea: {  	[tilespmem:$0x5700] =	vst v8  }
0x5eb: {  	[tilespmem:$0x5710] =	vst v8  }
0x5ec: {  	[tilespmem:$0x5720] =	vst v8  }
0x5ed: {  	[tilespmem:$0x5730] =	vst v8  }
0x5ee: {  	[tilespmem:$0x5740] =	vst v8  }
0x5ef: {  	[tilespmem:$0x5750] =	vst v8  }
0x5f0: {  	[tilespmem:$0x5760] =	vst v8  }
0x5f1: {  	[tilespmem:$0x5770] =	vst v8  }
0x5f2: {  	[tilespmem:$0x5780] =	vst v8  }
0x5f3: {  	[tilespmem:$0x5790] =	vst v8  }
0x5f4: {  	[tilespmem:$0x57A0] =	vst v8  }
0x5f5: {  	[tilespmem:$0x57B0] =	vst v8  }
0x5f6: {  	[tilespmem:$0x57C0] =	vst v8  }
0x5f7: {  	[tilespmem:$0x57D0] =	vst v8  }
0x5f8: {  	[tilespmem:$0x57E0] =	vst v8  }
0x5f9: {  	[tilespmem:$0x57F0] =	vst v8  }
0x5fa: {  	[tilespmem:$0x5800] =	vst v8  }
0x5fb: {  	[tilespmem:$0x5810] =	vst v8  }
0x5fc: {  	[tilespmem:$0x5820] =	vst v8  }
0x5fd: {  	[tilespmem:$0x5830] =	vst v8  }
0x5fe: {  	[tilespmem:$0x5840] =	vst v8  }
0x5ff: {  	[tilespmem:$0x5850] =	vst v8  }
0x600: {  	[tilespmem:$0x5860] =	vst v8  }
0x601: {  	[tilespmem:$0x5870] =	vst v8  }
0x602: {  	[tilespmem:$0x5880] =	vst v8  }
0x603: {  	[tilespmem:$0x5890] =	vst v8  }
0x604: {  	[tilespmem:$0x58A0] =	vst v8  }
0x605: {  	[tilespmem:$0x58B0] =	vst v8  }
0x606: {  	[tilespmem:$0x58C0] =	vst v8  }
0x607: {  	[tilespmem:$0x58D0] =	vst v8  }
0x608: {  	[tilespmem:$0x58E0] =	vst v8  }
0x609: {  	[tilespmem:$0x58F0] =	vst v8  }
0x60a: {  	[tilespmem:$0x5900] =	vst v8  }
0x60b: {  	[tilespmem:$0x5910] =	vst v8  }
0x60c: {  	[tilespmem:$0x5920] =	vst v8  }
0x60d: {  	[tilespmem:$0x5930] =	vst v8  }
0x60e: {  	[tilespmem:$0x5940] =	vst v8  }
0x60f: {  	[tilespmem:$0x5950] =	vst v8  }
0x610: {  	[tilespmem:$0x5960] =	vst v8  }
0x611: {  	[tilespmem:$0x5970] =	vst v8  }
0x612: {  	[tilespmem:$0x5980] =	vst v8  }
0x613: {  	[tilespmem:$0x5990] =	vst v8  }
0x614: {  	[tilespmem:$0x59A0] =	vst v8  }
0x615: {  	[tilespmem:$0x59B0] =	vst v8  }
0x616: {  	[tilespmem:$0x59C0] =	vst v8  }
0x617: {  	[tilespmem:$0x59D0] =	vst v8  }
0x618: {  	[tilespmem:$0x59E0] =	vst v8  }
0x619: {  	[tilespmem:$0x59F0] =	vst v8  }
0x61a: {  	[tilespmem:$0x5A00] =	vst v8  }
0x61b: {  	[tilespmem:$0x5A10] =	vst v8  }
0x61c: {  	[tilespmem:$0x5A20] =	vst v8  }
0x61d: {  	[tilespmem:$0x5A30] =	vst v8  }
0x61e: {  	[tilespmem:$0x5A40] =	vst v8  }
0x61f: {  	[tilespmem:$0x5A50] =	vst v8  }
0x620: {  	[tilespmem:$0x5A60] =	vst v8  }
0x621: {  	[tilespmem:$0x5A70] =	vst v8  }
0x622: {  	[tilespmem:$0x5A80] =	vst v8  }
0x623: {  	[tilespmem:$0x5A90] =	vst v8  }
0x624: {  	[tilespmem:$0x5AA0] =	vst v8  }
0x625: {  	[tilespmem:$0x5AB0] =	vst v8  }
0x626: {  	[tilespmem:$0x5AC0] =	vst v8  }
0x627: {  	[tilespmem:$0x5AD0] =	vst v8  }
0x628: {  	[tilespmem:$0x5AE0] =	vst v8  }
0x629: {  	[tilespmem:$0x5AF0] =	vst v8  }
0x62a: {  	[tilespmem:$0x5B00] =	vst v8  }
0x62b: {  	[tilespmem:$0x5B10] =	vst v8  }
0x62c: {  	[tilespmem:$0x5B20] =	vst v8  }
0x62d: {  	[tilespmem:$0x5B30] =	vst v8  }
0x62e: {  	[tilespmem:$0x5B40] =	vst v8  }
0x62f: {  	[tilespmem:$0x5B50] =	vst v8  }
0x630: {  	[tilespmem:$0x5B60] =	vst v8  }
0x631: {  	[tilespmem:$0x5B70] =	vst v8  }
0x632: {  	[tilespmem:$0x5B80] =	vst v8  }
0x633: {  	[tilespmem:$0x5B90] =	vst v8  }
0x634: {  	[tilespmem:$0x5BA0] =	vst v8  }
0x635: {  	[tilespmem:$0x5BB0] =	vst v8  }
0x636: {  	[tilespmem:$0x5BC0] =	vst v8  }
0x637: {  	[tilespmem:$0x5BD0] =	vst v8  }
0x638: {  	[tilespmem:$0x5BE0] =	vst v8  }
0x639: {  	[tilespmem:$0x5BF0] =	vst v8  }
0x63a: {  	[tilespmem:$0x5C00] =	vst v8  }
0x63b: {  	[tilespmem:$0x5C10] =	vst v8  }
0x63c: {  	[tilespmem:$0x5C20] =	vst v8  }
0x63d: {  	[tilespmem:$0x5C30] =	vst v8  }
0x63e: {  	[tilespmem:$0x5C40] =	vst v8  }
0x63f: {  	[tilespmem:$0x5C50] =	vst v8  }
0x640: {  	[tilespmem:$0x5C60] =	vst v8  }
0x641: {  	[tilespmem:$0x5C70] =	vst v8  }
0x642: {  	[tilespmem:$0x5C80] =	vst v8  }
0x643: {  	[tilespmem:$0x5C90] =	vst v8  }
0x644: {  	[tilespmem:$0x5CA0] =	vst v8  }
0x645: {  	[tilespmem:$0x5CB0] =	vst v8  }
0x646: {  	[tilespmem:$0x5CC0] =	vst v8  }
0x647: {  	[tilespmem:$0x5CD0] =	vst v8  }
0x648: {  	[tilespmem:$0x5CE0] =	vst v8  }
0x649: {  	[tilespmem:$0x5CF0] =	vst v8  }
0x64a: {  	[tilespmem:$0x5D00] =	vst v8  }
0x64b: {  	[tilespmem:$0x5D10] =	vst v8  }
0x64c: {  	[tilespmem:$0x5D20] =	vst v8  }
0x64d: {  	[tilespmem:$0x5D30] =	vst v8  }
0x64e: {  	[tilespmem:$0x5D40] =	vst v8  }
0x64f: {  	[tilespmem:$0x5D50] =	vst v8  }
0x650: {  	[tilespmem:$0x5D60] =	vst v8  }
0x651: {  	[tilespmem:$0x5D70] =	vst v8  }
0x652: {  	[tilespmem:$0x5D80] =	vst v8  }
0x653: {  	[tilespmem:$0x5D90] =	vst v8  }
0x654: {  	[tilespmem:$0x5DA0] =	vst v8  }
0x655: {  	[tilespmem:$0x5DB0] =	vst v8  }
0x656: {  	[tilespmem:$0x5DC0] =	vst v8  }
0x657: {  	[tilespmem:$0x5DD0] =	vst v8  }
0x658: {  	[tilespmem:$0x5DE0] =	vst v8  }
0x659: {  	[tilespmem:$0x5DF0] =	vst v8  }
0x65a: {  	[tilespmem:$0x5E00] =	vst v8  }
0x65b: {  	[tilespmem:$0x5E10] =	vst v8  }
0x65c: {  	[tilespmem:$0x5E20] =	vst v8  }
0x65d: {  	[tilespmem:$0x5E30] =	vst v8  }
0x65e: {  	[tilespmem:$0x5E40] =	vst v8  }
0x65f: {  	[tilespmem:$0x5E50] =	vst v8  }
0x660: {  	[tilespmem:$0x5E60] =	vst v8  }
0x661: {  	[tilespmem:$0x5E70] =	vst v8  }
0x662: {  	[tilespmem:$0x5E80] =	vst v8  }
0x663: {  	[tilespmem:$0x5E90] =	vst v8  }
0x664: {  	[tilespmem:$0x5EA0] =	vst v8  }
0x665: {  	[tilespmem:$0x5EB0] =	vst v8  }
0x666: {  	[tilespmem:$0x5EC0] =	vst v8  }
0x667: {  	[tilespmem:$0x5ED0] =	vst v8  }
0x668: {  	[tilespmem:$0x5EE0] =	vst v8  }
0x669: {  	[tilespmem:$0x5EF0] =	vst v8  }
0x66a: {  	[tilespmem:$0x5F00] =	vst v8  }
0x66b: {  	[tilespmem:$0x5F10] =	vst v8  }
0x66c: {  	[tilespmem:$0x5F20] =	vst v8  }
0x66d: {  	[tilespmem:$0x5F30] =	vst v8  }
0x66e: {  	[tilespmem:$0x5F40] =	vst v8  }
0x66f: {  	[tilespmem:$0x5F50] =	vst v8  }
0x670: {  	[tilespmem:$0x5F60] =	vst v8  }
0x671: {  	[tilespmem:$0x5F70] =	vst v8  }
0x672: {  	[tilespmem:$0x5F80] =	vst v8  }
0x673: {  	[tilespmem:$0x5F90] =	vst v8  }
0x674: {  	[tilespmem:$0x5FA0] =	vst v8  }
0x675: {  	[tilespmem:$0x5FB0] =	vst v8  }
0x676: {  	[tilespmem:$0x5FC0] =	vst v8  }
0x677: {  	[tilespmem:$0x5FD0] =	vst v8  }
0x678: {  	[tilespmem:$0x5FE0] =	vst v8  }
0x679: {  	[tilespmem:$0x5FF0] =	vst v8  }
0x67a: {  	[tilespmem:$0x6000] =	vst v8  }
0x67b: {  	[tilespmem:$0x6010] =	vst v8  }
0x67c: {  	[tilespmem:$0x6020] =	vst v8  }
0x67d: {  	[tilespmem:$0x6030] =	vst v8  }
0x67e: {  	[tilespmem:$0x6040] =	vst v8  }
0x67f: {  	[tilespmem:$0x6050] =	vst v8  }
0x680: {  	[tilespmem:$0x6060] =	vst v8  }
0x681: {  	[tilespmem:$0x6070] =	vst v8  }
0x682: {  	[tilespmem:$0x6080] =	vst v8  }
0x683: {  	[tilespmem:$0x6090] =	vst v8  }
0x684: {  	[tilespmem:$0x60A0] =	vst v8  }
0x685: {  	[tilespmem:$0x60B0] =	vst v8  }
0x686: {  	[tilespmem:$0x60C0] =	vst v8  }
0x687: {  	[tilespmem:$0x60D0] =	vst v8  }
0x688: {  	[tilespmem:$0x60E0] =	vst v8  }
0x689: {  	[tilespmem:$0x60F0] =	vst v8  }
0x68a: {  	[tilespmem:$0x6100] =	vst v8  }
0x68b: {  	[tilespmem:$0x6110] =	vst v8  }
0x68c: {  	[tilespmem:$0x6120] =	vst v8  }
0x68d: {  	[tilespmem:$0x6130] =	vst v8  }
0x68e: {  	[tilespmem:$0x6140] =	vst v8  }
0x68f: {  	[tilespmem:$0x6150] =	vst v8  }
0x690: {  	[tilespmem:$0x6160] =	vst v8  }
0x691: {  	[tilespmem:$0x6170] =	vst v8  }
0x692: {  	[tilespmem:$0x6180] =	vst v8  }
0x693: {  	[tilespmem:$0x6190] =	vst v8  }
0x694: {  	[tilespmem:$0x61A0] =	vst v8  }
0x695: {  	[tilespmem:$0x61B0] =	vst v8  }
0x696: {  	[tilespmem:$0x61C0] =	vst v8  }
0x697: {  	[tilespmem:$0x61D0] =	vst v8  }
0x698: {  	[tilespmem:$0x61E0] =	vst v8  }
0x699: {  	[tilespmem:$0x61F0] =	vst v8  }
0x69a: {  	[tilespmem:$0x6200] =	vst v8  }
0x69b: {  	[tilespmem:$0x6210] =	vst v8  }
0x69c: {  	[tilespmem:$0x6220] =	vst v8  }
0x69d: {  	[tilespmem:$0x6230] =	vst v8  }
0x69e: {  	[tilespmem:$0x6240] =	vst v8  }
0x69f: {  	[tilespmem:$0x6250] =	vst v8  }
0x6a0: {  	[tilespmem:$0x6260] =	vst v8  }
0x6a1: {  	[tilespmem:$0x6270] =	vst v8  }
0x6a2: {  	[tilespmem:$0x6280] =	vst v8  }
0x6a3: {  	[tilespmem:$0x6290] =	vst v8  }
0x6a4: {  	[tilespmem:$0x62A0] =	vst v8  }
0x6a5: {  	[tilespmem:$0x62B0] =	vst v8  }
0x6a6: {  	[tilespmem:$0x62C0] =	vst v8  }
0x6a7: {  	[tilespmem:$0x62D0] =	vst v8  }
0x6a8: {  	[tilespmem:$0x62E0] =	vst v8  }
0x6a9: {  	[tilespmem:$0x62F0] =	vst v8  }
0x6aa: {  	[tilespmem:$0x6300] =	vst v8  }
0x6ab: {  	[tilespmem:$0x6310] =	vst v8  }
0x6ac: {  	[tilespmem:$0x6320] =	vst v8  }
0x6ad: {  	[tilespmem:$0x6330] =	vst v8  }
0x6ae: {  	[tilespmem:$0x6340] =	vst v8  }
0x6af: {  	[tilespmem:$0x6350] =	vst v8  }
0x6b0: {  	[tilespmem:$0x6360] =	vst v8  }
0x6b1: {  	[tilespmem:$0x6370] =	vst v8  }
0x6b2: {  	[tilespmem:$0x6380] =	vst v8  }
0x6b3: {  	[tilespmem:$0x6390] =	vst v8  }
0x6b4: {  	[tilespmem:$0x63A0] =	vst v8  }
0x6b5: {  	[tilespmem:$0x63B0] =	vst v8  }
0x6b6: {  	[tilespmem:$0x63C0] =	vst v8  }
0x6b7: {  	[tilespmem:$0x63D0] =	vst v8  }
0x6b8: {  	[tilespmem:$0x63E0] =	vst v8  }
0x6b9: {  	[tilespmem:$0x63F0] =	vst v8  }
0x6ba: {  	[tilespmem:$0x6400] =	vst v8  }
0x6bb: {  	[tilespmem:$0x6410] =	vst v8  }
0x6bc: {  	[tilespmem:$0x6420] =	vst v8  }
0x6bd: {  	[tilespmem:$0x6430] =	vst v8  }
0x6be: {  	[tilespmem:$0x6440] =	vst v8  }
0x6bf: {  	[tilespmem:$0x6450] =	vst v8  }
0x6c0: {  	[tilespmem:$0x6460] =	vst v8  }
0x6c1: {  	[tilespmem:$0x6470] =	vst v8  }
0x6c2: {  	[tilespmem:$0x6480] =	vst v8  }
0x6c3: {  	[tilespmem:$0x6490] =	vst v8  }
0x6c4: {  	[tilespmem:$0x64A0] =	vst v8  }
0x6c5: {  	[tilespmem:$0x64B0] =	vst v8  }
0x6c6: {  	[tilespmem:$0x64C0] =	vst v8  }
0x6c7: {  	[tilespmem:$0x64D0] =	vst v8  }
0x6c8: {  	[tilespmem:$0x64E0] =	vst v8  }
0x6c9: {  	[tilespmem:$0x64F0] =	vst v8  }
0x6ca: {  	[tilespmem:$0x6500] =	vst v8  }
0x6cb: {  	[tilespmem:$0x6510] =	vst v8  }
0x6cc: {  	[tilespmem:$0x6520] =	vst v8  }
0x6cd: {  	[tilespmem:$0x6530] =	vst v8  }
0x6ce: {  	[tilespmem:$0x6540] =	vst v8  }
0x6cf: {  	[tilespmem:$0x6550] =	vst v8  }
0x6d0: {  	[tilespmem:$0x6560] =	vst v8  }
0x6d1: {  	[tilespmem:$0x6570] =	vst v8  }
0x6d2: {  	[tilespmem:$0x6580] =	vst v8  }
0x6d3: {  	[tilespmem:$0x6590] =	vst v8  }
0x6d4: {  	[tilespmem:$0x65A0] =	vst v8  }
0x6d5: {  	[tilespmem:$0x65B0] =	vst v8  }
0x6d6: {  	[tilespmem:$0x65C0] =	vst v8  }
0x6d7: {  	[tilespmem:$0x65D0] =	vst v8  }
0x6d8: {  	[tilespmem:$0x65E0] =	vst v8  }
0x6d9: {  	[tilespmem:$0x65F0] =	vst v8  }
0x6da: {  	[tilespmem:$0x6600] =	vst v8  }
0x6db: {  	[tilespmem:$0x6610] =	vst v8  }
0x6dc: {  	[tilespmem:$0x6620] =	vst v8  }
0x6dd: {  	[tilespmem:$0x6630] =	vst v8  }
0x6de: {  	[tilespmem:$0x6640] =	vst v8  }
0x6df: {  	[tilespmem:$0x6650] =	vst v8  }
0x6e0: {  	[tilespmem:$0x6660] =	vst v8  }
0x6e1: {  	[tilespmem:$0x6670] =	vst v8  }
0x6e2: {  	[tilespmem:$0x6680] =	vst v8  }
0x6e3: {  	[tilespmem:$0x6690] =	vst v8  }
0x6e4: {  	[tilespmem:$0x66A0] =	vst v8  }
0x6e5: {  	[tilespmem:$0x66B0] =	vst v8  }
0x6e6: {  	[tilespmem:$0x66C0] =	vst v8  }
0x6e7: {  	[tilespmem:$0x66D0] =	vst v8  }
0x6e8: {  	[tilespmem:$0x66E0] =	vst v8  }
0x6e9: {  	[tilespmem:$0x66F0] =	vst v8  }
0x6ea: {  	[tilespmem:$0x6700] =	vst v8  }
0x6eb: {  	[tilespmem:$0x6710] =	vst v8  }
0x6ec: {  	[tilespmem:$0x6720] =	vst v8  }
0x6ed: {  	[tilespmem:$0x6730] =	vst v8  }
0x6ee: {  	[tilespmem:$0x6740] =	vst v8  }
0x6ef: {  	[tilespmem:$0x6750] =	vst v8  }
0x6f0: {  	[tilespmem:$0x6760] =	vst v8  }
0x6f1: {  	[tilespmem:$0x6770] =	vst v8  }
0x6f2: {  	[tilespmem:$0x6780] =	vst v8  }
0x6f3: {  	[tilespmem:$0x6790] =	vst v8  }
0x6f4: {  	[tilespmem:$0x67A0] =	vst v8  }
0x6f5: {  	[tilespmem:$0x67B0] =	vst v8  }
0x6f6: {  	[tilespmem:$0x67C0] =	vst v8  }
0x6f7: {  	[tilespmem:$0x67D0] =	vst v8  }
0x6f8: {  	[tilespmem:$0x67E0] =	vst v8  }
0x6f9: {  	[tilespmem:$0x67F0] =	vst v8  }
0x6fa: {  	[tilespmem:$0x6800] =	vst v8  }
0x6fb: {  	[tilespmem:$0x6810] =	vst v8  }
0x6fc: {  	[tilespmem:$0x6820] =	vst v8  }
0x6fd: {  	[tilespmem:$0x6830] =	vst v8  }
0x6fe: {  	[tilespmem:$0x6840] =	vst v8  }
0x6ff: {  	[tilespmem:$0x6850] =	vst v8  }
0x700: {  	[tilespmem:$0x6860] =	vst v8  }
0x701: {  	[tilespmem:$0x6870] =	vst v8  }
0x702: {  	[tilespmem:$0x6880] =	vst v8  }
0x703: {  	[tilespmem:$0x6890] =	vst v8  }
0x704: {  	[tilespmem:$0x68A0] =	vst v8  }
0x705: {  	[tilespmem:$0x68B0] =	vst v8  }
0x706: {  	[tilespmem:$0x68C0] =	vst v8  }
0x707: {  	[tilespmem:$0x68D0] =	vst v8  }
0x708: {  	[tilespmem:$0x68E0] =	vst v8  }
0x709: {  	[tilespmem:$0x68F0] =	vst v8  }
0x70a: {  	[tilespmem:$0x6900] =	vst v8  }
0x70b: {  	[tilespmem:$0x6910] =	vst v8  }
0x70c: {  	[tilespmem:$0x6920] =	vst v8  }
0x70d: {  	[tilespmem:$0x6930] =	vst v8  }
0x70e: {  	[tilespmem:$0x6940] =	vst v8  }
0x70f: {  	[tilespmem:$0x6950] =	vst v8  }
0x710: {  	[tilespmem:$0x6960] =	vst v8  }
0x711: {  	[tilespmem:$0x6970] =	vst v8  }
0x712: {  	[tilespmem:$0x6980] =	vst v8  }
0x713: {  	[tilespmem:$0x6990] =	vst v8  }
0x714: {  	[tilespmem:$0x69A0] =	vst v8  }
0x715: {  	[tilespmem:$0x69B0] =	vst v8  }
0x716: {  	[tilespmem:$0x69C0] =	vst v8  }
0x717: {  	[tilespmem:$0x69D0] =	vst v8  }
0x718: {  	[tilespmem:$0x69E0] =	vst v8  }
0x719: {  	[tilespmem:$0x69F0] =	vst v8  }
0x71a: {  	[tilespmem:$0x6A00] =	vst v8  }
0x71b: {  	[tilespmem:$0x6A10] =	vst v8  }
0x71c: {  	[tilespmem:$0x6A20] =	vst v8  }
0x71d: {  	[tilespmem:$0x6A30] =	vst v8  }
0x71e: {  	[tilespmem:$0x6A40] =	vst v8  }
0x71f: {  	[tilespmem:$0x6A50] =	vst v8  }
0x720: {  	[tilespmem:$0x6A60] =	vst v8  }
0x721: {  	[tilespmem:$0x6A70] =	vst v8  }
0x722: {  	[tilespmem:$0x6A80] =	vst v8  }
0x723: {  	[tilespmem:$0x6A90] =	vst v8  }
0x724: {  	[tilespmem:$0x6AA0] =	vst v8  }
0x725: {  	[tilespmem:$0x6AB0] =	vst v8  }
0x726: {  	[tilespmem:$0x6AC0] =	vst v8  }
0x727: {  	[tilespmem:$0x6AD0] =	vst v8  }
0x728: {  	[tilespmem:$0x6AE0] =	vst v8  }
0x729: {  	[tilespmem:$0x6AF0] =	vst v8  }
0x72a: {  	[tilespmem:$0x6B00] =	vst v8  }
0x72b: {  	[tilespmem:$0x6B10] =	vst v8  }
0x72c: {  	[tilespmem:$0x6B20] =	vst v8  }
0x72d: {  	[tilespmem:$0x6B30] =	vst v8  }
0x72e: {  	[tilespmem:$0x6B40] =	vst v8  }
0x72f: {  	[tilespmem:$0x6B50] =	vst v8  }
0x730: {  	[tilespmem:$0x6B60] =	vst v8  }
0x731: {  	[tilespmem:$0x6B70] =	vst v8  }
0x732: {  	[tilespmem:$0x6B80] =	vst v8  }
0x733: {  	[tilespmem:$0x6B90] =	vst v8  }
0x734: {  	[tilespmem:$0x6BA0] =	vst v8  }
0x735: {  	[tilespmem:$0x6BB0] =	vst v8  }
0x736: {  	[tilespmem:$0x6BC0] =	vst v8  }
0x737: {  	[tilespmem:$0x6BD0] =	vst v8  }
0x738: {  	[tilespmem:$0x6BE0] =	vst v8  }
0x739: {  	[tilespmem:$0x6BF0] =	vst v8  }
0x73a: {  	[tilespmem:$0x6C00] =	vst v8  }
0x73b: {  	[tilespmem:$0x6C10] =	vst v8  }
0x73c: {  	[tilespmem:$0x6C20] =	vst v8  }
0x73d: {  	[tilespmem:$0x6C30] =	vst v8  }
0x73e: {  	[tilespmem:$0x6C40] =	vst v8  }
0x73f: {  	[tilespmem:$0x6C50] =	vst v8  }
0x740: {  	[tilespmem:$0x6C60] =	vst v8  }
0x741: {  	[tilespmem:$0x6C70] =	vst v8  }
0x742: {  	[tilespmem:$0x6C80] =	vst v8  }
0x743: {  	[tilespmem:$0x6C90] =	vst v8  }
0x744: {  	[tilespmem:$0x6CA0] =	vst v8  }
0x745: {  	[tilespmem:$0x6CB0] =	vst v8  }
0x746: {  	[tilespmem:$0x6CC0] =	vst v8  }
0x747: {  	[tilespmem:$0x6CD0] =	vst v8  }
0x748: {  	[tilespmem:$0x6CE0] =	vst v8  }
0x749: {  	[tilespmem:$0x6CF0] =	vst v8  }
0x74a: {  	[tilespmem:$0x6D00] =	vst v8  }
0x74b: {  	[tilespmem:$0x6D10] =	vst v8  }
0x74c: {  	[tilespmem:$0x6D20] =	vst v8  }
0x74d: {  	[tilespmem:$0x6D30] =	vst v8  }
0x74e: {  	[tilespmem:$0x6D40] =	vst v8  }
0x74f: {  	[tilespmem:$0x6D50] =	vst v8  }
0x750: {  	[tilespmem:$0x6D60] =	vst v8  }
0x751: {  	[tilespmem:$0x6D70] =	vst v8  }
0x752: {  	[tilespmem:$0x6D80] =	vst v8  }
0x753: {  	[tilespmem:$0x6D90] =	vst v8  }
0x754: {  	[tilespmem:$0x6DA0] =	vst v8  }
0x755: {  	[tilespmem:$0x6DB0] =	vst v8  }
0x756: {  	[tilespmem:$0x6DC0] =	vst v8  }
0x757: {  	[tilespmem:$0x6DD0] =	vst v8  }
0x758: {  	[tilespmem:$0x6DE0] =	vst v8  }
0x759: {  	[tilespmem:$0x6DF0] =	vst v8  }
0x75a: {  	[tilespmem:$0x6E00] =	vst v8  }
0x75b: {  	[tilespmem:$0x6E10] =	vst v8  }
0x75c: {  	[tilespmem:$0x6E20] =	vst v8  }
0x75d: {  	[tilespmem:$0x6E30] =	vst v8  }
0x75e: {  	[tilespmem:$0x6E40] =	vst v8  }
0x75f: {  	[tilespmem:$0x6E50] =	vst v8  }
0x760: {  	[tilespmem:$0x6E60] =	vst v8  }
0x761: {  	[tilespmem:$0x6E70] =	vst v8  }
0x762: {  	[tilespmem:$0x6E80] =	vst v8  }
0x763: {  	[tilespmem:$0x6E90] =	vst v8  }
0x764: {  	[tilespmem:$0x6EA0] =	vst v8  }
0x765: {  	[tilespmem:$0x6EB0] =	vst v8  }
0x766: {  	[tilespmem:$0x6EC0] =	vst v8  }
0x767: {  	[tilespmem:$0x6ED0] =	vst v8  }
0x768: {  	[tilespmem:$0x6EE0] =	vst v8  }
0x769: {  	[tilespmem:$0x6EF0] =	vst v8  }
0x76a: {  	[tilespmem:$0x6F00] =	vst v8  }
0x76b: {  	[tilespmem:$0x6F10] =	vst v8  }
0x76c: {  	[tilespmem:$0x6F20] =	vst v8  }
0x76d: {  	[tilespmem:$0x6F30] =	vst v8  }
0x76e: {  	[tilespmem:$0x6F40] =	vst v8  }
0x76f: {  	[tilespmem:$0x6F50] =	vst v8  }
0x770: {  	[tilespmem:$0x6F60] =	vst v8  }
0x771: {  	[tilespmem:$0x6F70] =	vst v8  }
0x772: {  	[tilespmem:$0x6F80] =	vst v8  }
0x773: {  	[tilespmem:$0x6F90] =	vst v8  }
0x774: {  	[tilespmem:$0x6FA0] =	vst v8  }
0x775: {  	[tilespmem:$0x6FB0] =	vst v8  }
0x776: {  	[tilespmem:$0x6FC0] =	vst v8  }
0x777: {  	[tilespmem:$0x6FD0] =	vst v8  }
0x778: {  	[tilespmem:$0x6FE0] =	vst v8  }
0x779: {  	[tilespmem:$0x6FF0] =	vst v8  }
0x77a: {  	[tilespmem:$0x7000] =	vst v8  }
0x77b: {  	[tilespmem:$0x7010] =	vst v8  }
0x77c: {  	[tilespmem:$0x7020] =	vst v8  }
0x77d: {  	[tilespmem:$0x7030] =	vst v8  }
0x77e: {  	[tilespmem:$0x7040] =	vst v8  }
0x77f: {  	[tilespmem:$0x7050] =	vst v8  }
0x780: {  	[tilespmem:$0x7060] =	vst v8  }
0x781: {  	[tilespmem:$0x7070] =	vst v8  }
0x782: {  	[tilespmem:$0x7080] =	vst v8  }
0x783: {  	[tilespmem:$0x7090] =	vst v8  }
0x784: {  	[tilespmem:$0x70A0] =	vst v8  }
0x785: {  	[tilespmem:$0x70B0] =	vst v8  }
0x786: {  	[tilespmem:$0x70C0] =	vst v8  }
0x787: {  	[tilespmem:$0x70D0] =	vst v8  }
0x788: {  	[tilespmem:$0x70E0] =	vst v8  }
0x789: {  	[tilespmem:$0x70F0] =	vst v8  }
0x78a: {  	[tilespmem:$0x7100] =	vst v8  }
0x78b: {  	[tilespmem:$0x7110] =	vst v8  }
0x78c: {  	[tilespmem:$0x7120] =	vst v8  }
0x78d: {  	[tilespmem:$0x7130] =	vst v8  }
0x78e: {  	[tilespmem:$0x7140] =	vst v8  }
0x78f: {  	[tilespmem:$0x7230] =	vst v8  }
0x790: {  	[tilespmem:$0x7150] =	vst v8  }
0x791: {  	[tilespmem:$0x7160] =	vst v8  }
0x792: {  	[tilespmem:$0x7170] =	vst v8  }
0x793: {  	[tilespmem:$0x7180] =	vst v8  }
0x794: {  	[tilespmem:$0x7190] =	vst v8  }
0x795: {  	[tilespmem:$0x71A0] =	vst v8  }
0x796: {  	[tilespmem:$0x71B0] =	vst v8  }
0x797: {  	[tilespmem:$0x71C0] =	vst v8  }
0x798: {  	[tilespmem:$0x71D0] =	vst v8  }
0x799: {  	[tilespmem:$0x7FC0] =	vst v8  }
0x79a: {  	[tilespmem:$0x7FF0] =	vst v8  }
0x79b: {  	[tilespmem:$0x7FD0] =	vst v8  }
0x79c: {  	[tilespmem:$0x71E0] =	vst v8  }
0x79d: {  	[tilespmem:$0x7240] =	vst v8  }
0x79e: {  	[tilespmem:$0x7250] =	vst v8  }
0x79f: {  	[tilespmem:$0x7260] =	vst v8  }
0x7a0: {  	[tilespmem:$0x7270] =	vst v8  }
0x7a1: {  	[tilespmem:$0x7280] =	vst v8  }
0x7a2: {  	[tilespmem:$0x7290] =	vst v8  }
0x7a3: {  	[tilespmem:$0x72A0] =	vst v8  }
0x7a4: {  	[tilespmem:$0x72B0] =	vst v8  }
0x7a5: {  	[tilespmem:$0x72C0] =	vst v8  }
0x7a6: {  	[tilespmem:$0x72D0] =	vst v8  }
0x7a7: {  	[tilespmem:$0x72E0] =	vst v8  }
0x7a8: {  	[tilespmem:$0x72F0] =	vst v8  }
0x7a9: {  	[tilespmem:$0x7300] =	vst v8  }
0x7aa: {  	[tilespmem:$0x7310] =	vst v8  }
0x7ab: {  	[tilespmem:$0x7320] =	vst v8  }
0x7ac: {  	[tilespmem:$0x7330] =	vst v8  }
0x7ad: {  	[tilespmem:$0x7340] =	vst v8  }
0x7ae: {  	[tilespmem:$0x7350] =	vst v8  }
0x7af: {  	[tilespmem:$0x7360] =	vst v8  }
0x7b0: {  	[tilespmem:$0x7370] =	vst v8  }
0x7b1: {  	[tilespmem:$0x7380] =	vst v8  }
0x7b2: {  	[tilespmem:$0x7390] =	vst v8  }
0x7b3: {  	[tilespmem:$0x73A0] =	vst v8  }
0x7b4: {  	[tilespmem:$0x73B0] =	vst v8  }
0x7b5: {  	[tilespmem:$0x73C0] =	vst v8  }
0x7b6: {  	[tilespmem:$0x73D0] =	vst v8  }
0x7b7: {  	[tilespmem:$0x73E0] =	vst v8  }
0x7b8: {  	[tilespmem:$0x73F0] =	vst v8  }
0x7b9: {  	[tilespmem:$0x7400] =	vst v8  }
0x7ba: {  	[tilespmem:$0x7410] =	vst v8  }
0x7bb: {  	[tilespmem:$0x7420] =	vst v8  }
0x7bc: {  	[tilespmem:$0x7430] =	vst v8  }
0x7bd: {  	[tilespmem:$0x7440] =	vst v8  }
0x7be: {  	[tilespmem:$0x7450] =	vst v8  }
0x7bf: {  	[tilespmem:$0x7460] =	vst v8  }
0x7c0: {  	[tilespmem:$0x7470] =	vst v8  }
0x7c1: {  	[tilespmem:$0x7480] =	vst v8  }
0x7c2: {  	[tilespmem:$0x7490] =	vst v8  }
0x7c3: {  	[tilespmem:$0x74A0] =	vst v8  }
0x7c4: {  	[tilespmem:$0x74B0] =	vst v8  }
0x7c5: {  	[tilespmem:$0x74C0] =	vst v8  }
0x7c6: {  	[tilespmem:$0x74D0] =	vst v8  }
0x7c7: {  	[tilespmem:$0x74E0] =	vst v8  }
0x7c8: {  	[tilespmem:$0x74F0] =	vst v8  }
0x7c9: {  	[tilespmem:$0x7500] =	vst v8  }
0x7ca: {  	[tilespmem:$0x7510] =	vst v8  }
0x7cb: {  	[tilespmem:$0x7520] =	vst v8  }
0x7cc: {  	[tilespmem:$0x7530] =	vst v8  }
0x7cd: {  	[tilespmem:$0x7540] =	vst v8  }
0x7ce: {  	[tilespmem:$0x7550] =	vst v8  }
0x7cf: {  	[tilespmem:$0x7560] =	vst v8  }
0x7d0: {  	[tilespmem:$0x7570] =	vst v8  }
0x7d1: {  	[tilespmem:$0x7580] =	vst v8  }
0x7d2: {  	[tilespmem:$0x7590] =	vst v8  }
0x7d3: {  	[tilespmem:$0x75A0] =	vst v8  }
0x7d4: {  	[tilespmem:$0x75B0] =	vst v8  }
0x7d5: {  	[tilespmem:$0x75C0] =	vst v8  }
0x7d6: {  	[tilespmem:$0x75D0] =	vst v8  }
0x7d7: {  	[tilespmem:$0x75E0] =	vst v8  }
0x7d8: {  	[tilespmem:$0x75F0] =	vst v8  }
0x7d9: {  	[tilespmem:$0x7600] =	vst v8  }
0x7da: {  	[tilespmem:$0x7610] =	vst v8  }
0x7db: {  	[tilespmem:$0x7620] =	vst v8  }
0x7dc: {  	[tilespmem:$0x7630] =	vst v8  }
0x7dd: {  	[tilespmem:$0x7640] =	vst v8  }
0x7de: {  	[tilespmem:$0x7650] =	vst v8  }
0x7df: {  	[tilespmem:$0x7660] =	vst v8  }
0x7e0: {  	[tilespmem:$0x7670] =	vst v8  }
0x7e1: {  	[tilespmem:$0x7680] =	vst v8  }
0x7e2: {  	[tilespmem:$0x7690] =	vst v8  }
0x7e3: {  	[tilespmem:$0x76A0] =	vst v8  }
0x7e4: {  	[tilespmem:$0x76B0] =	vst v8  }
0x7e5: {  	[tilespmem:$0x76C0] =	vst v8  }
0x7e6: {  	[tilespmem:$0x76D0] =	vst v8  }
0x7e7: {  	[tilespmem:$0x76E0] =	vst v8  }
0x7e8: {  	[tilespmem:$0x76F0] =	vst v8  }
0x7e9: {  	[tilespmem:$0x7700] =	vst v8  }
0x7ea: {  	[tilespmem:$0x7710] =	vst v8  }
0x7eb: {  	[tilespmem:$0x7720] =	vst v8  }
0x7ec: {  	[tilespmem:$0x7730] =	vst v8  }
0x7ed: {  	[tilespmem:$0x7740] =	vst v8  }
0x7ee: {  	[tilespmem:$0x7750] =	vst v8  }
0x7ef: {  	[tilespmem:$0x7760] =	vst v8  }
0x7f0: {  	[tilespmem:$0x7770] =	vst v8  }
0x7f1: {  	[tilespmem:$0x7780] =	vst v8  }
0x7f2: {  	[tilespmem:$0x7790] =	vst v8  }
0x7f3: {  	[tilespmem:$0x77A0] =	vst v8  }
0x7f4: {  	[tilespmem:$0x77B0] =	vst v8  }
0x7f5: {  	[tilespmem:$0x77C0] =	vst v8  }
0x7f6: {  	[tilespmem:$0x77D0] =	vst v8  }
0x7f7: {  	[tilespmem:$0x77E0] =	vst v8  }
0x7f8: {  	[tilespmem:$0x77F0] =	vst v8  }
0x7f9: {  	[tilespmem:$0x7800] =	vst v8  }
0x7fa: {  	[tilespmem:$0x7810] =	vst v8  }
0x7fb: {  	[tilespmem:$0x7820] =	vst v8  }
0x7fc: {  	[tilespmem:$0x7830] =	vst v8  }
0x7fd: {  	[tilespmem:$0x7840] =	vst v8  }
0x7fe: {  	[tilespmem:$0x7850] =	vst v8  }
0x7ff: {  	[tilespmem:$0x7860] =	vst v8  }
0x800: {  	[tilespmem:$0x7870] =	vst v8  }
0x801: {  	[tilespmem:$0x7880] =	vst v8  }
0x802: {  	[tilespmem:$0x7890] =	vst v8  }
0x803: {  	[tilespmem:$0x78A0] =	vst v8  }
0x804: {  	[tilespmem:$0x78B0] =	vst v8  }
0x805: {  	[tilespmem:$0x78C0] =	vst v8  }
0x806: {  	[tilespmem:$0x78D0] =	vst v8  }
0x807: {  	[tilespmem:$0x78E0] =	vst v8  }
0x808: {  	[tilespmem:$0x78F0] =	vst v8  }
0x809: {  	[tilespmem:$0x7900] =	vst v8  }
0x80a: {  	[tilespmem:$0x7910] =	vst v8  }
0x80b: {  	[tilespmem:$0x7920] =	vst v8  }
0x80c: {  	[tilespmem:$0x7930] =	vst v8  }
0x80d: {  	[tilespmem:$0x7940] =	vst v8  }
0x80e: {  	[tilespmem:$0x7950] =	vst v8  }
0x80f: {  	[tilespmem:$0x7960] =	vst v8  }
0x810: {  	[tilespmem:$0x7970] =	vst v8  }
0x811: {  	[tilespmem:$0x7980] =	vst v8  }
0x812: {  	[tilespmem:$0x7990] =	vst v8  }
0x813: {  	[tilespmem:$0x79A0] =	vst v8  }
0x814: {  	[tilespmem:$0x79B0] =	vst v8  }
0x815: {  	[tilespmem:$0x79C0] =	vst v8  }
0x816: {  	[tilespmem:$0x79D0] =	vst v8  }
0x817: {  	[tilespmem:$0x79E0] =	vst v8  }
0x818: {  	[tilespmem:$0x79F0] =	vst v8  }
0x819: {  	[tilespmem:$0x7A00] =	vst v8  }
0x81a: {  	[tilespmem:$0x7A10] =	vst v8  }
0x81b: {  	[tilespmem:$0x7A20] =	vst v8  }
0x81c: {  	[tilespmem:$0x7A30] =	vst v8  }
0x81d: {  	[tilespmem:$0x7A40] =	vst v8  }
0x81e: {  	[tilespmem:$0x7A50] =	vst v8  }
0x81f: {  	[tilespmem:$0x7A60] =	vst v8  }
0x820: {  	[tilespmem:$0x7A70] =	vst v8  }
0x821: {  	[tilespmem:$0x7A80] =	vst v8  }
0x822: {  	[tilespmem:$0x7A90] =	vst v8  }
0x823: {  	[tilespmem:$0x7AA0] =	vst v8  }
0x824: {  	[tilespmem:$0x7AB0] =	vst v8  }
0x825: {  	[tilespmem:$0x7AC0] =	vst v8  }
0x826: {  	[tilespmem:$0x7AD0] =	vst v8  }
0x827: {  	[tilespmem:$0x7AE0] =	vst v8  }
0x828: {  	[tilespmem:$0x7AF0] =	vst v8  }
0x829: {  	[tilespmem:$0x7B00] =	vst v8  }
0x82a: {  	[tilespmem:$0x7B10] =	vst v8  }
0x82b: {  	[tilespmem:$0x7B20] =	vst v8  }
0x82c: {  	[tilespmem:$0x7B30] =	vst v8  }
0x82d: {  	[tilespmem:$0x7B40] =	vst v8  }
0x82e: {  	[tilespmem:$0x7B50] =	vst v8  }
0x82f: {  	[tilespmem:$0x7B60] =	vst v8  }
0x830: {  	[tilespmem:$0x7B70] =	vst v8  }
0x831: {  	[tilespmem:$0x7B80] =	vst v8  }
0x832: {  	[tilespmem:$0x7B90] =	vst v8  }
0x833: {  	[tilespmem:$0x7BA0] =	vst v8  }
0x834: {  	[tilespmem:$0x7BB0] =	vst v8  }
0x835: {  	[tilespmem:$0x7BC0] =	vst v8  }
0x836: {  	[tilespmem:$0x7BD0] =	vst v8  }
0x837: {  	[tilespmem:$0x7BE0] =	vst v8  }
0x838: {  	[tilespmem:$0x7BF0] =	vst v8  }
0x839: {  	[tilespmem:$0x7C00] =	vst v8  }
0x83a: {  	[tilespmem:$0x7C10] =	vst v8  }
0x83b: {  	[tilespmem:$0x7C20] =	vst v8  }
0x83c: {  	[tilespmem:$0x7C30] =	vst v8  }
0x83d: {  	[tilespmem:$0x7C40] =	vst v8  }
0x83e: {  	[tilespmem:$0x7C50] =	vst v8  }
0x83f: {  	[tilespmem:$0x7C60] =	vst v8  }
0x840: {  	[tilespmem:$0x7C70] =	vst v8  }
0x841: {  	[tilespmem:$0x7C80] =	vst v8  }
0x842: {  	[tilespmem:$0x7C90] =	vst v8  }
0x843: {  	[tilespmem:$0x7CA0] =	vst v8  }
0x844: {  	[tilespmem:$0x7CB0] =	vst v8  }
0x845: {  	[tilespmem:$0x7CC0] =	vst v8  }
0x846: {  	[tilespmem:$0x7CD0] =	vst v8  }
0x847: {  	[tilespmem:$0x7CE0] =	vst v8  }
0x848: {  	[tilespmem:$0x7CF0] =	vst v8  }
0x849: {  	[tilespmem:$0x7D00] =	vst v8  }
0x84a: {  	[tilespmem:$0x7D10] =	vst v8  }
0x84b: {  	[tilespmem:$0x7D20] =	vst v8  }
0x84c: {  	[tilespmem:$0x7D30] =	vst v8  }
0x84d: {  	[tilespmem:$0x7D40] =	vst v8  }
0x84e: {  	[tilespmem:$0x7D50] =	vst v8  }
0x84f: {  	[tilespmem:$0x7D60] =	vst v8  }
0x850: {  	[tilespmem:$0x7D70] =	vst v8  }
0x851: {  	[tilespmem:$0x7D80] =	vst v8  }
0x852: {  	[tilespmem:$0x7D90] =	vst v8  }
0x853: {  	[tilespmem:$0x7DA0] =	vst v8  }
0x854: {  	[tilespmem:$0x7DB0] =	vst v8  }
0x855: {  	[tilespmem:$0x7DC0] =	vst v8  }
0x856: {  	[tilespmem:$0x7DD0] =	vst v8  }
0x857: {  	[tilespmem:$0x7DE0] =	vst v8  }
0x858: {  	[tilespmem:$0x7DF0] =	vst v8  }
0x859: {  	[tilespmem:$0x7E00] =	vst v8  }
0x85a: {  	[tilespmem:$0x7E10] =	vst v8  }
0x85b: {  	[tilespmem:$0x7E20] =	vst v8  }
0x85c: {  	[tilespmem:$0x7E30] =	vst v8  }
0x85d: {  	[tilespmem:$0x7E40] =	vst v8  }
0x85e: {  	[tilespmem:$0x7E50] =	vst v8  }
0x85f: {  	[tilespmem:$0x7E60] =	vst v8  }
0x860: {  	[tilespmem:$0x7E70] =	vst v8  }
0x861: {  	[tilespmem:$0x7E80] =	vst v8  }
0x862: {  	[tilespmem:$0x7E90] =	vst v8  }
0x863: {  	[tilespmem:$0x7EA0] =	vst v8  }
0x864: {  	[tilespmem:$0x7EB0] =	vst v8  }
0x865: {  	[tilespmem:$0x7EC0] =	vst v8  }
0x866: {  	[tilespmem:$0x7ED0] =	vst v8  }
0x867: {  	[tilespmem:$0x7EE0] =	vst v8  }
0x868: {  	[tilespmem:$0x7EF0] =	vst v8  }
0x869: {  	[tilespmem:$0x7F00] =	vst v8  }
0x86a: {  	[tilespmem:$0x7F10] =	vst v8  }
0x86b: {  	[tilespmem:$0x7F20] =	vst v8  }
0x86c: {  	[tilespmem:$0x7F30] =	vst v8  }
0x86d: {  	[tilespmem:$0x7F40] =	vst v8  }
0x86e: {  	[tilespmem:$0x7F50] =	vst v8  }
0x86f: {  	[tilespmem:$0x7F60] =	vst v8  }
0x870: {  	[tilespmem:$0x7F70] =	vst v8  }
0x871: {  	[tilespmem:$0x7F80] =	vst v8  }
0x872: {  	[tilespmem:$0x7F90] =	vst v8  }
0x873: {  	[tilespmem:$0x7FA0] =	vst v8  }
0x874: {  	[tilespmem:$0x7FB0] =	vst v8;
	v10 =	vld [tilespmem:$0x8010]  }
0x875: {  	[tilespmem:$0x7FE0] =	vst v8  }
0x876: {  	v14 =	vld [tilespmem:$0x8030];
	[tilespmem:$0x7220] =	vst v8  }
0x877: {  	v12 =	vld [tilespmem:$0x8020];
	[tilespmem:$0x7210] =	vst v8  }
0x878: {  	[tilespmem:$0x7200] =	vst v8;
	v58 =	vld [tilespmem:$0x8040]  }
0x879: {  	[tilespmem:$0x71F0] =	vst v8;
	v11 =	vld [tilespmem:$0x8000];
	v57 =	vadd.s32 v1, v10;
	vm9 =	veq.s32 v10, $0x7FFF  }
0x87a: {  	v10 =	vsel vm9, $0xFF800000, v9;
	[tilespmem:$0x8090] =	vst v57  }
0x87b: {  	v59 =	vadd.s32 v3, v14;
	[tilespmem:$0x8110] =	vst v10  }
0x87c: {  	v10 =	vadd.s32 v2, v12;
	[tilespmem:$0x80B0] =	vst v59  }
0x87d: {  	v61 =	vadd.s32 v4, v58;
	[tilespmem:$0x80A0] =	vst v10  }
0x87e: {  	vm0 =	veq.s32 v11, $0x7FFF;
	v11 =	vadd.s32 v0, v11;
	v10 =	vld [tilespmem:$0x8050];
	[tilespmem:$0x80C0] =	vst v61  }
0x87f: {  	vm11 =	veq.s32 v14, $0x7FFF;
	v13 =	vsel vm0, $0xFF800000, v9;
	[tilespmem:$0x8080] =	vst v11  }
0x880: {  	vm12 =	veq.s32 v58, $0x7FFF;
	v60 =	vsel vm11, $0xFF800000, v9;
	v11 =	vld [tilespmem:$0x8060];
	[tilespmem:$0x8100] =	vst v13  }
0x881: {  	vm10 =	veq.s32 v12, $0x7FFF;
	v62 =	vsel vm12, $0xFF800000, v9;
	[tilespmem:$0x8130] =	vst v60  }
0x882: {  	v12 =	vsel vm10, $0xFF800000, v9;
	[tilespmem:$0x8140] =	vst v62  }
0x883: {  	[tilespmem:$0x8120] =	vst v12;
	v63 =	vadd.s32 v5, v10;
	vm13 =	veq.s32 v10, $0x7FFF  }
0x884: {  	v10 =	vsel vm13, $0xFF800000, v9;
	[tilespmem:$0x80D0] =	vst v63  }
0x885: {  	[tilespmem:$0x8150] =	vst v10;
	v10 =	vadd.s32 v6, v11  }
0x886: {  	[tilespmem:$0x80E0] =	vst v10  }
0x887: {  	v10 =	vld [tilespmem:$0x8070];
	_ =	sdelay $0x2  }
0x888: {  	vm14 =	veq.s32 v11, $0x7FFF  }
0x889: {  	v11 =	vsel vm14, $0xFF800000, v9  }
0x88a: {  	[tilespmem:$0x8160] =	vst v11;
	v11 =	vadd.s32 v7, v10;
	vm15 =	veq.s32 v10, $0x7FFF  }
0x88b: {  	[tilespmem:$0x80F0] =	vst v11;
	v10 =	vsel vm15, $0xFF800000, v9  }
0x88c: {  	s1 =	rddreg [dreg:$0x4];
	[tilespmem:$0x8170] =	vst v10  }
0x88d: {  	[hbm4b:s4+s2] =	stream.linear.scatter [tilespmem:s2], [sflag:$0x1], $0x8000, $0x38;
	[tilespmem:$0x8180] =	vst v63  }
0x88e: {  	s25 =	rddreg [dreg:$0x5]  }
0x88f: {  	[hbm4b:s1+s2] =	stream.linear.scatter [tilespmem:s2], [sflag:$0x1], $0x8000, $0x38;
	[tilespmem:$0x8180] =	vst v63  }
0x890: {  	s1 =	rddreg [dreg:$0x6]  }
0x891: {  	[hbm4b:s25+s2] =	stream.linear.scatter [tilespmem:s2], [sflag:$0x1], $0x8000, $0x38;
	[tilespmem:$0x8180] =	vst v63  }
0x892: {  	s25 =	rddreg [dreg:$0x7]  }
0x893: {  	[hbm4b:s1+s2] =	stream.linear.scatter [tilespmem:s2], [sflag:$0x1], $0x8000, $0x38;
	[tilespmem:$0x8180] =	vst v63  }
0x894: {  	s1 =	rddreg [dreg:$0x8]  }
0x895: {  	[hbm4b:s25+s2] =	stream.linear.scatter [tilespmem:s2], [sflag:$0x1], $0x8000, $0x38;
	[tilespmem:$0x8180] =	vst v63  }
0x896: {  	s25 =	rddreg [dreg:$0x9]  }
0x897: {  	[hbm4b:s1+s2] =	stream.linear.scatter [tilespmem:s2], [sflag:$0x1], $0x8000, $0x38;
	[tilespmem:$0x8180] =	vst v63  }
0x898: {  	s1 =	rddreg [dreg:$0xa]  }
0x899: {  	[hbm4b:s25+s2] =	stream.linear.scatter [tilespmem:s2], [sflag:$0x1], $0x8000, $0x38;
	[tilespmem:$0x8180] =	vst v63  }
0x89a: {  	s25 =	rddreg [dreg:$0xb]  }
0x89b: {  	[hbm4b:s1+s2] =	stream.linear.scatter [tilespmem:s2], [sflag:$0x1], $0x8000, $0x38;
	[tilespmem:$0x8180] =	vst v63  }
0x89c: {  	s1 =	rddreg [dreg:$0xc]  }
0x89d: {  	[hbm4b:s25+s2] =	stream.linear.scatter [tilespmem:s2], [sflag:$0x1], $0x8000, $0x38;
	[tilespmem:$0x8180] =	vst v63  }
0x89e: {  	s25 =	rddreg [dreg:$0xd]  }
0x89f: {  	[hbm4b:s1+s2] =	stream.linear.scatter [tilespmem:s2], [sflag:$0x1], $0x8000, $0x38;
	[tilespmem:$0x8180] =	vst v63  }
0x8a0: {  	s1 =	rddreg [dreg:$0xe]  }
0x8a1: {  	[hbm4b:s25+s2] =	stream.linear.scatter [tilespmem:s2], [sflag:$0x1], $0x8000, $0x38;
	[tilespmem:$0x8180] =	vst v63  }
0x8a2: {  	s25 =	rddreg [dreg:$0xf]  }
0x8a3: {  	[hbm4b:s1+s2] =	stream.linear.scatter [tilespmem:s2], [sflag:$0x1], $0x8000, $0x38;
	[tilespmem:$0x8180] =	vst v63  }
0x8a4: {  	s1 =	rddreg [dreg:$0x10]  }
0x8a5: {  	[hbm4b:s25+s2] =	stream.linear.scatter [tilespmem:s2], [sflag:$0x1], $0x8000, $0x38;
	[tilespmem:$0x8180] =	vst v63  }
0x8a6: {  	s25 =	rddreg [dreg:$0x11]  }
0x8a7: {  	[hbm4b:s1+s2] =	stream.linear.scatter [tilespmem:s2], [sflag:$0x1], $0x8000, $0x38;
	[tilespmem:$0x8180] =	vst v63  }
0x8a8: {  	s1 =	rddreg [dreg:$0x12]  }
0x8a9: {  	[hbm4b:s25+s2] =	stream.linear.scatter [tilespmem:s2], [sflag:$0x1], $0x8000, $0x38;
	[tilespmem:$0x8180] =	vst v63  }
0x8aa: {  	s25 =	rddreg [dreg:$0x13]  }
0x8ab: {  	[hbm4b:s1+s2] =	stream.linear.scatter [tilespmem:s2], [sflag:$0x1], $0x8000, $0x38;
	[tilespmem:$0x8180] =	vst v63  }
0x8ac: {  	s1 =	rddreg [dreg:$0x14]  }
0x8ad: {  	[hbm4b:s25+s2] =	stream.linear.scatter [tilespmem:s2], [sflag:$0x1], $0x8000, $0x38;
	[tilespmem:$0x8180] =	vst v63  }
0x8ae: {  	s25 =	rddreg [dreg:$0x15]  }
0x8af: {  	[hbm4b:s1+s2] =	stream.linear.scatter [tilespmem:s2], [sflag:$0x1], $0x8000, $0x38;
	[tilespmem:$0x8180] =	vst v63  }
0x8b0: {  	s1 =	rddreg [dreg:$0x16]  }
0x8b1: {  	[hbm4b:s25+s2] =	stream.linear.scatter [tilespmem:s2], [sflag:$0x1], $0x8000, $0x38;
	[tilespmem:$0x8180] =	vst v63  }
0x8b2: {  	s25 =	rddreg [dreg:$0x17]  }
0x8b3: {  	[hbm4b:s1+s2] =	stream.linear.scatter [tilespmem:s2], [sflag:$0x1], $0x8000, $0x38;
	[tilespmem:$0x8180] =	vst v63  }
0x8b4: {  	s1 =	rddreg [dreg:$0x18]  }
0x8b5: {  	[hbm4b:s25+s2] =	stream.linear.scatter [tilespmem:s2], [sflag:$0x1], $0x8000, $0x38;
	[tilespmem:$0x8180] =	vst v63  }
0x8b6: {  	s25 =	rddreg [dreg:$0x19]  }
0x8b7: {  	[hbm4b:s1+s2] =	stream.linear.scatter [tilespmem:s2], [sflag:$0x1], $0x8000, $0x38;
	[tilespmem:$0x8180] =	vst v63  }
0x8b8: {  	s1 =	rddreg [dreg:$0x1a]  }
0x8b9: {  	[hbm4b:s25+s2] =	stream.linear.scatter [tilespmem:s2], [sflag:$0x1], $0x8000, $0x38;
	[tilespmem:$0x8180] =	vst v63  }
0x8ba: {  	s25 =	rddreg [dreg:$0x1b]  }
0x8bb: {  	[hbm4b:s1+s2] =	stream.linear.scatter [tilespmem:s2], [sflag:$0x1], $0x8000, $0x38;
	[tilespmem:$0x8180] =	vst v63  }
0x8bc: {  	s1 =	rddreg [dreg:$0x1c]  }
0x8bd: {  	[hbm4b:s25+s2] =	stream.linear.scatter [tilespmem:s2], [sflag:$0x1], $0x8000, $0x38;
	[tilespmem:$0x8180] =	vst v63  }
0x8be: {  	s25 =	rddreg [dreg:$0x1d]  }
0x8bf: {  	[hbm4b:s1+s2] =	stream.linear.scatter [tilespmem:s2], [sflag:$0x1], $0x8000, $0x38;
	[tilespmem:$0x8180] =	vst v63  }
0x8c0: {  	s1 =	rddreg [dreg:$0x1e]  }
0x8c1: {  	[hbm4b:s25+s2] =	stream.linear.scatter [tilespmem:s2], [sflag:$0x1], $0x8000, $0x38;
	[tilespmem:$0x8180] =	vst v63  }
0x8c2: {  	s25 =	rddreg [dreg:$0x1f]  }
0x8c3: {  	[hbm4b:s1+s2] =	stream.linear.scatter [tilespmem:s2], [sflag:$0x1], $0x8000, $0x38;
	[tilespmem:$0x8180] =	vst v63  }
0x8c4: {  	s1 =	sld [smem:$0x7AE]  }
0x8c5: {  	[hbm4b:s25+s2] =	stream.linear.scatter [tilespmem:s2], [sflag:$0x1], $0x8000, $0x38;
	[tilespmem:$0x8180] =	vst v63  }
0x8c6: {  	s25 =	sld [smem:$0x7AF]  }
0x8c7: {  	[hbm4b:s1+s2] =	stream.linear.scatter [tilespmem:s2], [sflag:$0x1], $0x8000, $0x38;
	[tilespmem:$0x8180] =	vst v63  }
0x8c8: {  	s1 =	sld [smem:$0x7B0]  }
0x8c9: {  	[hbm4b:s25+s2] =	stream.linear.scatter [tilespmem:s2], [sflag:$0x1], $0x8000, $0x38;
	[tilespmem:$0x8180] =	vst v63  }
0x8ca: {  	s25 =	sld [smem:$0x7B1]  }
0x8cb: {  	[hbm4b:s1+s2] =	stream.linear.scatter [tilespmem:s2], [sflag:$0x1], $0x8000, $0x38;
	[tilespmem:$0x8180] =	vst v63  }
0x8cc: {  	s1 =	sld [smem:$0x7B2]  }
0x8cd: {  	[hbm4b:s25+s2] =	stream.linear.scatter [tilespmem:s2], [sflag:$0x1], $0x8000, $0x38;
	[tilespmem:$0x8180] =	vst v63  }
0x8ce: {  	s25 =	sld [smem:$0x7B3]  }
0x8cf: {  	[hbm4b:s1+s2] =	stream.linear.scatter [tilespmem:s2], [sflag:$0x1], $0x8000, $0x38;
	[tilespmem:$0x8180] =	vst v63  }
0x8d0: {  	s1 =	sld [smem:$0x7B4]  }
0x8d1: {  	[hbm4b:s25+s2] =	stream.linear.scatter [tilespmem:s2], [sflag:$0x1], $0x8000, $0x38;
	[tilespmem:$0x8180] =	vst v63  }
0x8d2: {  	s25 =	sld [smem:$0x7B5]  }
0x8d3: {  	[hbm4b:s1+s2] =	stream.linear.scatter [tilespmem:s2], [sflag:$0x1], $0x8000, $0x38;
	[tilespmem:$0x8180] =	vst v63  }
0x8d4: {  	s1 =	sld [smem:$0x7B6]  }
0x8d5: {  	[hbm4b:s25+s2] =	stream.linear.scatter [tilespmem:s2], [sflag:$0x1], $0x8000, $0x38;
	[tilespmem:$0x8180] =	vst v63  }
0x8d6: {  	s25 =	sld [smem:$0x7B7]  }
0x8d7: {  	[hbm4b:s1+s2] =	stream.linear.scatter [tilespmem:s2], [sflag:$0x1], $0x8000, $0x38;
	[tilespmem:$0x8180] =	vst v63  }
0x8d8: {  	s1 =	sld [smem:$0x7B8]  }
0x8d9: {  	[hbm4b:s25+s2] =	stream.linear.scatter [tilespmem:s2], [sflag:$0x1], $0x8000, $0x38;
	[tilespmem:$0x8180] =	vst v63  }
0x8da: {  	s25 =	sld [smem:$0x7B9]  }
0x8db: {  	[hbm4b:s1+s2] =	stream.linear.scatter [tilespmem:s2], [sflag:$0x1], $0x8000, $0x38;
	[tilespmem:$0x8180] =	vst v63  }
0x8dc: {  	s1 =	sld [smem:$0x7BA]  }
0x8dd: {  	[hbm4b:s25+s2] =	stream.linear.scatter [tilespmem:s2], [sflag:$0x1], $0x8000, $0x38;
	[tilespmem:$0x8180] =	vst v63  }
0x8de: {  	s25 =	sld [smem:$0x7BB]  }
0x8df: {  	[hbm4b:s1+s2] =	stream.linear.scatter [tilespmem:s2], [sflag:$0x1], $0x8000, $0x38;
	[tilespmem:$0x8180] =	vst v63  }
0x8e0: {  	s1 =	sld [smem:$0x7BC]  }
0x8e1: {  	[hbm4b:s25+s2] =	stream.linear.scatter [tilespmem:s2], [sflag:$0x1], $0x8000, $0x38;
	[tilespmem:$0x8180] =	vst v63  }
0x8e2: {  	s25 =	sld [smem:$0x7BD]  }
0x8e3: {  	[hbm4b:s1+s2] =	stream.linear.scatter [tilespmem:s2], [sflag:$0x1], $0x8000, $0x38;
	[tilespmem:$0x8180] =	vst v63  }
0x8e4: {  	s1 =	sld [smem:$0x7BE]  }
0x8e5: {  	[hbm4b:s25+s2] =	stream.linear.scatter [tilespmem:s2], [sflag:$0x1], $0x8000, $0x38;
	[tilespmem:$0x8180] =	vst v63  }
0x8e6: {  	s25 =	sld [smem:$0x7BF]  }
0x8e7: {  	[hbm4b:s1+s2] =	stream.linear.scatter [tilespmem:s2], [sflag:$0x1], $0x8000, $0x38;
	[tilespmem:$0x8180] =	vst v63  }
0x8e8: {  	s1 =	sld [smem:$0x7C0]  }
0x8e9: {  	[hbm4b:s25+s2] =	stream.linear.scatter [tilespmem:s2], [sflag:$0x1], $0x8000, $0x38;
	[tilespmem:$0x8180] =	vst v63  }
0x8ea: {  	s25 =	sld [smem:$0x7C1]  }
0x8eb: {  	[hbm4b:s1+s2] =	stream.linear.scatter [tilespmem:s2], [sflag:$0x1], $0x8000, $0x38;
	[tilespmem:$0x8180] =	vst v63  }
0x8ec: {  	s1 =	sld [smem:$0x7C2]  }
0x8ed: {  	[hbm4b:s25+s2] =	stream.linear.scatter [tilespmem:s2], [sflag:$0x1], $0x8000, $0x38;
	[tilespmem:$0x8180] =	vst v63  }
0x8ee: {  	s25 =	sld [smem:$0x7C3]  }
0x8ef: {  	[hbm4b:s1+s2] =	stream.linear.scatter [tilespmem:s2], [sflag:$0x1], $0x8000, $0x38;
	[tilespmem:$0x8180] =	vst v63  }
0x8f0: {  	s1 =	sld [smem:$0x7C4]  }
0x8f1: {  	[hbm4b:s25+s2] =	stream.linear.scatter [tilespmem:s2], [sflag:$0x1], $0x8000, $0x38;
	[tilespmem:$0x8180] =	vst v63  }
0x8f2: {  	s25 =	sld [smem:$0x7C5]  }
0x8f3: {  	[hbm4b:s1+s2] =	stream.linear.scatter [tilespmem:s2], [sflag:$0x1], $0x8000, $0x38;
	[tilespmem:$0x8180] =	vst v63  }
0x8f4: {  	s1 =	sld [smem:$0x7C6]  }
0x8f5: {  	[hbm4b:s25+s2] =	stream.linear.scatter [tilespmem:s2], [sflag:$0x1], $0x8000, $0x38;
	[tilespmem:$0x8180] =	vst v63  }
0x8f6: {  	s25 =	sld [smem:$0x7C7]  }
0x8f7: {  	[hbm4b:s1+s2] =	stream.linear.scatter [tilespmem:s2], [sflag:$0x1], $0x8000, $0x38;
	[tilespmem:$0x8180] =	vst v63  }
0x8f8: {  	s1 =	sld [smem:$0x7C8]  }
0x8f9: {  	[hbm4b:s25+s2] =	stream.linear.scatter [tilespmem:s2], [sflag:$0x1], $0x8000, $0x38;
	[tilespmem:$0x8180] =	vst v63  }
0x8fa: {  	s25 =	sld [smem:$0x7C9]  }
0x8fb: {  	[hbm4b:s1+s2] =	stream.linear.scatter [tilespmem:s2], [sflag:$0x1], $0x8000, $0x38;
	[tilespmem:$0x8180] =	vst v63  }
0x8fc: {  	s1 =	sld [smem:$0x7CA]  }
0x8fd: {  	[hbm4b:s25+s2] =	stream.linear.scatter [tilespmem:s2], [sflag:$0x1], $0x8000, $0x38;
	[tilespmem:$0x8180] =	vst v63  }
0x8fe: {  	s25 =	sld [smem:$0x7CB]  }
0x8ff: {  	[hbm4b:s1+s2] =	stream.linear.scatter [tilespmem:s2], [sflag:$0x1], $0x8000, $0x38;
	[tilespmem:$0x8180] =	vst v63  }
0x900: {  	s1 =	sld [smem:$0x7CC]  }
0x901: {  	[hbm4b:s25+s2] =	stream.linear.scatter [tilespmem:s2], [sflag:$0x1], $0x8000, $0x38;
	[tilespmem:$0x8180] =	vst v63  }
0x902: {  	s25 =	sld [smem:$0x7CD]  }
0x903: {  	[hbm4b:s1+s2] =	stream.linear.scatter [tilespmem:s2], [sflag:$0x1], $0x8000, $0x38;
	[tilespmem:$0x8180] =	vst v63  }
0x904: {  	s1 =	sld [smem:$0x7CE]  }
0x905: {  	[hbm4b:s25+s2] =	stream.linear.scatter [tilespmem:s2], [sflag:$0x1], $0x8000, $0x38;
	[tilespmem:$0x8180] =	vst v63  }
0x906: {  	s25 =	sld [smem:$0x7CF]  }
0x907: {  	[hbm4b:s1+s2] =	stream.linear.scatter [tilespmem:s2], [sflag:$0x1], $0x8000, $0x38;
	[tilespmem:$0x8180] =	vst v63  }
0x908: {  	s1 =	sld [smem:$0x7D0]  }
0x909: {  	[hbm4b:s25+s2] =	stream.linear.scatter [tilespmem:s2], [sflag:$0x1], $0x8000, $0x38;
	[tilespmem:$0x8180] =	vst v63  }
0x90a: {  	s25 =	sld [smem:$0x7D1]  }
0x90b: {  	[hbm4b:s1+s2] =	stream.linear.scatter [tilespmem:s2], [sflag:$0x1], $0x8000, $0x38;
	[tilespmem:$0x8180] =	vst v63  }
0x90c: {  	s1 =	sld [smem:$0x7D2]  }
0x90d: {  	[hbm4b:s25+s2] =	stream.linear.scatter [tilespmem:s2], [sflag:$0x1], $0x8000, $0x38;
	[tilespmem:$0x8180] =	vst v63  }
0x90e: {  	s25 =	sld [smem:$0x7D3]  }
0x90f: {  	[hbm4b:s1+s2] =	stream.linear.scatter [tilespmem:s2], [sflag:$0x1], $0x8000, $0x38;
	[tilespmem:$0x8180] =	vst v63  }
0x910: {  	s1 =	sld [smem:$0x7D4]  }
0x911: {  	[hbm4b:s25+s2] =	stream.linear.scatter [tilespmem:s2], [sflag:$0x1], $0x8000, $0x38;
	[tilespmem:$0x8180] =	vst v63  }
0x912: {  	s25 =	sld [smem:$0x7D5]  }
0x913: {  	[hbm4b:s1+s2] =	stream.linear.scatter [tilespmem:s2], [sflag:$0x1], $0x8000, $0x38;
	[tilespmem:$0x8180] =	vst v63  }
0x914: {  	s1 =	sld [smem:$0x7D6]  }
0x915: {  	[hbm4b:s25+s2] =	stream.linear.scatter [tilespmem:s2], [sflag:$0x1], $0x8000, $0x38;
	[tilespmem:$0x8180] =	vst v63  }
0x916: {  	s25 =	sld [smem:$0x7D7]  }
0x917: {  	[hbm4b:s1+s2] =	stream.linear.scatter [tilespmem:s2], [sflag:$0x1], $0x8000, $0x38;
	[tilespmem:$0x8180] =	vst v63  }
0x918: {  	s1 =	sld [smem:$0x7D8]  }
0x919: {  	[hbm4b:s25+s2] =	stream.linear.scatter [tilespmem:s2], [sflag:$0x1], $0x8000, $0x38;
	[tilespmem:$0x8180] =	vst v63  }
0x91a: {  	s25 =	sld [smem:$0x7D9]  }
0x91b: {  	[hbm4b:s1+s2] =	stream.linear.scatter [tilespmem:s2], [sflag:$0x1], $0x8000, $0x38;
	[tilespmem:$0x8180] =	vst v63  }
0x91c: {  	s1 =	sld [smem:$0x7DA]  }
0x91d: {  	[hbm4b:s25+s2] =	stream.linear.scatter [tilespmem:s2], [sflag:$0x1], $0x8000, $0x38;
	[tilespmem:$0x8180] =	vst v63  }
0x91e: {  	s25 =	sld [smem:$0x7DB]  }
0x91f: {  	[hbm4b:s1+s2] =	stream.linear.scatter [tilespmem:s2], [sflag:$0x1], $0x8000, $0x38;
	[tilespmem:$0x8180] =	vst v63  }
0x920: {  	s1 =	sld [smem:$0x7DC]  }
0x921: {  	[hbm4b:s25+s2] =	stream.linear.scatter [tilespmem:s2], [sflag:$0x1], $0x8000, $0x38;
	[tilespmem:$0x8180] =	vst v63  }
0x922: {  	s25 =	sld [smem:$0x7DD]  }
0x923: {  	[hbm4b:s1+s2] =	stream.linear.scatter [tilespmem:s2], [sflag:$0x1], $0x8000, $0x38;
	[tilespmem:$0x8180] =	vst v63  }
0x924: {  	s1 =	sld [smem:$0x7DE]  }
0x925: {  	[hbm4b:s25+s2] =	stream.linear.scatter [tilespmem:s2], [sflag:$0x1], $0x8000, $0x38;
	[tilespmem:$0x8180] =	vst v63  }
0x926: {  	s25 =	sld [smem:$0x7DF]  }
0x927: {  	[hbm4b:s1+s2] =	stream.linear.scatter [tilespmem:s2], [sflag:$0x1], $0x8000, $0x38;
	[tilespmem:$0x8180] =	vst v63  }
0x928: {  	s1 =	sld [smem:$0x7E0]  }
0x929: {  	[hbm4b:s25+s2] =	stream.linear.scatter [tilespmem:s2], [sflag:$0x1], $0x8000, $0x38;
	[tilespmem:$0x8180] =	vst v63  }
0x92a: {  	s25 =	sld [smem:$0x7E1]  }
0x92b: {  	[hbm4b:s1+s2] =	stream.linear.scatter [tilespmem:s2], [sflag:$0x1], $0x8000, $0x38;
	[tilespmem:$0x8180] =	vst v63  }
0x92c: {  	s1 =	sld [smem:$0x7E2]  }
0x92d: {  	[hbm4b:s25+s2] =	stream.linear.scatter [tilespmem:s2], [sflag:$0x1], $0x8000, $0x38;
	[tilespmem:$0x8180] =	vst v63  }
0x92e: {  	s25 =	sld [smem:$0x7E3]  }
0x92f: {  	[hbm4b:s1+s2] =	stream.linear.scatter [tilespmem:s2], [sflag:$0x1], $0x8000, $0x38;
	[tilespmem:$0x8180] =	vst v63  }
0x930: {  	s1 =	sld [smem:$0x7E4]  }
0x931: {  	[hbm4b:s25+s2] =	stream.linear.scatter [tilespmem:s2], [sflag:$0x1], $0x8000, $0x38;
	[tilespmem:$0x8180] =	vst v63  }
0x932: {  	s25 =	sld [smem:$0x7E5]  }
0x933: {  	[hbm4b:s1+s2] =	stream.linear.scatter [tilespmem:s2], [sflag:$0x1], $0x8000, $0x38;
	[tilespmem:$0x8180] =	vst v63  }
0x934: {  	s1 =	sld [smem:$0x7E6]  }
0x935: {  	[hbm4b:s25+s2] =	stream.linear.scatter [tilespmem:s2], [sflag:$0x1], $0x8000, $0x38;
	[tilespmem:$0x8180] =	vst v63  }
0x936: {  	s25 =	sld [smem:$0x7E7]  }
0x937: {  	[hbm4b:s1+s2] =	stream.linear.scatter [tilespmem:s2], [sflag:$0x1], $0x8000, $0x38;
	[tilespmem:$0x8180] =	vst v63  }
0x938: {  	s1 =	sld [smem:$0x7E8]  }
0x939: {  	[hbm4b:s25+s2] =	stream.linear.scatter [tilespmem:s2], [sflag:$0x1], $0x8000, $0x38;
	[tilespmem:$0x8180] =	vst v63  }
0x93a: {  	s25 =	sld [smem:$0x7E9]  }
0x93b: {  	[hbm4b:s1+s2] =	stream.linear.scatter [tilespmem:s2], [sflag:$0x1], $0x8000, $0x38;
	[tilespmem:$0x8180] =	vst v63  }
0x93c: {  	s1 =	sld [smem:$0x7EA]  }
0x93d: {  	[hbm4b:s25+s2] =	stream.linear.scatter [tilespmem:s2], [sflag:$0x1], $0x8000, $0x38;
	[tilespmem:$0x8180] =	vst v63  }
0x93e: {  	s25 =	sld [smem:$0x7EB]  }
0x93f: {  	[hbm4b:s1+s2] =	stream.linear.scatter [tilespmem:s2], [sflag:$0x1], $0x8000, $0x38;
	[tilespmem:$0x8180] =	vst v63  }
0x940: {  	s1 =	sld [smem:$0x7EC]  }
0x941: {  	[hbm4b:s25+s2] =	stream.linear.scatter [tilespmem:s2], [sflag:$0x1], $0x8000, $0x38;
	[tilespmem:$0x8180] =	vst v63  }
0x942: {  	s25 =	sld [smem:$0x7ED]  }
0x943: {  	[hbm4b:s1+s2] =	stream.linear.scatter [tilespmem:s2], [sflag:$0x1], $0x8000, $0x38;
	[tilespmem:$0x8180] =	vst v63  }
0x944: {  	s1 =	sld [smem:$0x7EE]  }
0x945: {  	[hbm4b:s25+s2] =	stream.linear.scatter [tilespmem:s2], [sflag:$0x1], $0x8000, $0x38;
	[tilespmem:$0x8180] =	vst v63  }
0x946: {  	s25 =	sld [smem:$0x7EF]  }
0x947: {  	[hbm4b:s1+s2] =	stream.linear.scatter [tilespmem:s2], [sflag:$0x1], $0x8000, $0x38;
	[tilespmem:$0x8180] =	vst v63  }
0x948: {  	s1 =	sld [smem:$0x7F0]  }
0x949: {  	[hbm4b:s25+s2] =	stream.linear.scatter [tilespmem:s2], [sflag:$0x1], $0x8000, $0x38;
	[tilespmem:$0x8180] =	vst v63  }
0x94a: {  	s25 =	sld [smem:$0x7F1]  }
0x94b: {  	[hbm4b:s1+s2] =	stream.linear.scatter [tilespmem:s2], [sflag:$0x1], $0x8000, $0x38;
	[tilespmem:$0x8180] =	vst v63  }
0x94c: {  	s1 =	sld [smem:$0x7F2]  }
0x94d: {  	[hbm4b:s25+s2] =	stream.linear.scatter [tilespmem:s2], [sflag:$0x1], $0x8000, $0x38;
	[tilespmem:$0x8180] =	vst v63  }
0x94e: {  	s25 =	sld [smem:$0x7F3]  }
0x94f: {  	[hbm4b:s1+s2] =	stream.linear.scatter [tilespmem:s2], [sflag:$0x1], $0x8000, $0x38;
	[tilespmem:$0x8180] =	vst v63  }
0x950: {  	s1 =	sld [smem:$0x7F4]  }
0x951: {  	[hbm4b:s25+s2] =	stream.linear.scatter [tilespmem:s2], [sflag:$0x1], $0x8000, $0x38;
	[tilespmem:$0x8180] =	vst v63  }
0x952: {  	s25 =	sld [smem:$0x7F5]  }
0x953: {  	[hbm4b:s1+s2] =	stream.linear.scatter [tilespmem:s2], [sflag:$0x1], $0x8000, $0x38;
	[tilespmem:$0x8180] =	vst v63  }
0x954: {  	s1 =	sld [smem:$0x7F6]  }
0x955: {  	[hbm4b:s25+s2] =	stream.linear.scatter [tilespmem:s2], [sflag:$0x1], $0x8000, $0x38;
	[tilespmem:$0x8180] =	vst v63  }
0x956: {  	s25 =	sld [smem:$0x7F7]  }
0x957: {  	[hbm4b:s1+s2] =	stream.linear.scatter [tilespmem:s2], [sflag:$0x1], $0x8000, $0x38;
	[tilespmem:$0x8180] =	vst v63  }
0x958: {  	s1 =	sld [smem:$0x7F8]  }
0x959: {  	[hbm4b:s25+s2] =	stream.linear.scatter [tilespmem:s2], [sflag:$0x1], $0x8000, $0x38;
	[tilespmem:$0x8180] =	vst v63  }
0x95a: {  	s25 =	sld [smem:$0x7F9]  }
0x95b: {  	[hbm4b:s1+s2] =	stream.linear.scatter [tilespmem:s2], [sflag:$0x1], $0x8000, $0x38;
	[tilespmem:$0x8180] =	vst v63  }
0x95c: {  	s1 =	sld [smem:$0x7FA]  }
0x95d: {  	[hbm4b:s25+s2] =	stream.linear.scatter [tilespmem:s2], [sflag:$0x1], $0x8000, $0x38;
	[tilespmem:$0x8180] =	vst v63  }
0x95e: {  	s25 =	sld [smem:$0x7FB]  }
0x95f: {  	[hbm4b:s1+s2] =	stream.linear.scatter [tilespmem:s2], [sflag:$0x1], $0x8000, $0x38;
	[tilespmem:$0x8180] =	vst v63  }
0x960: {  	s1 =	sld [smem:$0x7FC]  }
0x961: {  	[hbm4b:s25+s2] =	stream.linear.scatter [tilespmem:s2], [sflag:$0x1], $0x8000, $0x38;
	[tilespmem:$0x8180] =	vst v63  }
0x962: {  	s25 =	sld [smem:$0x7FD]  }
0x963: {  	[hbm4b:s1+s2] =	stream.linear.scatter [tilespmem:s2], [sflag:$0x1], $0x8000, $0x38;
	[tilespmem:$0x8180] =	vst v63  }
0x964: {  	_ = 	snop  }
0x965: {  	[hbm4b:s25+s2] =	stream.linear.scatter [tilespmem:s2], [sflag:$0x1], $0x8000, $0x38;
	[tilespmem:$0x8180] =	vst v63  }
0x966: {  	_ = 	snop  }
0x967: {  	[hbm4b:s5+s2] =	stream.linear.scatter [tilespmem:s2], [sflag:$0x1], $0x8000, $0x38;
	[tilespmem:$0x8180] =	vst v63  }
0x968: {  	_ = 	snop  }
0x969: {  	[hbm4b:s6+s2] =	stream.linear.scatter [tilespmem:s2], [sflag:$0x1], $0x8000, $0x38;
	[tilespmem:$0x8180] =	vst v63  }
0x96a: {  	_ = 	snop  }
0x96b: {  	[hbm4b:s7+s2] =	stream.linear.scatter [tilespmem:s2], [sflag:$0x1], $0x8000, $0x38;
	[tilespmem:$0x8180] =	vst v63  }
0x96c: {  	_ = 	snop  }
0x96d: {  	[hbm4b:s8+s2] =	stream.linear.scatter [tilespmem:s2], [sflag:$0x1], $0x8000, $0x38;
	[tilespmem:$0x8180] =	vst v63  }
0x96e: {  	_ = 	snop  }
0x96f: {  	[hbm4b:s9+s2] =	stream.linear.scatter [tilespmem:s2], [sflag:$0x1], $0x8000, $0x38;
	[tilespmem:$0x8180] =	vst v63  }
0x970: {  	_ = 	snop  }
0x971: {  	[hbm4b:s10+s2] =	stream.linear.scatter [tilespmem:s2], [sflag:$0x1], $0x8000, $0x38;
	[tilespmem:$0x8180] =	vst v63  }
0x972: {  	_ = 	snop  }
0x973: {  	[hbm4b:s11+s2] =	stream.linear.scatter [tilespmem:s2], [sflag:$0x1], $0x8000, $0x38;
	[tilespmem:$0x8180] =	vst v63  }
0x974: {  	_ = 	snop  }
0x975: {  	[hbm4b:s12+s2] =	stream.linear.scatter [tilespmem:s2], [sflag:$0x1], $0x8000, $0x38;
	[tilespmem:$0x8180] =	vst v63  }
0x976: {  	_ = 	snop  }
0x977: {  	[hbm4b:s13+s2] =	stream.linear.scatter [tilespmem:s2], [sflag:$0x1], $0x8000, $0x38;
	[tilespmem:$0x8180] =	vst v63  }
0x978: {  	_ = 	snop  }
0x979: {  	[hbm4b:s14+s2] =	stream.linear.scatter [tilespmem:s2], [sflag:$0x1], $0x8000, $0x38;
	[tilespmem:$0x8180] =	vst v63  }
0x97a: {  	_ = 	snop  }
0x97b: {  	[hbm4b:s15+s2] =	stream.linear.scatter [tilespmem:s2], [sflag:$0x1], $0x8000, $0x38;
	[tilespmem:$0x8180] =	vst v63  }
0x97c: {  	_ = 	snop  }
0x97d: {  	[hbm4b:s16+s2] =	stream.linear.scatter [tilespmem:s2], [sflag:$0x1], $0x8000, $0x38;
	[tilespmem:$0x8180] =	vst v63  }
0x97e: {  	_ = 	snop  }
0x97f: {  	[hbm4b:s17+s2] =	stream.linear.scatter [tilespmem:s2], [sflag:$0x1], $0x8000, $0x38;
	[tilespmem:$0x8180] =	vst v63  }
0x980: {  	_ = 	snop  }
0x981: {  	[hbm4b:s18+s2] =	stream.linear.scatter [tilespmem:s2], [sflag:$0x1], $0x8000, $0x38;
	[tilespmem:$0x8180] =	vst v63  }
0x982: {  	_ = 	snop  }
0x983: {  	[hbm4b:s19+s2] =	stream.linear.scatter [tilespmem:s2], [sflag:$0x1], $0x8000, $0x38;
	[tilespmem:$0x8180] =	vst v63  }
0x984: {  	_ = 	snop  }
0x985: {  	[hbm4b:s20+s2] =	stream.linear.scatter [tilespmem:s2], [sflag:$0x1], $0x8000, $0x38;
	[tilespmem:$0x8180] =	vst v63  }
0x986: {  	_ = 	snop  }
0x987: {  	[hbm4b:s21+s2] =	stream.linear.scatter [tilespmem:s2], [sflag:$0x1], $0x8000, $0x38;
	[tilespmem:$0x8180] =	vst v63  }
0x988: {  	_ = 	snop  }
0x989: {  	[hbm4b:s22+s2] =	stream.linear.scatter [tilespmem:s2], [sflag:$0x1], $0x8000, $0x38;
	[tilespmem:$0x8180] =	vst v63  }
0x98a: {  	_ = 	snop  }
0x98b: {  	[hbm4b:s23+s2] =	stream.linear.scatter [tilespmem:s2], [sflag:$0x1], $0x8000, $0x38;
	[tilespmem:$0x8180] =	vst v63  }
0x98c: {  	_ =	swait.ge [sflag:s28], $0x8000  }
0x98d: {  	[sflag:s28] =	ssyncset.done $0x0  }
0x98e: {  	[sflag:s28] =	ssyncadd.s32 $0xFFFF8000  }
0x98f: {  	_ =	swait.ge [sflag:s28], $0x8000  }
0x990: {  	[sflag:s28] =	ssyncset.done $0x0  }
0x991: {  	[sflag:s28] =	ssyncadd.s32 $0xFFFF8000  }
0x992: {  	_ =	swait.ge [sflag:s28], $0x8000  }
0x993: {  	[sflag:s28] =	ssyncset.done $0x0  }
0x994: {  	[sflag:s28] =	ssyncadd.s32 $0xFFFF8000  }
0x995: {  	_ =	swait.ge [sflag:s28], $0x8000  }
0x996: {  	[sflag:s28] =	ssyncset.done $0x0  }
0x997: {  	[sflag:s28] =	ssyncadd.s32 $0xFFFF8000  }
0x998: {  	_ =	swait.ge [sflag:s28], $0x8000  }
0x999: {  	[sflag:s28] =	ssyncset.done $0x0  }
0x99a: {  	[sflag:s28] =	ssyncadd.s32 $0xFFFF8000  }
0x99b: {  	_ =	swait.ge [sflag:s28], $0x8000  }
0x99c: {  	[sflag:s28] =	ssyncset.done $0x0  }
0x99d: {  	[sflag:s28] =	ssyncadd.s32 $0xFFFF8000  }
0x99e: {  	_ =	swait.ge [sflag:s28], $0x8000  }
0x99f: {  	[sflag:s28] =	ssyncset.done $0x0  }
0x9a0: {  	[sflag:s28] =	ssyncadd.s32 $0xFFFF8000  }
0x9a1: {  	_ =	swait.ge [sflag:s28], $0x8000  }
0x9a2: {  	[sflag:s28] =	ssyncset.done $0x0  }
0x9a3: {  	[sflag:s28] =	ssyncadd.s32 $0xFFFF8000  }
0x9a4: {  	_ =	swait.ge [sflag:s28], $0x8000  }
0x9a5: {  	[sflag:s28] =	ssyncset.done $0x0  }
0x9a6: {  	[sflag:s28] =	ssyncadd.s32 $0xFFFF8000  }
0x9a7: {  	_ =	swait.ge [sflag:s28], $0x8000  }
0x9a8: {  	[sflag:s28] =	ssyncset.done $0x0  }
0x9a9: {  	[sflag:s28] =	ssyncadd.s32 $0xFFFF8000  }
0x9aa: {  	_ =	swait.ge [sflag:s28], $0x8000  }
0x9ab: {  	[sflag:s28] =	ssyncset.done $0x0  }
0x9ac: {  	[sflag:s28] =	ssyncadd.s32 $0xFFFF8000  }
0x9ad: {  	_ =	swait.ge [sflag:s28], $0x8000  }
0x9ae: {  	[sflag:s28] =	ssyncset.done $0x0  }
0x9af: {  	[sflag:s28] =	ssyncadd.s32 $0xFFFF8000  }
0x9b0: {  	_ =	swait.ge [sflag:s28], $0x8000  }
0x9b1: {  	[sflag:s28] =	ssyncset.done $0x0  }
0x9b2: {  	[sflag:s28] =	ssyncadd.s32 $0xFFFF8000  }
0x9b3: {  	_ =	swait.ge [sflag:s28], $0x8000  }
0x9b4: {  	[sflag:s28] =	ssyncset.done $0x0  }
0x9b5: {  	[sflag:s28] =	ssyncadd.s32 $0xFFFF8000  }
0x9b6: {  	_ =	swait.ge [sflag:s28], $0x8000  }
0x9b7: {  	[sflag:s28] =	ssyncset.done $0x0  }
0x9b8: {  	[sflag:s28] =	ssyncadd.s32 $0xFFFF8000  }
0x9b9: {  	_ =	swait.ge [sflag:s28], $0x8000  }
0x9ba: {  	[sflag:s28] =	ssyncset.done $0x0  }
0x9bb: {  	[sflag:s28] =	ssyncadd.s32 $0xFFFF8000  }
0x9bc: {  	_ =	swait.ge [sflag:s28], $0x8000  }
0x9bd: {  	[sflag:s28] =	ssyncset.done $0x0  }
0x9be: {  	[sflag:s28] =	ssyncadd.s32 $0xFFFF8000  }
0x9bf: {  	_ =	swait.ge [sflag:s28], $0x8000  }
0x9c0: {  	[sflag:s28] =	ssyncset.done $0x0  }
0x9c1: {  	[sflag:s28] =	ssyncadd.s32 $0xFFFF8000  }
0x9c2: {  	_ =	swait.ge [sflag:s28], $0x8000  }
0x9c3: {  	[sflag:s28] =	ssyncset.done $0x0  }
0x9c4: {  	[sflag:s28] =	ssyncadd.s32 $0xFFFF8000  }
0x9c5: {  	_ =	swait.ge [sflag:s28], $0x8000  }
0x9c6: {  	[sflag:s28] =	ssyncset.done $0x0  }
0x9c7: {  	[sflag:s28] =	ssyncadd.s32 $0xFFFF8000  }
0x9c8: {  	_ =	swait.ge [sflag:s28], $0x8000  }
0x9c9: {  	[sflag:s28] =	ssyncset.done $0x0  }
0x9ca: {  	[sflag:s28] =	ssyncadd.s32 $0xFFFF8000  }
0x9cb: {  	_ =	swait.ge [sflag:s28], $0x8000  }
0x9cc: {  	[sflag:s28] =	ssyncset.done $0x0  }
0x9cd: {  	[sflag:s28] =	ssyncadd.s32 $0xFFFF8000  }
0x9ce: {  	_ =	swait.ge [sflag:s28], $0x8000  }
0x9cf: {  	[sflag:s28] =	ssyncset.done $0x0  }
0x9d0: {  	[sflag:s28] =	ssyncadd.s32 $0xFFFF8000  }
0x9d1: {  	_ =	swait.ge [sflag:s28], $0x8000  }
0x9d2: {  	[sflag:s28] =	ssyncset.done $0x0  }
0x9d3: {  	[sflag:s28] =	ssyncadd.s32 $0xFFFF8000  }
0x9d4: {  	_ =	swait.ge [sflag:s28], $0x8000  }
0x9d5: {  	[sflag:s28] =	ssyncset.done $0x0  }
0x9d6: {  	[sflag:s28] =	ssyncadd.s32 $0xFFFF8000  }
0x9d7: {  	_ =	swait.ge [sflag:s28], $0x8000  }
0x9d8: {  	[sflag:s28] =	ssyncset.done $0x0  }
0x9d9: {  	[sflag:s28] =	ssyncadd.s32 $0xFFFF8000  }
0x9da: {  	_ =	swait.ge [sflag:s28], $0x8000  }
0x9db: {  	[sflag:s28] =	ssyncset.done $0x0  }
0x9dc: {  	[sflag:s28] =	ssyncadd.s32 $0xFFFF8000  }
0x9dd: {  	_ =	swait.ge [sflag:s28], $0x8000  }
0x9de: {  	[sflag:s28] =	ssyncset.done $0x0  }
0x9df: {  	[sflag:s28] =	ssyncadd.s32 $0xFFFF8000  }
0x9e0: {  	_ =	swait.ge [sflag:s28], $0x8000  }
0x9e1: {  	[sflag:s28] =	ssyncset.done $0x0  }
0x9e2: {  	[sflag:s28] =	ssyncadd.s32 $0xFFFF8000  }
0x9e3: {  	_ =	swait.ge [sflag:s28], $0x8000  }
0x9e4: {  	[sflag:s28] =	ssyncset.done $0x0  }
0x9e5: {  	[sflag:s28] =	ssyncadd.s32 $0xFFFF8000  }
0x9e6: {  	_ =	swait.ge [sflag:s28], $0x8000  }
0x9e7: {  	[sflag:s28] =	ssyncset.done $0x0  }
0x9e8: {  	[sflag:s28] =	ssyncadd.s32 $0xFFFF8000  }
0x9e9: {  	_ =	swait.ge [sflag:s28], $0x8000  }
0x9ea: {  	[sflag:s28] =	ssyncset.done $0x0  }
0x9eb: {  	[sflag:s28] =	ssyncadd.s32 $0xFFFF8000  }
0x9ec: {  	_ =	swait.ge [sflag:s28], $0x8000  }
0x9ed: {  	[sflag:s28] =	ssyncset.done $0x0  }
0x9ee: {  	[sflag:s28] =	ssyncadd.s32 $0xFFFF8000  }
0x9ef: {  	_ =	swait.ge [sflag:s28], $0x8000  }
0x9f0: {  	[sflag:s28] =	ssyncset.done $0x0  }
0x9f1: {  	[sflag:s28] =	ssyncadd.s32 $0xFFFF8000  }
0x9f2: {  	_ =	swait.ge [sflag:s28], $0x8000  }
0x9f3: {  	[sflag:s28] =	ssyncset.done $0x0  }
0x9f4: {  	[sflag:s28] =	ssyncadd.s32 $0xFFFF8000  }
0x9f5: {  	_ =	swait.ge [sflag:s28], $0x8000  }
0x9f6: {  	[sflag:s28] =	ssyncset.done $0x0  }
0x9f7: {  	[sflag:s28] =	ssyncadd.s32 $0xFFFF8000  }
0x9f8: {  	_ =	swait.ge [sflag:s28], $0x8000  }
0x9f9: {  	[sflag:s28] =	ssyncset.done $0x0  }
0x9fa: {  	[sflag:s28] =	ssyncadd.s32 $0xFFFF8000  }
0x9fb: {  	_ =	swait.ge [sflag:s28], $0x8000  }
0x9fc: {  	[sflag:s28] =	ssyncset.done $0x0  }
0x9fd: {  	[sflag:s28] =	ssyncadd.s32 $0xFFFF8000  }
0x9fe: {  	_ =	swait.ge [sflag:s28], $0x8000  }
0x9ff: {  	[sflag:s28] =	ssyncset.done $0x0  }
0xa00: {  	[sflag:s28] =	ssyncadd.s32 $0xFFFF8000  }
0xa01: {  	_ =	swait.ge [sflag:s28], $0x8000  }
0xa02: {  	[sflag:s28] =	ssyncset.done $0x0  }
0xa03: {  	[sflag:s28] =	ssyncadd.s32 $0xFFFF8000  }
0xa04: {  	_ =	swait.ge [sflag:s28], $0x8000  }
0xa05: {  	[sflag:s28] =	ssyncset.done $0x0  }
0xa06: {  	[sflag:s28] =	ssyncadd.s32 $0xFFFF8000  }
0xa07: {  	_ =	swait.ge [sflag:s28], $0x8000  }
0xa08: {  	[sflag:s28] =	ssyncset.done $0x0  }
0xa09: {  	[sflag:s28] =	ssyncadd.s32 $0xFFFF8000  }
0xa0a: {  	_ =	swait.ge [sflag:s28], $0x8000  }
0xa0b: {  	[sflag:s28] =	ssyncset.done $0x0  }
0xa0c: {  	[sflag:s28] =	ssyncadd.s32 $0xFFFF8000  }
0xa0d: {  	_ =	swait.ge [sflag:s28], $0x8000  }
0xa0e: {  	[sflag:s28] =	ssyncset.done $0x0  }
0xa0f: {  	[sflag:s28] =	ssyncadd.s32 $0xFFFF8000  }
0xa10: {  	_ =	swait.ge [sflag:s28], $0x8000  }
0xa11: {  	[sflag:s28] =	ssyncset.done $0x0  }
0xa12: {  	[sflag:s28] =	ssyncadd.s32 $0xFFFF8000  }
0xa13: {  	_ =	swait.ge [sflag:s28], $0x8000  }
0xa14: {  	[sflag:s28] =	ssyncset.done $0x0  }
0xa15: {  	[sflag:s28] =	ssyncadd.s32 $0xFFFF8000  }
0xa16: {  	_ =	swait.ge [sflag:s28], $0x8000  }
0xa17: {  	[sflag:s28] =	ssyncset.done $0x0  }
0xa18: {  	[sflag:s28] =	ssyncadd.s32 $0xFFFF8000  }
0xa19: {  	_ =	swait.ge [sflag:s28], $0x8000  }
0xa1a: {  	[sflag:s28] =	ssyncset.done $0x0  }
0xa1b: {  	[sflag:s28] =	ssyncadd.s32 $0xFFFF8000  }
0xa1c: {  	_ =	swait.ge [sflag:s28], $0x8000  }
0xa1d: {  	[sflag:s28] =	ssyncset.done $0x0  }
0xa1e: {  	[sflag:s28] =	ssyncadd.s32 $0xFFFF8000  }
0xa1f: {  	_ =	swait.ge [sflag:s28], $0x8000  }
0xa20: {  	[sflag:s28] =	ssyncset.done $0x0  }
0xa21: {  	[sflag:s28] =	ssyncadd.s32 $0xFFFF8000  }
0xa22: {  	_ =	swait.ge [sflag:s28], $0x8000  }
0xa23: {  	[sflag:s28] =	ssyncset.done $0x0  }
0xa24: {  	[sflag:s28] =	ssyncadd.s32 $0xFFFF8000  }
0xa25: {  	_ =	swait.ge [sflag:s28], $0x8000  }
0xa26: {  	[sflag:s28] =	ssyncset.done $0x0  }
0xa27: {  	[sflag:s28] =	ssyncadd.s32 $0xFFFF8000  }
0xa28: {  	_ =	swait.ge [sflag:s28], $0x8000  }
0xa29: {  	[sflag:s28] =	ssyncset.done $0x0  }
0xa2a: {  	[sflag:s28] =	ssyncadd.s32 $0xFFFF8000  }
0xa2b: {  	_ =	swait.ge [sflag:s28], $0x8000  }
0xa2c: {  	[sflag:s28] =	ssyncset.done $0x0  }
0xa2d: {  	[sflag:s28] =	ssyncadd.s32 $0xFFFF8000  }
0xa2e: {  	_ =	swait.ge [sflag:s28], $0x8000  }
0xa2f: {  	[sflag:s28] =	ssyncset.done $0x0  }
0xa30: {  	[sflag:s28] =	ssyncadd.s32 $0xFFFF8000  }
0xa31: {  	_ =	swait.ge [sflag:s28], $0x8000  }
0xa32: {  	[sflag:s28] =	ssyncset.done $0x0  }
0xa33: {  	[sflag:s28] =	ssyncadd.s32 $0xFFFF8000  }
0xa34: {  	_ =	swait.ge [sflag:s28], $0x8000  }
0xa35: {  	[sflag:s28] =	ssyncset.done $0x0  }
0xa36: {  	[sflag:s28] =	ssyncadd.s32 $0xFFFF8000  }
0xa37: {  	_ =	swait.ge [sflag:s28], $0x8000  }
0xa38: {  	[sflag:s28] =	ssyncset.done $0x0  }
0xa39: {  	[sflag:s28] =	ssyncadd.s32 $0xFFFF8000  }
0xa3a: {  	_ =	swait.ge [sflag:s28], $0x8000  }
0xa3b: {  	[sflag:s28] =	ssyncset.done $0x0  }
0xa3c: {  	[sflag:s28] =	ssyncadd.s32 $0xFFFF8000  }
0xa3d: {  	_ =	swait.ge [sflag:s28], $0x8000  }
0xa3e: {  	[sflag:s28] =	ssyncset.done $0x0  }
0xa3f: {  	[sflag:s28] =	ssyncadd.s32 $0xFFFF8000  }
0xa40: {  	_ =	swait.ge [sflag:s28], $0x8000  }
0xa41: {  	[sflag:s28] =	ssyncset.done $0x0  }
0xa42: {  	[sflag:s28] =	ssyncadd.s32 $0xFFFF8000  }
0xa43: {  	_ =	swait.ge [sflag:s28], $0x8000  }
0xa44: {  	[sflag:s28] =	ssyncset.done $0x0  }
0xa45: {  	[sflag:s28] =	ssyncadd.s32 $0xFFFF8000  }
0xa46: {  	_ =	swait.ge [sflag:s28], $0x8000  }
0xa47: {  	[sflag:s28] =	ssyncset.done $0x0  }
0xa48: {  	[sflag:s28] =	ssyncadd.s32 $0xFFFF8000  }
0xa49: {  	_ =	swait.ge [sflag:s28], $0x8000  }
0xa4a: {  	[sflag:s28] =	ssyncset.done $0x0  }
0xa4b: {  	[sflag:s28] =	ssyncadd.s32 $0xFFFF8000  }
0xa4c: {  	_ =	swait.ge [sflag:s28], $0x8000  }
0xa4d: {  	[sflag:s28] =	ssyncset.done $0x0  }
0xa4e: {  	[sflag:s28] =	ssyncadd.s32 $0xFFFF8000  }
0xa4f: {  	_ =	swait.ge [sflag:s28], $0x8000  }
0xa50: {  	[sflag:s28] =	ssyncset.done $0x0  }
0xa51: {  	[sflag:s28] =	ssyncadd.s32 $0xFFFF8000  }
0xa52: {  	_ =	swait.ge [sflag:s28], $0x8000  }
0xa53: {  	[sflag:s28] =	ssyncset.done $0x0  }
0xa54: {  	[sflag:s28] =	ssyncadd.s32 $0xFFFF8000  }
0xa55: {  	_ =	swait.ge [sflag:s28], $0x8000  }
0xa56: {  	[sflag:s28] =	ssyncset.done $0x0  }
0xa57: {  	[sflag:s28] =	ssyncadd.s32 $0xFFFF8000  }
0xa58: {  	_ =	swait.ge [sflag:s28], $0x8000  }
0xa59: {  	[sflag:s28] =	ssyncset.done $0x0  }
0xa5a: {  	[sflag:s28] =	ssyncadd.s32 $0xFFFF8000  }
0xa5b: {  	_ =	swait.ge [sflag:s28], $0x8000  }
0xa5c: {  	[sflag:s28] =	ssyncset.done $0x0  }
0xa5d: {  	[sflag:s28] =	ssyncadd.s32 $0xFFFF8000  }
0xa5e: {  	_ =	swait.ge [sflag:s28], $0x8000  }
0xa5f: {  	[sflag:s28] =	ssyncset.done $0x0  }
0xa60: {  	[sflag:s28] =	ssyncadd.s32 $0xFFFF8000  }
0xa61: {  	_ =	swait.ge [sflag:s28], $0x8000  }
0xa62: {  	[sflag:s28] =	ssyncset.done $0x0  }
0xa63: {  	[sflag:s28] =	ssyncadd.s32 $0xFFFF8000  }
0xa64: {  	_ =	swait.ge [sflag:s28], $0x8000  }
0xa65: {  	[sflag:s28] =	ssyncset.done $0x0  }
0xa66: {  	[sflag:s28] =	ssyncadd.s32 $0xFFFF8000  }
0xa67: {  	_ =	swait.ge [sflag:s28], $0x8000  }
0xa68: {  	[sflag:s28] =	ssyncset.done $0x0  }
0xa69: {  	[sflag:s28] =	ssyncadd.s32 $0xFFFF8000  }
0xa6a: {  	_ =	swait.ge [sflag:s28], $0x8000  }
0xa6b: {  	[sflag:s28] =	ssyncset.done $0x0  }
0xa6c: {  	[sflag:s28] =	ssyncadd.s32 $0xFFFF8000  }
0xa6d: {  	_ =	swait.ge [sflag:s28], $0x8000  }
0xa6e: {  	[sflag:s28] =	ssyncset.done $0x0  }
0xa6f: {  	[sflag:s28] =	ssyncadd.s32 $0xFFFF8000  }
0xa70: {  	_ =	swait.ge [sflag:s28], $0x8000  }
0xa71: {  	[sflag:s28] =	ssyncset.done $0x0  }
0xa72: {  	[sflag:s28] =	ssyncadd.s32 $0xFFFF8000  }
0xa73: {  	_ =	swait.ge [sflag:s28], $0x8000  }
0xa74: {  	[sflag:s28] =	ssyncset.done $0x0  }
0xa75: {  	[sflag:s28] =	ssyncadd.s32 $0xFFFF8000  }
0xa76: {  	_ =	swait.ge [sflag:s28], $0x8000  }
0xa77: {  	[sflag:s28] =	ssyncset.done $0x0  }
0xa78: {  	[sflag:s28] =	ssyncadd.s32 $0xFFFF8000  }
0xa79: {  	_ =	swait.ge [sflag:s28], $0x8000  }
0xa7a: {  	[sflag:s28] =	ssyncset.done $0x0  }
0xa7b: {  	[sflag:s28] =	ssyncadd.s32 $0xFFFF8000  }
0xa7c: {  	_ =	swait.ge [sflag:s28], $0x8000  }
0xa7d: {  	[sflag:s28] =	ssyncset.done $0x0  }
0xa7e: {  	[sflag:s28] =	ssyncadd.s32 $0xFFFF8000  }
0xa7f: {  	_ =	swait.ge [sflag:s28], $0x8000  }
0xa80: {  	[sflag:s28] =	ssyncset.done $0x0  }
0xa81: {  	[sflag:s28] =	ssyncadd.s32 $0xFFFF8000  }
0xa82: {  	_ =	swait.ge [sflag:s28], $0x8000  }
0xa83: {  	[sflag:s28] =	ssyncset.done $0x0  }
0xa84: {  	[sflag:s28] =	ssyncadd.s32 $0xFFFF8000  }
0xa85: {  	_ =	swait.ge [sflag:s28], $0x8000  }
0xa86: {  	[sflag:s28] =	ssyncset.done $0x0  }
0xa87: {  	[sflag:s28] =	ssyncadd.s32 $0xFFFF8000  }
0xa88: {  	_ =	swait.ge [sflag:s28], $0x8000  }
0xa89: {  	[sflag:s28] =	ssyncset.done $0x0  }
0xa8a: {  	[sflag:s28] =	ssyncadd.s32 $0xFFFF8000  }
0xa8b: {  	_ =	swait.ge [sflag:s28], $0x8000  }
0xa8c: {  	[sflag:s28] =	ssyncset.done $0x0  }
0xa8d: {  	[sflag:s28] =	ssyncadd.s32 $0xFFFF8000  }
0xa8e: {  	_ =	swait.ge [sflag:s28], $0x8000  }
0xa8f: {  	[sflag:s28] =	ssyncset.done $0x0  }
0xa90: {  	[sflag:s28] =	ssyncadd.s32 $0xFFFF8000  }
0xa91: {  	_ =	swait.ge [sflag:s28], $0x8000  }
0xa92: {  	[sflag:s28] =	ssyncset.done $0x0  }
0xa93: {  	[sflag:s28] =	ssyncadd.s32 $0xFFFF8000  }
0xa94: {  	_ =	swait.ge [sflag:s28], $0x8000  }
0xa95: {  	[sflag:s28] =	ssyncset.done $0x0  }
0xa96: {  	[sflag:s28] =	ssyncadd.s32 $0xFFFF8000  }
0xa97: {  	_ =	swait.ge [sflag:s28], $0x8000  }
0xa98: {  	[sflag:s28] =	ssyncset.done $0x0  }
0xa99: {  	[sflag:s28] =	ssyncadd.s32 $0xFFFF8000  }
0xa9a: {  	_ =	swait.ge [sflag:s28], $0x8000  }
0xa9b: {  	[sflag:s28] =	ssyncset.done $0x0  }
0xa9c: {  	[sflag:s28] =	ssyncadd.s32 $0xFFFF8000  }
0xa9d: {  	_ =	swait.ge [sflag:s28], $0x8000  }
0xa9e: {  	[sflag:s28] =	ssyncset.done $0x0  }
0xa9f: {  	[sflag:s28] =	ssyncadd.s32 $0xFFFF8000  }
0xaa0: {  	_ =	swait.ge [sflag:s28], $0x8000  }
0xaa1: {  	[sflag:s28] =	ssyncset.done $0x0  }
0xaa2: {  	[sflag:s28] =	ssyncadd.s32 $0xFFFF8000  }
0xaa3: {  	_ =	swait.ge [sflag:s28], $0x8000  }
0xaa4: {  	[sflag:s28] =	ssyncset.done $0x0  }
0xaa5: {  	[sflag:s28] =	ssyncadd.s32 $0xFFFF8000  }
0xaa6: {  	_ =	swait.ge [sflag:s28], $0x8000  }
0xaa7: {  	[sflag:s28] =	ssyncset.done $0x0  }
0xaa8: {  	[sflag:s28] =	ssyncadd.s32 $0xFFFF8000  }
0xaa9: {  	_ =	swait.ge [sflag:s28], $0x8000  }
0xaaa: {  	[sflag:s28] =	ssyncset.done $0x0  }
0xaab: {  	[sflag:s28] =	ssyncadd.s32 $0xFFFF8000  }
0xaac: {  	_ =	swait.ge [sflag:s28], $0x8000  }
0xaad: {  	[sflag:s28] =	ssyncset.done $0x0  }
0xaae: {  	[sflag:s28] =	ssyncadd.s32 $0xFFFF8000  }
0xaaf: {  	_ =	swait.ge [sflag:s28], $0x8000  }
0xab0: {  	[sflag:s28] =	ssyncset.done $0x0  }
0xab1: {  	[sflag:s28] =	ssyncadd.s32 $0xFFFF8000  }
0xab2: {  	_ =	swait.ge [sflag:s28], $0x8000  }
0xab3: {  	[sflag:s28] =	ssyncset.done $0x0  }
0xab4: {  	[sflag:s28] =	ssyncadd.s32 $0xFFFF8000  }
0xab5: {  	_ =	swait.ge [sflag:s28], $0x8000  }
0xab6: {  	[sflag:s28] =	ssyncset.done $0x0  }
0xab7: {  	[sflag:s28] =	ssyncadd.s32 $0xFFFF8000  }
0xab8: {  	_ =	swait.ge [sflag:s28], $0x8000  }
0xab9: {  	[sflag:s28] =	ssyncset.done $0x0  }
0xaba: {  	[sflag:s28] =	ssyncadd.s32 $0xFFFF8000  }
0xabb: {  	_ =	swait.ge [sflag:s28], $0x8000  }
0xabc: {  	[sflag:s28] =	ssyncset.done $0x0  }
0xabd: {  	[sflag:s28] =	ssyncadd.s32 $0xFFFF8000  }
0xabe: {  	_ =	swait.ge [sflag:s28], $0x8000  }
0xabf: {  	[sflag:s28] =	ssyncset.done $0x0  }
0xac0: {  	[sflag:s28] =	ssyncadd.s32 $0xFFFF8000  }
0xac1: {  	_ =	swait.ge [sflag:s28], $0x8000  }
0xac2: {  	[sflag:s28] =	ssyncset.done $0x0  }
0xac3: {  	[sflag:s28] =	ssyncadd.s32 $0xFFFF8000  }
0xac4: {  	_ =	swait.ge [sflag:s28], $0x8000  }
0xac5: {  	[sflag:s28] =	ssyncset.done $0x0  }
0xac6: {  	[sflag:s28] =	ssyncadd.s32 $0xFFFF8000  }
0xac7: {  	_ =	swait.ge [sflag:s28], $0x8000  }
0xac8: {  	[sflag:s28] =	ssyncset.done $0x0  }
0xac9: {  	[sflag:s28] =	ssyncadd.s32 $0xFFFF8000  }
0xaca: {  	_ =	swait.ge [sflag:s28], $0x8000  }
0xacb: {  	[sflag:s28] =	ssyncset.done $0x0  }
0xacc: {  	[sflag:s28] =	ssyncadd.s32 $0xFFFF8000  }
0xacd: {  	_ =	swait.ge [sflag:s28], $0x8000  }
0xace: {  	[sflag:s28] =	ssyncset.done $0x0  }
0xacf: {  	[sflag:s28] =	ssyncadd.s32 $0xFFFF8000  }
0xad0: {  	_ =	swait.ge [sflag:s28], $0x8000  }
0xad1: {  	[sflag:s28] =	ssyncset.done $0x0  }
0xad2: {  	[sflag:s28] =	ssyncadd.s32 $0xFFFF8000  }
0xad3: {  	_ =	swait.ge [sflag:s28], $0x8000  }
0xad4: {  	[sflag:s28] =	ssyncset.done $0x0  }
0xad5: {  	[sflag:s28] =	ssyncadd.s32 $0xFFFF8000  }
0xad6: {  	_ =	swait.ge [sflag:s28], $0x8000  }
0xad7: {  	[sflag:s28] =	ssyncset.done $0x0  }
0xad8: {  	[sflag:s28] =	ssyncadd.s32 $0xFFFF8000  }
0xad9: {  	_ =	swait.ge [sflag:s28], $0x8000  }
0xada: {  	[sflag:s28] =	ssyncset.done $0x0  }
0xadb: {  	[sflag:s28] =	ssyncadd.s32 $0xFFFF8000  }
0xadc: {  	_ =	swait.ge [sflag:s28], $0x8000  }
0xadd: {  	[sflag:s28] =	ssyncset.done $0x0  }
0xade: {  	[sflag:s28] =	ssyncadd.s32 $0xFFFF8000  }
0xadf: {  	_ =	swait.ge [sflag:s28], $0x8000  }
0xae0: {  	[sflag:s28] =	ssyncset.done $0x0  }
0xae1: {  	[sflag:s28] =	ssyncadd.s32 $0xFFFF8000  }
0xae2: {  	_ =	swait.ge [sflag:s28], $0x8000  }
0xae3: {  	[sflag:s28] =	ssyncset.done $0x0  }
0xae4: {  	[sflag:s28] =	ssyncadd.s32 $0xFFFF8000  }
0xae5: {  	_ =	swait.ge [sflag:s28], $0x8000  }
0xae6: {  	[sflag:s28] =	ssyncset.done $0x0  }
0xae7: {  	[sflag:s28] =	ssyncadd.s32 $0xFFFF8000  }
0xae8: {  	_ =	swait.ge [sflag:s28], $0x8000  }
0xae9: {  	[sflag:s28] =	ssyncset.done $0x0  }
0xaea: {  	[sflag:s28] =	ssyncadd.s32 $0xFFFF8000  }
0xaeb: {  	_ =	swait.ge [sflag:s28], $0x8000  }
0xaec: {  	[sflag:s28] =	ssyncset.done $0x0  }
0xaed: {  	[sflag:s28] =	ssyncadd.s32 $0xFFFF8000  }
0xaee: {  	_ =	swait.ge [sflag:s28], $0x8000  }
0xaef: {  	[sflag:s28] =	ssyncset.done $0x0  }
0xaf0: {  	[sflag:s28] =	ssyncadd.s32 $0xFFFF8000  }
0xaf1: {  	_ =	swait.ge [sflag:s28], $0x8000  }
0xaf2: {  	[sflag:s28] =	ssyncset.done $0x0  }
0xaf3: {  	[sflag:s28] =	ssyncadd.s32 $0xFFFF8000  }
0xaf4: {  	_ =	swait.ge [sflag:s28], $0x8000  }
0xaf5: {  	[sflag:s28] =	ssyncset.done $0x0  }
0xaf6: {  	[sflag:s28] =	ssyncadd.s32 $0xFFFF8000  }
0xaf7: {  	_ =	swait.ge [sflag:s28], $0x8000  }
0xaf8: {  	[sflag:s28] =	ssyncset.done $0x0  }
0xaf9: {  	[sflag:s28] =	ssyncadd.s32 $0xFFFF8000  }
0xafa: {  	_ =	swait.ge [sflag:s28], $0x8000  }
0xafb: {  	[sflag:s28] =	ssyncset.done $0x0  }
0xafc: {  	[sflag:s28] =	ssyncadd.s32 $0xFFFF8000  }
0xafd: {  	_ =	swait.ge [sflag:s28], $0x8000  }
0xafe: {  	[sflag:s28] =	ssyncset.done $0x0  }
0xaff: {  	[sflag:s28] =	ssyncadd.s32 $0xFFFF8000  }
0xb00: {  	_ =	swait.ge [sflag:s28], $0x8000  }
0xb01: {  	[sflag:s28] =	ssyncset.done $0x0  }
0xb02: {  	[sflag:s28] =	ssyncadd.s32 $0xFFFF8000  }
0xb03: {  	_ =	swait.ge [sflag:s28], $0x8000  }
0xb04: {  	[sflag:s28] =	ssyncset.done $0x0  }
0xb05: {  	[sflag:s28] =	ssyncadd.s32 $0xFFFF8000  }
0xb06: {  	_ =	swait.ge [sflag:s28], $0x8000  }
0xb07: {  	[sflag:s28] =	ssyncset.done $0x0  }
0xb08: {  	[sflag:s28] =	ssyncadd.s32 $0xFFFF8000  }
0xb09: {  	_ =	swait.ge [sflag:s28], $0x8000  }
0xb0a: {  	p0 =	sne.s32 s24, $0x1;
	[sflag:s28] =	ssyncset.done $0x0  }
.Ltmp0:
0xb0b: {  	[sflag:s28] =	ssyncadd.s32 $0xFFFF8000;
	(pc) =	sbr.rel @p0 .LBB2_1-.Ltmp0, $4  }
0xb0c: {  	[hbm4b:s3+s29] =	stream.indirect.scatter [tilespmem:s31], [sflag:$0x2], $0x1, s30, s29, $0xb8;
	[tilespmem:$0x8180] =	vst v63  }
0xb0d: {  	_ =	swait.ge [sflag:s0], $0x80  }
0xb0e: {  	[sflag:s0] =	ssyncset.done $0x0  }
0xb0f: {  	s24 =	sadd.s32 $0xFFFFFFFF, s24;
	[sflag:s0] =	ssyncadd.s32 $0xFFFFFF80  }
0xb10: {  	_ =	sfence.sel $0x180000  }
0xb11: {  	[bflag:$0x0] =	sbarrier.arrive $0xFFFF  }
0xb12: {  	_ =	strace $0x90000047  }
0xb13: {  	s0 =	stileid.u32;
	[bflag:$0x2] =	sbarrier.arrive $0xFFFF  }
0xb14: {  	p0 =	sne.s32 s0, $0x0;
	s0 =	rddreg [dreg:$0x2]  }
0xb15: {  	s0 =	sadd.s32 @!p0 $0x100000, s0  }
0xb16: {  	[sflag:s0] =	ssyncadd.tile.s32 @!p0 $0x1;
	_ =	shalt  }
.Lfunc_end2:
_tile_overlayer_lowered:
.L_overlay_start_2:
0xb17: {  	(tag) =	ssettag $0x2  }
0xb18: {  	s0 =	rddreg [dreg:$0x0];
	s2 =	stileid.u32  }
0xb19: {  	s1 =	rddreg [dreg:$0x1];
	p0 =	sne.s32 s2, $0x0  }
0xb1a: {  	s3 =	rddreg [dreg:$0x2];
	[bflag:$0x3] =	sbarrier.arrive $0xFFFF;
	s2 =	simm.s32 @!p0 $0x1C03  }
0xb1b: {  	[timem:s3], [sflag:s2] =	dma.local @!p0 [hbm:s0], s1  }
0xb1c: {  	s0 =	simm.s32 @!p0 $0x3  }
0xb1d: {  	_ =	swait.ge @!p0 [sflag:s0], s1  }
0xb1e: {  	s1 =	ssub.s32 @!p0 $0x0, s1;
	[sflag:s0] =	ssyncset.done @!p0 $0x0  }
0xb1f: {  	[sflag:s0] =	ssyncadd.s32 @!p0 s1  }
0xb20: {  	[bflag:$0x3] =	sbarrier.arrive $0xFFFF  }
0xb21: {  	_ =	shalt  }

</sc_bundles>
